<compile_context>
chip_gen: v7x
topology: tpu7x:2x2x1
jax: 0.10.2.dev20260603
libtpu: 0.0.44.dev20260713+nightly
codegen_flags: <defaults>
</compile_context>

<pallas_src>
import functools

import jax
import jax.numpy as jnp
from jax import lax
from jax.experimental import pallas as pl
from jax.experimental.pallas import tpu as pltpu
from jax.experimental.pallas import tpu_sc as plsc

N = 10000
E = 160000
D = 256
H = 4
Ch = 64

NP = 10240
EP = 163840
CHK = 128
NW = 32
EW = EP // NW
NCW = EW // CHK
NT = 16
ET = EP // NT
NCT = ET // CHK
RZ = NP // 16


@functools.cache
def _mesh():
    return plsc.VectorSubcoreMesh(core_axis_name="c", subcore_axis_name="s")


def _sc(out_type, scratch_types):
    def deco(body):
        @functools.cache
        def build():
            return pl.kernel(body, out_type=out_type, mesh=_mesh(),
                             scratch_types=scratch_types)

        def call(*args):
            return build()(*args)

        return call
    return deco


def _fill(ref, rows, cols, value):
    v16 = jnp.full((16,), value, jnp.float32)
    cblk = cols // 16

    def body(t, carry):
        ref[t // cblk, pl.ds((t % cblk) * 16, 16)] = v16
        return carry

    lax.fori_loop(0, rows * cblk, body, 0)


def _zero_acc(acc, zbuf, s, rows=CHK):
    def zc(b, carry):
        pltpu.sync_copy(zbuf, acc.at[pl.ds(s * RZ + b * rows, rows)])
        return carry

    lax.fori_loop(0, RZ // rows, zc, 0)


def _shift_idx(idx, off, n=CHK):
    def body(g, carry):
        idx[pl.ds(g * 16, 16)] = idx[pl.ds(g * 16, 16)] + off
        return carry

    lax.fori_loop(0, n // 16, body, 0)




@_sc(
    out_type=jax.ShapeDtypeStruct((2, NP, 128), jnp.float32),
    scratch_types=[
        pltpu.VMEM_SHARED((NP, 128), jnp.float32),
        pltpu.VMEM((CHK, 128), jnp.float32),
        pltpu.VMEM((CHK,), jnp.int32),
    ],
)
def _sc_deg(dst_hbm, out_hbm, acc, buf, idx):
    c = lax.axis_index("c")
    s = lax.axis_index("s")
    wid = s * 2 + c
    _fill(buf, CHK, 128, 0.0)
    _zero_acc(acc, buf, s)
    plsc.subcore_barrier()
    _fill(buf, CHK, 128, 1.0)

    def step(t, carry):
        base = wid * EW + t * CHK
        pltpu.sync_copy(dst_hbm.at[pl.ds(base, CHK)], idx)
        pltpu.sync_copy(buf, acc.at[idx], add=True)
        return carry

    lax.fori_loop(0, NCW, step, 0)
    plsc.subcore_barrier()
    pltpu.sync_copy(acc.at[pl.ds(s * RZ, RZ)], out_hbm.at[c, pl.ds(s * RZ, RZ)])


@_sc(
    out_type=[
        jax.ShapeDtypeStruct((EP, D), jnp.float32),
        jax.ShapeDtypeStruct((EP, D), jnp.float32),
        jax.ShapeDtypeStruct((EP, D), jnp.float32),
    ],
    scratch_types=[
        pltpu.VMEM((64,), jnp.int32),
        pltpu.VMEM((64,), jnp.int32),
        pltpu.VMEM((64,), jnp.int32),
        pltpu.VMEM((64,), jnp.int32),
        pltpu.VMEM((64, D), jnp.float32),
        pltpu.VMEM((64, D), jnp.float32),
        pltpu.VMEM((64, D), jnp.float32),
        pltpu.VMEM((64, D), jnp.float32),
        pltpu.VMEM((64, D), jnp.float32),
        pltpu.VMEM((64, D), jnp.float32),
        pltpu.SemaphoreType.DMA,
        pltpu.SemaphoreType.DMA,
        pltpu.SemaphoreType.DMA,
        pltpu.SemaphoreType.DMA,
        pltpu.SemaphoreType.DMA,
        pltpu.SemaphoreType.DMA,
        pltpu.SemaphoreType.DMA,
        pltpu.SemaphoreType.DMA,
        pltpu.SemaphoreType.DMA,
        pltpu.SemaphoreType.DMA,
        pltpu.SemaphoreType.DMA,
        pltpu.SemaphoreType.DMA,
    ],
)
def _sc_gather_qkv(dst_hbm, src_hbm, q_hbm, k_hbm, v_hbm, qd_hbm, ks_hbm,
                   vs_hbm, idxd0, idxd1, idxs0, idxs1, qb0, qb1, kb0, kb1,
                   vb0, vb1, gq0, gq1, gk0, gk1, gv0, gv1, wq0, wq1, wk0,
                   wk1, wv0s, wv1s):
    c = lax.axis_index("c")
    s = lax.axis_index("s")
    wid = s * 2 + c
    ck = 64
    nck = EW // ck
    ebase = wid * EW
    sets = (
        (idxd0, idxs0, qb0, kb0, vb0, (gq0, gk0, gv0), (wq0, wk0, wv0s)),
        (idxd1, idxs1, qb1, kb1, vb1, (gq1, gk1, gv1), (wq1, wk1, wv1s)),
    )

    def issue_gathers(t, bset):
        idxd, idxs, qb, kb, vb, gs, _ = bset
        base = ebase + t * ck
        pltpu.sync_copy(dst_hbm.at[pl.ds(base, ck)], idxd)
        pltpu.sync_copy(src_hbm.at[pl.ds(base, ck)], idxs)
        pltpu.async_copy(q_hbm.at[idxd], qb, gs[0])
        pltpu.async_copy(k_hbm.at[idxs], kb, gs[1])
        pltpu.async_copy(v_hbm.at[idxs], vb, gs[2])

    def wait_gathers(bset):
        _, _, qb, kb, vb, gs, _ = bset
        pltpu.make_async_copy(q_hbm.at[pl.ds(0, ck)], qb, gs[0]).wait()
        pltpu.make_async_copy(k_hbm.at[pl.ds(0, ck)], kb, gs[1]).wait()
        pltpu.make_async_copy(v_hbm.at[pl.ds(0, ck)], vb, gs[2]).wait()

    def issue_writes(t, bset):
        _, _, qb, kb, vb, _, ws = bset
        base = ebase + t * ck
        pltpu.async_copy(qb, qd_hbm.at[pl.ds(base, ck)], ws[0])
        pltpu.async_copy(kb, ks_hbm.at[pl.ds(base, ck)], ws[1])
        pltpu.async_copy(vb, vs_hbm.at[pl.ds(base, ck)], ws[2])

    def wait_writes(bset):
        _, _, qb, kb, vb, _, ws = bset
        pltpu.make_async_copy(qb, qd_hbm.at[pl.ds(0, ck)], ws[0]).wait()
        pltpu.make_async_copy(kb, ks_hbm.at[pl.ds(0, ck)], ws[1]).wait()
        pltpu.make_async_copy(vb, vs_hbm.at[pl.ds(0, ck)], ws[2]).wait()

    issue_gathers(0, sets[0])

    def step(i, carry):
        for b in (0, 1):
            t = 2 * i + b
            cur = sets[b]
            nxt = sets[1 - b]
            wait_gathers(cur)

            @pl.when(t >= 1)
            def _():
                wait_writes(nxt)

            @pl.when(t <= nck - 2)
            def _():
                issue_gathers(t + 1, nxt)

            issue_writes(t, cur)
        return carry

    lax.fori_loop(0, nck // 2, step, 0)
    wait_writes(sets[1])


@_sc(
    out_type=jax.ShapeDtypeStruct((2, NP, 128), jnp.float32),
    scratch_types=[
        pltpu.VMEM_SHARED((NP, 128), jnp.float32),
        pltpu.VMEM((64, 128), jnp.float32),
        pltpu.VMEM((64, 128), jnp.float32),
        pltpu.VMEM((64,), jnp.int32),
        pltpu.VMEM((64,), jnp.int32),
        pltpu.VMEM((64,), jnp.int32),
        pltpu.VMEM((64,), jnp.int32),
        pltpu.SemaphoreType.DMA,
        pltpu.SemaphoreType.DMA,
        pltpu.SemaphoreType.DMA,
        pltpu.SemaphoreType.DMA,
    ],
)
def _sc_local(src_hbm, dst_hbm, xs_hbm, out_hbm, acc, rb0, rb1, ixs0, ixs1,
              ixd0, ixd1, g0, g1, a0, a1):
    c = lax.axis_index("c")
    s = lax.axis_index("s")
    off = c * NP
    ck = 64
    nct = ET // ck
    _fill(rb0, ck, 128, 0.0)
    _zero_acc(acc, rb0, s, ck)
    plsc.subcore_barrier()
    sets = ((ixs0, ixd0, rb0, g0, a0), (ixs1, ixd1, rb1, g1, a1))

    def issue_gather(t, bset):
        ixs, ixd, rb, g, _ = bset
        base = s * ET + t * ck
        pltpu.sync_copy(src_hbm.at[pl.ds(base, ck)], ixs)
        pltpu.sync_copy(dst_hbm.at[pl.ds(base, ck)], ixd)
        _shift_idx(ixs, off, ck)
        pltpu.async_copy(xs_hbm.at[ixs], rb, g)

    def wait_gather(bset):
        _, _, rb, g, _ = bset
        pltpu.make_async_copy(xs_hbm.at[pl.ds(0, ck)], rb, g).wait()

    def wait_scat(bset):
        _, _, rb, _, a = bset
        pltpu.make_async_copy(rb, acc.at[pl.ds(0, ck)], a).wait()

    issue_gather(0, sets[0])

    def step(i, carry):
        for b in (0, 1):
            t = 2 * i + b
            cur = sets[b]
            nxt = sets[1 - b]
            wait_gather(cur)

            @pl.when(t >= 1)
            def _():
                wait_scat(nxt)

            @pl.when(t <= nct - 2)
            def _():
                issue_gather(t + 1, nxt)

            pltpu.async_copy(cur[2], acc.at[cur[1]], cur[4], add=True)
        return carry

    lax.fori_loop(0, nct // 2, step, 0)
    wait_scat(sets[1])
    plsc.subcore_barrier()
    pltpu.sync_copy(acc.at[pl.ds(s * RZ, RZ)], out_hbm.at[c, pl.ds(s * RZ, RZ)])


@_sc(
    out_type=jax.ShapeDtypeStruct((2, NP, 128), jnp.float32),
    scratch_types=[
        pltpu.VMEM_SHARED((NP, 128), jnp.float32),
        pltpu.VMEM((CHK, 128), jnp.float32),
        pltpu.VMEM((CHK, 16), jnp.float32),
        pltpu.VMEM((CHK,), jnp.int32),
    ],
)
def _sc_scatter16(dst_hbm, val_hbm, out_hbm, acc, rbuf, vbuf, idx):
    c = lax.axis_index("c")
    s = lax.axis_index("s")
    _fill(rbuf, CHK, 128, 0.0)
    _zero_acc(acc, rbuf, s)
    plsc.subcore_barrier()

    wid = s * 2 + c

    def step(t, carry):
        base = wid * EW + t * CHK
        pltpu.sync_copy(dst_hbm.at[pl.ds(base, CHK)], idx)
        pltpu.sync_copy(val_hbm.at[pl.ds(base, CHK)], vbuf)

        def mv(r, cc):
            rbuf[r, pl.ds(0, 16)] = vbuf[r, :]
            return cc

        lax.fori_loop(0, CHK, mv, 0)
        pltpu.sync_copy(rbuf, acc.at[idx], add=True)
        return carry

    lax.fori_loop(0, NCW, step, 0)
    plsc.subcore_barrier()
    pltpu.sync_copy(acc.at[pl.ds(s * RZ, RZ)], out_hbm.at[c, pl.ds(s * RZ, RZ)])


@_sc(
    out_type=jax.ShapeDtypeStruct((2, 2, NP, 128), jnp.float32),
    scratch_types=[
        pltpu.VMEM_SHARED((NP, 128), jnp.float32),
        pltpu.VMEM((64, 128), jnp.float32),
        pltpu.VMEM((64, 128), jnp.float32),
        pltpu.VMEM((64, 128), jnp.float32),
        pltpu.VMEM((64,), jnp.int32),
        pltpu.VMEM((64,), jnp.int32),
        pltpu.SemaphoreType.DMA,
        pltpu.SemaphoreType.DMA,
        pltpu.SemaphoreType.DMA,
        pltpu.SemaphoreType.DMA,
    ],
)
def _sc_agg(dst_hbm, wv0_hbm, wv1_hbm, out_hbm, acc, zbuf, rb0, rb1,
            ixd0, ixd1, g0, g1, a0, a1):
    c = lax.axis_index("c")
    s = lax.axis_index("s")
    wid = s * 2 + c
    ck = 64
    ncw = EW // ck
    _fill(zbuf, ck, 128, 0.0)
    sets = ((ixd0, rb0, g0, a0), (ixd1, rb1, g1, a1))
    for h, wv_hbm in ((0, wv0_hbm), (1, wv1_hbm)):
        _zero_acc(acc, zbuf, s, ck)
        plsc.subcore_barrier()

        def issue_load(t, bset):
            ixd, rb, g, _ = bset
            base = wid * EW + t * ck
            pltpu.sync_copy(dst_hbm.at[pl.ds(base, ck)], ixd)
            pltpu.async_copy(wv_hbm.at[pl.ds(base, ck)], rb, g)

        def wait_load(bset):
            _, rb, g, _ = bset
            pltpu.make_async_copy(wv_hbm.at[pl.ds(0, ck)], rb, g).wait()

        def wait_scat(bset):
            _, rb, _, a = bset
            pltpu.make_async_copy(rb, acc.at[pl.ds(0, ck)], a).wait()

        issue_load(0, sets[0])

        def step(i, carry):
            for b in (0, 1):
                t = 2 * i + b
                cur = sets[b]
                nxt = sets[1 - b]
                wait_load(cur)

                @pl.when(t >= 1)
                def _():
                    wait_scat(nxt)

                @pl.when(t <= ncw - 2)
                def _():
                    issue_load(t + 1, nxt)

                pltpu.async_copy(cur[1], acc.at[cur[0]], cur[3], add=True)
            return carry

        lax.fori_loop(0, ncw // 2, step, 0)
        wait_scat(sets[1])
        plsc.subcore_barrier()
        pltpu.sync_copy(acc.at[pl.ds(s * RZ, RZ)],
                        out_hbm.at[c, h, pl.ds(s * RZ, RZ)])



_RB = 512
_EB = 1024


def _mm_body(x_ref, w_ref, b_ref, xw_ref, q_ref, k_ref, v_ref, r_ref):
    y = jnp.dot(x_ref[...], w_ref[...], preferred_element_type=jnp.float32)
    y = y + b_ref[...]
    xw_ref[...] = y[:, 0:128]
    q_ref[...] = y[:, 128:256] * 0.125
    k_ref[...] = y[:, 256:384]
    v_ref[...] = y[:, 384:512]
    r_ref[...] = y[:, 512:640]


def _mm(xp, Wcat, bcat):
    nb = NP // _RB
    return pl.pallas_call(
        _mm_body,
        grid=(nb, 2),
        in_specs=[
            pl.BlockSpec((_RB, D), lambda i, j: (i, 0)),
            pl.BlockSpec((D, 5 * 128), lambda i, j: (0, j)),
            pl.BlockSpec((1, 5 * 128), lambda i, j: (0, j)),
        ],
        out_specs=[
            pl.BlockSpec((_RB, 128), lambda i, j: (j * nb + i, 0)),
            pl.BlockSpec((_RB, 128), lambda i, j: (i, j)),
            pl.BlockSpec((_RB, 128), lambda i, j: (i, j)),
            pl.BlockSpec((_RB, 128), lambda i, j: (i, j)),
            pl.BlockSpec((_RB, 128), lambda i, j: (i, j)),
        ],
        out_shape=[
            jax.ShapeDtypeStruct((2 * NP, 128), jnp.float32),
            jax.ShapeDtypeStruct((NP, D), jnp.float32),
            jax.ShapeDtypeStruct((NP, D), jnp.float32),
            jax.ShapeDtypeStruct((NP, D), jnp.float32),
            jax.ShapeDtypeStruct((NP, D), jnp.float32),
        ],
    )(xp, Wcat, bcat)


def _mid_body(degp_ref, xw_ref, dis_ref, xs_ref):
    dp = degp_ref[...]
    deg = dp[0, :, 0:1] + dp[1, :, 0:1]
    dis = jnp.where(deg > 0, 1.0 / jnp.sqrt(jnp.where(deg > 0, deg, 1.0)), 0.0)
    dis_ref[...] = dis
    xs_ref[...] = xw_ref[...] * dis


def _mid(degp, xw_tall):
    nb = NP // _RB
    return pl.pallas_call(
        _mid_body,
        grid=(nb, 2),
        in_specs=[
            pl.BlockSpec((2, _RB, 128), lambda i, j: (0, i, 0)),
            pl.BlockSpec((_RB, 128), lambda i, j: (j * nb + i, 0)),
        ],
        out_specs=[
            pl.BlockSpec((_RB, 1), lambda i, j: (i, 0)),
            pl.BlockSpec((_RB, 128), lambda i, j: (j * nb + i, 0)),
        ],
        out_shape=[
            jax.ShapeDtypeStruct((NP, 1), jnp.float32),
            jax.ShapeDtypeStruct((2 * NP, 128), jnp.float32),
        ],
    )(degp, xw_tall)


def _logits_body(qd_ref, ks_ref, out_ref):
    p = qd_ref[...] * ks_ref[...]
    cols = [jnp.sum(p[:, h * Ch:(h + 1) * Ch], axis=1, keepdims=True)
            for h in range(H)]
    out_ref[...] = jnp.concatenate(cols, axis=1)


def _logits(qd, ks):
    nb = EP // _EB
    return pl.pallas_call(
        _logits_body,
        grid=(nb,),
        in_specs=[
            pl.BlockSpec((_EB, D), lambda i: (i, 0)),
            pl.BlockSpec((_EB, D), lambda i: (i, 0)),
        ],
        out_specs=pl.BlockSpec((_EB, H), lambda i: (i, 0)),
        out_shape=jax.ShapeDtypeStruct((EP, H), jnp.float32),
    )(qd, ks)


def _gmax_body(l_ref, out_ref):
    i = pl.program_id(0)
    m = jnp.max(l_ref[...]).reshape(1, 1)

    @pl.when(i == 0)
    def _():
        out_ref[...] = m

    @pl.when(i > 0)
    def _():
        out_ref[...] = jnp.maximum(out_ref[...], m)


def _gmax(lg):
    nb = EP // _EB
    return pl.pallas_call(
        _gmax_body,
        grid=(nb,),
        in_specs=[pl.BlockSpec((_EB, H), lambda i: (i, 0))],
        out_specs=pl.BlockSpec((1, 1), lambda i: (0, 0)),
        out_shape=jax.ShapeDtypeStruct((1, 1), jnp.float32),
    )(lg)


def _ex_body(l_ref, m_ref, out_ref):
    ex = jnp.exp(l_ref[...] - m_ref[0, 0])
    out_ref[...] = jnp.concatenate(
        [ex, jnp.zeros((ex.shape[0], 16 - H), jnp.float32)], axis=1)


def _ex(lg, m):
    nb = EP // _EB
    return pl.pallas_call(
        _ex_body,
        grid=(nb,),
        in_specs=[
            pl.BlockSpec((_EB, H), lambda i: (i, 0)),
            pl.BlockSpec((1, 1), lambda i: (0, 0)),
        ],
        out_specs=pl.BlockSpec((_EB, 16), lambda i: (i, 0)),
        out_shape=jax.ShapeDtypeStruct((EP, 16), jnp.float32),
    )(lg, m)


def _den_body(ssp_ref, out_ref):
    s = ssp_ref[0][:, :16] + ssp_ref[1][:, :16]
    out_ref[...] = jnp.where(s > 0, s, 1.0)


def _den(ssp):
    nb = NP // _RB
    return pl.pallas_call(
        _den_body,
        grid=(nb,),
        in_specs=[pl.BlockSpec((2, _RB, 128), lambda i: (0, i, 0))],
        out_specs=pl.BlockSpec((_RB, 16), lambda i: (i, 0)),
        out_shape=jax.ShapeDtypeStruct((NP, 16), jnp.float32),
    )(ssp)


def _wv_body(vs_ref, ex_ref, wv0_ref, wv1_ref):
    ex = ex_ref[...][:, :H]
    factor = jnp.concatenate(
        [jnp.broadcast_to(ex[:, h:h + 1], (ex.shape[0], Ch))
         for h in range(H)], axis=1)
    wv = vs_ref[...] * factor
    wv0_ref[...] = wv[:, :128]
    wv1_ref[...] = wv[:, 128:]


def _wv(vs, ex16):
    nb = EP // _EB
    return pl.pallas_call(
        _wv_body,
        grid=(nb,),
        in_specs=[
            pl.BlockSpec((_EB, D), lambda i: (i, 0)),
            pl.BlockSpec((_EB, 16), lambda i: (i, 0)),
        ],
        out_specs=[
            pl.BlockSpec((_EB, 128), lambda i: (i, 0)),
            pl.BlockSpec((_EB, 128), lambda i: (i, 0)),
        ],
        out_shape=[
            jax.ShapeDtypeStruct((EP, 128), jnp.float32),
            jax.ShapeDtypeStruct((EP, 128), jnp.float32),
        ],
    )(vs, ex16)


def _ln(h, g, b):
    mu = jnp.mean(h, axis=1, keepdims=True)
    var = jnp.mean((h - mu) ** 2, axis=1, keepdims=True)
    return (h - mu) / jnp.sqrt(var + 1e-5) * g + b


def _final_body(loc_ref, aggp_ref, den_ref, dis_ref, r_ref, bg_ref, wb_ref,
                g1_ref, b1_ref, g2_ref, b2_ref, wrel_ref, wroot_ref, lw_ref,
                gw_ref, out_ref):
    lp = loc_ref[...]
    local = jnp.concatenate([lp[0], lp[1]], axis=1)
    local = local * dis_ref[...] + bg_ref[...]
    ap = aggp_ref[...]
    agg = jnp.concatenate([ap[0, 0] + ap[1, 0], ap[0, 1] + ap[1, 1]], axis=1)
    den = den_ref[...][:, :H]
    dfac = jnp.concatenate(
        [jnp.broadcast_to(den[:, h:h + 1], (den.shape[0], Ch))
         for h in range(H)], axis=1)
    agg = agg / dfac
    rr = r_ref[...]
    wb = wb_ref[...]
    wa = wb[0:D] + wb[2 * D:3 * D]
    wr2 = wb[D:2 * D] - wb[2 * D:3 * D]
    z = (jnp.dot(agg, wa, preferred_element_type=jnp.float32)
         + jnp.dot(rr, wr2, preferred_element_type=jnp.float32))
    beta = jax.nn.sigmoid(z)
    glob = beta * rr + (1.0 - beta) * agg
    h = lw_ref[0, 0] * local + gw_ref[0, 0] * glob
    hln = _ln(h + h, g1_ref[...], b1_ref[...])
    f = jnp.maximum(
        jnp.dot(hln, wrel_ref[...], preferred_element_type=jnp.float32), 0.0)
    f = jnp.dot(f, wroot_ref[...], preferred_element_type=jnp.float32)
    out_ref[...] = _ln(f + hln, g2_ref[...], b2_ref[...])


def _final(loc, aggp, den, dis, rt, b_gcn, Wbeta, ln1_g, ln1_b, ln2_g, ln2_b,
           W_rel, W_root, lw, gw):
    fb = 400
    nb = N // fb
    return pl.pallas_call(
        _final_body,
        grid=(nb,),
        in_specs=[
            pl.BlockSpec((2, fb, 128), lambda i: (0, i, 0)),
            pl.BlockSpec((2, 2, fb, 128), lambda i: (0, 0, i, 0)),
            pl.BlockSpec((fb, 16), lambda i: (i, 0)),
            pl.BlockSpec((fb, 1), lambda i: (i, 0)),
            pl.BlockSpec((fb, D), lambda i: (i, 0)),
            pl.BlockSpec((1, D), lambda i: (0, 0)),
            pl.BlockSpec((3 * D, 1), lambda i: (0, 0)),
            pl.BlockSpec((1, D), lambda i: (0, 0)),
            pl.BlockSpec((1, D), lambda i: (0, 0)),
            pl.BlockSpec((1, D), lambda i: (0, 0)),
            pl.BlockSpec((1, D), lambda i: (0, 0)),
            pl.BlockSpec((D, 2 * D), lambda i: (0, 0)),
            pl.BlockSpec((2 * D, D), lambda i: (0, 0)),
            pl.BlockSpec((1, 1), lambda i: (0, 0)),
            pl.BlockSpec((1, 1), lambda i: (0, 0)),
        ],
        out_specs=pl.BlockSpec((fb, D), lambda i: (i, 0)),
        out_shape=jax.ShapeDtypeStruct((N, D), jnp.float32),
    )(loc, aggp, den, dis, rt, b_gcn.reshape(1, D), Wbeta,
      ln1_g.reshape(1, D), ln1_b.reshape(1, D), ln2_g.reshape(1, D),
      ln2_b.reshape(1, D), W_rel, W_root, lw.reshape(1, 1), gw.reshape(1, 1))




def kernel(x, edge_index, W_gcn, b_gcn, Wq, bq, Wk, bk, Wv, bv, Wskip, bskip,
           Wbeta, ln1_g, ln1_b, ln2_g, ln2_b, W_rel, W_root, lw, gw):
    src = edge_index[0]
    dst = edge_index[1]
    pad = jnp.full((EP - E,), N, jnp.int32)
    srcp = jnp.concatenate([src, pad])
    dstp = jnp.concatenate([dst, pad])
    xp = jnp.pad(x, ((0, NP - N), (0, 0)))
    Wcat = jnp.concatenate([W_gcn, Wq, Wk, Wv, Wskip], axis=1)
    Wcat = Wcat.reshape(D, 5, 2, 128).transpose(0, 2, 1, 3).reshape(D, 10 * 128)
    bcat = jnp.concatenate(
        [jnp.zeros_like(b_gcn), bq, bk, bv, bskip]).reshape(5, 2, 128)
    bcat = bcat.transpose(1, 0, 2).reshape(1, 10 * 128)

    xw_t, q_t, k_t, v_t, rt = _mm(xp, Wcat, bcat)
    degp = _sc_deg(dstp)
    dis, xs_t = _mid(degp, xw_t)
    qd, ks, vs = _sc_gather_qkv(dstp, srcp, q_t, k_t, v_t)
    loc = _sc_local(srcp, dstp, xs_t)
    lg = _logits(qd, ks)
    m = _gmax(lg)
    ex16 = _ex(lg, m)
    ssp = _sc_scatter16(dstp, ex16)
    den = _den(ssp)
    wv0, wv1 = _wv(vs, ex16)
    aggp = _sc_agg(dstp, wv0, wv1)
    return _final(loc, aggp, den, dis, rt, b_gcn, Wbeta, ln1_g, ln1_b, ln2_g,
                  ln2_b, W_rel, W_root, lw, gw)

# --- scband reference (transcript-rebuilt; emitter-appended) ---
"""Pipeline reference for scband-gpslayer-64484638982371 (READ-ONLY COPY).

The authoritative reference and input builder live on the scoring server;
editing this copy changes nothing except your own understanding.
"""

import jax, jax.numpy as jnp
import numpy as np

N = 10000
E = 160000
D = 256
H = 4
Ch = 64


def setup_inputs(seed: int = 0):
    key = jax.random.key(seed)
    ks = jax.random.split(key, 24)
    s = 0.05
    inp = {}
    inp['x'] = jax.random.normal(ks[0], (N, D), dtype=jnp.float32)
    inp['edge_index'] = jax.random.randint(ks[1], (2, E), 0, N, dtype=jnp.int32)
    inp['W_gcn'] = jax.random.normal(ks[2], (D, D), dtype=jnp.float32) * s
    inp['b_gcn'] = jnp.zeros((D,), dtype=jnp.float32)
    inp['Wq'] = jax.random.normal(ks[3], (D, H * Ch), dtype=jnp.float32) * s
    inp['bq'] = jnp.zeros((H * Ch,), dtype=jnp.float32)
    inp['Wk'] = jax.random.normal(ks[4], (D, H * Ch), dtype=jnp.float32) * s
    inp['bk'] = jnp.zeros((H * Ch,), dtype=jnp.float32)
    inp['Wv'] = jax.random.normal(ks[5], (D, H * Ch), dtype=jnp.float32) * s
    inp['bv'] = jnp.zeros((H * Ch,), dtype=jnp.float32)
    inp['Wskip'] = jax.random.normal(ks[6], (D, H * Ch), dtype=jnp.float32) * s
    inp['bskip'] = jnp.zeros((H * Ch,), dtype=jnp.float32)
    inp['Wbeta'] = jax.random.normal(ks[7], (3 * H * Ch, 1), dtype=jnp.float32) * s
    inp['ln1_g'] = jnp.ones((D,), dtype=jnp.float32)
    inp['ln1_b'] = jnp.zeros((D,), dtype=jnp.float32)
    inp['ln2_g'] = jnp.ones((D,), dtype=jnp.float32)
    inp['ln2_b'] = jnp.zeros((D,), dtype=jnp.float32)
    inp['W_rel'] = jax.random.normal(ks[8], (D, 2 * D), dtype=jnp.float32) * s
    inp['W_root'] = jax.random.normal(ks[9], (2 * D, D), dtype=jnp.float32) * s
    inp['lw'] = jnp.ones((1,), dtype=jnp.float32)
    inp['gw'] = jnp.ones((1,), dtype=jnp.float32)
    return inp


def _layer_norm(h, g, b):
    mu = jnp.mean(h, axis=-1, keepdims=True)
    var = jnp.mean((h - mu) ** 2, axis=-1, keepdims=True)
    return (h - mu) / jnp.sqrt(var + 1e-5) * g + b


def _forward(x, edge_index, W_gcn, b_gcn, Wq, bq, Wk, bk, Wv, bv, Wskip, bskip, Wbeta, ln1_g, ln1_b, ln2_g, ln2_b, W_rel, W_root, lw, gw):
    src = edge_index[0]
    dst = edge_index[1]
    # GCNConv (add_self_loops=False, symmetric normalization)
    deg = jax.ops.segment_sum(jnp.ones((E,), dtype=x.dtype), dst, num_segments=N)
    dis = jnp.where(deg > 0, 1.0 / jnp.sqrt(jnp.where(deg > 0, deg, 1.0)), 0.0)
    xw = x @ W_gcn
    norm = dis[src] * dis[dst]
    local = jax.ops.segment_sum(xw[src] * norm[:, None], dst, num_segments=N) + b_gcn
    # TransformerConv (heads=4, concat=True, beta=True)
    q = (x @ Wq + bq).reshape(N, H, Ch)
    k = (x @ Wk + bk).reshape(N, H, Ch)
    v = (x @ Wv + bv).reshape(N, H, Ch)
    logits = jnp.sum(q[dst] * k[src], axis=-1) / jnp.sqrt(float(Ch))
    m = jax.ops.segment_max(logits, dst, num_segments=N)
    m = jnp.where(jnp.isfinite(m), m, 0.0)
    ex = jnp.exp(logits - m[dst])
    ssum = jax.ops.segment_sum(ex, dst, num_segments=N)
    denom = jnp.where(ssum > 0, ssum, 1.0)
    alpha = ex / denom[dst]
    agg = jax.ops.segment_sum(alpha[:, :, None] * v[src], dst, num_segments=N).reshape(N, H * Ch)
    r = x @ Wskip + bskip
    beta = jax.nn.sigmoid(jnp.concatenate([agg, r, agg - r], axis=-1) @ Wbeta)
    glob = beta * r + (1.0 - beta) * agg
    h = lw * local + gw * glob
    h = _layer_norm(h + h, ln1_g, ln1_b)
    f = jnp.maximum(h @ W_rel, 0.0) @ W_root
    out = _layer_norm(f + h, ln2_g, ln2_b)
    return out


def reference(x, edge_index, W_gcn, b_gcn, Wq, bq, Wk, bk, Wv, bv, Wskip, bskip, Wbeta, ln1_g, ln1_b, ln2_g, ln2_b, W_rel, W_root, lw, gw):
    return _forward(x, edge_index, W_gcn, b_gcn, Wq, bq, Wk, bk, Wv, bv, Wskip, bskip, Wbeta, ln1_g, ln1_b, ln2_g, ln2_b, W_rel, W_root, lw, gw)

if __name__ == "__main__":
    import jax
    _d = setup_inputs()
    print(jax.jit(kernel)(*tuple(_d.values())))

</pallas_src>

<mosaic_0001>
#map = affine_map<(d0, d1) -> (0)>
#map1 = affine_map<(d0, d1) -> (0, 0)>
module attributes {stable_mosaic.version = 14 : i64} {
  func.func @_sc_gather_qkv(%arg0: i32, %arg1: i32, %arg2: memref<163840xi32, #tpu.memory_space<hbm>>, %arg3: memref<163840xi32, #tpu.memory_space<hbm>>, %arg4: memref<10240x256xf32, #tpu.memory_space<hbm>>, %arg5: memref<10240x256xf32, #tpu.memory_space<hbm>>, %arg6: memref<10240x256xf32, #tpu.memory_space<hbm>>, %arg7: memref<163840x256xf32, #tpu.memory_space<hbm>>, %arg8: memref<163840x256xf32, #tpu.memory_space<hbm>>, %arg9: memref<163840x256xf32, #tpu.memory_space<hbm>>, %arg10: memref<64xi32, #tpu.memory_space<vmem>>, %arg11: memref<64xi32, #tpu.memory_space<vmem>>, %arg12: memref<64xi32, #tpu.memory_space<vmem>>, %arg13: memref<64xi32, #tpu.memory_space<vmem>>, %arg14: memref<64x256xf32, #tpu.memory_space<vmem>>, %arg15: memref<64x256xf32, #tpu.memory_space<vmem>>, %arg16: memref<64x256xf32, #tpu.memory_space<vmem>>, %arg17: memref<64x256xf32, #tpu.memory_space<vmem>>, %arg18: memref<64x256xf32, #tpu.memory_space<vmem>>, %arg19: memref<64x256xf32, #tpu.memory_space<vmem>>, %arg20: memref<!tpu.dma_semaphore, #tpu.memory_space<semaphore_mem>>, %arg21: memref<!tpu.dma_semaphore, #tpu.memory_space<semaphore_mem>>, %arg22: memref<!tpu.dma_semaphore, #tpu.memory_space<semaphore_mem>>, %arg23: memref<!tpu.dma_semaphore, #tpu.memory_space<semaphore_mem>>, %arg24: memref<!tpu.dma_semaphore, #tpu.memory_space<semaphore_mem>>, %arg25: memref<!tpu.dma_semaphore, #tpu.memory_space<semaphore_mem>>, %arg26: memref<!tpu.dma_semaphore, #tpu.memory_space<semaphore_mem>>, %arg27: memref<!tpu.dma_semaphore, #tpu.memory_space<semaphore_mem>>, %arg28: memref<!tpu.dma_semaphore, #tpu.memory_space<semaphore_mem>>, %arg29: memref<!tpu.dma_semaphore, #tpu.memory_space<semaphore_mem>>, %arg30: memref<!tpu.dma_semaphore, #tpu.memory_space<semaphore_mem>>, %arg31: memref<!tpu.dma_semaphore, #tpu.memory_space<semaphore_mem>>) attributes {dimension_semantics = [#tpu.dimension_semantics<core_parallel>, #tpu.dimension_semantics<subcore_parallel>], iteration_bounds = array<i64: 2, 16>, scalar_prefetch = 0 : i64, scratch_operands = 22 : i64, tpu.core_type = #tpu.core_type<sc_vector_subcore>, window_params = [{transform_indices = #map}, {transform_indices = #map}, {transform_indices = #map1}, {transform_indices = #map1}, {transform_indices = #map1}, {transform_indices = #map1}, {transform_indices = #map1}, {transform_indices = #map1}]} {
    %mul3A = arith.constant 2 : i32
    %mul3A_0 = arith.muli %arg1, %mul3A : i32
    %add3A = arith.addi %mul3A_0, %arg0 : i32
    %mul3A_1 = arith.constant 5120 : i32
    %mul3A_2 = arith.muli %add3A, %mul3A_1 : i32
    %add3A_3 = arith.constant 0 : i32
    %add3A_4 = arith.addi %mul3A_2, %add3A_3 : i32
    "tpu.region"() ({
      %run_scoped3A = tpu.sem_alloc : memref<!tpu.dma_semaphore, #tpu.memory_space<semaphore_mem>>
      %dma_start3A_35 = tpu.memref_slice %arg2[%add3A_4] : memref<163840xi32, #tpu.memory_space<hbm>> -> memref<64xi32, #tpu.memory_space<hbm>>
      %dma_start3A_36 = tpu.memref_slice %arg2[%add3A_4] : memref<163840xi32, #tpu.memory_space<hbm>> -> memref<64xi32, #tpu.memory_space<hbm>>
      tpu.enqueue_dma source(%dma_start3A_36 : memref<64xi32, #tpu.memory_space<hbm>>) target(%arg10 : memref<64xi32, #tpu.memory_space<vmem>>) target_semaphore(%run_scoped3A : memref<!tpu.dma_semaphore, #tpu.memory_space<semaphore_mem>>)
      %dma_wait3A_37 = tpu.memref_slice %arg2[%add3A_4] : memref<163840xi32, #tpu.memory_space<hbm>> -> memref<64xi32, #tpu.memory_space<hbm>>
      %dma_wait3A_38 = tpu.memref_slice %arg2[%add3A_4] : memref<163840xi32, #tpu.memory_space<hbm>> -> memref<64xi32, #tpu.memory_space<hbm>>
      tpu.wait_dma2 semaphore(%run_scoped3A : memref<!tpu.dma_semaphore, #tpu.memory_space<semaphore_mem>>) src(%dma_wait3A_38 : memref<64xi32, #tpu.memory_space<hbm>>) dst(%arg10 : memref<64xi32, #tpu.memory_space<vmem>>)
      tpu.yield
    }) : () -> ()
    "tpu.region"() ({
      %run_scoped3A = tpu.sem_alloc : memref<!tpu.dma_semaphore, #tpu.memory_space<semaphore_mem>>
      %dma_start3A_35 = tpu.memref_slice %arg3[%add3A_4] : memref<163840xi32, #tpu.memory_space<hbm>> -> memref<64xi32, #tpu.memory_space<hbm>>
      %dma_start3A_36 = tpu.memref_slice %arg3[%add3A_4] : memref<163840xi32, #tpu.memory_space<hbm>> -> memref<64xi32, #tpu.memory_space<hbm>>
      tpu.enqueue_dma source(%dma_start3A_36 : memref<64xi32, #tpu.memory_space<hbm>>) target(%arg12 : memref<64xi32, #tpu.memory_space<vmem>>) target_semaphore(%run_scoped3A : memref<!tpu.dma_semaphore, #tpu.memory_space<semaphore_mem>>)
      %dma_wait3A_37 = tpu.memref_slice %arg3[%add3A_4] : memref<163840xi32, #tpu.memory_space<hbm>> -> memref<64xi32, #tpu.memory_space<hbm>>
      %dma_wait3A_38 = tpu.memref_slice %arg3[%add3A_4] : memref<163840xi32, #tpu.memory_space<hbm>> -> memref<64xi32, #tpu.memory_space<hbm>>
      tpu.wait_dma2 semaphore(%run_scoped3A : memref<!tpu.dma_semaphore, #tpu.memory_space<semaphore_mem>>) src(%dma_wait3A_38 : memref<64xi32, #tpu.memory_space<hbm>>) dst(%arg12 : memref<64xi32, #tpu.memory_space<vmem>>)
      tpu.yield
    }) : () -> ()
    %dma_start3A = arith.constant 0 : i32
    %dma_start3A_5 = arith.constant 0 : i32
    %dma_start3A_6 = tpu.memref_slice %arg4[%dma_start3A, %dma_start3A_5] : memref<10240x256xf32, #tpu.memory_space<hbm>> -> memref<10240x256xf32, #tpu.memory_space<hbm>>
    tpu.enqueue_indirect_dma source(%dma_start3A_6 : memref<10240x256xf32, #tpu.memory_space<hbm>>) target(%arg14 : memref<64x256xf32, #tpu.memory_space<vmem>>) offsets(%arg10 : memref<64xi32, #tpu.memory_space<vmem>>) semaphore(%arg20 : memref<!tpu.dma_semaphore, #tpu.memory_space<semaphore_mem>>)
    %dma_start3A_7 = arith.constant 0 : i32
    %dma_start3A_8 = arith.constant 0 : i32
    %dma_start3A_9 = tpu.memref_slice %arg5[%dma_start3A_7, %dma_start3A_8] : memref<10240x256xf32, #tpu.memory_space<hbm>> -> memref<10240x256xf32, #tpu.memory_space<hbm>>
    tpu.enqueue_indirect_dma source(%dma_start3A_9 : memref<10240x256xf32, #tpu.memory_space<hbm>>) target(%arg16 : memref<64x256xf32, #tpu.memory_space<vmem>>) offsets(%arg12 : memref<64xi32, #tpu.memory_space<vmem>>) semaphore(%arg22 : memref<!tpu.dma_semaphore, #tpu.memory_space<semaphore_mem>>)
    %dma_start3A_10 = arith.constant 0 : i32
    %dma_start3A_11 = arith.constant 0 : i32
    %dma_start3A_12 = tpu.memref_slice %arg6[%dma_start3A_10, %dma_start3A_11] : memref<10240x256xf32, #tpu.memory_space<hbm>> -> memref<10240x256xf32, #tpu.memory_space<hbm>>
    tpu.enqueue_indirect_dma source(%dma_start3A_12 : memref<10240x256xf32, #tpu.memory_space<hbm>>) target(%arg18 : memref<64x256xf32, #tpu.memory_space<vmem>>) offsets(%arg12 : memref<64xi32, #tpu.memory_space<vmem>>) semaphore(%arg24 : memref<!tpu.dma_semaphore, #tpu.memory_space<semaphore_mem>>)
    %scan3A = arith.constant 0 : i32
    %scan3A_13 = arith.constant 0 : i32
    %scan3A_14 = arith.constant 40 : i32
    %scan3A_15 = arith.addi %scan3A_13, %scan3A_14 : i32
    %scan3A_16 = arith.constant 1 : i32
    scf.for %scan3A_35 = %scan3A_13 to %scan3A_15 step %scan3A_16  : i32 {
      %mul3A_36 = arith.constant 2 : i32
      %mul3A_37 = arith.muli %mul3A_36, %scan3A_35 : i32
      %add3A_38 = arith.constant 0 : i32
      %add3A_39 = arith.addi %mul3A_37, %add3A_38 : i32
      %dma_wait3A_40 = arith.constant 0 : i32
      %dma_wait3A_41 = arith.constant 0 : i32
      %dma_wait3A_42 = tpu.memref_slice %arg4[%dma_wait3A_40, %dma_wait3A_41] : memref<10240x256xf32, #tpu.memory_space<hbm>> -> memref<64x256xf32, #tpu.memory_space<hbm>>
      %dma_wait3A_43 = arith.constant 0 : i32
      %dma_wait3A_44 = arith.constant 0 : i32
      %dma_wait3A_45 = tpu.memref_slice %arg4[%dma_wait3A_43, %dma_wait3A_44] : memref<10240x256xf32, #tpu.memory_space<hbm>> -> memref<64x256xf32, #tpu.memory_space<hbm>>
      tpu.wait_dma2 semaphore(%arg20 : memref<!tpu.dma_semaphore, #tpu.memory_space<semaphore_mem>>) src(%dma_wait3A_45 : memref<64x256xf32, #tpu.memory_space<hbm>>) dst(%arg14 : memref<64x256xf32, #tpu.memory_space<vmem>>)
      %dma_wait3A_46 = arith.constant 0 : i32
      %dma_wait3A_47 = arith.constant 0 : i32
      %dma_wait3A_48 = tpu.memref_slice %arg5[%dma_wait3A_46, %dma_wait3A_47] : memref<10240x256xf32, #tpu.memory_space<hbm>> -> memref<64x256xf32, #tpu.memory_space<hbm>>
      %dma_wait3A_49 = arith.constant 0 : i32
      %dma_wait3A_50 = arith.constant 0 : i32
      %dma_wait3A_51 = tpu.memref_slice %arg5[%dma_wait3A_49, %dma_wait3A_50] : memref<10240x256xf32, #tpu.memory_space<hbm>> -> memref<64x256xf32, #tpu.memory_space<hbm>>
      tpu.wait_dma2 semaphore(%arg22 : memref<!tpu.dma_semaphore, #tpu.memory_space<semaphore_mem>>) src(%dma_wait3A_51 : memref<64x256xf32, #tpu.memory_space<hbm>>) dst(%arg16 : memref<64x256xf32, #tpu.memory_space<vmem>>)
      %dma_wait3A_52 = arith.constant 0 : i32
      %dma_wait3A_53 = arith.constant 0 : i32
      %dma_wait3A_54 = tpu.memref_slice %arg6[%dma_wait3A_52, %dma_wait3A_53] : memref<10240x256xf32, #tpu.memory_space<hbm>> -> memref<64x256xf32, #tpu.memory_space<hbm>>
      %dma_wait3A_55 = arith.constant 0 : i32
      %dma_wait3A_56 = arith.constant 0 : i32
      %dma_wait3A_57 = tpu.memref_slice %arg6[%dma_wait3A_55, %dma_wait3A_56] : memref<10240x256xf32, #tpu.memory_space<hbm>> -> memref<64x256xf32, #tpu.memory_space<hbm>>
      tpu.wait_dma2 semaphore(%arg24 : memref<!tpu.dma_semaphore, #tpu.memory_space<semaphore_mem>>) src(%dma_wait3A_57 : memref<64x256xf32, #tpu.memory_space<hbm>>) dst(%arg18 : memref<64x256xf32, #tpu.memory_space<vmem>>)
      %ge3A = arith.constant 1 : i32
      %ge3A_58 = arith.cmpi sge, %add3A_39, %ge3A : i32
      %convert_element_type3A = arith.extui %ge3A_58 : i1 to i32
      %cond3A = arith.constant 0 : i32
      %cond3A_59 = arith.cmpi ne, %convert_element_type3A, %cond3A : i32
      scf.if %cond3A_59 {
        %dma_wait3A_126 = arith.constant 0 : i32
        %dma_wait3A_127 = arith.constant 0 : i32
        %dma_wait3A_128 = tpu.memref_slice %arg7[%dma_wait3A_126, %dma_wait3A_127] : memref<163840x256xf32, #tpu.memory_space<hbm>> -> memref<64x256xf32, #tpu.memory_space<hbm>>
        %dma_wait3A_129 = arith.constant 0 : i32
        %dma_wait3A_130 = arith.constant 0 : i32
        %dma_wait3A_131 = tpu.memref_slice %arg7[%dma_wait3A_129, %dma_wait3A_130] : memref<163840x256xf32, #tpu.memory_space<hbm>> -> memref<64x256xf32, #tpu.memory_space<hbm>>
        tpu.wait_dma2 semaphore(%arg27 : memref<!tpu.dma_semaphore, #tpu.memory_space<semaphore_mem>>) src(%arg15 : memref<64x256xf32, #tpu.memory_space<vmem>>) dst(%dma_wait3A_131 : memref<64x256xf32, #tpu.memory_space<hbm>>)
        %dma_wait3A_132 = arith.constant 0 : i32
        %dma_wait3A_133 = arith.constant 0 : i32
        %dma_wait3A_134 = tpu.memref_slice %arg8[%dma_wait3A_132, %dma_wait3A_133] : memref<163840x256xf32, #tpu.memory_space<hbm>> -> memref<64x256xf32, #tpu.memory_space<hbm>>
        %dma_wait3A_135 = arith.constant 0 : i32
        %dma_wait3A_136 = arith.constant 0 : i32
        %dma_wait3A_137 = tpu.memref_slice %arg8[%dma_wait3A_135, %dma_wait3A_136] : memref<163840x256xf32, #tpu.memory_space<hbm>> -> memref<64x256xf32, #tpu.memory_space<hbm>>
        tpu.wait_dma2 semaphore(%arg29 : memref<!tpu.dma_semaphore, #tpu.memory_space<semaphore_mem>>) src(%arg17 : memref<64x256xf32, #tpu.memory_space<vmem>>) dst(%dma_wait3A_137 : memref<64x256xf32, #tpu.memory_space<hbm>>)
        %dma_wait3A_138 = arith.constant 0 : i32
        %dma_wait3A_139 = arith.constant 0 : i32
        %dma_wait3A_140 = tpu.memref_slice %arg9[%dma_wait3A_138, %dma_wait3A_139] : memref<163840x256xf32, #tpu.memory_space<hbm>> -> memref<64x256xf32, #tpu.memory_space<hbm>>
        %dma_wait3A_141 = arith.constant 0 : i32
        %dma_wait3A_142 = arith.constant 0 : i32
        %dma_wait3A_143 = tpu.memref_slice %arg9[%dma_wait3A_141, %dma_wait3A_142] : memref<163840x256xf32, #tpu.memory_space<hbm>> -> memref<64x256xf32, #tpu.memory_space<hbm>>
        tpu.wait_dma2 semaphore(%arg31 : memref<!tpu.dma_semaphore, #tpu.memory_space<semaphore_mem>>) src(%arg19 : memref<64x256xf32, #tpu.memory_space<vmem>>) dst(%dma_wait3A_143 : memref<64x256xf32, #tpu.memory_space<hbm>>)
      } else {
      }
      %le3A = arith.constant 78 : i32
      %le3A_60 = arith.cmpi sle, %add3A_39, %le3A : i32
      %convert_element_type3A_61 = arith.extui %le3A_60 : i1 to i32
      %cond3A_62 = arith.constant 0 : i32
      %cond3A_63 = arith.cmpi ne, %convert_element_type3A_61, %cond3A_62 : i32
      scf.if %cond3A_63 {
        %add3A_126 = arith.constant 1 : i32
        %add3A_127 = arith.addi %add3A_39, %add3A_126 : i32
        %mul3A_128 = arith.constant 64 : i32
        %mul3A_129 = arith.muli %add3A_127, %mul3A_128 : i32
        %add3A_130 = arith.addi %mul3A_2, %mul3A_129 : i32
        "tpu.region"() ({
          %run_scoped3A = tpu.sem_alloc : memref<!tpu.dma_semaphore, #tpu.memory_space<semaphore_mem>>
          %dma_start3A_140 = tpu.memref_slice %arg2[%add3A_130] : memref<163840xi32, #tpu.memory_space<hbm>> -> memref<64xi32, #tpu.memory_space<hbm>>
          %dma_start3A_141 = tpu.memref_slice %arg2[%add3A_130] : memref<163840xi32, #tpu.memory_space<hbm>> -> memref<64xi32, #tpu.memory_space<hbm>>
          tpu.enqueue_dma source(%dma_start3A_141 : memref<64xi32, #tpu.memory_space<hbm>>) target(%arg11 : memref<64xi32, #tpu.memory_space<vmem>>) target_semaphore(%run_scoped3A : memref<!tpu.dma_semaphore, #tpu.memory_space<semaphore_mem>>)
          %dma_wait3A_142 = tpu.memref_slice %arg2[%add3A_130] : memref<163840xi32, #tpu.memory_space<hbm>> -> memref<64xi32, #tpu.memory_space<hbm>>
          %dma_wait3A_143 = tpu.memref_slice %arg2[%add3A_130] : memref<163840xi32, #tpu.memory_space<hbm>> -> memref<64xi32, #tpu.memory_space<hbm>>
          tpu.wait_dma2 semaphore(%run_scoped3A : memref<!tpu.dma_semaphore, #tpu.memory_space<semaphore_mem>>) src(%dma_wait3A_143 : memref<64xi32, #tpu.memory_space<hbm>>) dst(%arg11 : memref<64xi32, #tpu.memory_space<vmem>>)
          tpu.yield
        }) : () -> ()
        "tpu.region"() ({
          %run_scoped3A = tpu.sem_alloc : memref<!tpu.dma_semaphore, #tpu.memory_space<semaphore_mem>>
          %dma_start3A_140 = tpu.memref_slice %arg3[%add3A_130] : memref<163840xi32, #tpu.memory_space<hbm>> -> memref<64xi32, #tpu.memory_space<hbm>>
          %dma_start3A_141 = tpu.memref_slice %arg3[%add3A_130] : memref<163840xi32, #tpu.memory_space<hbm>> -> memref<64xi32, #tpu.memory_space<hbm>>
          tpu.enqueue_dma source(%dma_start3A_141 : memref<64xi32, #tpu.memory_space<hbm>>) target(%arg13 : memref<64xi32, #tpu.memory_space<vmem>>) target_semaphore(%run_scoped3A : memref<!tpu.dma_semaphore, #tpu.memory_space<semaphore_mem>>)
          %dma_wait3A_142 = tpu.memref_slice %arg3[%add3A_130] : memref<163840xi32, #tpu.memory_space<hbm>> -> memref<64xi32, #tpu.memory_space<hbm>>
          %dma_wait3A_143 = tpu.memref_slice %arg3[%add3A_130] : memref<163840xi32, #tpu.memory_space<hbm>> -> memref<64xi32, #tpu.memory_space<hbm>>
          tpu.wait_dma2 semaphore(%run_scoped3A : memref<!tpu.dma_semaphore, #tpu.memory_space<semaphore_mem>>) src(%dma_wait3A_143 : memref<64xi32, #tpu.memory_space<hbm>>) dst(%arg13 : memref<64xi32, #tpu.memory_space<vmem>>)
          tpu.yield
        }) : () -> ()
        %dma_start3A_131 = arith.constant 0 : i32
        %dma_start3A_132 = arith.constant 0 : i32
        %dma_start3A_133 = tpu.memref_slice %arg4[%dma_start3A_131, %dma_start3A_132] : memref<10240x256xf32, #tpu.memory_space<hbm>> -> memref<10240x256xf32, #tpu.memory_space<hbm>>
        tpu.enqueue_indirect_dma source(%dma_start3A_133 : memref<10240x256xf32, #tpu.memory_space<hbm>>) target(%arg15 : memref<64x256xf32, #tpu.memory_space<vmem>>) offsets(%arg11 : memref<64xi32, #tpu.memory_space<vmem>>) semaphore(%arg21 : memref<!tpu.dma_semaphore, #tpu.memory_space<semaphore_mem>>)
        %dma_start3A_134 = arith.constant 0 : i32
        %dma_start3A_135 = arith.constant 0 : i32
        %dma_start3A_136 = tpu.memref_slice %arg5[%dma_start3A_134, %dma_start3A_135] : memref<10240x256xf32, #tpu.memory_space<hbm>> -> memref<10240x256xf32, #tpu.memory_space<hbm>>
        tpu.enqueue_indirect_dma source(%dma_start3A_136 : memref<10240x256xf32, #tpu.memory_space<hbm>>) target(%arg17 : memref<64x256xf32, #tpu.memory_space<vmem>>) offsets(%arg13 : memref<64xi32, #tpu.memory_space<vmem>>) semaphore(%arg23 : memref<!tpu.dma_semaphore, #tpu.memory_space<semaphore_mem>>)
        %dma_start3A_137 = arith.constant 0 : i32
        %dma_start3A_138 = arith.constant 0 : i32
        %dma_start3A_139 = tpu.memref_slice %arg6[%dma_start3A_137, %dma_start3A_138] : memref<10240x256xf32, #tpu.memory_space<hbm>> -> memref<10240x256xf32, #tpu.memory_space<hbm>>
        tpu.enqueue_indirect_dma source(%dma_start3A_139 : memref<10240x256xf32, #tpu.memory_space<hbm>>) target(%arg19 : memref<64x256xf32, #tpu.memory_space<vmem>>) offsets(%arg13 : memref<64xi32, #tpu.memory_space<vmem>>) semaphore(%arg25 : memref<!tpu.dma_semaphore, #tpu.memory_space<semaphore_mem>>)
      } else {
      }
      %mul3A_64 = arith.constant 64 : i32
      %mul3A_65 = arith.muli %add3A_39, %mul3A_64 : i32
      %add3A_66 = arith.addi %mul3A_2, %mul3A_65 : i32
      %dma_start3A_67 = arith.constant 0 : i32
      %dma_start3A_68 = tpu.memref_slice %arg7[%add3A_66, %dma_start3A_67] : memref<163840x256xf32, #tpu.memory_space<hbm>> -> memref<64x256xf32, #tpu.memory_space<hbm>>
      %dma_start3A_69 = arith.constant 0 : i32
      %dma_start3A_70 = tpu.memref_slice %arg7[%add3A_66, %dma_start3A_69] : memref<163840x256xf32, #tpu.memory_space<hbm>> -> memref<64x256xf32, #tpu.memory_space<hbm>>
      tpu.enqueue_dma source(%arg14 : memref<64x256xf32, #tpu.memory_space<vmem>>) target(%dma_start3A_70 : memref<64x256xf32, #tpu.memory_space<hbm>>) target_semaphore(%arg26 : memref<!tpu.dma_semaphore, #tpu.memory_space<semaphore_mem>>)
      %dma_start3A_71 = arith.constant 0 : i32
      %dma_start3A_72 = tpu.memref_slice %arg8[%add3A_66, %dma_start3A_71] : memref<163840x256xf32, #tpu.memory_space<hbm>> -> memref<64x256xf32, #tpu.memory_space<hbm>>
      %dma_start3A_73 = arith.constant 0 : i32
      %dma_start3A_74 = tpu.memref_slice %arg8[%add3A_66, %dma_start3A_73] : memref<163840x256xf32, #tpu.memory_space<hbm>> -> memref<64x256xf32, #tpu.memory_space<hbm>>
      tpu.enqueue_dma source(%arg16 : memref<64x256xf32, #tpu.memory_space<vmem>>) target(%dma_start3A_74 : memref<64x256xf32, #tpu.memory_space<hbm>>) target_semaphore(%arg28 : memref<!tpu.dma_semaphore, #tpu.memory_space<semaphore_mem>>)
      %dma_start3A_75 = arith.constant 0 : i32
      %dma_start3A_76 = tpu.memref_slice %arg9[%add3A_66, %dma_start3A_75] : memref<163840x256xf32, #tpu.memory_space<hbm>> -> memref<64x256xf32, #tpu.memory_space<hbm>>
      %dma_start3A_77 = arith.constant 0 : i32
      %dma_start3A_78 = tpu.memref_slice %arg9[%add3A_66, %dma_start3A_77] : memref<163840x256xf32, #tpu.memory_space<hbm>> -> memref<64x256xf32, #tpu.memory_space<hbm>>
      tpu.enqueue_dma source(%arg18 : memref<64x256xf32, #tpu.memory_space<vmem>>) target(%dma_start3A_78 : memref<64x256xf32, #tpu.memory_space<hbm>>) target_semaphore(%arg30 : memref<!tpu.dma_semaphore, #tpu.memory_space<semaphore_mem>>)
      %mul3A_79 = arith.constant 2 : i32
      %mul3A_80 = arith.muli %mul3A_79, %scan3A_35 : i32
      %add3A_81 = arith.constant 1 : i32
      %add3A_82 = arith.addi %mul3A_80, %add3A_81 : i32
      %dma_wait3A_83 = arith.constant 0 : i32
      %dma_wait3A_84 = arith.constant 0 : i32
      %dma_wait3A_85 = tpu.memref_slice %arg4[%dma_wait3A_83, %dma_wait3A_84] : memref<10240x256xf32, #tpu.memory_space<hbm>> -> memref<64x256xf32, #tpu.memory_space<hbm>>
      %dma_wait3A_86 = arith.constant 0 : i32
      %dma_wait3A_87 = arith.constant 0 : i32
      %dma_wait3A_88 = tpu.memref_slice %arg4[%dma_wait3A_86, %dma_wait3A_87] : memref<10240x256xf32, #tpu.memory_space<hbm>> -> memref<64x256xf32, #tpu.memory_space<hbm>>
      tpu.wait_dma2 semaphore(%arg21 : memref<!tpu.dma_semaphore, #tpu.memory_space<semaphore_mem>>) src(%dma_wait3A_88 : memref<64x256xf32, #tpu.memory_space<hbm>>) dst(%arg15 : memref<64x256xf32, #tpu.memory_space<vmem>>)
      %dma_wait3A_89 = arith.constant 0 : i32
      %dma_wait3A_90 = arith.constant 0 : i32
      %dma_wait3A_91 = tpu.memref_slice %arg5[%dma_wait3A_89, %dma_wait3A_90] : memref<10240x256xf32, #tpu.memory_space<hbm>> -> memref<64x256xf32, #tpu.memory_space<hbm>>
      %dma_wait3A_92 = arith.constant 0 : i32
      %dma_wait3A_93 = arith.constant 0 : i32
      %dma_wait3A_94 = tpu.memref_slice %arg5[%dma_wait3A_92, %dma_wait3A_93] : memref<10240x256xf32, #tpu.memory_space<hbm>> -> memref<64x256xf32, #tpu.memory_space<hbm>>
      tpu.wait_dma2 semaphore(%arg23 : memref<!tpu.dma_semaphore, #tpu.memory_space<semaphore_mem>>) src(%dma_wait3A_94 : memref<64x256xf32, #tpu.memory_space<hbm>>) dst(%arg17 : memref<64x256xf32, #tpu.memory_space<vmem>>)
      %dma_wait3A_95 = arith.constant 0 : i32
      %dma_wait3A_96 = arith.constant 0 : i32
      %dma_wait3A_97 = tpu.memref_slice %arg6[%dma_wait3A_95, %dma_wait3A_96] : memref<10240x256xf32, #tpu.memory_space<hbm>> -> memref<64x256xf32, #tpu.memory_space<hbm>>
      %dma_wait3A_98 = arith.constant 0 : i32
      %dma_wait3A_99 = arith.constant 0 : i32
      %dma_wait3A_100 = tpu.memref_slice %arg6[%dma_wait3A_98, %dma_wait3A_99] : memref<10240x256xf32, #tpu.memory_space<hbm>> -> memref<64x256xf32, #tpu.memory_space<hbm>>
      tpu.wait_dma2 semaphore(%arg25 : memref<!tpu.dma_semaphore, #tpu.memory_space<semaphore_mem>>) src(%dma_wait3A_100 : memref<64x256xf32, #tpu.memory_space<hbm>>) dst(%arg19 : memref<64x256xf32, #tpu.memory_space<vmem>>)
      %ge3A_101 = arith.constant 1 : i32
      %ge3A_102 = arith.cmpi sge, %add3A_82, %ge3A_101 : i32
      %convert_element_type3A_103 = arith.extui %ge3A_102 : i1 to i32
      %cond3A_104 = arith.constant 0 : i32
      %cond3A_105 = arith.cmpi ne, %convert_element_type3A_103, %cond3A_104 : i32
      scf.if %cond3A_105 {
        %dma_wait3A_126 = arith.constant 0 : i32
        %dma_wait3A_127 = arith.constant 0 : i32
        %dma_wait3A_128 = tpu.memref_slice %arg7[%dma_wait3A_126, %dma_wait3A_127] : memref<163840x256xf32, #tpu.memory_space<hbm>> -> memref<64x256xf32, #tpu.memory_space<hbm>>
        %dma_wait3A_129 = arith.constant 0 : i32
        %dma_wait3A_130 = arith.constant 0 : i32
        %dma_wait3A_131 = tpu.memref_slice %arg7[%dma_wait3A_129, %dma_wait3A_130] : memref<163840x256xf32, #tpu.memory_space<hbm>> -> memref<64x256xf32, #tpu.memory_space<hbm>>
        tpu.wait_dma2 semaphore(%arg26 : memref<!tpu.dma_semaphore, #tpu.memory_space<semaphore_mem>>) src(%arg14 : memref<64x256xf32, #tpu.memory_space<vmem>>) dst(%dma_wait3A_131 : memref<64x256xf32, #tpu.memory_space<hbm>>)
        %dma_wait3A_132 = arith.constant 0 : i32
        %dma_wait3A_133 = arith.constant 0 : i32
        %dma_wait3A_134 = tpu.memref_slice %arg8[%dma_wait3A_132, %dma_wait3A_133] : memref<163840x256xf32, #tpu.memory_space<hbm>> -> memref<64x256xf32, #tpu.memory_space<hbm>>
        %dma_wait3A_135 = arith.constant 0 : i32
        %dma_wait3A_136 = arith.constant 0 : i32
        %dma_wait3A_137 = tpu.memref_slice %arg8[%dma_wait3A_135, %dma_wait3A_136] : memref<163840x256xf32, #tpu.memory_space<hbm>> -> memref<64x256xf32, #tpu.memory_space<hbm>>
        tpu.wait_dma2 semaphore(%arg28 : memref<!tpu.dma_semaphore, #tpu.memory_space<semaphore_mem>>) src(%arg16 : memref<64x256xf32, #tpu.memory_space<vmem>>) dst(%dma_wait3A_137 : memref<64x256xf32, #tpu.memory_space<hbm>>)
        %dma_wait3A_138 = arith.constant 0 : i32
        %dma_wait3A_139 = arith.constant 0 : i32
        %dma_wait3A_140 = tpu.memref_slice %arg9[%dma_wait3A_138, %dma_wait3A_139] : memref<163840x256xf32, #tpu.memory_space<hbm>> -> memref<64x256xf32, #tpu.memory_space<hbm>>
        %dma_wait3A_141 = arith.constant 0 : i32
        %dma_wait3A_142 = arith.constant 0 : i32
        %dma_wait3A_143 = tpu.memref_slice %arg9[%dma_wait3A_141, %dma_wait3A_142] : memref<163840x256xf32, #tpu.memory_space<hbm>> -> memref<64x256xf32, #tpu.memory_space<hbm>>
        tpu.wait_dma2 semaphore(%arg30 : memref<!tpu.dma_semaphore, #tpu.memory_space<semaphore_mem>>) src(%arg18 : memref<64x256xf32, #tpu.memory_space<vmem>>) dst(%dma_wait3A_143 : memref<64x256xf32, #tpu.memory_space<hbm>>)
      } else {
      }
      %le3A_106 = arith.constant 78 : i32
      %le3A_107 = arith.cmpi sle, %add3A_82, %le3A_106 : i32
      %convert_element_type3A_108 = arith.extui %le3A_107 : i1 to i32
      %cond3A_109 = arith.constant 0 : i32
      %cond3A_110 = arith.cmpi ne, %convert_element_type3A_108, %cond3A_109 : i32
      scf.if %cond3A_110 {
        %add3A_126 = arith.constant 1 : i32
        %add3A_127 = arith.addi %add3A_82, %add3A_126 : i32
        %mul3A_128 = arith.constant 64 : i32
        %mul3A_129 = arith.muli %add3A_127, %mul3A_128 : i32
        %add3A_130 = arith.addi %mul3A_2, %mul3A_129 : i32
        "tpu.region"() ({
          %run_scoped3A = tpu.sem_alloc : memref<!tpu.dma_semaphore, #tpu.memory_space<semaphore_mem>>
          %dma_start3A_140 = tpu.memref_slice %arg2[%add3A_130] : memref<163840xi32, #tpu.memory_space<hbm>> -> memref<64xi32, #tpu.memory_space<hbm>>
          %dma_start3A_141 = tpu.memref_slice %arg2[%add3A_130] : memref<163840xi32, #tpu.memory_space<hbm>> -> memref<64xi32, #tpu.memory_space<hbm>>
          tpu.enqueue_dma source(%dma_start3A_141 : memref<64xi32, #tpu.memory_space<hbm>>) target(%arg10 : memref<64xi32, #tpu.memory_space<vmem>>) target_semaphore(%run_scoped3A : memref<!tpu.dma_semaphore, #tpu.memory_space<semaphore_mem>>)
          %dma_wait3A_142 = tpu.memref_slice %arg2[%add3A_130] : memref<163840xi32, #tpu.memory_space<hbm>> -> memref<64xi32, #tpu.memory_space<hbm>>
          %dma_wait3A_143 = tpu.memref_slice %arg2[%add3A_130] : memref<163840xi32, #tpu.memory_space<hbm>> -> memref<64xi32, #tpu.memory_space<hbm>>
          tpu.wait_dma2 semaphore(%run_scoped3A : memref<!tpu.dma_semaphore, #tpu.memory_space<semaphore_mem>>) src(%dma_wait3A_143 : memref<64xi32, #tpu.memory_space<hbm>>) dst(%arg10 : memref<64xi32, #tpu.memory_space<vmem>>)
          tpu.yield
        }) : () -> ()
        "tpu.region"() ({
          %run_scoped3A = tpu.sem_alloc : memref<!tpu.dma_semaphore, #tpu.memory_space<semaphore_mem>>
          %dma_start3A_140 = tpu.memref_slice %arg3[%add3A_130] : memref<163840xi32, #tpu.memory_space<hbm>> -> memref<64xi32, #tpu.memory_space<hbm>>
          %dma_start3A_141 = tpu.memref_slice %arg3[%add3A_130] : memref<163840xi32, #tpu.memory_space<hbm>> -> memref<64xi32, #tpu.memory_space<hbm>>
          tpu.enqueue_dma source(%dma_start3A_141 : memref<64xi32, #tpu.memory_space<hbm>>) target(%arg12 : memref<64xi32, #tpu.memory_space<vmem>>) target_semaphore(%run_scoped3A : memref<!tpu.dma_semaphore, #tpu.memory_space<semaphore_mem>>)
          %dma_wait3A_142 = tpu.memref_slice %arg3[%add3A_130] : memref<163840xi32, #tpu.memory_space<hbm>> -> memref<64xi32, #tpu.memory_space<hbm>>
          %dma_wait3A_143 = tpu.memref_slice %arg3[%add3A_130] : memref<163840xi32, #tpu.memory_space<hbm>> -> memref<64xi32, #tpu.memory_space<hbm>>
          tpu.wait_dma2 semaphore(%run_scoped3A : memref<!tpu.dma_semaphore, #tpu.memory_space<semaphore_mem>>) src(%dma_wait3A_143 : memref<64xi32, #tpu.memory_space<hbm>>) dst(%arg12 : memref<64xi32, #tpu.memory_space<vmem>>)
          tpu.yield
        }) : () -> ()
        %dma_start3A_131 = arith.constant 0 : i32
        %dma_start3A_132 = arith.constant 0 : i32
        %dma_start3A_133 = tpu.memref_slice %arg4[%dma_start3A_131, %dma_start3A_132] : memref<10240x256xf32, #tpu.memory_space<hbm>> -> memref<10240x256xf32, #tpu.memory_space<hbm>>
        tpu.enqueue_indirect_dma source(%dma_start3A_133 : memref<10240x256xf32, #tpu.memory_space<hbm>>) target(%arg14 : memref<64x256xf32, #tpu.memory_space<vmem>>) offsets(%arg10 : memref<64xi32, #tpu.memory_space<vmem>>) semaphore(%arg20 : memref<!tpu.dma_semaphore, #tpu.memory_space<semaphore_mem>>)
        %dma_start3A_134 = arith.constant 0 : i32
        %dma_start3A_135 = arith.constant 0 : i32
        %dma_start3A_136 = tpu.memref_slice %arg5[%dma_start3A_134, %dma_start3A_135] : memref<10240x256xf32, #tpu.memory_space<hbm>> -> memref<10240x256xf32, #tpu.memory_space<hbm>>
        tpu.enqueue_indirect_dma source(%dma_start3A_136 : memref<10240x256xf32, #tpu.memory_space<hbm>>) target(%arg16 : memref<64x256xf32, #tpu.memory_space<vmem>>) offsets(%arg12 : memref<64xi32, #tpu.memory_space<vmem>>) semaphore(%arg22 : memref<!tpu.dma_semaphore, #tpu.memory_space<semaphore_mem>>)
        %dma_start3A_137 = arith.constant 0 : i32
        %dma_start3A_138 = arith.constant 0 : i32
        %dma_start3A_139 = tpu.memref_slice %arg6[%dma_start3A_137, %dma_start3A_138] : memref<10240x256xf32, #tpu.memory_space<hbm>> -> memref<10240x256xf32, #tpu.memory_space<hbm>>
        tpu.enqueue_indirect_dma source(%dma_start3A_139 : memref<10240x256xf32, #tpu.memory_space<hbm>>) target(%arg18 : memref<64x256xf32, #tpu.memory_space<vmem>>) offsets(%arg12 : memref<64xi32, #tpu.memory_space<vmem>>) semaphore(%arg24 : memref<!tpu.dma_semaphore, #tpu.memory_space<semaphore_mem>>)
      } else {
      }
      %mul3A_111 = arith.constant 64 : i32
      %mul3A_112 = arith.muli %add3A_82, %mul3A_111 : i32
      %add3A_113 = arith.addi %mul3A_2, %mul3A_112 : i32
      %dma_start3A_114 = arith.constant 0 : i32
      %dma_start3A_115 = tpu.memref_slice %arg7[%add3A_113, %dma_start3A_114] : memref<163840x256xf32, #tpu.memory_space<hbm>> -> memref<64x256xf32, #tpu.memory_space<hbm>>
      %dma_start3A_116 = arith.constant 0 : i32
      %dma_start3A_117 = tpu.memref_slice %arg7[%add3A_113, %dma_start3A_116] : memref<163840x256xf32, #tpu.memory_space<hbm>> -> memref<64x256xf32, #tpu.memory_space<hbm>>
      tpu.enqueue_dma source(%arg15 : memref<64x256xf32, #tpu.memory_space<vmem>>) target(%dma_start3A_117 : memref<64x256xf32, #tpu.memory_space<hbm>>) target_semaphore(%arg27 : memref<!tpu.dma_semaphore, #tpu.memory_space<semaphore_mem>>)
      %dma_start3A_118 = arith.constant 0 : i32
      %dma_start3A_119 = tpu.memref_slice %arg8[%add3A_113, %dma_start3A_118] : memref<163840x256xf32, #tpu.memory_space<hbm>> -> memref<64x256xf32, #tpu.memory_space<hbm>>
      %dma_start3A_120 = arith.constant 0 : i32
      %dma_start3A_121 = tpu.memref_slice %arg8[%add3A_113, %dma_start3A_120] : memref<163840x256xf32, #tpu.memory_space<hbm>> -> memref<64x256xf32, #tpu.memory_space<hbm>>
      tpu.enqueue_dma source(%arg17 : memref<64x256xf32, #tpu.memory_space<vmem>>) target(%dma_start3A_121 : memref<64x256xf32, #tpu.memory_space<hbm>>) target_semaphore(%arg29 : memref<!tpu.dma_semaphore, #tpu.memory_space<semaphore_mem>>)
      %dma_start3A_122 = arith.constant 0 : i32
      %dma_start3A_123 = tpu.memref_slice %arg9[%add3A_113, %dma_start3A_122] : memref<163840x256xf32, #tpu.memory_space<hbm>> -> memref<64x256xf32, #tpu.memory_space<hbm>>
      %dma_start3A_124 = arith.constant 0 : i32
      %dma_start3A_125 = tpu.memref_slice %arg9[%add3A_113, %dma_start3A_124] : memref<163840x256xf32, #tpu.memory_space<hbm>> -> memref<64x256xf32, #tpu.memory_space<hbm>>
      tpu.enqueue_dma source(%arg19 : memref<64x256xf32, #tpu.memory_space<vmem>>) target(%dma_start3A_125 : memref<64x256xf32, #tpu.memory_space<hbm>>) target_semaphore(%arg31 : memref<!tpu.dma_semaphore, #tpu.memory_space<semaphore_mem>>)
    }
    %scan3A_17 = arith.constant 40 : i32
    %dma_wait3A = arith.constant 0 : i32
    %dma_wait3A_18 = arith.constant 0 : i32
    %dma_wait3A_19 = tpu.memref_slice %arg7[%dma_wait3A, %dma_wait3A_18] : memref<163840x256xf32, #tpu.memory_space<hbm>> -> memref<64x256xf32, #tpu.memory_space<hbm>>
    %dma_wait3A_20 = arith.constant 0 : i32
    %dma_wait3A_21 = arith.constant 0 : i32
    %dma_wait3A_22 = tpu.memref_slice %arg7[%dma_wait3A_20, %dma_wait3A_21] : memref<163840x256xf32, #tpu.memory_space<hbm>> -> memref<64x256xf32, #tpu.memory_space<hbm>>
    tpu.wait_dma2 semaphore(%arg27 : memref<!tpu.dma_semaphore, #tpu.memory_space<semaphore_mem>>) src(%arg15 : memref<64x256xf32, #tpu.memory_space<vmem>>) dst(%dma_wait3A_22 : memref<64x256xf32, #tpu.memory_space<hbm>>)
    %dma_wait3A_23 = arith.constant 0 : i32
    %dma_wait3A_24 = arith.constant 0 : i32
    %dma_wait3A_25 = tpu.memref_slice %arg8[%dma_wait3A_23, %dma_wait3A_24] : memref<163840x256xf32, #tpu.memory_space<hbm>> -> memref<64x256xf32, #tpu.memory_space<hbm>>
    %dma_wait3A_26 = arith.constant 0 : i32
    %dma_wait3A_27 = arith.constant 0 : i32
    %dma_wait3A_28 = tpu.memref_slice %arg8[%dma_wait3A_26, %dma_wait3A_27] : memref<163840x256xf32, #tpu.memory_space<hbm>> -> memref<64x256xf32, #tpu.memory_space<hbm>>
    tpu.wait_dma2 semaphore(%arg29 : memref<!tpu.dma_semaphore, #tpu.memory_space<semaphore_mem>>) src(%arg17 : memref<64x256xf32, #tpu.memory_space<vmem>>) dst(%dma_wait3A_28 : memref<64x256xf32, #tpu.memory_space<hbm>>)
    %dma_wait3A_29 = arith.constant 0 : i32
    %dma_wait3A_30 = arith.constant 0 : i32
    %dma_wait3A_31 = tpu.memref_slice %arg9[%dma_wait3A_29, %dma_wait3A_30] : memref<163840x256xf32, #tpu.memory_space<hbm>> -> memref<64x256xf32, #tpu.memory_space<hbm>>
    %dma_wait3A_32 = arith.constant 0 : i32
    %dma_wait3A_33 = arith.constant 0 : i32
    %dma_wait3A_34 = tpu.memref_slice %arg9[%dma_wait3A_32, %dma_wait3A_33] : memref<163840x256xf32, #tpu.memory_space<hbm>> -> memref<64x256xf32, #tpu.memory_space<hbm>>
    tpu.wait_dma2 semaphore(%arg31 : memref<!tpu.dma_semaphore, #tpu.memory_space<semaphore_mem>>) src(%arg19 : memref<64x256xf32, #tpu.memory_space<vmem>>) dst(%dma_wait3A_34 : memref<64x256xf32, #tpu.memory_space<hbm>>)
    return
  }
}

#map = affine_map<(d0, d1) -> (0)>
#map1 = affine_map<(d0, d1) -> (0, 0)>
#map2 = affine_map<(d0, d1) -> (0, 0, 0)>
module attributes {stable_mosaic.version = 14 : i64} {
  func.func @_sc_scatter16(%arg0: i32, %arg1: i32, %arg2: memref<163840xi32, #tpu.memory_space<hbm>>, %arg3: memref<163840x16xf32, #tpu.memory_space<hbm>>, %arg4: memref<2x10240x128xf32, #tpu.memory_space<hbm>>, %arg5: memref<10240x128xf32, #tpu.memory_space<vmem_shared>>, %arg6: memref<128x128xf32, #tpu.memory_space<vmem>>, %arg7: memref<128x16xf32, #tpu.memory_space<vmem>>, %arg8: memref<128xi32, #tpu.memory_space<vmem>>) attributes {dimension_semantics = [#tpu.dimension_semantics<core_parallel>, #tpu.dimension_semantics<subcore_parallel>], iteration_bounds = array<i64: 2, 16>, scalar_prefetch = 0 : i64, scratch_operands = 4 : i64, tpu.core_type = #tpu.core_type<sc_vector_subcore>, window_params = [{transform_indices = #map}, {transform_indices = #map1}, {transform_indices = #map2}]} {
    %broadcast_in_dim3A = arith.constant 0.000000e+00 : f32
    %broadcast_in_dim3A_0 = vector.broadcast %broadcast_in_dim3A : f32 to vector<16xf32>
    %scan3A = arith.constant 0 : i32
    %scan3A_1 = arith.constant 0 : i32
    %scan3A_2 = arith.constant 1024 : i32
    %scan3A_3 = arith.addi %scan3A_1, %scan3A_2 : i32
    %scan3A_4 = arith.constant 1 : i32
    scf.for %scan3A_24 = %scan3A_1 to %scan3A_3 step %scan3A_4  : i32 {
      %jit3A = arith.constant 8 : i32
      %div3A = arith.divsi %scan3A_24, %jit3A : i32
      %sign3A = arith.constant 0 : i32
      %sign3A_25 = arith.cmpi sgt, %scan3A_24, %sign3A : i32
      %sign3A_26 = arith.extui %sign3A_25 : i1 to i32
      %sign3A_27 = arith.constant 0 : i32
      %sign3A_28 = arith.cmpi slt, %scan3A_24, %sign3A_27 : i32
      %sign3A_29 = arith.extui %sign3A_28 : i1 to i32
      %sign3A_30 = arith.subi %sign3A_26, %sign3A_29 : i32
      %sign3A_31 = arith.constant 0 : i32
      %sign3A_32 = arith.cmpi sgt, %jit3A, %sign3A_31 : i32
      %sign3A_33 = arith.extui %sign3A_32 : i1 to i32
      %sign3A_34 = arith.constant 0 : i32
      %sign3A_35 = arith.cmpi slt, %jit3A, %sign3A_34 : i32
      %sign3A_36 = arith.extui %sign3A_35 : i1 to i32
      %sign3A_37 = arith.subi %sign3A_33, %sign3A_36 : i32
      %ne3A = arith.cmpi ne, %sign3A_30, %sign3A_37 : i32
      %rem3A = arith.remsi %scan3A_24, %jit3A : i32
      %ne3A_38 = arith.constant 0 : i32
      %ne3A_39 = arith.cmpi ne, %rem3A, %ne3A_38 : i32
      %and3A = arith.andi %ne3A, %ne3A_39 : i1
      %sub3A = arith.constant 1 : i32
      %sub3A_40 = arith.subi %div3A, %sub3A : i32
      %select_n3A = arith.select %and3A, %sub3A_40, %div3A : i32
      %jit3A_41 = arith.constant 8 : i32
      %eq3A = arith.constant 0 : i32
      %eq3A_42 = arith.cmpi eq, %jit3A_41, %eq3A : i32
      %jit3A_43 = arith.constant 1 : i32
      %select_n3A_44 = arith.select %eq3A_42, %jit3A_43, %jit3A_41 : i32
      %rem3A_45 = arith.remsi %scan3A_24, %select_n3A_44 : i32
      %ne3A_46 = arith.constant 0 : i32
      %ne3A_47 = arith.cmpi ne, %rem3A_45, %ne3A_46 : i32
      %lt3A = arith.constant 0 : i32
      %lt3A_48 = arith.cmpi slt, %rem3A_45, %lt3A : i32
      %lt3A_49 = arith.constant 0 : i32
      %lt3A_50 = arith.cmpi slt, %select_n3A_44, %lt3A_49 : i32
      %ne3A_51 = arith.xori %lt3A_48, %lt3A_50 : i1
      %and3A_52 = arith.andi %ne3A_51, %ne3A_47 : i1
      %add3A_53 = arith.addi %rem3A_45, %select_n3A_44 : i32
      %select_n3A_54 = arith.select %and3A_52, %add3A_53, %rem3A_45 : i32
      %mul3A_55 = arith.constant 16 : i32
      %mul3A_56 = arith.muli %select_n3A_54, %mul3A_55 : i32
      %swap3A = arith.index_cast %select_n3A : i32 to index
      %swap3A_57 = arith.index_cast %mul3A_56 : i32 to index
      %swap3A_58 = tpu.vector_load %arg6[%swap3A, %swap3A_57] {strides = array<i32>} : memref<128x128xf32, #tpu.memory_space<vmem>>, vector<1x16xf32>,
      %swap3A_59 = vector.shape_cast %swap3A_58 : vector<1x16xf32> to vector<16xf32>
      %swap3A_60 = vector.shape_cast %broadcast_in_dim3A_0 : vector<16xf32> to vector<1x16xf32>
      tpu.vector_store %arg6[%swap3A, %swap3A_57], %swap3A_60 {strides = array<i32>} : memref<128x128xf32, #tpu.memory_space<vmem>>, vector<1x16xf32>,
    }
    %scan3A_5 = arith.constant 1024 : i32
    %scan3A_6 = arith.constant 0 : i32
    %scan3A_7 = arith.constant 0 : i32
    %scan3A_8 = arith.constant 5 : i32
    %scan3A_9 = arith.addi %scan3A_7, %scan3A_8 : i32
    %scan3A_10 = arith.constant 1 : i32
    scf.for %scan3A_24 = %scan3A_7 to %scan3A_9 step %scan3A_10  : i32 {
      %mul3A_25 = arith.constant 640 : i32
      %mul3A_26 = arith.muli %arg1, %mul3A_25 : i32
      %mul3A_27 = arith.constant 128 : i32
      %mul3A_28 = arith.muli %scan3A_24, %mul3A_27 : i32
      %add3A_29 = arith.addi %mul3A_26, %mul3A_28 : i32
      "tpu.region"() ({
        %run_scoped3A = tpu.sem_alloc : memref<!tpu.dma_semaphore, #tpu.memory_space<semaphore_mem>>
        %dma_start3A = arith.constant 0 : i32
        %dma_start3A_30 = tpu.memref_slice %arg5[%add3A_29, %dma_start3A] : memref<10240x128xf32, #tpu.memory_space<vmem_shared>> -> memref<128x128xf32, #tpu.memory_space<vmem_shared>>
        %dma_start3A_31 = arith.constant 0 : i32
        %dma_start3A_32 = tpu.memref_slice %arg5[%add3A_29, %dma_start3A_31] : memref<10240x128xf32, #tpu.memory_space<vmem_shared>> -> memref<128x128xf32, #tpu.memory_space<vmem_shared>>
        tpu.enqueue_dma source(%arg6 : memref<128x128xf32, #tpu.memory_space<vmem>>) target(%dma_start3A_32 : memref<128x128xf32, #tpu.memory_space<vmem_shared>>) target_semaphore(%run_scoped3A : memref<!tpu.dma_semaphore, #tpu.memory_space<semaphore_mem>>)
        %dma_wait3A = arith.constant 0 : i32
        %dma_wait3A_33 = tpu.memref_slice %arg5[%add3A_29, %dma_wait3A] : memref<10240x128xf32, #tpu.memory_space<vmem_shared>> -> memref<128x128xf32, #tpu.memory_space<vmem_shared>>
        %dma_wait3A_34 = arith.constant 0 : i32
        %dma_wait3A_35 = tpu.memref_slice %arg5[%add3A_29, %dma_wait3A_34] : memref<10240x128xf32, #tpu.memory_space<vmem_shared>> -> memref<128x128xf32, #tpu.memory_space<vmem_shared>>
        tpu.wait_dma2 semaphore(%run_scoped3A : memref<!tpu.dma_semaphore, #tpu.memory_space<semaphore_mem>>) src(%arg6 : memref<128x128xf32, #tpu.memory_space<vmem>>) dst(%dma_wait3A_35 : memref<128x128xf32, #tpu.memory_space<vmem_shared>>)
        tpu.yield
      }) : () -> ()
    }
    %scan3A_11 = arith.constant 5 : i32
    %barrier3A = arith.constant 0 : index
    tpu.barrier barrier_id(%barrier3A)
    %mul3A = arith.constant 2 : i32
    %mul3A_12 = arith.muli %arg1, %mul3A : i32
    %add3A = arith.addi %mul3A_12, %arg0 : i32
    %scan3A_13 = arith.constant 0 : i32
    %scan3A_14 = arith.constant 0 : i32
    %scan3A_15 = arith.constant 40 : i32
    %scan3A_16 = arith.addi %scan3A_14, %scan3A_15 : i32
    %scan3A_17 = arith.constant 1 : i32
    scf.for %scan3A_24 = %scan3A_14 to %scan3A_16 step %scan3A_17  : i32 {
      %mul3A_25 = arith.constant 5120 : i32
      %mul3A_26 = arith.muli %add3A, %mul3A_25 : i32
      %mul3A_27 = arith.constant 128 : i32
      %mul3A_28 = arith.muli %scan3A_24, %mul3A_27 : i32
      %add3A_29 = arith.addi %mul3A_26, %mul3A_28 : i32
      "tpu.region"() ({
        %run_scoped3A = tpu.sem_alloc : memref<!tpu.dma_semaphore, #tpu.memory_space<semaphore_mem>>
        %dma_start3A = tpu.memref_slice %arg2[%add3A_29] : memref<163840xi32, #tpu.memory_space<hbm>> -> memref<128xi32, #tpu.memory_space<hbm>>
        %dma_start3A_36 = tpu.memref_slice %arg2[%add3A_29] : memref<163840xi32, #tpu.memory_space<hbm>> -> memref<128xi32, #tpu.memory_space<hbm>>
        tpu.enqueue_dma source(%dma_start3A_36 : memref<128xi32, #tpu.memory_space<hbm>>) target(%arg8 : memref<128xi32, #tpu.memory_space<vmem>>) target_semaphore(%run_scoped3A : memref<!tpu.dma_semaphore, #tpu.memory_space<semaphore_mem>>)
        %dma_wait3A = tpu.memref_slice %arg2[%add3A_29] : memref<163840xi32, #tpu.memory_space<hbm>> -> memref<128xi32, #tpu.memory_space<hbm>>
        %dma_wait3A_37 = tpu.memref_slice %arg2[%add3A_29] : memref<163840xi32, #tpu.memory_space<hbm>> -> memref<128xi32, #tpu.memory_space<hbm>>
        tpu.wait_dma2 semaphore(%run_scoped3A : memref<!tpu.dma_semaphore, #tpu.memory_space<semaphore_mem>>) src(%dma_wait3A_37 : memref<128xi32, #tpu.memory_space<hbm>>) dst(%arg8 : memref<128xi32, #tpu.memory_space<vmem>>)
        tpu.yield
      }) : () -> ()
      "tpu.region"() ({
        %run_scoped3A = tpu.sem_alloc : memref<!tpu.dma_semaphore, #tpu.memory_space<semaphore_mem>>
        %dma_start3A = arith.constant 0 : i32
        %dma_start3A_36 = tpu.memref_slice %arg3[%add3A_29, %dma_start3A] : memref<163840x16xf32, #tpu.memory_space<hbm>> -> memref<128x16xf32, #tpu.memory_space<hbm>>
        %dma_start3A_37 = arith.constant 0 : i32
        %dma_start3A_38 = tpu.memref_slice %arg3[%add3A_29, %dma_start3A_37] : memref<163840x16xf32, #tpu.memory_space<hbm>> -> memref<128x16xf32, #tpu.memory_space<hbm>>
        tpu.enqueue_dma source(%dma_start3A_38 : memref<128x16xf32, #tpu.memory_space<hbm>>) target(%arg7 : memref<128x16xf32, #tpu.memory_space<vmem>>) target_semaphore(%run_scoped3A : memref<!tpu.dma_semaphore, #tpu.memory_space<semaphore_mem>>)
        %dma_wait3A = arith.constant 0 : i32
        %dma_wait3A_39 = tpu.memref_slice %arg3[%add3A_29, %dma_wait3A] : memref<163840x16xf32, #tpu.memory_space<hbm>> -> memref<128x16xf32, #tpu.memory_space<hbm>>
        %dma_wait3A_40 = arith.constant 0 : i32
        %dma_wait3A_41 = tpu.memref_slice %arg3[%add3A_29, %dma_wait3A_40] : memref<163840x16xf32, #tpu.memory_space<hbm>> -> memref<128x16xf32, #tpu.memory_space<hbm>>
        tpu.wait_dma2 semaphore(%run_scoped3A : memref<!tpu.dma_semaphore, #tpu.memory_space<semaphore_mem>>) src(%dma_wait3A_41 : memref<128x16xf32, #tpu.memory_space<hbm>>) dst(%arg7 : memref<128x16xf32, #tpu.memory_space<vmem>>)
        tpu.yield
      }) : () -> ()
      %scan3A_30 = arith.constant 0 : i32
      %scan3A_31 = arith.constant 0 : i32
      %scan3A_32 = arith.constant 128 : i32
      %scan3A_33 = arith.addi %scan3A_31, %scan3A_32 : i32
      %scan3A_34 = arith.constant 1 : i32
      scf.for %scan3A_36 = %scan3A_31 to %scan3A_33 step %scan3A_34  : i32 {
        %get3A = arith.index_cast %scan3A_36 : i32 to index
        %get3A_37 = arith.constant 0 : index
        %get3A_38 = tpu.vector_load %arg7[%get3A, %get3A_37] {strides = array<i32>} : memref<128x16xf32, #tpu.memory_space<vmem>>, vector<1x16xf32>,
        %get3A_39 = vector.shape_cast %get3A_38 : vector<1x16xf32> to vector<16xf32>
        %swap3A = arith.index_cast %scan3A_36 : i32 to index
        %swap3A_40 = arith.constant 0 : index
        %swap3A_41 = tpu.vector_load %arg6[%swap3A, %swap3A_40] {strides = array<i32>} : memref<128x128xf32, #tpu.memory_space<vmem>>, vector<1x16xf32>,
        %swap3A_42 = vector.shape_cast %swap3A_41 : vector<1x16xf32> to vector<16xf32>
        %swap3A_43 = vector.shape_cast %get3A_39 : vector<16xf32> to vector<1x16xf32>
        tpu.vector_store %arg6[%swap3A, %swap3A_40], %swap3A_43 {strides = array<i32>} : memref<128x128xf32, #tpu.memory_space<vmem>>, vector<1x16xf32>,
      }
      %scan3A_35 = arith.constant 128 : i32
      "tpu.region"() ({
        %run_scoped3A = tpu.sem_alloc : memref<!tpu.dma_semaphore, #tpu.memory_space<semaphore_mem>>
        %dma_start3A = arith.constant 0 : i32
        %dma_start3A_36 = arith.constant 0 : i32
        %dma_start3A_37 = tpu.memref_slice %arg5[%dma_start3A, %dma_start3A_36] : memref<10240x128xf32, #tpu.memory_space<vmem_shared>> -> memref<10240x128xf32, #tpu.memory_space<vmem_shared>>
        tpu.enqueue_indirect_dma source(%arg6 : memref<128x128xf32, #tpu.memory_space<vmem>>) target(%dma_start3A_37 : memref<10240x128xf32, #tpu.memory_space<vmem_shared>>) offsets(%arg8 : memref<128xi32, #tpu.memory_space<vmem>>) semaphore(%run_scoped3A : memref<!tpu.dma_semaphore, #tpu.memory_space<semaphore_mem>>) {add = true}
        %dma_wait3A = arith.constant 0 : i32
        %dma_wait3A_38 = arith.constant 0 : i32
        %dma_wait3A_39 = tpu.memref_slice %arg5[%dma_wait3A, %dma_wait3A_38] : memref<10240x128xf32, #tpu.memory_space<vmem_shared>> -> memref<10240x128xf32, #tpu.memory_space<vmem_shared>>
        tpu.wait_indirect_dma semaphore(%run_scoped3A : memref<!tpu.dma_semaphore, #tpu.memory_space<semaphore_mem>>) src(%arg6 : memref<128x128xf32, #tpu.memory_space<vmem>>) dst(%dma_wait3A_39 : memref<10240x128xf32, #tpu.memory_space<vmem_shared>>)
        tpu.yield
      }) : () -> ()
    }
    %scan3A_18 = arith.constant 40 : i32
    %barrier3A_19 = arith.constant 0 : index
    tpu.barrier barrier_id(%barrier3A_19)
    %mul3A_20 = arith.constant 640 : i32
    %mul3A_21 = arith.muli %arg1, %mul3A_20 : i32
    %mul3A_22 = arith.constant 640 : i32
    %mul3A_23 = arith.muli %arg1, %mul3A_22 : i32
    "tpu.region"() ({
      %run_scoped3A = tpu.sem_alloc : memref<!tpu.dma_semaphore, #tpu.memory_space<semaphore_mem>>
      %dma_start3A = arith.constant 0 : i32
      %dma_start3A_24 = tpu.memref_slice %arg4[%arg0, %mul3A_23, %dma_start3A] : memref<2x10240x128xf32, #tpu.memory_space<hbm>> -> memref<1x640x128xf32, #tpu.memory_space<hbm>>
      %dma_start3A_25 = tpu.memref_squeeze %dma_start3A_24 : memref<1x640x128xf32, #tpu.memory_space<hbm>> -> memref<640x128xf32, #tpu.memory_space<hbm>>
      %dma_start3A_26 = arith.constant 0 : i32
      %dma_start3A_27 = tpu.memref_slice %arg5[%mul3A_21, %dma_start3A_26] : memref<10240x128xf32, #tpu.memory_space<vmem_shared>> -> memref<640x128xf32, #tpu.memory_space<vmem_shared>>
      tpu.enqueue_dma source(%dma_start3A_27 : memref<640x128xf32, #tpu.memory_space<vmem_shared>>) target(%dma_start3A_25 : memref<640x128xf32, #tpu.memory_space<hbm>>) target_semaphore(%run_scoped3A : memref<!tpu.dma_semaphore, #tpu.memory_space<semaphore_mem>>)
      %dma_wait3A = arith.constant 0 : i32
      %dma_wait3A_28 = tpu.memref_slice %arg4[%arg0, %mul3A_23, %dma_wait3A] : memref<2x10240x128xf32, #tpu.memory_space<hbm>> -> memref<1x640x128xf32, #tpu.memory_space<hbm>>
      %dma_wait3A_29 = tpu.memref_squeeze %dma_wait3A_28 : memref<1x640x128xf32, #tpu.memory_space<hbm>> -> memref<640x128xf32, #tpu.memory_space<hbm>>
      %dma_wait3A_30 = arith.constant 0 : i32
      %dma_wait3A_31 = tpu.memref_slice %arg5[%mul3A_21, %dma_wait3A_30] : memref<10240x128xf32, #tpu.memory_space<vmem_shared>> -> memref<640x128xf32, #tpu.memory_space<vmem_shared>>
      tpu.wait_dma2 semaphore(%run_scoped3A : memref<!tpu.dma_semaphore, #tpu.memory_space<semaphore_mem>>) src(%dma_wait3A_31 : memref<640x128xf32, #tpu.memory_space<vmem_shared>>) dst(%dma_wait3A_29 : memref<640x128xf32, #tpu.memory_space<hbm>>)
      tpu.yield
    }) : () -> ()
    return
  }
}

#map = affine_map<(d0, d1) -> (0)>
#map1 = affine_map<(d0, d1) -> (0, 0)>
#map2 = affine_map<(d0, d1) -> (0, 0, 0, 0)>
module attributes {stable_mosaic.version = 14 : i64} {
  func.func @_sc_agg(%arg0: i32, %arg1: i32, %arg2: memref<163840xi32, #tpu.memory_space<hbm>>, %arg3: memref<163840x128xf32, #tpu.memory_space<hbm>>, %arg4: memref<163840x128xf32, #tpu.memory_space<hbm>>, %arg5: memref<2x2x10240x128xf32, #tpu.memory_space<hbm>>, %arg6: memref<10240x128xf32, #tpu.memory_space<vmem_shared>>, %arg7: memref<64x128xf32, #tpu.memory_space<vmem>>, %arg8: memref<64x128xf32, #tpu.memory_space<vmem>>, %arg9: memref<64x128xf32, #tpu.memory_space<vmem>>, %arg10: memref<64xi32, #tpu.memory_space<vmem>>, %arg11: memref<64xi32, #tpu.memory_space<vmem>>, %arg12: memref<!tpu.dma_semaphore, #tpu.memory_space<semaphore_mem>>, %arg13: memref<!tpu.dma_semaphore, #tpu.memory_space<semaphore_mem>>, %arg14: memref<!tpu.dma_semaphore, #tpu.memory_space<semaphore_mem>>, %arg15: memref<!tpu.dma_semaphore, #tpu.memory_space<semaphore_mem>>) attributes {dimension_semantics = [#tpu.dimension_semantics<core_parallel>, #tpu.dimension_semantics<subcore_parallel>], iteration_bounds = array<i64: 2, 16>, scalar_prefetch = 0 : i64, scratch_operands = 10 : i64, tpu.core_type = #tpu.core_type<sc_vector_subcore>, window_params = [{transform_indices = #map}, {transform_indices = #map1}, {transform_indices = #map1}, {transform_indices = #map2}]} {
    %mul3A = arith.constant 2 : i32
    %mul3A_0 = arith.muli %arg1, %mul3A : i32
    %add3A = arith.addi %mul3A_0, %arg0 : i32
    %broadcast_in_dim3A = arith.constant 0.000000e+00 : f32
    %broadcast_in_dim3A_1 = vector.broadcast %broadcast_in_dim3A : f32 to vector<16xf32>
    %scan3A = arith.constant 0 : i32
    %scan3A_2 = arith.constant 0 : i32
    %scan3A_3 = arith.constant 512 : i32
    %scan3A_4 = arith.addi %scan3A_2, %scan3A_3 : i32
    %scan3A_5 = arith.constant 1 : i32
    scf.for %scan3A_69 = %scan3A_2 to %scan3A_4 step %scan3A_5  : i32 {
      %jit3A = arith.constant 8 : i32
      %div3A = arith.divsi %scan3A_69, %jit3A : i32
      %sign3A = arith.constant 0 : i32
      %sign3A_70 = arith.cmpi sgt, %scan3A_69, %sign3A : i32
      %sign3A_71 = arith.extui %sign3A_70 : i1 to i32
      %sign3A_72 = arith.constant 0 : i32
      %sign3A_73 = arith.cmpi slt, %scan3A_69, %sign3A_72 : i32
      %sign3A_74 = arith.extui %sign3A_73 : i1 to i32
      %sign3A_75 = arith.subi %sign3A_71, %sign3A_74 : i32
      %sign3A_76 = arith.constant 0 : i32
      %sign3A_77 = arith.cmpi sgt, %jit3A, %sign3A_76 : i32
      %sign3A_78 = arith.extui %sign3A_77 : i1 to i32
      %sign3A_79 = arith.constant 0 : i32
      %sign3A_80 = arith.cmpi slt, %jit3A, %sign3A_79 : i32
      %sign3A_81 = arith.extui %sign3A_80 : i1 to i32
      %sign3A_82 = arith.subi %sign3A_78, %sign3A_81 : i32
      %ne3A = arith.cmpi ne, %sign3A_75, %sign3A_82 : i32
      %rem3A = arith.remsi %scan3A_69, %jit3A : i32
      %ne3A_83 = arith.constant 0 : i32
      %ne3A_84 = arith.cmpi ne, %rem3A, %ne3A_83 : i32
      %and3A = arith.andi %ne3A, %ne3A_84 : i1
      %sub3A = arith.constant 1 : i32
      %sub3A_85 = arith.subi %div3A, %sub3A : i32
      %select_n3A = arith.select %and3A, %sub3A_85, %div3A : i32
      %jit3A_86 = arith.constant 8 : i32
      %eq3A = arith.constant 0 : i32
      %eq3A_87 = arith.cmpi eq, %jit3A_86, %eq3A : i32
      %jit3A_88 = arith.constant 1 : i32
      %select_n3A_89 = arith.select %eq3A_87, %jit3A_88, %jit3A_86 : i32
      %rem3A_90 = arith.remsi %scan3A_69, %select_n3A_89 : i32
      %ne3A_91 = arith.constant 0 : i32
      %ne3A_92 = arith.cmpi ne, %rem3A_90, %ne3A_91 : i32
      %lt3A = arith.constant 0 : i32
      %lt3A_93 = arith.cmpi slt, %rem3A_90, %lt3A : i32
      %lt3A_94 = arith.constant 0 : i32
      %lt3A_95 = arith.cmpi slt, %select_n3A_89, %lt3A_94 : i32
      %ne3A_96 = arith.xori %lt3A_93, %lt3A_95 : i1
      %and3A_97 = arith.andi %ne3A_96, %ne3A_92 : i1
      %add3A_98 = arith.addi %rem3A_90, %select_n3A_89 : i32
      %select_n3A_99 = arith.select %and3A_97, %add3A_98, %rem3A_90 : i32
      %mul3A_100 = arith.constant 16 : i32
      %mul3A_101 = arith.muli %select_n3A_99, %mul3A_100 : i32
      %swap3A = arith.index_cast %select_n3A : i32 to index
      %swap3A_102 = arith.index_cast %mul3A_101 : i32 to index
      %swap3A_103 = tpu.vector_load %arg7[%swap3A, %swap3A_102] {strides = array<i32>} : memref<64x128xf32, #tpu.memory_space<vmem>>, vector<1x16xf32>,
      %swap3A_104 = vector.shape_cast %swap3A_103 : vector<1x16xf32> to vector<16xf32>
      %swap3A_105 = vector.shape_cast %broadcast_in_dim3A_1 : vector<16xf32> to vector<1x16xf32>
      tpu.vector_store %arg7[%swap3A, %swap3A_102], %swap3A_105 {strides = array<i32>} : memref<64x128xf32, #tpu.memory_space<vmem>>, vector<1x16xf32>,
    }
    %scan3A_6 = arith.constant 512 : i32
    %scan3A_7 = arith.constant 0 : i32
    %scan3A_8 = arith.constant 0 : i32
    %scan3A_9 = arith.constant 10 : i32
    %scan3A_10 = arith.addi %scan3A_8, %scan3A_9 : i32
    %scan3A_11 = arith.constant 1 : i32
    scf.for %scan3A_69 = %scan3A_8 to %scan3A_10 step %scan3A_11  : i32 {
      %mul3A_70 = arith.constant 640 : i32
      %mul3A_71 = arith.muli %arg1, %mul3A_70 : i32
      %mul3A_72 = arith.constant 64 : i32
      %mul3A_73 = arith.muli %scan3A_69, %mul3A_72 : i32
      %add3A_74 = arith.addi %mul3A_71, %mul3A_73 : i32
      "tpu.region"() ({
        %run_scoped3A_75 = tpu.sem_alloc : memref<!tpu.dma_semaphore, #tpu.memory_space<semaphore_mem>>
        %dma_start3A_76 = arith.constant 0 : i32
        %dma_start3A_77 = tpu.memref_slice %arg6[%add3A_74, %dma_start3A_76] : memref<10240x128xf32, #tpu.memory_space<vmem_shared>> -> memref<64x128xf32, #tpu.memory_space<vmem_shared>>
        %dma_start3A_78 = arith.constant 0 : i32
        %dma_start3A_79 = tpu.memref_slice %arg6[%add3A_74, %dma_start3A_78] : memref<10240x128xf32, #tpu.memory_space<vmem_shared>> -> memref<64x128xf32, #tpu.memory_space<vmem_shared>>
        tpu.enqueue_dma source(%arg7 : memref<64x128xf32, #tpu.memory_space<vmem>>) target(%dma_start3A_79 : memref<64x128xf32, #tpu.memory_space<vmem_shared>>) target_semaphore(%run_scoped3A_75 : memref<!tpu.dma_semaphore, #tpu.memory_space<semaphore_mem>>)
        %dma_wait3A_80 = arith.constant 0 : i32
        %dma_wait3A_81 = tpu.memref_slice %arg6[%add3A_74, %dma_wait3A_80] : memref<10240x128xf32, #tpu.memory_space<vmem_shared>> -> memref<64x128xf32, #tpu.memory_space<vmem_shared>>
        %dma_wait3A_82 = arith.constant 0 : i32
        %dma_wait3A_83 = tpu.memref_slice %arg6[%add3A_74, %dma_wait3A_82] : memref<10240x128xf32, #tpu.memory_space<vmem_shared>> -> memref<64x128xf32, #tpu.memory_space<vmem_shared>>
        tpu.wait_dma2 semaphore(%run_scoped3A_75 : memref<!tpu.dma_semaphore, #tpu.memory_space<semaphore_mem>>) src(%arg7 : memref<64x128xf32, #tpu.memory_space<vmem>>) dst(%dma_wait3A_83 : memref<64x128xf32, #tpu.memory_space<vmem_shared>>)
        tpu.yield
      }) : () -> ()
    }
    %scan3A_12 = arith.constant 10 : i32
    %barrier3A = arith.constant 0 : index
    tpu.barrier barrier_id(%barrier3A)
    %mul3A_13 = arith.constant 5120 : i32
    %mul3A_14 = arith.muli %add3A, %mul3A_13 : i32
    %add3A_15 = arith.constant 0 : i32
    %add3A_16 = arith.addi %mul3A_14, %add3A_15 : i32
    "tpu.region"() ({
      %run_scoped3A_69 = tpu.sem_alloc : memref<!tpu.dma_semaphore, #tpu.memory_space<semaphore_mem>>
      %dma_start3A_70 = tpu.memref_slice %arg2[%add3A_16] : memref<163840xi32, #tpu.memory_space<hbm>> -> memref<64xi32, #tpu.memory_space<hbm>>
      %dma_start3A_71 = tpu.memref_slice %arg2[%add3A_16] : memref<163840xi32, #tpu.memory_space<hbm>> -> memref<64xi32, #tpu.memory_space<hbm>>
      tpu.enqueue_dma source(%dma_start3A_71 : memref<64xi32, #tpu.memory_space<hbm>>) target(%arg10 : memref<64xi32, #tpu.memory_space<vmem>>) target_semaphore(%run_scoped3A_69 : memref<!tpu.dma_semaphore, #tpu.memory_space<semaphore_mem>>)
      %dma_wait3A_72 = tpu.memref_slice %arg2[%add3A_16] : memref<163840xi32, #tpu.memory_space<hbm>> -> memref<64xi32, #tpu.memory_space<hbm>>
      %dma_wait3A_73 = tpu.memref_slice %arg2[%add3A_16] : memref<163840xi32, #tpu.memory_space<hbm>> -> memref<64xi32, #tpu.memory_space<hbm>>
      tpu.wait_dma2 semaphore(%run_scoped3A_69 : memref<!tpu.dma_semaphore, #tpu.memory_space<semaphore_mem>>) src(%dma_wait3A_73 : memref<64xi32, #tpu.memory_space<hbm>>) dst(%arg10 : memref<64xi32, #tpu.memory_space<vmem>>)
      tpu.yield
    }) : () -> ()
    %dma_start3A = arith.constant 0 : i32
    %dma_start3A_17 = tpu.memref_slice %arg3[%add3A_16, %dma_start3A] : memref<163840x128xf32, #tpu.memory_space<hbm>> -> memref<64x128xf32, #tpu.memory_space<hbm>>
    %dma_start3A_18 = arith.constant 0 : i32
    %dma_start3A_19 = tpu.memref_slice %arg3[%add3A_16, %dma_start3A_18] : memref<163840x128xf32, #tpu.memory_space<hbm>> -> memref<64x128xf32, #tpu.memory_space<hbm>>
    tpu.enqueue_dma source(%dma_start3A_19 : memref<64x128xf32, #tpu.memory_space<hbm>>) target(%arg8 : memref<64x128xf32, #tpu.memory_space<vmem>>) target_semaphore(%arg12 : memref<!tpu.dma_semaphore, #tpu.memory_space<semaphore_mem>>)
    %scan3A_20 = arith.constant 0 : i32
    %scan3A_21 = arith.constant 0 : i32
    %scan3A_22 = arith.constant 40 : i32
    %scan3A_23 = arith.addi %scan3A_21, %scan3A_22 : i32
    %scan3A_24 = arith.constant 1 : i32
    scf.for %scan3A_69 = %scan3A_21 to %scan3A_23 step %scan3A_24  : i32 {
      %mul3A_70 = arith.constant 2 : i32
      %mul3A_71 = arith.muli %mul3A_70, %scan3A_69 : i32
      %add3A_72 = arith.constant 0 : i32
      %add3A_73 = arith.addi %mul3A_71, %add3A_72 : i32
      %dma_wait3A_74 = arith.constant 0 : i32
      %dma_wait3A_75 = arith.constant 0 : i32
      %dma_wait3A_76 = tpu.memref_slice %arg3[%dma_wait3A_74, %dma_wait3A_75] : memref<163840x128xf32, #tpu.memory_space<hbm>> -> memref<64x128xf32, #tpu.memory_space<hbm>>
      %dma_wait3A_77 = arith.constant 0 : i32
      %dma_wait3A_78 = arith.constant 0 : i32
      %dma_wait3A_79 = tpu.memref_slice %arg3[%dma_wait3A_77, %dma_wait3A_78] : memref<163840x128xf32, #tpu.memory_space<hbm>> -> memref<64x128xf32, #tpu.memory_space<hbm>>
      tpu.wait_dma2 semaphore(%arg12 : memref<!tpu.dma_semaphore, #tpu.memory_space<semaphore_mem>>) src(%dma_wait3A_79 : memref<64x128xf32, #tpu.memory_space<hbm>>) dst(%arg8 : memref<64x128xf32, #tpu.memory_space<vmem>>)
      %ge3A = arith.constant 1 : i32
      %ge3A_80 = arith.cmpi sge, %add3A_73, %ge3A : i32
      %convert_element_type3A = arith.extui %ge3A_80 : i1 to i32
      %cond3A = arith.constant 0 : i32
      %cond3A_81 = arith.cmpi ne, %convert_element_type3A, %cond3A : i32
      scf.if %cond3A_81 {
        %dma_wait3A_112 = arith.constant 0 : i32
        %dma_wait3A_113 = arith.constant 0 : i32
        %dma_wait3A_114 = tpu.memref_slice %arg6[%dma_wait3A_112, %dma_wait3A_113] : memref<10240x128xf32, #tpu.memory_space<vmem_shared>> -> memref<64x128xf32, #tpu.memory_space<vmem_shared>>
        %dma_wait3A_115 = arith.constant 0 : i32
        %dma_wait3A_116 = arith.constant 0 : i32
        %dma_wait3A_117 = tpu.memref_slice %arg6[%dma_wait3A_115, %dma_wait3A_116] : memref<10240x128xf32, #tpu.memory_space<vmem_shared>> -> memref<64x128xf32, #tpu.memory_space<vmem_shared>>
        tpu.wait_dma2 semaphore(%arg15 : memref<!tpu.dma_semaphore, #tpu.memory_space<semaphore_mem>>) src(%arg9 : memref<64x128xf32, #tpu.memory_space<vmem>>) dst(%dma_wait3A_117 : memref<64x128xf32, #tpu.memory_space<vmem_shared>>)
      } else {
      }
      %le3A = arith.constant 78 : i32
      %le3A_82 = arith.cmpi sle, %add3A_73, %le3A : i32
      %convert_element_type3A_83 = arith.extui %le3A_82 : i1 to i32
      %cond3A_84 = arith.constant 0 : i32
      %cond3A_85 = arith.cmpi ne, %convert_element_type3A_83, %cond3A_84 : i32
      scf.if %cond3A_85 {
        %add3A_112 = arith.constant 1 : i32
        %add3A_113 = arith.addi %add3A_73, %add3A_112 : i32
        %mul3A_114 = arith.constant 5120 : i32
        %mul3A_115 = arith.muli %add3A, %mul3A_114 : i32
        %mul3A_116 = arith.constant 64 : i32
        %mul3A_117 = arith.muli %add3A_113, %mul3A_116 : i32
        %add3A_118 = arith.addi %mul3A_115, %mul3A_117 : i32
        "tpu.region"() ({
          %run_scoped3A_123 = tpu.sem_alloc : memref<!tpu.dma_semaphore, #tpu.memory_space<semaphore_mem>>
          %dma_start3A_124 = tpu.memref_slice %arg2[%add3A_118] : memref<163840xi32, #tpu.memory_space<hbm>> -> memref<64xi32, #tpu.memory_space<hbm>>
          %dma_start3A_125 = tpu.memref_slice %arg2[%add3A_118] : memref<163840xi32, #tpu.memory_space<hbm>> -> memref<64xi32, #tpu.memory_space<hbm>>
          tpu.enqueue_dma source(%dma_start3A_125 : memref<64xi32, #tpu.memory_space<hbm>>) target(%arg11 : memref<64xi32, #tpu.memory_space<vmem>>) target_semaphore(%run_scoped3A_123 : memref<!tpu.dma_semaphore, #tpu.memory_space<semaphore_mem>>)
          %dma_wait3A_126 = tpu.memref_slice %arg2[%add3A_118] : memref<163840xi32, #tpu.memory_space<hbm>> -> memref<64xi32, #tpu.memory_space<hbm>>
          %dma_wait3A_127 = tpu.memref_slice %arg2[%add3A_118] : memref<163840xi32, #tpu.memory_space<hbm>> -> memref<64xi32, #tpu.memory_space<hbm>>
          tpu.wait_dma2 semaphore(%run_scoped3A_123 : memref<!tpu.dma_semaphore, #tpu.memory_space<semaphore_mem>>) src(%dma_wait3A_127 : memref<64xi32, #tpu.memory_space<hbm>>) dst(%arg11 : memref<64xi32, #tpu.memory_space<vmem>>)
          tpu.yield
        }) : () -> ()
        %dma_start3A_119 = arith.constant 0 : i32
        %dma_start3A_120 = tpu.memref_slice %arg3[%add3A_118, %dma_start3A_119] : memref<163840x128xf32, #tpu.memory_space<hbm>> -> memref<64x128xf32, #tpu.memory_space<hbm>>
        %dma_start3A_121 = arith.constant 0 : i32
        %dma_start3A_122 = tpu.memref_slice %arg3[%add3A_118, %dma_start3A_121] : memref<163840x128xf32, #tpu.memory_space<hbm>> -> memref<64x128xf32, #tpu.memory_space<hbm>>
        tpu.enqueue_dma source(%dma_start3A_122 : memref<64x128xf32, #tpu.memory_space<hbm>>) target(%arg9 : memref<64x128xf32, #tpu.memory_space<vmem>>) target_semaphore(%arg13 : memref<!tpu.dma_semaphore, #tpu.memory_space<semaphore_mem>>)
      } else {
      }
      %dma_start3A_86 = arith.constant 0 : i32
      %dma_start3A_87 = arith.constant 0 : i32
      %dma_start3A_88 = tpu.memref_slice %arg6[%dma_start3A_86, %dma_start3A_87] : memref<10240x128xf32, #tpu.memory_space<vmem_shared>> -> memref<10240x128xf32, #tpu.memory_space<vmem_shared>>
      tpu.enqueue_indirect_dma source(%arg8 : memref<64x128xf32, #tpu.memory_space<vmem>>) target(%dma_start3A_88 : memref<10240x128xf32, #tpu.memory_space<vmem_shared>>) offsets(%arg10 : memref<64xi32, #tpu.memory_space<vmem>>) semaphore(%arg14 : memref<!tpu.dma_semaphore, #tpu.memory_space<semaphore_mem>>) {add = true}
      %mul3A_89 = arith.constant 2 : i32
      %mul3A_90 = arith.muli %mul3A_89, %scan3A_69 : i32
      %add3A_91 = arith.constant 1 : i32
      %add3A_92 = arith.addi %mul3A_90, %add3A_91 : i32
      %dma_wait3A_93 = arith.constant 0 : i32
      %dma_wait3A_94 = arith.constant 0 : i32
      %dma_wait3A_95 = tpu.memref_slice %arg3[%dma_wait3A_93, %dma_wait3A_94] : memref<163840x128xf32, #tpu.memory_space<hbm>> -> memref<64x128xf32, #tpu.memory_space<hbm>>
      %dma_wait3A_96 = arith.constant 0 : i32
      %dma_wait3A_97 = arith.constant 0 : i32
      %dma_wait3A_98 = tpu.memref_slice %arg3[%dma_wait3A_96, %dma_wait3A_97] : memref<163840x128xf32, #tpu.memory_space<hbm>> -> memref<64x128xf32, #tpu.memory_space<hbm>>
      tpu.wait_dma2 semaphore(%arg13 : memref<!tpu.dma_semaphore, #tpu.memory_space<semaphore_mem>>) src(%dma_wait3A_98 : memref<64x128xf32, #tpu.memory_space<hbm>>) dst(%arg9 : memref<64x128xf32, #tpu.memory_space<vmem>>)
      %ge3A_99 = arith.constant 1 : i32
      %ge3A_100 = arith.cmpi sge, %add3A_92, %ge3A_99 : i32
      %convert_element_type3A_101 = arith.extui %ge3A_100 : i1 to i32
      %cond3A_102 = arith.constant 0 : i32
      %cond3A_103 = arith.cmpi ne, %convert_element_type3A_101, %cond3A_102 : i32
      scf.if %cond3A_103 {
        %dma_wait3A_112 = arith.constant 0 : i32
        %dma_wait3A_113 = arith.constant 0 : i32
        %dma_wait3A_114 = tpu.memref_slice %arg6[%dma_wait3A_112, %dma_wait3A_113] : memref<10240x128xf32, #tpu.memory_space<vmem_shared>> -> memref<64x128xf32, #tpu.memory_space<vmem_shared>>
        %dma_wait3A_115 = arith.constant 0 : i32
        %dma_wait3A_116 = arith.constant 0 : i32
        %dma_wait3A_117 = tpu.memref_slice %arg6[%dma_wait3A_115, %dma_wait3A_116] : memref<10240x128xf32, #tpu.memory_space<vmem_shared>> -> memref<64x128xf32, #tpu.memory_space<vmem_shared>>
        tpu.wait_dma2 semaphore(%arg14 : memref<!tpu.dma_semaphore, #tpu.memory_space<semaphore_mem>>) src(%arg8 : memref<64x128xf32, #tpu.memory_space<vmem>>) dst(%dma_wait3A_117 : memref<64x128xf32, #tpu.memory_space<vmem_shared>>)
      } else {
      }
      %le3A_104 = arith.constant 78 : i32
      %le3A_105 = arith.cmpi sle, %add3A_92, %le3A_104 : i32
      %convert_element_type3A_106 = arith.extui %le3A_105 : i1 to i32
      %cond3A_107 = arith.constant 0 : i32
      %cond3A_108 = arith.cmpi ne, %convert_element_type3A_106, %cond3A_107 : i32
      scf.if %cond3A_108 {
        %add3A_112 = arith.constant 1 : i32
        %add3A_113 = arith.addi %add3A_92, %add3A_112 : i32
        %mul3A_114 = arith.constant 5120 : i32
        %mul3A_115 = arith.muli %add3A, %mul3A_114 : i32
        %mul3A_116 = arith.constant 64 : i32
        %mul3A_117 = arith.muli %add3A_113, %mul3A_116 : i32
        %add3A_118 = arith.addi %mul3A_115, %mul3A_117 : i32
        "tpu.region"() ({
          %run_scoped3A_123 = tpu.sem_alloc : memref<!tpu.dma_semaphore, #tpu.memory_space<semaphore_mem>>
          %dma_start3A_124 = tpu.memref_slice %arg2[%add3A_118] : memref<163840xi32, #tpu.memory_space<hbm>> -> memref<64xi32, #tpu.memory_space<hbm>>
          %dma_start3A_125 = tpu.memref_slice %arg2[%add3A_118] : memref<163840xi32, #tpu.memory_space<hbm>> -> memref<64xi32, #tpu.memory_space<hbm>>
          tpu.enqueue_dma source(%dma_start3A_125 : memref<64xi32, #tpu.memory_space<hbm>>) target(%arg10 : memref<64xi32, #tpu.memory_space<vmem>>) target_semaphore(%run_scoped3A_123 : memref<!tpu.dma_semaphore, #tpu.memory_space<semaphore_mem>>)
          %dma_wait3A_126 = tpu.memref_slice %arg2[%add3A_118] : memref<163840xi32, #tpu.memory_space<hbm>> -> memref<64xi32, #tpu.memory_space<hbm>>
          %dma_wait3A_127 = tpu.memref_slice %arg2[%add3A_118] : memref<163840xi32, #tpu.memory_space<hbm>> -> memref<64xi32, #tpu.memory_space<hbm>>
          tpu.wait_dma2 semaphore(%run_scoped3A_123 : memref<!tpu.dma_semaphore, #tpu.memory_space<semaphore_mem>>) src(%dma_wait3A_127 : memref<64xi32, #tpu.memory_space<hbm>>) dst(%arg10 : memref<64xi32, #tpu.memory_space<vmem>>)
          tpu.yield
        }) : () -> ()
        %dma_start3A_119 = arith.constant 0 : i32
        %dma_start3A_120 = tpu.memref_slice %arg3[%add3A_118, %dma_start3A_119] : memref<163840x128xf32, #tpu.memory_space<hbm>> -> memref<64x128xf32, #tpu.memory_space<hbm>>
        %dma_start3A_121 = arith.constant 0 : i32
        %dma_start3A_122 = tpu.memref_slice %arg3[%add3A_118, %dma_start3A_121] : memref<163840x128xf32, #tpu.memory_space<hbm>> -> memref<64x128xf32, #tpu.memory_space<hbm>>
        tpu.enqueue_dma source(%dma_start3A_122 : memref<64x128xf32, #tpu.memory_space<hbm>>) target(%arg8 : memref<64x128xf32, #tpu.memory_space<vmem>>) target_semaphore(%arg12 : memref<!tpu.dma_semaphore, #tpu.memory_space<semaphore_mem>>)
      } else {
      }
      %dma_start3A_109 = arith.constant 0 : i32
      %dma_start3A_110 = arith.constant 0 : i32
      %dma_start3A_111 = tpu.memref_slice %arg6[%dma_start3A_109, %dma_start3A_110] : memref<10240x128xf32, #tpu.memory_space<vmem_shared>> -> memref<10240x128xf32, #tpu.memory_space<vmem_shared>>
      tpu.enqueue_indirect_dma source(%arg9 : memref<64x128xf32, #tpu.memory_space<vmem>>) target(%dma_start3A_111 : memref<10240x128xf32, #tpu.memory_space<vmem_shared>>) offsets(%arg11 : memref<64xi32, #tpu.memory_space<vmem>>) semaphore(%arg15 : memref<!tpu.dma_semaphore, #tpu.memory_space<semaphore_mem>>) {add = true}
    }
    %scan3A_25 = arith.constant 40 : i32
    %dma_wait3A = arith.constant 0 : i32
    %dma_wait3A_26 = arith.constant 0 : i32
    %dma_wait3A_27 = tpu.memref_slice %arg6[%dma_wait3A, %dma_wait3A_26] : memref<10240x128xf32, #tpu.memory_space<vmem_shared>> -> memref<64x128xf32, #tpu.memory_space<vmem_shared>>
    %dma_wait3A_28 = arith.constant 0 : i32
    %dma_wait3A_29 = arith.constant 0 : i32
    %dma_wait3A_30 = tpu.memref_slice %arg6[%dma_wait3A_28, %dma_wait3A_29] : memref<10240x128xf32, #tpu.memory_space<vmem_shared>> -> memref<64x128xf32, #tpu.memory_space<vmem_shared>>
    tpu.wait_dma2 semaphore(%arg15 : memref<!tpu.dma_semaphore, #tpu.memory_space<semaphore_mem>>) src(%arg9 : memref<64x128xf32, #tpu.memory_space<vmem>>) dst(%dma_wait3A_30 : memref<64x128xf32, #tpu.memory_space<vmem_shared>>)
    %barrier3A_31 = arith.constant 0 : index
    tpu.barrier barrier_id(%barrier3A_31)
    %mul3A_32 = arith.constant 640 : i32
    %mul3A_33 = arith.muli %arg1, %mul3A_32 : i32
    %mul3A_34 = arith.constant 640 : i32
    %mul3A_35 = arith.muli %arg1, %mul3A_34 : i32
    %run_scoped3A = arith.constant 0 : i32
    "tpu.region"() ({
      %run_scoped3A_69 = tpu.sem_alloc : memref<!tpu.dma_semaphore, #tpu.memory_space<semaphore_mem>>
      %dma_start3A_70 = arith.constant 0 : i32
      %dma_start3A_71 = tpu.memref_slice %arg5[%arg0, %run_scoped3A, %mul3A_35, %dma_start3A_70] : memref<2x2x10240x128xf32, #tpu.memory_space<hbm>> -> memref<1x1x640x128xf32, #tpu.memory_space<hbm>>
      %dma_start3A_72 = tpu.memref_squeeze %dma_start3A_71 : memref<1x1x640x128xf32, #tpu.memory_space<hbm>> -> memref<640x128xf32, #tpu.memory_space<hbm>>
      %dma_start3A_73 = arith.constant 0 : i32
      %dma_start3A_74 = tpu.memref_slice %arg6[%mul3A_33, %dma_start3A_73] : memref<10240x128xf32, #tpu.memory_space<vmem_shared>> -> memref<640x128xf32, #tpu.memory_space<vmem_shared>>
      tpu.enqueue_dma source(%dma_start3A_74 : memref<640x128xf32, #tpu.memory_space<vmem_shared>>) target(%dma_start3A_72 : memref<640x128xf32, #tpu.memory_space<hbm>>) target_semaphore(%run_scoped3A_69 : memref<!tpu.dma_semaphore, #tpu.memory_space<semaphore_mem>>)
      %dma_wait3A_75 = arith.constant 0 : i32
      %dma_wait3A_76 = tpu.memref_slice %arg5[%arg0, %run_scoped3A, %mul3A_35, %dma_wait3A_75] : memref<2x2x10240x128xf32, #tpu.memory_space<hbm>> -> memref<1x1x640x128xf32, #tpu.memory_space<hbm>>
      %dma_wait3A_77 = tpu.memref_squeeze %dma_wait3A_76 : memref<1x1x640x128xf32, #tpu.memory_space<hbm>> -> memref<640x128xf32, #tpu.memory_space<hbm>>
      %dma_wait3A_78 = arith.constant 0 : i32
      %dma_wait3A_79 = tpu.memref_slice %arg6[%mul3A_33, %dma_wait3A_78] : memref<10240x128xf32, #tpu.memory_space<vmem_shared>> -> memref<640x128xf32, #tpu.memory_space<vmem_shared>>
      tpu.wait_dma2 semaphore(%run_scoped3A_69 : memref<!tpu.dma_semaphore, #tpu.memory_space<semaphore_mem>>) src(%dma_wait3A_79 : memref<640x128xf32, #tpu.memory_space<vmem_shared>>) dst(%dma_wait3A_77 : memref<640x128xf32, #tpu.memory_space<hbm>>)
      tpu.yield
    }) : () -> ()
    %scan3A_36 = arith.constant 0 : i32
    %scan3A_37 = arith.constant 0 : i32
    %scan3A_38 = arith.constant 10 : i32
    %scan3A_39 = arith.addi %scan3A_37, %scan3A_38 : i32
    %scan3A_40 = arith.constant 1 : i32
    scf.for %scan3A_69 = %scan3A_37 to %scan3A_39 step %scan3A_40  : i32 {
      %mul3A_70 = arith.constant 640 : i32
      %mul3A_71 = arith.muli %arg1, %mul3A_70 : i32
      %mul3A_72 = arith.constant 64 : i32
      %mul3A_73 = arith.muli %scan3A_69, %mul3A_72 : i32
      %add3A_74 = arith.addi %mul3A_71, %mul3A_73 : i32
      "tpu.region"() ({
        %run_scoped3A_75 = tpu.sem_alloc : memref<!tpu.dma_semaphore, #tpu.memory_space<semaphore_mem>>
        %dma_start3A_76 = arith.constant 0 : i32
        %dma_start3A_77 = tpu.memref_slice %arg6[%add3A_74, %dma_start3A_76] : memref<10240x128xf32, #tpu.memory_space<vmem_shared>> -> memref<64x128xf32, #tpu.memory_space<vmem_shared>>
        %dma_start3A_78 = arith.constant 0 : i32
        %dma_start3A_79 = tpu.memref_slice %arg6[%add3A_74, %dma_start3A_78] : memref<10240x128xf32, #tpu.memory_space<vmem_shared>> -> memref<64x128xf32, #tpu.memory_space<vmem_shared>>
        tpu.enqueue_dma source(%arg7 : memref<64x128xf32, #tpu.memory_space<vmem>>) target(%dma_start3A_79 : memref<64x128xf32, #tpu.memory_space<vmem_shared>>) target_semaphore(%run_scoped3A_75 : memref<!tpu.dma_semaphore, #tpu.memory_space<semaphore_mem>>)
        %dma_wait3A_80 = arith.constant 0 : i32
        %dma_wait3A_81 = tpu.memref_slice %arg6[%add3A_74, %dma_wait3A_80] : memref<10240x128xf32, #tpu.memory_space<vmem_shared>> -> memref<64x128xf32, #tpu.memory_space<vmem_shared>>
        %dma_wait3A_82 = arith.constant 0 : i32
        %dma_wait3A_83 = tpu.memref_slice %arg6[%add3A_74, %dma_wait3A_82] : memref<10240x128xf32, #tpu.memory_space<vmem_shared>> -> memref<64x128xf32, #tpu.memory_space<vmem_shared>>
        tpu.wait_dma2 semaphore(%run_scoped3A_75 : memref<!tpu.dma_semaphore, #tpu.memory_space<semaphore_mem>>) src(%arg7 : memref<64x128xf32, #tpu.memory_space<vmem>>) dst(%dma_wait3A_83 : memref<64x128xf32, #tpu.memory_space<vmem_shared>>)
        tpu.yield
      }) : () -> ()
    }
    %scan3A_41 = arith.constant 10 : i32
    %barrier3A_42 = arith.constant 0 : index
    tpu.barrier barrier_id(%barrier3A_42)
    %mul3A_43 = arith.constant 5120 : i32
    %mul3A_44 = arith.muli %add3A, %mul3A_43 : i32
    %add3A_45 = arith.constant 0 : i32
    %add3A_46 = arith.addi %mul3A_44, %add3A_45 : i32
    "tpu.region"() ({
      %run_scoped3A_69 = tpu.sem_alloc : memref<!tpu.dma_semaphore, #tpu.memory_space<semaphore_mem>>
      %dma_start3A_70 = tpu.memref_slice %arg2[%add3A_46] : memref<163840xi32, #tpu.memory_space<hbm>> -> memref<64xi32, #tpu.memory_space<hbm>>
      %dma_start3A_71 = tpu.memref_slice %arg2[%add3A_46] : memref<163840xi32, #tpu.memory_space<hbm>> -> memref<64xi32, #tpu.memory_space<hbm>>
      tpu.enqueue_dma source(%dma_start3A_71 : memref<64xi32, #tpu.memory_space<hbm>>) target(%arg10 : memref<64xi32, #tpu.memory_space<vmem>>) target_semaphore(%run_scoped3A_69 : memref<!tpu.dma_semaphore, #tpu.memory_space<semaphore_mem>>)
      %dma_wait3A_72 = tpu.memref_slice %arg2[%add3A_46] : memref<163840xi32, #tpu.memory_space<hbm>> -> memref<64xi32, #tpu.memory_space<hbm>>
      %dma_wait3A_73 = tpu.memref_slice %arg2[%add3A_46] : memref<163840xi32, #tpu.memory_space<hbm>> -> memref<64xi32, #tpu.memory_space<hbm>>
      tpu.wait_dma2 semaphore(%run_scoped3A_69 : memref<!tpu.dma_semaphore, #tpu.memory_space<semaphore_mem>>) src(%dma_wait3A_73 : memref<64xi32, #tpu.memory_space<hbm>>) dst(%arg10 : memref<64xi32, #tpu.memory_space<vmem>>)
      tpu.yield
    }) : () -> ()
    %dma_start3A_47 = arith.constant 0 : i32
    %dma_start3A_48 = tpu.memref_slice %arg4[%add3A_46, %dma_start3A_47] : memref<163840x128xf32, #tpu.memory_space<hbm>> -> memref<64x128xf32, #tpu.memory_space<hbm>>
    %dma_start3A_49 = arith.constant 0 : i32
    %dma_start3A_50 = tpu.memref_slice %arg4[%add3A_46, %dma_start3A_49] : memref<163840x128xf32, #tpu.memory_space<hbm>> -> memref<64x128xf32, #tpu.memory_space<hbm>>
    tpu.enqueue_dma source(%dma_start3A_50 : memref<64x128xf32, #tpu.memory_space<hbm>>) target(%arg8 : memref<64x128xf32, #tpu.memory_space<vmem>>) target_semaphore(%arg12 : memref<!tpu.dma_semaphore, #tpu.memory_space<semaphore_mem>>)
    %scan3A_51 = arith.constant 0 : i32
    %scan3A_52 = arith.constant 0 : i32
    %scan3A_53 = arith.constant 40 : i32
    %scan3A_54 = arith.addi %scan3A_52, %scan3A_53 : i32
    %scan3A_55 = arith.constant 1 : i32
    scf.for %scan3A_69 = %scan3A_52 to %scan3A_54 step %scan3A_55  : i32 {
      %mul3A_70 = arith.constant 2 : i32
      %mul3A_71 = arith.muli %mul3A_70, %scan3A_69 : i32
      %add3A_72 = arith.constant 0 : i32
      %add3A_73 = arith.addi %mul3A_71, %add3A_72 : i32
      %dma_wait3A_74 = arith.constant 0 : i32
      %dma_wait3A_75 = arith.constant 0 : i32
      %dma_wait3A_76 = tpu.memref_slice %arg4[%dma_wait3A_74, %dma_wait3A_75] : memref<163840x128xf32, #tpu.memory_space<hbm>> -> memref<64x128xf32, #tpu.memory_space<hbm>>
      %dma_wait3A_77 = arith.constant 0 : i32
      %dma_wait3A_78 = arith.constant 0 : i32
      %dma_wait3A_79 = tpu.memref_slice %arg4[%dma_wait3A_77, %dma_wait3A_78] : memref<163840x128xf32, #tpu.memory_space<hbm>> -> memref<64x128xf32, #tpu.memory_space<hbm>>
      tpu.wait_dma2 semaphore(%arg12 : memref<!tpu.dma_semaphore, #tpu.memory_space<semaphore_mem>>) src(%dma_wait3A_79 : memref<64x128xf32, #tpu.memory_space<hbm>>) dst(%arg8 : memref<64x128xf32, #tpu.memory_space<vmem>>)
      %ge3A = arith.constant 1 : i32
      %ge3A_80 = arith.cmpi sge, %add3A_73, %ge3A : i32
      %convert_element_type3A = arith.extui %ge3A_80 : i1 to i32
      %cond3A = arith.constant 0 : i32
      %cond3A_81 = arith.cmpi ne, %convert_element_type3A, %cond3A : i32
      scf.if %cond3A_81 {
        %dma_wait3A_112 = arith.constant 0 : i32
        %dma_wait3A_113 = arith.constant 0 : i32
        %dma_wait3A_114 = tpu.memref_slice %arg6[%dma_wait3A_112, %dma_wait3A_113] : memref<10240x128xf32, #tpu.memory_space<vmem_shared>> -> memref<64x128xf32, #tpu.memory_space<vmem_shared>>
        %dma_wait3A_115 = arith.constant 0 : i32
        %dma_wait3A_116 = arith.constant 0 : i32
        %dma_wait3A_117 = tpu.memref_slice %arg6[%dma_wait3A_115, %dma_wait3A_116] : memref<10240x128xf32, #tpu.memory_space<vmem_shared>> -> memref<64x128xf32, #tpu.memory_space<vmem_shared>>
        tpu.wait_dma2 semaphore(%arg15 : memref<!tpu.dma_semaphore, #tpu.memory_space<semaphore_mem>>) src(%arg9 : memref<64x128xf32, #tpu.memory_space<vmem>>) dst(%dma_wait3A_117 : memref<64x128xf32, #tpu.memory_space<vmem_shared>>)
      } else {
      }
      %le3A = arith.constant 78 : i32
      %le3A_82 = arith.cmpi sle, %add3A_73, %le3A : i32
      %convert_element_type3A_83 = arith.extui %le3A_82 : i1 to i32
      %cond3A_84 = arith.constant 0 : i32
      %cond3A_85 = arith.cmpi ne, %convert_element_type3A_83, %cond3A_84 : i32
      scf.if %cond3A_85 {
        %add3A_112 = arith.constant 1 : i32
        %add3A_113 = arith.addi %add3A_73, %add3A_112 : i32
        %mul3A_114 = arith.constant 5120 : i32
        %mul3A_115 = arith.muli %add3A, %mul3A_114 : i32
        %mul3A_116 = arith.constant 64 : i32
        %mul3A_117 = arith.muli %add3A_113, %mul3A_116 : i32
        %add3A_118 = arith.addi %mul3A_115, %mul3A_117 : i32
        "tpu.region"() ({
          %run_scoped3A_123 = tpu.sem_alloc : memref<!tpu.dma_semaphore, #tpu.memory_space<semaphore_mem>>
          %dma_start3A_124 = tpu.memref_slice %arg2[%add3A_118] : memref<163840xi32, #tpu.memory_space<hbm>> -> memref<64xi32, #tpu.memory_space<hbm>>
          %dma_start3A_125 = tpu.memref_slice %arg2[%add3A_118] : memref<163840xi32, #tpu.memory_space<hbm>> -> memref<64xi32, #tpu.memory_space<hbm>>
          tpu.enqueue_dma source(%dma_start3A_125 : memref<64xi32, #tpu.memory_space<hbm>>) target(%arg11 : memref<64xi32, #tpu.memory_space<vmem>>) target_semaphore(%run_scoped3A_123 : memref<!tpu.dma_semaphore, #tpu.memory_space<semaphore_mem>>)
          %dma_wait3A_126 = tpu.memref_slice %arg2[%add3A_118] : memref<163840xi32, #tpu.memory_space<hbm>> -> memref<64xi32, #tpu.memory_space<hbm>>
          %dma_wait3A_127 = tpu.memref_slice %arg2[%add3A_118] : memref<163840xi32, #tpu.memory_space<hbm>> -> memref<64xi32, #tpu.memory_space<hbm>>
          tpu.wait_dma2 semaphore(%run_scoped3A_123 : memref<!tpu.dma_semaphore, #tpu.memory_space<semaphore_mem>>) src(%dma_wait3A_127 : memref<64xi32, #tpu.memory_space<hbm>>) dst(%arg11 : memref<64xi32, #tpu.memory_space<vmem>>)
          tpu.yield
        }) : () -> ()
        %dma_start3A_119 = arith.constant 0 : i32
        %dma_start3A_120 = tpu.memref_slice %arg4[%add3A_118, %dma_start3A_119] : memref<163840x128xf32, #tpu.memory_space<hbm>> -> memref<64x128xf32, #tpu.memory_space<hbm>>
        %dma_start3A_121 = arith.constant 0 : i32
        %dma_start3A_122 = tpu.memref_slice %arg4[%add3A_118, %dma_start3A_121] : memref<163840x128xf32, #tpu.memory_space<hbm>> -> memref<64x128xf32, #tpu.memory_space<hbm>>
        tpu.enqueue_dma source(%dma_start3A_122 : memref<64x128xf32, #tpu.memory_space<hbm>>) target(%arg9 : memref<64x128xf32, #tpu.memory_space<vmem>>) target_semaphore(%arg13 : memref<!tpu.dma_semaphore, #tpu.memory_space<semaphore_mem>>)
      } else {
      }
      %dma_start3A_86 = arith.constant 0 : i32
      %dma_start3A_87 = arith.constant 0 : i32
      %dma_start3A_88 = tpu.memref_slice %arg6[%dma_start3A_86, %dma_start3A_87] : memref<10240x128xf32, #tpu.memory_space<vmem_shared>> -> memref<10240x128xf32, #tpu.memory_space<vmem_shared>>
      tpu.enqueue_indirect_dma source(%arg8 : memref<64x128xf32, #tpu.memory_space<vmem>>) target(%dma_start3A_88 : memref<10240x128xf32, #tpu.memory_space<vmem_shared>>) offsets(%arg10 : memref<64xi32, #tpu.memory_space<vmem>>) semaphore(%arg14 : memref<!tpu.dma_semaphore, #tpu.memory_space<semaphore_mem>>) {add = true}
      %mul3A_89 = arith.constant 2 : i32
      %mul3A_90 = arith.muli %mul3A_89, %scan3A_69 : i32
      %add3A_91 = arith.constant 1 : i32
      %add3A_92 = arith.addi %mul3A_90, %add3A_91 : i32
      %dma_wait3A_93 = arith.constant 0 : i32
      %dma_wait3A_94 = arith.constant 0 : i32
      %dma_wait3A_95 = tpu.memref_slice %arg4[%dma_wait3A_93, %dma_wait3A_94] : memref<163840x128xf32, #tpu.memory_space<hbm>> -> memref<64x128xf32, #tpu.memory_space<hbm>>
      %dma_wait3A_96 = arith.constant 0 : i32
      %dma_wait3A_97 = arith.constant 0 : i32
      %dma_wait3A_98 = tpu.memref_slice %arg4[%dma_wait3A_96, %dma_wait3A_97] : memref<163840x128xf32, #tpu.memory_space<hbm>> -> memref<64x128xf32, #tpu.memory_space<hbm>>
      tpu.wait_dma2 semaphore(%arg13 : memref<!tpu.dma_semaphore, #tpu.memory_space<semaphore_mem>>) src(%dma_wait3A_98 : memref<64x128xf32, #tpu.memory_space<hbm>>) dst(%arg9 : memref<64x128xf32, #tpu.memory_space<vmem>>)
      %ge3A_99 = arith.constant 1 : i32
      %ge3A_100 = arith.cmpi sge, %add3A_92, %ge3A_99 : i32
      %convert_element_type3A_101 = arith.extui %ge3A_100 : i1 to i32
      %cond3A_102 = arith.constant 0 : i32
      %cond3A_103 = arith.cmpi ne, %convert_element_type3A_101, %cond3A_102 : i32
      scf.if %cond3A_103 {
        %dma_wait3A_112 = arith.constant 0 : i32
        %dma_wait3A_113 = arith.constant 0 : i32
        %dma_wait3A_114 = tpu.memref_slice %arg6[%dma_wait3A_112, %dma_wait3A_113] : memref<10240x128xf32, #tpu.memory_space<vmem_shared>> -> memref<64x128xf32, #tpu.memory_space<vmem_shared>>
        %dma_wait3A_115 = arith.constant 0 : i32
        %dma_wait3A_116 = arith.constant 0 : i32
        %dma_wait3A_117 = tpu.memref_slice %arg6[%dma_wait3A_115, %dma_wait3A_116] : memref<10240x128xf32, #tpu.memory_space<vmem_shared>> -> memref<64x128xf32, #tpu.memory_space<vmem_shared>>
        tpu.wait_dma2 semaphore(%arg14 : memref<!tpu.dma_semaphore, #tpu.memory_space<semaphore_mem>>) src(%arg8 : memref<64x128xf32, #tpu.memory_space<vmem>>) dst(%dma_wait3A_117 : memref<64x128xf32, #tpu.memory_space<vmem_shared>>)
      } else {
      }
      %le3A_104 = arith.constant 78 : i32
      %le3A_105 = arith.cmpi sle, %add3A_92, %le3A_104 : i32
      %convert_element_type3A_106 = arith.extui %le3A_105 : i1 to i32
      %cond3A_107 = arith.constant 0 : i32
      %cond3A_108 = arith.cmpi ne, %convert_element_type3A_106, %cond3A_107 : i32
      scf.if %cond3A_108 {
        %add3A_112 = arith.constant 1 : i32
        %add3A_113 = arith.addi %add3A_92, %add3A_112 : i32
        %mul3A_114 = arith.constant 5120 : i32
        %mul3A_115 = arith.muli %add3A, %mul3A_114 : i32
        %mul3A_116 = arith.constant 64 : i32
        %mul3A_117 = arith.muli %add3A_113, %mul3A_116 : i32
        %add3A_118 = arith.addi %mul3A_115, %mul3A_117 : i32
        "tpu.region"() ({
          %run_scoped3A_123 = tpu.sem_alloc : memref<!tpu.dma_semaphore, #tpu.memory_space<semaphore_mem>>
          %dma_start3A_124 = tpu.memref_slice %arg2[%add3A_118] : memref<163840xi32, #tpu.memory_space<hbm>> -> memref<64xi32, #tpu.memory_space<hbm>>
          %dma_start3A_125 = tpu.memref_slice %arg2[%add3A_118] : memref<163840xi32, #tpu.memory_space<hbm>> -> memref<64xi32, #tpu.memory_space<hbm>>
          tpu.enqueue_dma source(%dma_start3A_125 : memref<64xi32, #tpu.memory_space<hbm>>) target(%arg10 : memref<64xi32, #tpu.memory_space<vmem>>) target_semaphore(%run_scoped3A_123 : memref<!tpu.dma_semaphore, #tpu.memory_space<semaphore_mem>>)
          %dma_wait3A_126 = tpu.memref_slice %arg2[%add3A_118] : memref<163840xi32, #tpu.memory_space<hbm>> -> memref<64xi32, #tpu.memory_space<hbm>>
          %dma_wait3A_127 = tpu.memref_slice %arg2[%add3A_118] : memref<163840xi32, #tpu.memory_space<hbm>> -> memref<64xi32, #tpu.memory_space<hbm>>
          tpu.wait_dma2 semaphore(%run_scoped3A_123 : memref<!tpu.dma_semaphore, #tpu.memory_space<semaphore_mem>>) src(%dma_wait3A_127 : memref<64xi32, #tpu.memory_space<hbm>>) dst(%arg10 : memref<64xi32, #tpu.memory_space<vmem>>)
          tpu.yield
        }) : () -> ()
        %dma_start3A_119 = arith.constant 0 : i32
        %dma_start3A_120 = tpu.memref_slice %arg4[%add3A_118, %dma_start3A_119] : memref<163840x128xf32, #tpu.memory_space<hbm>> -> memref<64x128xf32, #tpu.memory_space<hbm>>
        %dma_start3A_121 = arith.constant 0 : i32
        %dma_start3A_122 = tpu.memref_slice %arg4[%add3A_118, %dma_start3A_121] : memref<163840x128xf32, #tpu.memory_space<hbm>> -> memref<64x128xf32, #tpu.memory_space<hbm>>
        tpu.enqueue_dma source(%dma_start3A_122 : memref<64x128xf32, #tpu.memory_space<hbm>>) target(%arg8 : memref<64x128xf32, #tpu.memory_space<vmem>>) target_semaphore(%arg12 : memref<!tpu.dma_semaphore, #tpu.memory_space<semaphore_mem>>)
      } else {
      }
      %dma_start3A_109 = arith.constant 0 : i32
      %dma_start3A_110 = arith.constant 0 : i32
      %dma_start3A_111 = tpu.memref_slice %arg6[%dma_start3A_109, %dma_start3A_110] : memref<10240x128xf32, #tpu.memory_space<vmem_shared>> -> memref<10240x128xf32, #tpu.memory_space<vmem_shared>>
      tpu.enqueue_indirect_dma source(%arg9 : memref<64x128xf32, #tpu.memory_space<vmem>>) target(%dma_start3A_111 : memref<10240x128xf32, #tpu.memory_space<vmem_shared>>) offsets(%arg11 : memref<64xi32, #tpu.memory_space<vmem>>) semaphore(%arg15 : memref<!tpu.dma_semaphore, #tpu.memory_space<semaphore_mem>>) {add = true}
    }
    %scan3A_56 = arith.constant 40 : i32
    %dma_wait3A_57 = arith.constant 0 : i32
    %dma_wait3A_58 = arith.constant 0 : i32
    %dma_wait3A_59 = tpu.memref_slice %arg6[%dma_wait3A_57, %dma_wait3A_58] : memref<10240x128xf32, #tpu.memory_space<vmem_shared>> -> memref<64x128xf32, #tpu.memory_space<vmem_shared>>
    %dma_wait3A_60 = arith.constant 0 : i32
    %dma_wait3A_61 = arith.constant 0 : i32
    %dma_wait3A_62 = tpu.memref_slice %arg6[%dma_wait3A_60, %dma_wait3A_61] : memref<10240x128xf32, #tpu.memory_space<vmem_shared>> -> memref<64x128xf32, #tpu.memory_space<vmem_shared>>
    tpu.wait_dma2 semaphore(%arg15 : memref<!tpu.dma_semaphore, #tpu.memory_space<semaphore_mem>>) src(%arg9 : memref<64x128xf32, #tpu.memory_space<vmem>>) dst(%dma_wait3A_62 : memref<64x128xf32, #tpu.memory_space<vmem_shared>>)
    %barrier3A_63 = arith.constant 0 : index
    tpu.barrier barrier_id(%barrier3A_63)
    %mul3A_64 = arith.constant 640 : i32
    %mul3A_65 = arith.muli %arg1, %mul3A_64 : i32
    %mul3A_66 = arith.constant 640 : i32
    %mul3A_67 = arith.muli %arg1, %mul3A_66 : i32
    %run_scoped3A_68 = arith.constant 1 : i32
    "tpu.region"() ({
      %run_scoped3A_69 = tpu.sem_alloc : memref<!tpu.dma_semaphore, #tpu.memory_space<semaphore_mem>>
      %dma_start3A_70 = arith.constant 0 : i32
      %dma_start3A_71 = tpu.memref_slice %arg5[%arg0, %run_scoped3A_68, %mul3A_67, %dma_start3A_70] : memref<2x2x10240x128xf32, #tpu.memory_space<hbm>> -> memref<1x1x640x128xf32, #tpu.memory_space<hbm>>
      %dma_start3A_72 = tpu.memref_squeeze %dma_start3A_71 : memref<1x1x640x128xf32, #tpu.memory_space<hbm>> -> memref<640x128xf32, #tpu.memory_space<hbm>>
      %dma_start3A_73 = arith.constant 0 : i32
      %dma_start3A_74 = tpu.memref_slice %arg6[%mul3A_65, %dma_start3A_73] : memref<10240x128xf32, #tpu.memory_space<vmem_shared>> -> memref<640x128xf32, #tpu.memory_space<vmem_shared>>
      tpu.enqueue_dma source(%dma_start3A_74 : memref<640x128xf32, #tpu.memory_space<vmem_shared>>) target(%dma_start3A_72 : memref<640x128xf32, #tpu.memory_space<hbm>>) target_semaphore(%run_scoped3A_69 : memref<!tpu.dma_semaphore, #tpu.memory_space<semaphore_mem>>)
      %dma_wait3A_75 = arith.constant 0 : i32
      %dma_wait3A_76 = tpu.memref_slice %arg5[%arg0, %run_scoped3A_68, %mul3A_67, %dma_wait3A_75] : memref<2x2x10240x128xf32, #tpu.memory_space<hbm>> -> memref<1x1x640x128xf32, #tpu.memory_space<hbm>>
      %dma_wait3A_77 = tpu.memref_squeeze %dma_wait3A_76 : memref<1x1x640x128xf32, #tpu.memory_space<hbm>> -> memref<640x128xf32, #tpu.memory_space<hbm>>
      %dma_wait3A_78 = arith.constant 0 : i32
      %dma_wait3A_79 = tpu.memref_slice %arg6[%mul3A_65, %dma_wait3A_78] : memref<10240x128xf32, #tpu.memory_space<vmem_shared>> -> memref<640x128xf32, #tpu.memory_space<vmem_shared>>
      tpu.wait_dma2 semaphore(%run_scoped3A_69 : memref<!tpu.dma_semaphore, #tpu.memory_space<semaphore_mem>>) src(%dma_wait3A_79 : memref<640x128xf32, #tpu.memory_space<vmem_shared>>) dst(%dma_wait3A_77 : memref<640x128xf32, #tpu.memory_space<hbm>>)
      tpu.yield
    }) : () -> ()
    return
  }
}

#map = affine_map<(d0, d1) -> (0)>
#map1 = affine_map<(d0, d1) -> (0, 0, 0)>
module attributes {stable_mosaic.version = 14 : i64} {
  func.func @_sc_deg(%arg0: i32, %arg1: i32, %arg2: memref<163840xi32, #tpu.memory_space<hbm>>, %arg3: memref<2x10240x128xf32, #tpu.memory_space<hbm>>, %arg4: memref<10240x128xf32, #tpu.memory_space<vmem_shared>>, %arg5: memref<128x128xf32, #tpu.memory_space<vmem>>, %arg6: memref<128xi32, #tpu.memory_space<vmem>>) attributes {dimension_semantics = [#tpu.dimension_semantics<core_parallel>, #tpu.dimension_semantics<subcore_parallel>], iteration_bounds = array<i64: 2, 16>, scalar_prefetch = 0 : i64, scratch_operands = 3 : i64, tpu.core_type = #tpu.core_type<sc_vector_subcore>, window_params = [{transform_indices = #map}, {transform_indices = #map1}]} {
    %mul3A = arith.constant 2 : i32
    %mul3A_0 = arith.muli %arg1, %mul3A : i32
    %add3A = arith.addi %mul3A_0, %arg0 : i32
    %broadcast_in_dim3A = arith.constant 0.000000e+00 : f32
    %broadcast_in_dim3A_1 = vector.broadcast %broadcast_in_dim3A : f32 to vector<16xf32>
    %scan3A = arith.constant 0 : i32
    %scan3A_2 = arith.constant 0 : i32
    %scan3A_3 = arith.constant 1024 : i32
    %scan3A_4 = arith.addi %scan3A_2, %scan3A_3 : i32
    %scan3A_5 = arith.constant 1 : i32
    scf.for %scan3A_32 = %scan3A_2 to %scan3A_4 step %scan3A_5  : i32 {
      %jit3A = arith.constant 8 : i32
      %div3A = arith.divsi %scan3A_32, %jit3A : i32
      %sign3A = arith.constant 0 : i32
      %sign3A_33 = arith.cmpi sgt, %scan3A_32, %sign3A : i32
      %sign3A_34 = arith.extui %sign3A_33 : i1 to i32
      %sign3A_35 = arith.constant 0 : i32
      %sign3A_36 = arith.cmpi slt, %scan3A_32, %sign3A_35 : i32
      %sign3A_37 = arith.extui %sign3A_36 : i1 to i32
      %sign3A_38 = arith.subi %sign3A_34, %sign3A_37 : i32
      %sign3A_39 = arith.constant 0 : i32
      %sign3A_40 = arith.cmpi sgt, %jit3A, %sign3A_39 : i32
      %sign3A_41 = arith.extui %sign3A_40 : i1 to i32
      %sign3A_42 = arith.constant 0 : i32
      %sign3A_43 = arith.cmpi slt, %jit3A, %sign3A_42 : i32
      %sign3A_44 = arith.extui %sign3A_43 : i1 to i32
      %sign3A_45 = arith.subi %sign3A_41, %sign3A_44 : i32
      %ne3A = arith.cmpi ne, %sign3A_38, %sign3A_45 : i32
      %rem3A = arith.remsi %scan3A_32, %jit3A : i32
      %ne3A_46 = arith.constant 0 : i32
      %ne3A_47 = arith.cmpi ne, %rem3A, %ne3A_46 : i32
      %and3A = arith.andi %ne3A, %ne3A_47 : i1
      %sub3A = arith.constant 1 : i32
      %sub3A_48 = arith.subi %div3A, %sub3A : i32
      %select_n3A = arith.select %and3A, %sub3A_48, %div3A : i32
      %jit3A_49 = arith.constant 8 : i32
      %eq3A = arith.constant 0 : i32
      %eq3A_50 = arith.cmpi eq, %jit3A_49, %eq3A : i32
      %jit3A_51 = arith.constant 1 : i32
      %select_n3A_52 = arith.select %eq3A_50, %jit3A_51, %jit3A_49 : i32
      %rem3A_53 = arith.remsi %scan3A_32, %select_n3A_52 : i32
      %ne3A_54 = arith.constant 0 : i32
      %ne3A_55 = arith.cmpi ne, %rem3A_53, %ne3A_54 : i32
      %lt3A = arith.constant 0 : i32
      %lt3A_56 = arith.cmpi slt, %rem3A_53, %lt3A : i32
      %lt3A_57 = arith.constant 0 : i32
      %lt3A_58 = arith.cmpi slt, %select_n3A_52, %lt3A_57 : i32
      %ne3A_59 = arith.xori %lt3A_56, %lt3A_58 : i1
      %and3A_60 = arith.andi %ne3A_59, %ne3A_55 : i1
      %add3A_61 = arith.addi %rem3A_53, %select_n3A_52 : i32
      %select_n3A_62 = arith.select %and3A_60, %add3A_61, %rem3A_53 : i32
      %mul3A_63 = arith.constant 16 : i32
      %mul3A_64 = arith.muli %select_n3A_62, %mul3A_63 : i32
      %swap3A = arith.index_cast %select_n3A : i32 to index
      %swap3A_65 = arith.index_cast %mul3A_64 : i32 to index
      %swap3A_66 = tpu.vector_load %arg5[%swap3A, %swap3A_65] {strides = array<i32>} : memref<128x128xf32, #tpu.memory_space<vmem>>, vector<1x16xf32>,
      %swap3A_67 = vector.shape_cast %swap3A_66 : vector<1x16xf32> to vector<16xf32>
      %swap3A_68 = vector.shape_cast %broadcast_in_dim3A_1 : vector<16xf32> to vector<1x16xf32>
      tpu.vector_store %arg5[%swap3A, %swap3A_65], %swap3A_68 {strides = array<i32>} : memref<128x128xf32, #tpu.memory_space<vmem>>, vector<1x16xf32>,
    }
    %scan3A_6 = arith.constant 1024 : i32
    %scan3A_7 = arith.constant 0 : i32
    %scan3A_8 = arith.constant 0 : i32
    %scan3A_9 = arith.constant 5 : i32
    %scan3A_10 = arith.addi %scan3A_8, %scan3A_9 : i32
    %scan3A_11 = arith.constant 1 : i32
    scf.for %scan3A_32 = %scan3A_8 to %scan3A_10 step %scan3A_11  : i32 {
      %mul3A_33 = arith.constant 640 : i32
      %mul3A_34 = arith.muli %arg1, %mul3A_33 : i32
      %mul3A_35 = arith.constant 128 : i32
      %mul3A_36 = arith.muli %scan3A_32, %mul3A_35 : i32
      %add3A_37 = arith.addi %mul3A_34, %mul3A_36 : i32
      "tpu.region"() ({
        %run_scoped3A = tpu.sem_alloc : memref<!tpu.dma_semaphore, #tpu.memory_space<semaphore_mem>>
        %dma_start3A = arith.constant 0 : i32
        %dma_start3A_38 = tpu.memref_slice %arg4[%add3A_37, %dma_start3A] : memref<10240x128xf32, #tpu.memory_space<vmem_shared>> -> memref<128x128xf32, #tpu.memory_space<vmem_shared>>
        %dma_start3A_39 = arith.constant 0 : i32
        %dma_start3A_40 = tpu.memref_slice %arg4[%add3A_37, %dma_start3A_39] : memref<10240x128xf32, #tpu.memory_space<vmem_shared>> -> memref<128x128xf32, #tpu.memory_space<vmem_shared>>
        tpu.enqueue_dma source(%arg5 : memref<128x128xf32, #tpu.memory_space<vmem>>) target(%dma_start3A_40 : memref<128x128xf32, #tpu.memory_space<vmem_shared>>) target_semaphore(%run_scoped3A : memref<!tpu.dma_semaphore, #tpu.memory_space<semaphore_mem>>)
        %dma_wait3A = arith.constant 0 : i32
        %dma_wait3A_41 = tpu.memref_slice %arg4[%add3A_37, %dma_wait3A] : memref<10240x128xf32, #tpu.memory_space<vmem_shared>> -> memref<128x128xf32, #tpu.memory_space<vmem_shared>>
        %dma_wait3A_42 = arith.constant 0 : i32
        %dma_wait3A_43 = tpu.memref_slice %arg4[%add3A_37, %dma_wait3A_42] : memref<10240x128xf32, #tpu.memory_space<vmem_shared>> -> memref<128x128xf32, #tpu.memory_space<vmem_shared>>
        tpu.wait_dma2 semaphore(%run_scoped3A : memref<!tpu.dma_semaphore, #tpu.memory_space<semaphore_mem>>) src(%arg5 : memref<128x128xf32, #tpu.memory_space<vmem>>) dst(%dma_wait3A_43 : memref<128x128xf32, #tpu.memory_space<vmem_shared>>)
        tpu.yield
      }) : () -> ()
    }
    %scan3A_12 = arith.constant 5 : i32
    %barrier3A = arith.constant 0 : index
    tpu.barrier barrier_id(%barrier3A)
    %broadcast_in_dim3A_13 = arith.constant 1.000000e+00 : f32
    %broadcast_in_dim3A_14 = vector.broadcast %broadcast_in_dim3A_13 : f32 to vector<16xf32>
    %scan3A_15 = arith.constant 0 : i32
    %scan3A_16 = arith.constant 0 : i32
    %scan3A_17 = arith.constant 1024 : i32
    %scan3A_18 = arith.addi %scan3A_16, %scan3A_17 : i32
    %scan3A_19 = arith.constant 1 : i32
    scf.for %scan3A_32 = %scan3A_16 to %scan3A_18 step %scan3A_19  : i32 {
      %jit3A = arith.constant 8 : i32
      %div3A = arith.divsi %scan3A_32, %jit3A : i32
      %sign3A = arith.constant 0 : i32
      %sign3A_33 = arith.cmpi sgt, %scan3A_32, %sign3A : i32
      %sign3A_34 = arith.extui %sign3A_33 : i1 to i32
      %sign3A_35 = arith.constant 0 : i32
      %sign3A_36 = arith.cmpi slt, %scan3A_32, %sign3A_35 : i32
      %sign3A_37 = arith.extui %sign3A_36 : i1 to i32
      %sign3A_38 = arith.subi %sign3A_34, %sign3A_37 : i32
      %sign3A_39 = arith.constant 0 : i32
      %sign3A_40 = arith.cmpi sgt, %jit3A, %sign3A_39 : i32
      %sign3A_41 = arith.extui %sign3A_40 : i1 to i32
      %sign3A_42 = arith.constant 0 : i32
      %sign3A_43 = arith.cmpi slt, %jit3A, %sign3A_42 : i32
      %sign3A_44 = arith.extui %sign3A_43 : i1 to i32
      %sign3A_45 = arith.subi %sign3A_41, %sign3A_44 : i32
      %ne3A = arith.cmpi ne, %sign3A_38, %sign3A_45 : i32
      %rem3A = arith.remsi %scan3A_32, %jit3A : i32
      %ne3A_46 = arith.constant 0 : i32
      %ne3A_47 = arith.cmpi ne, %rem3A, %ne3A_46 : i32
      %and3A = arith.andi %ne3A, %ne3A_47 : i1
      %sub3A = arith.constant 1 : i32
      %sub3A_48 = arith.subi %div3A, %sub3A : i32
      %select_n3A = arith.select %and3A, %sub3A_48, %div3A : i32
      %jit3A_49 = arith.constant 8 : i32
      %eq3A = arith.constant 0 : i32
      %eq3A_50 = arith.cmpi eq, %jit3A_49, %eq3A : i32
      %jit3A_51 = arith.constant 1 : i32
      %select_n3A_52 = arith.select %eq3A_50, %jit3A_51, %jit3A_49 : i32
      %rem3A_53 = arith.remsi %scan3A_32, %select_n3A_52 : i32
      %ne3A_54 = arith.constant 0 : i32
      %ne3A_55 = arith.cmpi ne, %rem3A_53, %ne3A_54 : i32
      %lt3A = arith.constant 0 : i32
      %lt3A_56 = arith.cmpi slt, %rem3A_53, %lt3A : i32
      %lt3A_57 = arith.constant 0 : i32
      %lt3A_58 = arith.cmpi slt, %select_n3A_52, %lt3A_57 : i32
      %ne3A_59 = arith.xori %lt3A_56, %lt3A_58 : i1
      %and3A_60 = arith.andi %ne3A_59, %ne3A_55 : i1
      %add3A_61 = arith.addi %rem3A_53, %select_n3A_52 : i32
      %select_n3A_62 = arith.select %and3A_60, %add3A_61, %rem3A_53 : i32
      %mul3A_63 = arith.constant 16 : i32
      %mul3A_64 = arith.muli %select_n3A_62, %mul3A_63 : i32
      %swap3A = arith.index_cast %select_n3A : i32 to index
      %swap3A_65 = arith.index_cast %mul3A_64 : i32 to index
      %swap3A_66 = tpu.vector_load %arg5[%swap3A, %swap3A_65] {strides = array<i32>} : memref<128x128xf32, #tpu.memory_space<vmem>>, vector<1x16xf32>,
      %swap3A_67 = vector.shape_cast %swap3A_66 : vector<1x16xf32> to vector<16xf32>
      %swap3A_68 = vector.shape_cast %broadcast_in_dim3A_14 : vector<16xf32> to vector<1x16xf32>
      tpu.vector_store %arg5[%swap3A, %swap3A_65], %swap3A_68 {strides = array<i32>} : memref<128x128xf32, #tpu.memory_space<vmem>>, vector<1x16xf32>,
    }
    %scan3A_20 = arith.constant 1024 : i32
    %scan3A_21 = arith.constant 0 : i32
    %scan3A_22 = arith.constant 0 : i32
    %scan3A_23 = arith.constant 40 : i32
    %scan3A_24 = arith.addi %scan3A_22, %scan3A_23 : i32
    %scan3A_25 = arith.constant 1 : i32
    scf.for %scan3A_32 = %scan3A_22 to %scan3A_24 step %scan3A_25  : i32 {
      %mul3A_33 = arith.constant 5120 : i32
      %mul3A_34 = arith.muli %add3A, %mul3A_33 : i32
      %mul3A_35 = arith.constant 128 : i32
      %mul3A_36 = arith.muli %scan3A_32, %mul3A_35 : i32
      %add3A_37 = arith.addi %mul3A_34, %mul3A_36 : i32
      "tpu.region"() ({
        %run_scoped3A = tpu.sem_alloc : memref<!tpu.dma_semaphore, #tpu.memory_space<semaphore_mem>>
        %dma_start3A = tpu.memref_slice %arg2[%add3A_37] : memref<163840xi32, #tpu.memory_space<hbm>> -> memref<128xi32, #tpu.memory_space<hbm>>
        %dma_start3A_38 = tpu.memref_slice %arg2[%add3A_37] : memref<163840xi32, #tpu.memory_space<hbm>> -> memref<128xi32, #tpu.memory_space<hbm>>
        tpu.enqueue_dma source(%dma_start3A_38 : memref<128xi32, #tpu.memory_space<hbm>>) target(%arg6 : memref<128xi32, #tpu.memory_space<vmem>>) target_semaphore(%run_scoped3A : memref<!tpu.dma_semaphore, #tpu.memory_space<semaphore_mem>>)
        %dma_wait3A = tpu.memref_slice %arg2[%add3A_37] : memref<163840xi32, #tpu.memory_space<hbm>> -> memref<128xi32, #tpu.memory_space<hbm>>
        %dma_wait3A_39 = tpu.memref_slice %arg2[%add3A_37] : memref<163840xi32, #tpu.memory_space<hbm>> -> memref<128xi32, #tpu.memory_space<hbm>>
        tpu.wait_dma2 semaphore(%run_scoped3A : memref<!tpu.dma_semaphore, #tpu.memory_space<semaphore_mem>>) src(%dma_wait3A_39 : memref<128xi32, #tpu.memory_space<hbm>>) dst(%arg6 : memref<128xi32, #tpu.memory_space<vmem>>)
        tpu.yield
      }) : () -> ()
      "tpu.region"() ({
        %run_scoped3A = tpu.sem_alloc : memref<!tpu.dma_semaphore, #tpu.memory_space<semaphore_mem>>
        %dma_start3A = arith.constant 0 : i32
        %dma_start3A_38 = arith.constant 0 : i32
        %dma_start3A_39 = tpu.memref_slice %arg4[%dma_start3A, %dma_start3A_38] : memref<10240x128xf32, #tpu.memory_space<vmem_shared>> -> memref<10240x128xf32, #tpu.memory_space<vmem_shared>>
        tpu.enqueue_indirect_dma source(%arg5 : memref<128x128xf32, #tpu.memory_space<vmem>>) target(%dma_start3A_39 : memref<10240x128xf32, #tpu.memory_space<vmem_shared>>) offsets(%arg6 : memref<128xi32, #tpu.memory_space<vmem>>) semaphore(%run_scoped3A : memref<!tpu.dma_semaphore, #tpu.memory_space<semaphore_mem>>) {add = true}
        %dma_wait3A = arith.constant 0 : i32
        %dma_wait3A_40 = arith.constant 0 : i32
        %dma_wait3A_41 = tpu.memref_slice %arg4[%dma_wait3A, %dma_wait3A_40] : memref<10240x128xf32, #tpu.memory_space<vmem_shared>> -> memref<10240x128xf32, #tpu.memory_space<vmem_shared>>
        tpu.wait_indirect_dma semaphore(%run_scoped3A : memref<!tpu.dma_semaphore, #tpu.memory_space<semaphore_mem>>) src(%arg5 : memref<128x128xf32, #tpu.memory_space<vmem>>) dst(%dma_wait3A_41 : memref<10240x128xf32, #tpu.memory_space<vmem_shared>>)
        tpu.yield
      }) : () -> ()
    }
    %scan3A_26 = arith.constant 40 : i32
    %barrier3A_27 = arith.constant 0 : index
    tpu.barrier barrier_id(%barrier3A_27)
    %mul3A_28 = arith.constant 640 : i32
    %mul3A_29 = arith.muli %arg1, %mul3A_28 : i32
    %mul3A_30 = arith.constant 640 : i32
    %mul3A_31 = arith.muli %arg1, %mul3A_30 : i32
    "tpu.region"() ({
      %run_scoped3A = tpu.sem_alloc : memref<!tpu.dma_semaphore, #tpu.memory_space<semaphore_mem>>
      %dma_start3A = arith.constant 0 : i32
      %dma_start3A_32 = tpu.memref_slice %arg3[%arg0, %mul3A_31, %dma_start3A] : memref<2x10240x128xf32, #tpu.memory_space<hbm>> -> memref<1x640x128xf32, #tpu.memory_space<hbm>>
      %dma_start3A_33 = tpu.memref_squeeze %dma_start3A_32 : memref<1x640x128xf32, #tpu.memory_space<hbm>> -> memref<640x128xf32, #tpu.memory_space<hbm>>
      %dma_start3A_34 = arith.constant 0 : i32
      %dma_start3A_35 = tpu.memref_slice %arg4[%mul3A_29, %dma_start3A_34] : memref<10240x128xf32, #tpu.memory_space<vmem_shared>> -> memref<640x128xf32, #tpu.memory_space<vmem_shared>>
      tpu.enqueue_dma source(%dma_start3A_35 : memref<640x128xf32, #tpu.memory_space<vmem_shared>>) target(%dma_start3A_33 : memref<640x128xf32, #tpu.memory_space<hbm>>) target_semaphore(%run_scoped3A : memref<!tpu.dma_semaphore, #tpu.memory_space<semaphore_mem>>)
      %dma_wait3A = arith.constant 0 : i32
      %dma_wait3A_36 = tpu.memref_slice %arg3[%arg0, %mul3A_31, %dma_wait3A] : memref<2x10240x128xf32, #tpu.memory_space<hbm>> -> memref<1x640x128xf32, #tpu.memory_space<hbm>>
      %dma_wait3A_37 = tpu.memref_squeeze %dma_wait3A_36 : memref<1x640x128xf32, #tpu.memory_space<hbm>> -> memref<640x128xf32, #tpu.memory_space<hbm>>
      %dma_wait3A_38 = arith.constant 0 : i32
      %dma_wait3A_39 = tpu.memref_slice %arg4[%mul3A_29, %dma_wait3A_38] : memref<10240x128xf32, #tpu.memory_space<vmem_shared>> -> memref<640x128xf32, #tpu.memory_space<vmem_shared>>
      tpu.wait_dma2 semaphore(%run_scoped3A : memref<!tpu.dma_semaphore, #tpu.memory_space<semaphore_mem>>) src(%dma_wait3A_39 : memref<640x128xf32, #tpu.memory_space<vmem_shared>>) dst(%dma_wait3A_37 : memref<640x128xf32, #tpu.memory_space<hbm>>)
      tpu.yield
    }) : () -> ()
    return
  }
}

#map = affine_map<(d0, d1) -> (0)>
#map1 = affine_map<(d0, d1) -> (0, 0)>
#map2 = affine_map<(d0, d1) -> (0, 0, 0)>
module attributes {stable_mosaic.version = 14 : i64} {
  func.func @_sc_local(%arg0: i32, %arg1: i32, %arg2: memref<163840xi32, #tpu.memory_space<hbm>>, %arg3: memref<163840xi32, #tpu.memory_space<hbm>>, %arg4: memref<20480x128xf32, #tpu.memory_space<hbm>>, %arg5: memref<2x10240x128xf32, #tpu.memory_space<hbm>>, %arg6: memref<10240x128xf32, #tpu.memory_space<vmem_shared>>, %arg7: memref<64x128xf32, #tpu.memory_space<vmem>>, %arg8: memref<64x128xf32, #tpu.memory_space<vmem>>, %arg9: memref<64xi32, #tpu.memory_space<vmem>>, %arg10: memref<64xi32, #tpu.memory_space<vmem>>, %arg11: memref<64xi32, #tpu.memory_space<vmem>>, %arg12: memref<64xi32, #tpu.memory_space<vmem>>, %arg13: memref<!tpu.dma_semaphore, #tpu.memory_space<semaphore_mem>>, %arg14: memref<!tpu.dma_semaphore, #tpu.memory_space<semaphore_mem>>, %arg15: memref<!tpu.dma_semaphore, #tpu.memory_space<semaphore_mem>>, %arg16: memref<!tpu.dma_semaphore, #tpu.memory_space<semaphore_mem>>) attributes {dimension_semantics = [#tpu.dimension_semantics<core_parallel>, #tpu.dimension_semantics<subcore_parallel>], iteration_bounds = array<i64: 2, 16>, scalar_prefetch = 0 : i64, scratch_operands = 11 : i64, tpu.core_type = #tpu.core_type<sc_vector_subcore>, window_params = [{transform_indices = #map}, {transform_indices = #map}, {transform_indices = #map1}, {transform_indices = #map2}]} {
    %mul3A = arith.constant 10240 : i32
    %mul3A_0 = arith.muli %arg0, %mul3A : i32
    %broadcast_in_dim3A = arith.constant 0.000000e+00 : f32
    %broadcast_in_dim3A_1 = vector.broadcast %broadcast_in_dim3A : f32 to vector<16xf32>
    %scan3A = arith.constant 0 : i32
    %scan3A_2 = arith.constant 0 : i32
    %scan3A_3 = arith.constant 512 : i32
    %scan3A_4 = arith.addi %scan3A_2, %scan3A_3 : i32
    %scan3A_5 = arith.constant 1 : i32
    scf.for %scan3A_40 = %scan3A_2 to %scan3A_4 step %scan3A_5  : i32 {
      %jit3A = arith.constant 8 : i32
      %div3A = arith.divsi %scan3A_40, %jit3A : i32
      %sign3A = arith.constant 0 : i32
      %sign3A_41 = arith.cmpi sgt, %scan3A_40, %sign3A : i32
      %sign3A_42 = arith.extui %sign3A_41 : i1 to i32
      %sign3A_43 = arith.constant 0 : i32
      %sign3A_44 = arith.cmpi slt, %scan3A_40, %sign3A_43 : i32
      %sign3A_45 = arith.extui %sign3A_44 : i1 to i32
      %sign3A_46 = arith.subi %sign3A_42, %sign3A_45 : i32
      %sign3A_47 = arith.constant 0 : i32
      %sign3A_48 = arith.cmpi sgt, %jit3A, %sign3A_47 : i32
      %sign3A_49 = arith.extui %sign3A_48 : i1 to i32
      %sign3A_50 = arith.constant 0 : i32
      %sign3A_51 = arith.cmpi slt, %jit3A, %sign3A_50 : i32
      %sign3A_52 = arith.extui %sign3A_51 : i1 to i32
      %sign3A_53 = arith.subi %sign3A_49, %sign3A_52 : i32
      %ne3A = arith.cmpi ne, %sign3A_46, %sign3A_53 : i32
      %rem3A = arith.remsi %scan3A_40, %jit3A : i32
      %ne3A_54 = arith.constant 0 : i32
      %ne3A_55 = arith.cmpi ne, %rem3A, %ne3A_54 : i32
      %and3A = arith.andi %ne3A, %ne3A_55 : i1
      %sub3A = arith.constant 1 : i32
      %sub3A_56 = arith.subi %div3A, %sub3A : i32
      %select_n3A = arith.select %and3A, %sub3A_56, %div3A : i32
      %jit3A_57 = arith.constant 8 : i32
      %eq3A = arith.constant 0 : i32
      %eq3A_58 = arith.cmpi eq, %jit3A_57, %eq3A : i32
      %jit3A_59 = arith.constant 1 : i32
      %select_n3A_60 = arith.select %eq3A_58, %jit3A_59, %jit3A_57 : i32
      %rem3A_61 = arith.remsi %scan3A_40, %select_n3A_60 : i32
      %ne3A_62 = arith.constant 0 : i32
      %ne3A_63 = arith.cmpi ne, %rem3A_61, %ne3A_62 : i32
      %lt3A = arith.constant 0 : i32
      %lt3A_64 = arith.cmpi slt, %rem3A_61, %lt3A : i32
      %lt3A_65 = arith.constant 0 : i32
      %lt3A_66 = arith.cmpi slt, %select_n3A_60, %lt3A_65 : i32
      %ne3A_67 = arith.xori %lt3A_64, %lt3A_66 : i1
      %and3A_68 = arith.andi %ne3A_67, %ne3A_63 : i1
      %add3A_69 = arith.addi %rem3A_61, %select_n3A_60 : i32
      %select_n3A_70 = arith.select %and3A_68, %add3A_69, %rem3A_61 : i32
      %mul3A_71 = arith.constant 16 : i32
      %mul3A_72 = arith.muli %select_n3A_70, %mul3A_71 : i32
      %swap3A = arith.index_cast %select_n3A : i32 to index
      %swap3A_73 = arith.index_cast %mul3A_72 : i32 to index
      %swap3A_74 = tpu.vector_load %arg7[%swap3A, %swap3A_73] {strides = array<i32>} : memref<64x128xf32, #tpu.memory_space<vmem>>, vector<1x16xf32>,
      %swap3A_75 = vector.shape_cast %swap3A_74 : vector<1x16xf32> to vector<16xf32>
      %swap3A_76 = vector.shape_cast %broadcast_in_dim3A_1 : vector<16xf32> to vector<1x16xf32>
      tpu.vector_store %arg7[%swap3A, %swap3A_73], %swap3A_76 {strides = array<i32>} : memref<64x128xf32, #tpu.memory_space<vmem>>, vector<1x16xf32>,
    }
    %scan3A_6 = arith.constant 512 : i32
    %scan3A_7 = arith.constant 0 : i32
    %scan3A_8 = arith.constant 0 : i32
    %scan3A_9 = arith.constant 10 : i32
    %scan3A_10 = arith.addi %scan3A_8, %scan3A_9 : i32
    %scan3A_11 = arith.constant 1 : i32
    scf.for %scan3A_40 = %scan3A_8 to %scan3A_10 step %scan3A_11  : i32 {
      %mul3A_41 = arith.constant 640 : i32
      %mul3A_42 = arith.muli %arg1, %mul3A_41 : i32
      %mul3A_43 = arith.constant 64 : i32
      %mul3A_44 = arith.muli %scan3A_40, %mul3A_43 : i32
      %add3A_45 = arith.addi %mul3A_42, %mul3A_44 : i32
      "tpu.region"() ({
        %run_scoped3A = tpu.sem_alloc : memref<!tpu.dma_semaphore, #tpu.memory_space<semaphore_mem>>
        %dma_start3A_46 = arith.constant 0 : i32
        %dma_start3A_47 = tpu.memref_slice %arg6[%add3A_45, %dma_start3A_46] : memref<10240x128xf32, #tpu.memory_space<vmem_shared>> -> memref<64x128xf32, #tpu.memory_space<vmem_shared>>
        %dma_start3A_48 = arith.constant 0 : i32
        %dma_start3A_49 = tpu.memref_slice %arg6[%add3A_45, %dma_start3A_48] : memref<10240x128xf32, #tpu.memory_space<vmem_shared>> -> memref<64x128xf32, #tpu.memory_space<vmem_shared>>
        tpu.enqueue_dma source(%arg7 : memref<64x128xf32, #tpu.memory_space<vmem>>) target(%dma_start3A_49 : memref<64x128xf32, #tpu.memory_space<vmem_shared>>) target_semaphore(%run_scoped3A : memref<!tpu.dma_semaphore, #tpu.memory_space<semaphore_mem>>)
        %dma_wait3A_50 = arith.constant 0 : i32
        %dma_wait3A_51 = tpu.memref_slice %arg6[%add3A_45, %dma_wait3A_50] : memref<10240x128xf32, #tpu.memory_space<vmem_shared>> -> memref<64x128xf32, #tpu.memory_space<vmem_shared>>
        %dma_wait3A_52 = arith.constant 0 : i32
        %dma_wait3A_53 = tpu.memref_slice %arg6[%add3A_45, %dma_wait3A_52] : memref<10240x128xf32, #tpu.memory_space<vmem_shared>> -> memref<64x128xf32, #tpu.memory_space<vmem_shared>>
        tpu.wait_dma2 semaphore(%run_scoped3A : memref<!tpu.dma_semaphore, #tpu.memory_space<semaphore_mem>>) src(%arg7 : memref<64x128xf32, #tpu.memory_space<vmem>>) dst(%dma_wait3A_53 : memref<64x128xf32, #tpu.memory_space<vmem_shared>>)
        tpu.yield
      }) : () -> ()
    }
    %scan3A_12 = arith.constant 10 : i32
    %barrier3A = arith.constant 0 : index
    tpu.barrier barrier_id(%barrier3A)
    %mul3A_13 = arith.constant 10240 : i32
    %mul3A_14 = arith.muli %arg1, %mul3A_13 : i32
    %add3A = arith.constant 0 : i32
    %add3A_15 = arith.addi %mul3A_14, %add3A : i32
    "tpu.region"() ({
      %run_scoped3A = tpu.sem_alloc : memref<!tpu.dma_semaphore, #tpu.memory_space<semaphore_mem>>
      %dma_start3A_40 = tpu.memref_slice %arg2[%add3A_15] : memref<163840xi32, #tpu.memory_space<hbm>> -> memref<64xi32, #tpu.memory_space<hbm>>
      %dma_start3A_41 = tpu.memref_slice %arg2[%add3A_15] : memref<163840xi32, #tpu.memory_space<hbm>> -> memref<64xi32, #tpu.memory_space<hbm>>
      tpu.enqueue_dma source(%dma_start3A_41 : memref<64xi32, #tpu.memory_space<hbm>>) target(%arg9 : memref<64xi32, #tpu.memory_space<vmem>>) target_semaphore(%run_scoped3A : memref<!tpu.dma_semaphore, #tpu.memory_space<semaphore_mem>>)
      %dma_wait3A_42 = tpu.memref_slice %arg2[%add3A_15] : memref<163840xi32, #tpu.memory_space<hbm>> -> memref<64xi32, #tpu.memory_space<hbm>>
      %dma_wait3A_43 = tpu.memref_slice %arg2[%add3A_15] : memref<163840xi32, #tpu.memory_space<hbm>> -> memref<64xi32, #tpu.memory_space<hbm>>
      tpu.wait_dma2 semaphore(%run_scoped3A : memref<!tpu.dma_semaphore, #tpu.memory_space<semaphore_mem>>) src(%dma_wait3A_43 : memref<64xi32, #tpu.memory_space<hbm>>) dst(%arg9 : memref<64xi32, #tpu.memory_space<vmem>>)
      tpu.yield
    }) : () -> ()
    "tpu.region"() ({
      %run_scoped3A = tpu.sem_alloc : memref<!tpu.dma_semaphore, #tpu.memory_space<semaphore_mem>>
      %dma_start3A_40 = tpu.memref_slice %arg3[%add3A_15] : memref<163840xi32, #tpu.memory_space<hbm>> -> memref<64xi32, #tpu.memory_space<hbm>>
      %dma_start3A_41 = tpu.memref_slice %arg3[%add3A_15] : memref<163840xi32, #tpu.memory_space<hbm>> -> memref<64xi32, #tpu.memory_space<hbm>>
      tpu.enqueue_dma source(%dma_start3A_41 : memref<64xi32, #tpu.memory_space<hbm>>) target(%arg11 : memref<64xi32, #tpu.memory_space<vmem>>) target_semaphore(%run_scoped3A : memref<!tpu.dma_semaphore, #tpu.memory_space<semaphore_mem>>)
      %dma_wait3A_42 = tpu.memref_slice %arg3[%add3A_15] : memref<163840xi32, #tpu.memory_space<hbm>> -> memref<64xi32, #tpu.memory_space<hbm>>
      %dma_wait3A_43 = tpu.memref_slice %arg3[%add3A_15] : memref<163840xi32, #tpu.memory_space<hbm>> -> memref<64xi32, #tpu.memory_space<hbm>>
      tpu.wait_dma2 semaphore(%run_scoped3A : memref<!tpu.dma_semaphore, #tpu.memory_space<semaphore_mem>>) src(%dma_wait3A_43 : memref<64xi32, #tpu.memory_space<hbm>>) dst(%arg11 : memref<64xi32, #tpu.memory_space<vmem>>)
      tpu.yield
    }) : () -> ()
    %scan3A_16 = arith.constant 0 : i32
    %scan3A_17 = arith.constant 0 : i32
    %scan3A_18 = arith.constant 4 : i32
    %scan3A_19 = arith.addi %scan3A_17, %scan3A_18 : i32
    %scan3A_20 = arith.constant 1 : i32
    scf.for %scan3A_40 = %scan3A_17 to %scan3A_19 step %scan3A_20  : i32 {
      %mul3A_41 = arith.constant 16 : i32
      %mul3A_42 = arith.muli %scan3A_40, %mul3A_41 : i32
      %get3A = arith.index_cast %mul3A_42 : i32 to index
      %get3A_43 = tpu.vector_load %arg9[%get3A] {strides = array<i32>} : memref<64xi32, #tpu.memory_space<vmem>>, vector<16xi32>,
      %get3A_44 = vector.shape_cast %get3A_43 : vector<16xi32> to vector<16xi32>
      %add3A_45 = vector.broadcast %mul3A_0 : i32 to vector<16xi32>
      %add3A_46 = arith.addi %get3A_44, %add3A_45 : vector<16xi32>
      %mul3A_47 = arith.constant 16 : i32
      %mul3A_48 = arith.muli %scan3A_40, %mul3A_47 : i32
      %swap3A = arith.index_cast %mul3A_48 : i32 to index
      %swap3A_49 = tpu.vector_load %arg9[%swap3A] {strides = array<i32>} : memref<64xi32, #tpu.memory_space<vmem>>, vector<16xi32>,
      %swap3A_50 = vector.shape_cast %swap3A_49 : vector<16xi32> to vector<16xi32>
      %swap3A_51 = vector.shape_cast %add3A_46 : vector<16xi32> to vector<16xi32>
      tpu.vector_store %arg9[%swap3A], %swap3A_51 {strides = array<i32>} : memref<64xi32, #tpu.memory_space<vmem>>, vector<16xi32>,
    }
    %scan3A_21 = arith.constant 4 : i32
    %dma_start3A = arith.constant 0 : i32
    %dma_start3A_22 = arith.constant 0 : i32
    %dma_start3A_23 = tpu.memref_slice %arg4[%dma_start3A, %dma_start3A_22] : memref<20480x128xf32, #tpu.memory_space<hbm>> -> memref<20480x128xf32, #tpu.memory_space<hbm>>
    tpu.enqueue_indirect_dma source(%dma_start3A_23 : memref<20480x128xf32, #tpu.memory_space<hbm>>) target(%arg7 : memref<64x128xf32, #tpu.memory_space<vmem>>) offsets(%arg9 : memref<64xi32, #tpu.memory_space<vmem>>) semaphore(%arg13 : memref<!tpu.dma_semaphore, #tpu.memory_space<semaphore_mem>>)
    %scan3A_24 = arith.constant 0 : i32
    %scan3A_25 = arith.constant 0 : i32
    %scan3A_26 = arith.constant 80 : i32
    %scan3A_27 = arith.addi %scan3A_25, %scan3A_26 : i32
    %scan3A_28 = arith.constant 1 : i32
    scf.for %scan3A_40 = %scan3A_25 to %scan3A_27 step %scan3A_28  : i32 {
      %mul3A_41 = arith.constant 2 : i32
      %mul3A_42 = arith.muli %mul3A_41, %scan3A_40 : i32
      %add3A_43 = arith.constant 0 : i32
      %add3A_44 = arith.addi %mul3A_42, %add3A_43 : i32
      %dma_wait3A_45 = arith.constant 0 : i32
      %dma_wait3A_46 = arith.constant 0 : i32
      %dma_wait3A_47 = tpu.memref_slice %arg4[%dma_wait3A_45, %dma_wait3A_46] : memref<20480x128xf32, #tpu.memory_space<hbm>> -> memref<64x128xf32, #tpu.memory_space<hbm>>
      %dma_wait3A_48 = arith.constant 0 : i32
      %dma_wait3A_49 = arith.constant 0 : i32
      %dma_wait3A_50 = tpu.memref_slice %arg4[%dma_wait3A_48, %dma_wait3A_49] : memref<20480x128xf32, #tpu.memory_space<hbm>> -> memref<64x128xf32, #tpu.memory_space<hbm>>
      tpu.wait_dma2 semaphore(%arg13 : memref<!tpu.dma_semaphore, #tpu.memory_space<semaphore_mem>>) src(%dma_wait3A_50 : memref<64x128xf32, #tpu.memory_space<hbm>>) dst(%arg7 : memref<64x128xf32, #tpu.memory_space<vmem>>)
      %ge3A = arith.constant 1 : i32
      %ge3A_51 = arith.cmpi sge, %add3A_44, %ge3A : i32
      %convert_element_type3A = arith.extui %ge3A_51 : i1 to i32
      %cond3A = arith.constant 0 : i32
      %cond3A_52 = arith.cmpi ne, %convert_element_type3A, %cond3A : i32
      scf.if %cond3A_52 {
        %dma_wait3A_83 = arith.constant 0 : i32
        %dma_wait3A_84 = arith.constant 0 : i32
        %dma_wait3A_85 = tpu.memref_slice %arg6[%dma_wait3A_83, %dma_wait3A_84] : memref<10240x128xf32, #tpu.memory_space<vmem_shared>> -> memref<64x128xf32, #tpu.memory_space<vmem_shared>>
        %dma_wait3A_86 = arith.constant 0 : i32
        %dma_wait3A_87 = arith.constant 0 : i32
        %dma_wait3A_88 = tpu.memref_slice %arg6[%dma_wait3A_86, %dma_wait3A_87] : memref<10240x128xf32, #tpu.memory_space<vmem_shared>> -> memref<64x128xf32, #tpu.memory_space<vmem_shared>>
        tpu.wait_dma2 semaphore(%arg16 : memref<!tpu.dma_semaphore, #tpu.memory_space<semaphore_mem>>) src(%arg8 : memref<64x128xf32, #tpu.memory_space<vmem>>) dst(%dma_wait3A_88 : memref<64x128xf32, #tpu.memory_space<vmem_shared>>)
      } else {
      }
      %le3A = arith.constant 158 : i32
      %le3A_53 = arith.cmpi sle, %add3A_44, %le3A : i32
      %convert_element_type3A_54 = arith.extui %le3A_53 : i1 to i32
      %cond3A_55 = arith.constant 0 : i32
      %cond3A_56 = arith.cmpi ne, %convert_element_type3A_54, %cond3A_55 : i32
      scf.if %cond3A_56 {
        %add3A_83 = arith.constant 1 : i32
        %add3A_84 = arith.addi %add3A_44, %add3A_83 : i32
        %mul3A_85 = arith.constant 10240 : i32
        %mul3A_86 = arith.muli %arg1, %mul3A_85 : i32
        %mul3A_87 = arith.constant 64 : i32
        %mul3A_88 = arith.muli %add3A_84, %mul3A_87 : i32
        %add3A_89 = arith.addi %mul3A_86, %mul3A_88 : i32
        "tpu.region"() ({
          %run_scoped3A = tpu.sem_alloc : memref<!tpu.dma_semaphore, #tpu.memory_space<semaphore_mem>>
          %dma_start3A_99 = tpu.memref_slice %arg2[%add3A_89] : memref<163840xi32, #tpu.memory_space<hbm>> -> memref<64xi32, #tpu.memory_space<hbm>>
          %dma_start3A_100 = tpu.memref_slice %arg2[%add3A_89] : memref<163840xi32, #tpu.memory_space<hbm>> -> memref<64xi32, #tpu.memory_space<hbm>>
          tpu.enqueue_dma source(%dma_start3A_100 : memref<64xi32, #tpu.memory_space<hbm>>) target(%arg10 : memref<64xi32, #tpu.memory_space<vmem>>) target_semaphore(%run_scoped3A : memref<!tpu.dma_semaphore, #tpu.memory_space<semaphore_mem>>)
          %dma_wait3A_101 = tpu.memref_slice %arg2[%add3A_89] : memref<163840xi32, #tpu.memory_space<hbm>> -> memref<64xi32, #tpu.memory_space<hbm>>
          %dma_wait3A_102 = tpu.memref_slice %arg2[%add3A_89] : memref<163840xi32, #tpu.memory_space<hbm>> -> memref<64xi32, #tpu.memory_space<hbm>>
          tpu.wait_dma2 semaphore(%run_scoped3A : memref<!tpu.dma_semaphore, #tpu.memory_space<semaphore_mem>>) src(%dma_wait3A_102 : memref<64xi32, #tpu.memory_space<hbm>>) dst(%arg10 : memref<64xi32, #tpu.memory_space<vmem>>)
          tpu.yield
        }) : () -> ()
        "tpu.region"() ({
          %run_scoped3A = tpu.sem_alloc : memref<!tpu.dma_semaphore, #tpu.memory_space<semaphore_mem>>
          %dma_start3A_99 = tpu.memref_slice %arg3[%add3A_89] : memref<163840xi32, #tpu.memory_space<hbm>> -> memref<64xi32, #tpu.memory_space<hbm>>
          %dma_start3A_100 = tpu.memref_slice %arg3[%add3A_89] : memref<163840xi32, #tpu.memory_space<hbm>> -> memref<64xi32, #tpu.memory_space<hbm>>
          tpu.enqueue_dma source(%dma_start3A_100 : memref<64xi32, #tpu.memory_space<hbm>>) target(%arg12 : memref<64xi32, #tpu.memory_space<vmem>>) target_semaphore(%run_scoped3A : memref<!tpu.dma_semaphore, #tpu.memory_space<semaphore_mem>>)
          %dma_wait3A_101 = tpu.memref_slice %arg3[%add3A_89] : memref<163840xi32, #tpu.memory_space<hbm>> -> memref<64xi32, #tpu.memory_space<hbm>>
          %dma_wait3A_102 = tpu.memref_slice %arg3[%add3A_89] : memref<163840xi32, #tpu.memory_space<hbm>> -> memref<64xi32, #tpu.memory_space<hbm>>
          tpu.wait_dma2 semaphore(%run_scoped3A : memref<!tpu.dma_semaphore, #tpu.memory_space<semaphore_mem>>) src(%dma_wait3A_102 : memref<64xi32, #tpu.memory_space<hbm>>) dst(%arg12 : memref<64xi32, #tpu.memory_space<vmem>>)
          tpu.yield
        }) : () -> ()
        %scan3A_90 = arith.constant 0 : i32
        %scan3A_91 = arith.constant 0 : i32
        %scan3A_92 = arith.constant 4 : i32
        %scan3A_93 = arith.addi %scan3A_91, %scan3A_92 : i32
        %scan3A_94 = arith.constant 1 : i32
        scf.for %scan3A_99 = %scan3A_91 to %scan3A_93 step %scan3A_94  : i32 {
          %mul3A_100 = arith.constant 16 : i32
          %mul3A_101 = arith.muli %scan3A_99, %mul3A_100 : i32
          %get3A = arith.index_cast %mul3A_101 : i32 to index
          %get3A_102 = tpu.vector_load %arg10[%get3A] {strides = array<i32>} : memref<64xi32, #tpu.memory_space<vmem>>, vector<16xi32>,
          %get3A_103 = vector.shape_cast %get3A_102 : vector<16xi32> to vector<16xi32>
          %add3A_104 = vector.broadcast %mul3A_0 : i32 to vector<16xi32>
          %add3A_105 = arith.addi %get3A_103, %add3A_104 : vector<16xi32>
          %mul3A_106 = arith.constant 16 : i32
          %mul3A_107 = arith.muli %scan3A_99, %mul3A_106 : i32
          %swap3A = arith.index_cast %mul3A_107 : i32 to index
          %swap3A_108 = tpu.vector_load %arg10[%swap3A] {strides = array<i32>} : memref<64xi32, #tpu.memory_space<vmem>>, vector<16xi32>,
          %swap3A_109 = vector.shape_cast %swap3A_108 : vector<16xi32> to vector<16xi32>
          %swap3A_110 = vector.shape_cast %add3A_105 : vector<16xi32> to vector<16xi32>
          tpu.vector_store %arg10[%swap3A], %swap3A_110 {strides = array<i32>} : memref<64xi32, #tpu.memory_space<vmem>>, vector<16xi32>,
        }
        %scan3A_95 = arith.constant 4 : i32
        %dma_start3A_96 = arith.constant 0 : i32
        %dma_start3A_97 = arith.constant 0 : i32
        %dma_start3A_98 = tpu.memref_slice %arg4[%dma_start3A_96, %dma_start3A_97] : memref<20480x128xf32, #tpu.memory_space<hbm>> -> memref<20480x128xf32, #tpu.memory_space<hbm>>
        tpu.enqueue_indirect_dma source(%dma_start3A_98 : memref<20480x128xf32, #tpu.memory_space<hbm>>) target(%arg8 : memref<64x128xf32, #tpu.memory_space<vmem>>) offsets(%arg10 : memref<64xi32, #tpu.memory_space<vmem>>) semaphore(%arg14 : memref<!tpu.dma_semaphore, #tpu.memory_space<semaphore_mem>>)
      } else {
      }
      %dma_start3A_57 = arith.constant 0 : i32
      %dma_start3A_58 = arith.constant 0 : i32
      %dma_start3A_59 = tpu.memref_slice %arg6[%dma_start3A_57, %dma_start3A_58] : memref<10240x128xf32, #tpu.memory_space<vmem_shared>> -> memref<10240x128xf32, #tpu.memory_space<vmem_shared>>
      tpu.enqueue_indirect_dma source(%arg7 : memref<64x128xf32, #tpu.memory_space<vmem>>) target(%dma_start3A_59 : memref<10240x128xf32, #tpu.memory_space<vmem_shared>>) offsets(%arg11 : memref<64xi32, #tpu.memory_space<vmem>>) semaphore(%arg15 : memref<!tpu.dma_semaphore, #tpu.memory_space<semaphore_mem>>) {add = true}
      %mul3A_60 = arith.constant 2 : i32
      %mul3A_61 = arith.muli %mul3A_60, %scan3A_40 : i32
      %add3A_62 = arith.constant 1 : i32
      %add3A_63 = arith.addi %mul3A_61, %add3A_62 : i32
      %dma_wait3A_64 = arith.constant 0 : i32
      %dma_wait3A_65 = arith.constant 0 : i32
      %dma_wait3A_66 = tpu.memref_slice %arg4[%dma_wait3A_64, %dma_wait3A_65] : memref<20480x128xf32, #tpu.memory_space<hbm>> -> memref<64x128xf32, #tpu.memory_space<hbm>>
      %dma_wait3A_67 = arith.constant 0 : i32
      %dma_wait3A_68 = arith.constant 0 : i32
      %dma_wait3A_69 = tpu.memref_slice %arg4[%dma_wait3A_67, %dma_wait3A_68] : memref<20480x128xf32, #tpu.memory_space<hbm>> -> memref<64x128xf32, #tpu.memory_space<hbm>>
      tpu.wait_dma2 semaphore(%arg14 : memref<!tpu.dma_semaphore, #tpu.memory_space<semaphore_mem>>) src(%dma_wait3A_69 : memref<64x128xf32, #tpu.memory_space<hbm>>) dst(%arg8 : memref<64x128xf32, #tpu.memory_space<vmem>>)
      %ge3A_70 = arith.constant 1 : i32
      %ge3A_71 = arith.cmpi sge, %add3A_63, %ge3A_70 : i32
      %convert_element_type3A_72 = arith.extui %ge3A_71 : i1 to i32
      %cond3A_73 = arith.constant 0 : i32
      %cond3A_74 = arith.cmpi ne, %convert_element_type3A_72, %cond3A_73 : i32
      scf.if %cond3A_74 {
        %dma_wait3A_83 = arith.constant 0 : i32
        %dma_wait3A_84 = arith.constant 0 : i32
        %dma_wait3A_85 = tpu.memref_slice %arg6[%dma_wait3A_83, %dma_wait3A_84] : memref<10240x128xf32, #tpu.memory_space<vmem_shared>> -> memref<64x128xf32, #tpu.memory_space<vmem_shared>>
        %dma_wait3A_86 = arith.constant 0 : i32
        %dma_wait3A_87 = arith.constant 0 : i32
        %dma_wait3A_88 = tpu.memref_slice %arg6[%dma_wait3A_86, %dma_wait3A_87] : memref<10240x128xf32, #tpu.memory_space<vmem_shared>> -> memref<64x128xf32, #tpu.memory_space<vmem_shared>>
        tpu.wait_dma2 semaphore(%arg15 : memref<!tpu.dma_semaphore, #tpu.memory_space<semaphore_mem>>) src(%arg7 : memref<64x128xf32, #tpu.memory_space<vmem>>) dst(%dma_wait3A_88 : memref<64x128xf32, #tpu.memory_space<vmem_shared>>)
      } else {
      }
      %le3A_75 = arith.constant 158 : i32
      %le3A_76 = arith.cmpi sle, %add3A_63, %le3A_75 : i32
      %convert_element_type3A_77 = arith.extui %le3A_76 : i1 to i32
      %cond3A_78 = arith.constant 0 : i32
      %cond3A_79 = arith.cmpi ne, %convert_element_type3A_77, %cond3A_78 : i32
      scf.if %cond3A_79 {
        %add3A_83 = arith.constant 1 : i32
        %add3A_84 = arith.addi %add3A_63, %add3A_83 : i32
        %mul3A_85 = arith.constant 10240 : i32
        %mul3A_86 = arith.muli %arg1, %mul3A_85 : i32
        %mul3A_87 = arith.constant 64 : i32
        %mul3A_88 = arith.muli %add3A_84, %mul3A_87 : i32
        %add3A_89 = arith.addi %mul3A_86, %mul3A_88 : i32
        "tpu.region"() ({
          %run_scoped3A = tpu.sem_alloc : memref<!tpu.dma_semaphore, #tpu.memory_space<semaphore_mem>>
          %dma_start3A_99 = tpu.memref_slice %arg2[%add3A_89] : memref<163840xi32, #tpu.memory_space<hbm>> -> memref<64xi32, #tpu.memory_space<hbm>>
          %dma_start3A_100 = tpu.memref_slice %arg2[%add3A_89] : memref<163840xi32, #tpu.memory_space<hbm>> -> memref<64xi32, #tpu.memory_space<hbm>>
          tpu.enqueue_dma source(%dma_start3A_100 : memref<64xi32, #tpu.memory_space<hbm>>) target(%arg9 : memref<64xi32, #tpu.memory_space<vmem>>) target_semaphore(%run_scoped3A : memref<!tpu.dma_semaphore, #tpu.memory_space<semaphore_mem>>)
          %dma_wait3A_101 = tpu.memref_slice %arg2[%add3A_89] : memref<163840xi32, #tpu.memory_space<hbm>> -> memref<64xi32, #tpu.memory_space<hbm>>
          %dma_wait3A_102 = tpu.memref_slice %arg2[%add3A_89] : memref<163840xi32, #tpu.memory_space<hbm>> -> memref<64xi32, #tpu.memory_space<hbm>>
          tpu.wait_dma2 semaphore(%run_scoped3A : memref<!tpu.dma_semaphore, #tpu.memory_space<semaphore_mem>>) src(%dma_wait3A_102 : memref<64xi32, #tpu.memory_space<hbm>>) dst(%arg9 : memref<64xi32, #tpu.memory_space<vmem>>)
          tpu.yield
        }) : () -> ()
        "tpu.region"() ({
          %run_scoped3A = tpu.sem_alloc : memref<!tpu.dma_semaphore, #tpu.memory_space<semaphore_mem>>
          %dma_start3A_99 = tpu.memref_slice %arg3[%add3A_89] : memref<163840xi32, #tpu.memory_space<hbm>> -> memref<64xi32, #tpu.memory_space<hbm>>
          %dma_start3A_100 = tpu.memref_slice %arg3[%add3A_89] : memref<163840xi32, #tpu.memory_space<hbm>> -> memref<64xi32, #tpu.memory_space<hbm>>
          tpu.enqueue_dma source(%dma_start3A_100 : memref<64xi32, #tpu.memory_space<hbm>>) target(%arg11 : memref<64xi32, #tpu.memory_space<vmem>>) target_semaphore(%run_scoped3A : memref<!tpu.dma_semaphore, #tpu.memory_space<semaphore_mem>>)
          %dma_wait3A_101 = tpu.memref_slice %arg3[%add3A_89] : memref<163840xi32, #tpu.memory_space<hbm>> -> memref<64xi32, #tpu.memory_space<hbm>>
          %dma_wait3A_102 = tpu.memref_slice %arg3[%add3A_89] : memref<163840xi32, #tpu.memory_space<hbm>> -> memref<64xi32, #tpu.memory_space<hbm>>
          tpu.wait_dma2 semaphore(%run_scoped3A : memref<!tpu.dma_semaphore, #tpu.memory_space<semaphore_mem>>) src(%dma_wait3A_102 : memref<64xi32, #tpu.memory_space<hbm>>) dst(%arg11 : memref<64xi32, #tpu.memory_space<vmem>>)
          tpu.yield
        }) : () -> ()
        %scan3A_90 = arith.constant 0 : i32
        %scan3A_91 = arith.constant 0 : i32
        %scan3A_92 = arith.constant 4 : i32
        %scan3A_93 = arith.addi %scan3A_91, %scan3A_92 : i32
        %scan3A_94 = arith.constant 1 : i32
        scf.for %scan3A_99 = %scan3A_91 to %scan3A_93 step %scan3A_94  : i32 {
          %mul3A_100 = arith.constant 16 : i32
          %mul3A_101 = arith.muli %scan3A_99, %mul3A_100 : i32
          %get3A = arith.index_cast %mul3A_101 : i32 to index
          %get3A_102 = tpu.vector_load %arg9[%get3A] {strides = array<i32>} : memref<64xi32, #tpu.memory_space<vmem>>, vector<16xi32>,
          %get3A_103 = vector.shape_cast %get3A_102 : vector<16xi32> to vector<16xi32>
          %add3A_104 = vector.broadcast %mul3A_0 : i32 to vector<16xi32>
          %add3A_105 = arith.addi %get3A_103, %add3A_104 : vector<16xi32>
          %mul3A_106 = arith.constant 16 : i32
          %mul3A_107 = arith.muli %scan3A_99, %mul3A_106 : i32
          %swap3A = arith.index_cast %mul3A_107 : i32 to index
          %swap3A_108 = tpu.vector_load %arg9[%swap3A] {strides = array<i32>} : memref<64xi32, #tpu.memory_space<vmem>>, vector<16xi32>,
          %swap3A_109 = vector.shape_cast %swap3A_108 : vector<16xi32> to vector<16xi32>
          %swap3A_110 = vector.shape_cast %add3A_105 : vector<16xi32> to vector<16xi32>
          tpu.vector_store %arg9[%swap3A], %swap3A_110 {strides = array<i32>} : memref<64xi32, #tpu.memory_space<vmem>>, vector<16xi32>,
        }
        %scan3A_95 = arith.constant 4 : i32
        %dma_start3A_96 = arith.constant 0 : i32
        %dma_start3A_97 = arith.constant 0 : i32
        %dma_start3A_98 = tpu.memref_slice %arg4[%dma_start3A_96, %dma_start3A_97] : memref<20480x128xf32, #tpu.memory_space<hbm>> -> memref<20480x128xf32, #tpu.memory_space<hbm>>
        tpu.enqueue_indirect_dma source(%dma_start3A_98 : memref<20480x128xf32, #tpu.memory_space<hbm>>) target(%arg7 : memref<64x128xf32, #tpu.memory_space<vmem>>) offsets(%arg9 : memref<64xi32, #tpu.memory_space<vmem>>) semaphore(%arg13 : memref<!tpu.dma_semaphore, #tpu.memory_space<semaphore_mem>>)
      } else {
      }
      %dma_start3A_80 = arith.constant 0 : i32
      %dma_start3A_81 = arith.constant 0 : i32
      %dma_start3A_82 = tpu.memref_slice %arg6[%dma_start3A_80, %dma_start3A_81] : memref<10240x128xf32, #tpu.memory_space<vmem_shared>> -> memref<10240x128xf32, #tpu.memory_space<vmem_shared>>
      tpu.enqueue_indirect_dma source(%arg8 : memref<64x128xf32, #tpu.memory_space<vmem>>) target(%dma_start3A_82 : memref<10240x128xf32, #tpu.memory_space<vmem_shared>>) offsets(%arg12 : memref<64xi32, #tpu.memory_space<vmem>>) semaphore(%arg16 : memref<!tpu.dma_semaphore, #tpu.memory_space<semaphore_mem>>) {add = true}
    }
    %scan3A_29 = arith.constant 80 : i32
    %dma_wait3A = arith.constant 0 : i32
    %dma_wait3A_30 = arith.constant 0 : i32
    %dma_wait3A_31 = tpu.memref_slice %arg6[%dma_wait3A, %dma_wait3A_30] : memref<10240x128xf32, #tpu.memory_space<vmem_shared>> -> memref<64x128xf32, #tpu.memory_space<vmem_shared>>
    %dma_wait3A_32 = arith.constant 0 : i32
    %dma_wait3A_33 = arith.constant 0 : i32
    %dma_wait3A_34 = tpu.memref_slice %arg6[%dma_wait3A_32, %dma_wait3A_33] : memref<10240x128xf32, #tpu.memory_space<vmem_shared>> -> memref<64x128xf32, #tpu.memory_space<vmem_shared>>
    tpu.wait_dma2 semaphore(%arg16 : memref<!tpu.dma_semaphore, #tpu.memory_space<semaphore_mem>>) src(%arg8 : memref<64x128xf32, #tpu.memory_space<vmem>>) dst(%dma_wait3A_34 : memref<64x128xf32, #tpu.memory_space<vmem_shared>>)
    %barrier3A_35 = arith.constant 0 : index
    tpu.barrier barrier_id(%barrier3A_35)
    %mul3A_36 = arith.constant 640 : i32
    %mul3A_37 = arith.muli %arg1, %mul3A_36 : i32
    %mul3A_38 = arith.constant 640 : i32
    %mul3A_39 = arith.muli %arg1, %mul3A_38 : i32
    "tpu.region"() ({
      %run_scoped3A = tpu.sem_alloc : memref<!tpu.dma_semaphore, #tpu.memory_space<semaphore_mem>>
      %dma_start3A_40 = arith.constant 0 : i32
      %dma_start3A_41 = tpu.memref_slice %arg5[%arg0, %mul3A_39, %dma_start3A_40] : memref<2x10240x128xf32, #tpu.memory_space<hbm>> -> memref<1x640x128xf32, #tpu.memory_space<hbm>>
      %dma_start3A_42 = tpu.memref_squeeze %dma_start3A_41 : memref<1x640x128xf32, #tpu.memory_space<hbm>> -> memref<640x128xf32, #tpu.memory_space<hbm>>
      %dma_start3A_43 = arith.constant 0 : i32
      %dma_start3A_44 = tpu.memref_slice %arg6[%mul3A_37, %dma_start3A_43] : memref<10240x128xf32, #tpu.memory_space<vmem_shared>> -> memref<640x128xf32, #tpu.memory_space<vmem_shared>>
      tpu.enqueue_dma source(%dma_start3A_44 : memref<640x128xf32, #tpu.memory_space<vmem_shared>>) target(%dma_start3A_42 : memref<640x128xf32, #tpu.memory_space<hbm>>) target_semaphore(%run_scoped3A : memref<!tpu.dma_semaphore, #tpu.memory_space<semaphore_mem>>)
      %dma_wait3A_45 = arith.constant 0 : i32
      %dma_wait3A_46 = tpu.memref_slice %arg5[%arg0, %mul3A_39, %dma_wait3A_45] : memref<2x10240x128xf32, #tpu.memory_space<hbm>> -> memref<1x640x128xf32, #tpu.memory_space<hbm>>
      %dma_wait3A_47 = tpu.memref_squeeze %dma_wait3A_46 : memref<1x640x128xf32, #tpu.memory_space<hbm>> -> memref<640x128xf32, #tpu.memory_space<hbm>>
      %dma_wait3A_48 = arith.constant 0 : i32
      %dma_wait3A_49 = tpu.memref_slice %arg6[%mul3A_37, %dma_wait3A_48] : memref<10240x128xf32, #tpu.memory_space<vmem_shared>> -> memref<640x128xf32, #tpu.memory_space<vmem_shared>>
      tpu.wait_dma2 semaphore(%run_scoped3A : memref<!tpu.dma_semaphore, #tpu.memory_space<semaphore_mem>>) src(%dma_wait3A_49 : memref<640x128xf32, #tpu.memory_space<vmem_shared>>) dst(%dma_wait3A_47 : memref<640x128xf32, #tpu.memory_space<hbm>>)
      tpu.yield
    }) : () -> ()
    return
  }
}

module attributes {stable_mosaic.version = 14 : i64} {
  func.func @_mm_body(%arg0: i32, %arg1: i32, %arg2: memref<512x256xf32, #tpu.memory_space<vmem>>, %arg3: memref<256x640xf32, #tpu.memory_space<vmem>>, %arg4: memref<1x640xf32, #tpu.memory_space<vmem>>, %arg5: memref<512x128xf32, #tpu.memory_space<vmem>>, %arg6: memref<512x128xf32, #tpu.memory_space<vmem>>, %arg7: memref<512x128xf32, #tpu.memory_space<vmem>>, %arg8: memref<512x128xf32, #tpu.memory_space<vmem>>, %arg9: memref<512x128xf32, #tpu.memory_space<vmem>>) attributes {dimension_semantics = [#tpu.dimension_semantics<arbitrary>, #tpu.dimension_semantics<arbitrary>], iteration_bounds = array<i64: 20, 2>, scalar_prefetch = 0 : i64, scratch_operands = 0 : i64, tpu.core_type = #tpu.core_type<tc>, window_params = [{transform_indices = @transform_0, window_bounds = array<i64: 512, 256>}, {transform_indices = @transform_1, window_bounds = array<i64: 256, 640>}, {transform_indices = @transform_2, window_bounds = array<i64: 1, 640>}, {transform_indices = @transform_3, window_bounds = array<i64: 512, 128>}, {transform_indices = @transform_4, window_bounds = array<i64: 512, 128>}, {transform_indices = @transform_5, window_bounds = array<i64: 512, 128>}, {transform_indices = @transform_6, window_bounds = array<i64: 512, 128>}, {transform_indices = @transform_7, window_bounds = array<i64: 512, 128>}]} {
    %get3A = arith.constant 0 : index
    %get3A_0 = arith.constant 0 : index
    %get3A_1 = vector.load %arg2[%get3A, %get3A_0] : memref<512x256xf32, #tpu.memory_space<vmem>>, vector<512x256xf32>
    %get3A_2 = arith.constant 0 : index
    %get3A_3 = arith.constant 0 : index
    %get3A_4 = vector.load %arg3[%get3A_2, %get3A_3] : memref<256x640xf32, #tpu.memory_space<vmem>>, vector<256x640xf32>
    %dot_general3A = arith.constant dense<0.000000e+00> : vector<512x640xf32>
    %dot_general3A_5 = tpu.matmul %get3A_1, %get3A_4, %dot_general3A {dimension_numbers = #tpu.dot_dimension_numbers<[1], [0], [0], [1], [0, 0, 1, 1], [], []>, transpose_lhs_hint = false} : vector<512x256xf32>, vector<256x640xf32>, vector<512x640xf32> -> vector<512x640xf32>
    %get3A_6 = arith.constant 0 : index
    %get3A_7 = arith.constant 0 : index
    %get3A_8 = vector.load %arg4[%get3A_6, %get3A_7] : memref<1x640xf32, #tpu.memory_space<vmem>>, vector<1x640xf32>
    %add3A = vector.broadcast %get3A_8 : vector<1x640xf32> to vector<512x640xf32>
    %add3A_9 = arith.addf %dot_general3A_5, %add3A : vector<512x640xf32>
    %slice3A = vector.extract_strided_slice %add3A_9 {offsets = [0, 0], sizes = [512, 128], strides = [1, 1]} : vector<512x640xf32> to vector<512x128xf32>
    %swap3A = arith.constant 0 : index
    %swap3A_10 = arith.constant 0 : index
    %swap3A_11 = vector.load %arg5[%swap3A, %swap3A_10] : memref<512x128xf32, #tpu.memory_space<vmem>>, vector<512x128xf32>
    tpu.vector_store %arg5[%swap3A, %swap3A_10], %slice3A {strides = array<i32>} : memref<512x128xf32, #tpu.memory_space<vmem>>, vector<512x128xf32>,
    %slice3A_12 = vector.extract_strided_slice %add3A_9 {offsets = [0, 128], sizes = [512, 128], strides = [1, 1]} : vector<512x640xf32> to vector<512x128xf32>
    %mul3A = arith.constant 1.250000e-01 : f32
    %mul3A_13 = vector.broadcast %mul3A : f32 to vector<512x128xf32>
    %mul3A_14 = arith.mulf %slice3A_12, %mul3A_13 : vector<512x128xf32>
    %swap3A_15 = arith.constant 0 : index
    %swap3A_16 = arith.constant 0 : index
    %swap3A_17 = vector.load %arg6[%swap3A_15, %swap3A_16] : memref<512x128xf32, #tpu.memory_space<vmem>>, vector<512x128xf32>
    tpu.vector_store %arg6[%swap3A_15, %swap3A_16], %mul3A_14 {strides = array<i32>} : memref<512x128xf32, #tpu.memory_space<vmem>>, vector<512x128xf32>,
    %slice3A_18 = vector.extract_strided_slice %add3A_9 {offsets = [0, 256], sizes = [512, 128], strides = [1, 1]} : vector<512x640xf32> to vector<512x128xf32>
    %swap3A_19 = arith.constant 0 : index
    %swap3A_20 = arith.constant 0 : index
    %swap3A_21 = vector.load %arg7[%swap3A_19, %swap3A_20] : memref<512x128xf32, #tpu.memory_space<vmem>>, vector<512x128xf32>
    tpu.vector_store %arg7[%swap3A_19, %swap3A_20], %slice3A_18 {strides = array<i32>} : memref<512x128xf32, #tpu.memory_space<vmem>>, vector<512x128xf32>,
    %slice3A_22 = vector.extract_strided_slice %add3A_9 {offsets = [0, 384], sizes = [512, 128], strides = [1, 1]} : vector<512x640xf32> to vector<512x128xf32>
    %swap3A_23 = arith.constant 0 : index
    %swap3A_24 = arith.constant 0 : index
    %swap3A_25 = vector.load %arg8[%swap3A_23, %swap3A_24] : memref<512x128xf32, #tpu.memory_space<vmem>>, vector<512x128xf32>
    tpu.vector_store %arg8[%swap3A_23, %swap3A_24], %slice3A_22 {strides = array<i32>} : memref<512x128xf32, #tpu.memory_space<vmem>>, vector<512x128xf32>,
    %slice3A_26 = vector.extract_strided_slice %add3A_9 {offsets = [0, 512], sizes = [512, 128], strides = [1, 1]} : vector<512x640xf32> to vector<512x128xf32>
    %swap3A_27 = arith.constant 0 : index
    %swap3A_28 = arith.constant 0 : index
    %swap3A_29 = vector.load %arg9[%swap3A_27, %swap3A_28] : memref<512x128xf32, #tpu.memory_space<vmem>>, vector<512x128xf32>
    tpu.vector_store %arg9[%swap3A_27, %swap3A_28], %slice3A_26 {strides = array<i32>} : memref<512x128xf32, #tpu.memory_space<vmem>>, vector<512x128xf32>,
    return
  }
  func.func @transform_0(%arg0: i32, %arg1: i32) -> (i32, i32) {
    %c0_i32 = arith.constant 0 : i32
    %c0_i32_0 = arith.constant 0 : i32
    return %arg0, %c0_i32 : i32, i32
  }
  func.func @transform_1(%arg0: i32, %arg1: i32) -> (i32, i32) {
    %c0_i32 = arith.constant 0 : i32
    %c0_i32_0 = arith.constant 0 : i32
    return %c0_i32, %arg1 : i32, i32
  }
  func.func @transform_2(%arg0: i32, %arg1: i32) -> (i32, i32) {
    %c0_i32 = arith.constant 0 : i32
    %c0_i32_0 = arith.constant 0 : i32
    return %c0_i32, %arg1 : i32, i32
  }
  func.func @transform_3(%arg0: i32, %arg1: i32) -> (i32, i32) {
    %mul3A = arith.constant 20 : i32
    %mul3A_0 = arith.muli %arg1, %mul3A : i32
    %add3A = arith.addi %mul3A_0, %arg0 : i32
    %c0_i32 = arith.constant 0 : i32
    %c0_i32_1 = arith.constant 0 : i32
    return %add3A, %c0_i32 : i32, i32
  }
  func.func @transform_4(%arg0: i32, %arg1: i32) -> (i32, i32) {
    %c0_i32 = arith.constant 0 : i32
    return %arg0, %arg1 : i32, i32
  }
  func.func @transform_5(%arg0: i32, %arg1: i32) -> (i32, i32) {
    %c0_i32 = arith.constant 0 : i32
    return %arg0, %arg1 : i32, i32
  }
  func.func @transform_6(%arg0: i32, %arg1: i32) -> (i32, i32) {
    %c0_i32 = arith.constant 0 : i32
    return %arg0, %arg1 : i32, i32
  }
  func.func @transform_7(%arg0: i32, %arg1: i32) -> (i32, i32) {
    %c0_i32 = arith.constant 0 : i32
    return %arg0, %arg1 : i32, i32
  }
}

module attributes {stable_mosaic.version = 14 : i64} {
  func.func @_logits_body(%arg0: i32, %arg1: memref<1024x256xf32, #tpu.memory_space<vmem>>, %arg2: memref<1024x256xf32, #tpu.memory_space<vmem>>, %arg3: memref<1024x4xf32, #tpu.memory_space<vmem>>) attributes {dimension_semantics = [#tpu.dimension_semantics<arbitrary>], iteration_bounds = array<i64: 160>, scalar_prefetch = 0 : i64, scratch_operands = 0 : i64, tpu.core_type = #tpu.core_type<tc>, window_params = [{transform_indices = @transform_0, window_bounds = array<i64: 1024, 256>}, {transform_indices = @transform_1, window_bounds = array<i64: 1024, 256>}, {transform_indices = @transform_2, window_bounds = array<i64: 1024, 4>}]} {
    %get3A = arith.constant 0 : index
    %get3A_0 = arith.constant 0 : index
    %get3A_1 = vector.load %arg1[%get3A, %get3A_0] : memref<1024x256xf32, #tpu.memory_space<vmem>>, vector<1024x256xf32>
    %get3A_2 = arith.constant 0 : index
    %get3A_3 = arith.constant 0 : index
    %get3A_4 = vector.load %arg2[%get3A_2, %get3A_3] : memref<1024x256xf32, #tpu.memory_space<vmem>>, vector<1024x256xf32>
    %mul3A = arith.mulf %get3A_1, %get3A_4 : vector<1024x256xf32>
    %slice3A = vector.extract_strided_slice %mul3A {offsets = [0, 0], sizes = [1024, 64], strides = [1, 1]} : vector<1024x256xf32> to vector<1024x64xf32>
    %reduce_sum3A = arith.constant dense<0.000000e+00> : vector<1024xf32>
    %reduce_sum3A_5 = vector.multi_reduction <add>, %slice3A, %reduce_sum3A [1] : vector<1024x64xf32> to vector<1024xf32>
    %broadcast_in_dim3A = vector.shape_cast %reduce_sum3A_5 : vector<1024xf32> to vector<1024x1xf32>
    %slice3A_6 = vector.extract_strided_slice %mul3A {offsets = [0, 64], sizes = [1024, 64], strides = [1, 1]} : vector<1024x256xf32> to vector<1024x64xf32>
    %reduce_sum3A_7 = arith.constant dense<0.000000e+00> : vector<1024xf32>
    %reduce_sum3A_8 = vector.multi_reduction <add>, %slice3A_6, %reduce_sum3A_7 [1] : vector<1024x64xf32> to vector<1024xf32>
    %broadcast_in_dim3A_9 = vector.shape_cast %reduce_sum3A_8 : vector<1024xf32> to vector<1024x1xf32>
    %slice3A_10 = vector.extract_strided_slice %mul3A {offsets = [0, 128], sizes = [1024, 64], strides = [1, 1]} : vector<1024x256xf32> to vector<1024x64xf32>
    %reduce_sum3A_11 = arith.constant dense<0.000000e+00> : vector<1024xf32>
    %reduce_sum3A_12 = vector.multi_reduction <add>, %slice3A_10, %reduce_sum3A_11 [1] : vector<1024x64xf32> to vector<1024xf32>
    %broadcast_in_dim3A_13 = vector.shape_cast %reduce_sum3A_12 : vector<1024xf32> to vector<1024x1xf32>
    %slice3A_14 = vector.extract_strided_slice %mul3A {offsets = [0, 192], sizes = [1024, 64], strides = [1, 1]} : vector<1024x256xf32> to vector<1024x64xf32>
    %reduce_sum3A_15 = arith.constant dense<0.000000e+00> : vector<1024xf32>
    %reduce_sum3A_16 = vector.multi_reduction <add>, %slice3A_14, %reduce_sum3A_15 [1] : vector<1024x64xf32> to vector<1024xf32>
    %broadcast_in_dim3A_17 = vector.shape_cast %reduce_sum3A_16 : vector<1024xf32> to vector<1024x1xf32>
    %concatenate3A = tpu.concatenate %broadcast_in_dim3A, %broadcast_in_dim3A_9, %broadcast_in_dim3A_13, %broadcast_in_dim3A_17 in 1 : vector<1024x1xf32>, vector<1024x1xf32>, vector<1024x1xf32>, vector<1024x1xf32> -> vector<1024x4xf32>
    %swap3A = arith.constant 0 : index
    %swap3A_18 = arith.constant 0 : index
    %swap3A_19 = vector.load %arg3[%swap3A, %swap3A_18] : memref<1024x4xf32, #tpu.memory_space<vmem>>, vector<1024x4xf32>
    tpu.vector_store %arg3[%swap3A, %swap3A_18], %concatenate3A {strides = array<i32>} : memref<1024x4xf32, #tpu.memory_space<vmem>>, vector<1024x4xf32>,
    return
  }
  func.func @transform_0(%arg0: i32) -> (i32, i32) {
    %c0_i32 = arith.constant 0 : i32
    %c0_i32_0 = arith.constant 0 : i32
    return %arg0, %c0_i32 : i32, i32
  }
  func.func @transform_1(%arg0: i32) -> (i32, i32) {
    %c0_i32 = arith.constant 0 : i32
    %c0_i32_0 = arith.constant 0 : i32
    return %arg0, %c0_i32 : i32, i32
  }
  func.func @transform_2(%arg0: i32) -> (i32, i32) {
    %c0_i32 = arith.constant 0 : i32
    %c0_i32_0 = arith.constant 0 : i32
    return %arg0, %c0_i32 : i32, i32
  }
}

module attributes {stable_mosaic.version = 14 : i64} {
  func.func @_gmax_body(%arg0: i32, %arg1: memref<1024x4xf32, #tpu.memory_space<vmem>>, %arg2: memref<1x1xf32, #tpu.memory_space<vmem>>) attributes {dimension_semantics = [#tpu.dimension_semantics<arbitrary>], iteration_bounds = array<i64: 160>, scalar_prefetch = 0 : i64, scratch_operands = 0 : i64, tpu.core_type = #tpu.core_type<tc>, window_params = [{transform_indices = @transform_0, window_bounds = array<i64: 1024, 4>}, {pipeline_mode = #tpu.pipeline_mode<synchronous>, transform_indices = @transform_1, window_bounds = array<i64: 1, 1>}]} {
    %get3A = arith.constant 0 : index
    %get3A_0 = arith.constant 0 : index
    %get3A_1 = vector.load %arg1[%get3A, %get3A_0] : memref<1024x4xf32, #tpu.memory_space<vmem>>, vector<1024x4xf32>
    %reduce_max3A = vector.shape_cast %get3A_1 : vector<1024x4xf32> to vector<1x1024x4xf32>
    %reduce_max3A_2 = arith.constant dense<0xFF800000> : vector<1xf32>
    %reduce_max3A_3 = vector.multi_reduction <maximumf>, %reduce_max3A, %reduce_max3A_2 [1, 2] : vector<1x1024x4xf32> to vector<1xf32>
    %reduce_max3A_4 = vector.shape_cast %reduce_max3A_3 : vector<1xf32> to vector<1x1x1xf32>
    %reduce_max3A_5 = vector.extract %reduce_max3A_4[0, 0, 0] : f32 from vector<1x1x1xf32>
    %reshape3A = vector.broadcast %reduce_max3A_5 : f32 to vector<1x1xf32>
    %eq3A = arith.constant 0 : i32
    %eq3A_6 = arith.cmpi eq, %arg0, %eq3A : i32
    %convert_element_type3A = arith.extui %eq3A_6 : i1 to i32
    %cond3A = arith.constant 0 : i32
    %cond3A_7 = arith.cmpi ne, %convert_element_type3A, %cond3A : i32
    scf.if %cond3A_7 {
      %swap3A = arith.constant 0 : index
      %swap3A_12 = arith.constant 0 : index
      %swap3A_13 = vector.load %arg2[%swap3A, %swap3A_12] : memref<1x1xf32, #tpu.memory_space<vmem>>, vector<1x1xf32>
      tpu.vector_store %arg2[%swap3A, %swap3A_12], %reshape3A {strides = array<i32>} : memref<1x1xf32, #tpu.memory_space<vmem>>, vector<1x1xf32>,
    } else {
    }
    %gt3A = arith.constant 0 : i32
    %gt3A_8 = arith.cmpi sgt, %arg0, %gt3A : i32
    %convert_element_type3A_9 = arith.extui %gt3A_8 : i1 to i32
    %cond3A_10 = arith.constant 0 : i32
    %cond3A_11 = arith.cmpi ne, %convert_element_type3A_9, %cond3A_10 : i32
    scf.if %cond3A_11 {
      %get3A_12 = arith.constant 0 : index
      %get3A_13 = arith.constant 0 : index
      %get3A_14 = vector.load %arg2[%get3A_12, %get3A_13] : memref<1x1xf32, #tpu.memory_space<vmem>>, vector<1x1xf32>
      %max3A = arith.maximumf %get3A_14, %reshape3A : vector<1x1xf32>
      %swap3A = arith.constant 0 : index
      %swap3A_15 = arith.constant 0 : index
      %swap3A_16 = vector.load %arg2[%swap3A, %swap3A_15] : memref<1x1xf32, #tpu.memory_space<vmem>>, vector<1x1xf32>
      tpu.vector_store %arg2[%swap3A, %swap3A_15], %max3A {strides = array<i32>} : memref<1x1xf32, #tpu.memory_space<vmem>>, vector<1x1xf32>,
    } else {
    }
    return
  }
  func.func @transform_0(%arg0: i32) -> (i32, i32) {
    %c0_i32 = arith.constant 0 : i32
    %c0_i32_0 = arith.constant 0 : i32
    return %arg0, %c0_i32 : i32, i32
  }
  func.func @transform_1(%arg0: i32) -> (i32, i32) {
    %c0_i32 = arith.constant 0 : i32
    %c0_i32_0 = arith.constant 0 : i32
    %c0_i32_1 = arith.constant 0 : i32
    return %c0_i32, %c0_i32_0 : i32, i32
  }
}

module attributes {stable_mosaic.version = 14 : i64} {
  func.func @_ex_body(%arg0: i32, %arg1: memref<1024x4xf32, #tpu.memory_space<vmem>>, %arg2: memref<1x1xf32, #tpu.memory_space<vmem>>, %arg3: memref<1024x16xf32, #tpu.memory_space<vmem>>) attributes {dimension_semantics = [#tpu.dimension_semantics<arbitrary>], iteration_bounds = array<i64: 160>, scalar_prefetch = 0 : i64, scratch_operands = 0 : i64, tpu.core_type = #tpu.core_type<tc>, window_params = [{transform_indices = @transform_0, window_bounds = array<i64: 1024, 4>}, {pipeline_mode = #tpu.pipeline_mode<synchronous>, transform_indices = @transform_1, window_bounds = array<i64: 1, 1>}, {transform_indices = @transform_2, window_bounds = array<i64: 1024, 16>}]} {
    %get3A = arith.constant 0 : index
    %get3A_0 = arith.constant 0 : index
    %get3A_1 = vector.load %arg1[%get3A, %get3A_0] : memref<1024x4xf32, #tpu.memory_space<vmem>>, vector<1024x4xf32>
    %get3A_2 = arith.constant 0 : index
    %get3A_3 = arith.constant 0 : index
    %get3A_4 = vector.load %arg2[%get3A_2, %get3A_3] : memref<1x1xf32, #tpu.memory_space<vmem>>, vector<1x1xf32>
    %get3A_5 = vector.extract %get3A_4[0, 0] : f32 from vector<1x1xf32>
    %sub3A = vector.broadcast %get3A_5 : f32 to vector<1024x4xf32>
    %sub3A_6 = arith.subf %get3A_1, %sub3A : vector<1024x4xf32>
    %exp3A = math.exp %sub3A_6 : vector<1024x4xf32>
    %broadcast_in_dim3A = arith.constant 0.000000e+00 : f32
    %broadcast_in_dim3A_7 = vector.broadcast %broadcast_in_dim3A : f32 to vector<1024x12xf32>
    %concatenate3A = tpu.concatenate %exp3A, %broadcast_in_dim3A_7 in 1 : vector<1024x4xf32>, vector<1024x12xf32> -> vector<1024x16xf32>
    %swap3A = arith.constant 0 : index
    %swap3A_8 = arith.constant 0 : index
    %swap3A_9 = vector.load %arg3[%swap3A, %swap3A_8] : memref<1024x16xf32, #tpu.memory_space<vmem>>, vector<1024x16xf32>
    tpu.vector_store %arg3[%swap3A, %swap3A_8], %concatenate3A {strides = array<i32>} : memref<1024x16xf32, #tpu.memory_space<vmem>>, vector<1024x16xf32>,
    return
  }
  func.func @transform_0(%arg0: i32) -> (i32, i32) {
    %c0_i32 = arith.constant 0 : i32
    %c0_i32_0 = arith.constant 0 : i32
    return %arg0, %c0_i32 : i32, i32
  }
  func.func @transform_1(%arg0: i32) -> (i32, i32) {
    %c0_i32 = arith.constant 0 : i32
    %c0_i32_0 = arith.constant 0 : i32
    %c0_i32_1 = arith.constant 0 : i32
    return %c0_i32, %c0_i32_0 : i32, i32
  }
  func.func @transform_2(%arg0: i32) -> (i32, i32) {
    %c0_i32 = arith.constant 0 : i32
    %c0_i32_0 = arith.constant 0 : i32
    return %arg0, %c0_i32 : i32, i32
  }
}

module attributes {stable_mosaic.version = 14 : i64} {
  func.func @_wv_body(%arg0: i32, %arg1: memref<1024x256xf32, #tpu.memory_space<vmem>>, %arg2: memref<1024x16xf32, #tpu.memory_space<vmem>>, %arg3: memref<1024x128xf32, #tpu.memory_space<vmem>>, %arg4: memref<1024x128xf32, #tpu.memory_space<vmem>>) attributes {dimension_semantics = [#tpu.dimension_semantics<arbitrary>], iteration_bounds = array<i64: 160>, scalar_prefetch = 0 : i64, scratch_operands = 0 : i64, tpu.core_type = #tpu.core_type<tc>, window_params = [{transform_indices = @transform_0, window_bounds = array<i64: 1024, 256>}, {transform_indices = @transform_1, window_bounds = array<i64: 1024, 16>}, {transform_indices = @transform_2, window_bounds = array<i64: 1024, 128>}, {transform_indices = @transform_3, window_bounds = array<i64: 1024, 128>}]} {
    %get3A = arith.constant 0 : index
    %get3A_0 = arith.constant 0 : index
    %get3A_1 = vector.load %arg2[%get3A, %get3A_0] : memref<1024x16xf32, #tpu.memory_space<vmem>>, vector<1024x16xf32>
    %slice3A = vector.extract_strided_slice %get3A_1 {offsets = [0, 0], sizes = [1024, 4], strides = [1, 1]} : vector<1024x16xf32> to vector<1024x4xf32>
    %slice3A_2 = vector.extract_strided_slice %slice3A {offsets = [0, 0], sizes = [1024, 1], strides = [1, 1]} : vector<1024x4xf32> to vector<1024x1xf32>
    %broadcast_in_dim3A = vector.shape_cast %slice3A_2 : vector<1024x1xf32> to vector<1024x1xf32>
    %broadcast_in_dim3A_3 = vector.broadcast %broadcast_in_dim3A : vector<1024x1xf32> to vector<1024x64xf32>
    %slice3A_4 = vector.extract_strided_slice %slice3A {offsets = [0, 1], sizes = [1024, 1], strides = [1, 1]} : vector<1024x4xf32> to vector<1024x1xf32>
    %broadcast_in_dim3A_5 = vector.shape_cast %slice3A_4 : vector<1024x1xf32> to vector<1024x1xf32>
    %broadcast_in_dim3A_6 = vector.broadcast %broadcast_in_dim3A_5 : vector<1024x1xf32> to vector<1024x64xf32>
    %slice3A_7 = vector.extract_strided_slice %slice3A {offsets = [0, 2], sizes = [1024, 1], strides = [1, 1]} : vector<1024x4xf32> to vector<1024x1xf32>
    %broadcast_in_dim3A_8 = vector.shape_cast %slice3A_7 : vector<1024x1xf32> to vector<1024x1xf32>
    %broadcast_in_dim3A_9 = vector.broadcast %broadcast_in_dim3A_8 : vector<1024x1xf32> to vector<1024x64xf32>
    %slice3A_10 = vector.extract_strided_slice %slice3A {offsets = [0, 3], sizes = [1024, 1], strides = [1, 1]} : vector<1024x4xf32> to vector<1024x1xf32>
    %broadcast_in_dim3A_11 = vector.shape_cast %slice3A_10 : vector<1024x1xf32> to vector<1024x1xf32>
    %broadcast_in_dim3A_12 = vector.broadcast %broadcast_in_dim3A_11 : vector<1024x1xf32> to vector<1024x64xf32>
    %concatenate3A = tpu.concatenate %broadcast_in_dim3A_3, %broadcast_in_dim3A_6, %broadcast_in_dim3A_9, %broadcast_in_dim3A_12 in 1 : vector<1024x64xf32>, vector<1024x64xf32>, vector<1024x64xf32>, vector<1024x64xf32> -> vector<1024x256xf32>
    %get3A_13 = arith.constant 0 : index
    %get3A_14 = arith.constant 0 : index
    %get3A_15 = vector.load %arg1[%get3A_13, %get3A_14] : memref<1024x256xf32, #tpu.memory_space<vmem>>, vector<1024x256xf32>
    %mul3A = arith.mulf %get3A_15, %concatenate3A : vector<1024x256xf32>
    %slice3A_16 = vector.extract_strided_slice %mul3A {offsets = [0, 0], sizes = [1024, 128], strides = [1, 1]} : vector<1024x256xf32> to vector<1024x128xf32>
    %swap3A = arith.constant 0 : index
    %swap3A_17 = arith.constant 0 : index
    %swap3A_18 = vector.load %arg3[%swap3A, %swap3A_17] : memref<1024x128xf32, #tpu.memory_space<vmem>>, vector<1024x128xf32>
    tpu.vector_store %arg3[%swap3A, %swap3A_17], %slice3A_16 {strides = array<i32>} : memref<1024x128xf32, #tpu.memory_space<vmem>>, vector<1024x128xf32>,
    %slice3A_19 = vector.extract_strided_slice %mul3A {offsets = [0, 128], sizes = [1024, 128], strides = [1, 1]} : vector<1024x256xf32> to vector<1024x128xf32>
    %swap3A_20 = arith.constant 0 : index
    %swap3A_21 = arith.constant 0 : index
    %swap3A_22 = vector.load %arg4[%swap3A_20, %swap3A_21] : memref<1024x128xf32, #tpu.memory_space<vmem>>, vector<1024x128xf32>
    tpu.vector_store %arg4[%swap3A_20, %swap3A_21], %slice3A_19 {strides = array<i32>} : memref<1024x128xf32, #tpu.memory_space<vmem>>, vector<1024x128xf32>,
    return
  }
  func.func @transform_0(%arg0: i32) -> (i32, i32) {
    %c0_i32 = arith.constant 0 : i32
    %c0_i32_0 = arith.constant 0 : i32
    return %arg0, %c0_i32 : i32, i32
  }
  func.func @transform_1(%arg0: i32) -> (i32, i32) {
    %c0_i32 = arith.constant 0 : i32
    %c0_i32_0 = arith.constant 0 : i32
    return %arg0, %c0_i32 : i32, i32
  }
  func.func @transform_2(%arg0: i32) -> (i32, i32) {
    %c0_i32 = arith.constant 0 : i32
    %c0_i32_0 = arith.constant 0 : i32
    return %arg0, %c0_i32 : i32, i32
  }
  func.func @transform_3(%arg0: i32) -> (i32, i32) {
    %c0_i32 = arith.constant 0 : i32
    %c0_i32_0 = arith.constant 0 : i32
    return %arg0, %c0_i32 : i32, i32
  }
}

module attributes {stable_mosaic.version = 14 : i64} {
  func.func @_mid_body(%arg0: i32, %arg1: i32, %arg2: memref<2x512x128xf32, #tpu.memory_space<vmem>>, %arg3: memref<512x128xf32, #tpu.memory_space<vmem>>, %arg4: memref<512x1xf32, #tpu.memory_space<vmem>>, %arg5: memref<512x128xf32, #tpu.memory_space<vmem>>) attributes {dimension_semantics = [#tpu.dimension_semantics<arbitrary>, #tpu.dimension_semantics<arbitrary>], iteration_bounds = array<i64: 20, 2>, scalar_prefetch = 0 : i64, scratch_operands = 0 : i64, tpu.core_type = #tpu.core_type<tc>, window_params = [{transform_indices = @transform_0, window_bounds = array<i64: 2, 512, 128>}, {transform_indices = @transform_1, window_bounds = array<i64: 512, 128>}, {transform_indices = @transform_2, window_bounds = array<i64: 512, 1>}, {transform_indices = @transform_3, window_bounds = array<i64: 512, 128>}]} {
    %get3A = arith.constant 0 : index
    %get3A_0 = arith.constant 0 : index
    %get3A_1 = arith.constant 0 : index
    %get3A_2 = vector.load %arg2[%get3A, %get3A_0, %get3A_1] : memref<2x512x128xf32, #tpu.memory_space<vmem>>, vector<2x512x128xf32>
    %slice3A = vector.extract_strided_slice %get3A_2 {offsets = [0, 0, 0], sizes = [1, 512, 1], strides = [1, 1, 1]} : vector<2x512x128xf32> to vector<1x512x1xf32>
    %squeeze3A = vector.shape_cast %slice3A : vector<1x512x1xf32> to vector<512x1xf32>
    %slice3A_3 = vector.extract_strided_slice %get3A_2 {offsets = [1, 0, 0], sizes = [1, 512, 1], strides = [1, 1, 1]} : vector<2x512x128xf32> to vector<1x512x1xf32>
    %squeeze3A_4 = vector.shape_cast %slice3A_3 : vector<1x512x1xf32> to vector<512x1xf32>
    %add3A = arith.addf %squeeze3A, %squeeze3A_4 : vector<512x1xf32>
    %gt3A = arith.constant 0.000000e+00 : f32
    %gt3A_5 = vector.broadcast %gt3A : f32 to vector<512x1xf32>
    %gt3A_6 = arith.cmpf ogt, %add3A, %gt3A_5 : vector<512x1xf32>
    %gt3A_7 = arith.constant 0.000000e+00 : f32
    %gt3A_8 = vector.broadcast %gt3A_7 : f32 to vector<512x1xf32>
    %gt3A_9 = arith.cmpf ogt, %add3A, %gt3A_8 : vector<512x1xf32>
    %jit3A = arith.constant 1.000000e+00 : f32
    %broadcast_in_dim3A = vector.broadcast %jit3A : f32 to vector<512x1xf32>
    %select_n3A = arith.select %gt3A_9, %add3A, %broadcast_in_dim3A : vector<512x1xi1>, vector<512x1xf32>
    %sqrt3A = math.sqrt %select_n3A : vector<512x1xf32>
    %div3A = arith.constant 1.000000e+00 : f32
    %div3A_10 = vector.broadcast %div3A : f32 to vector<512x1xf32>
    %div3A_11 = arith.divf %div3A_10, %sqrt3A : vector<512x1xf32>
    %jit3A_12 = arith.constant 0.000000e+00 : f32
    %broadcast_in_dim3A_13 = vector.broadcast %jit3A_12 : f32 to vector<512x1xf32>
    %select_n3A_14 = arith.select %gt3A_6, %div3A_11, %broadcast_in_dim3A_13 : vector<512x1xi1>, vector<512x1xf32>
    %swap3A = arith.constant 0 : index
    %swap3A_15 = arith.constant 0 : index
    %swap3A_16 = vector.load %arg4[%swap3A, %swap3A_15] : memref<512x1xf32, #tpu.memory_space<vmem>>, vector<512x1xf32>
    tpu.vector_store %arg4[%swap3A, %swap3A_15], %select_n3A_14 {strides = array<i32>} : memref<512x1xf32, #tpu.memory_space<vmem>>, vector<512x1xf32>,
    %get3A_17 = arith.constant 0 : index
    %get3A_18 = arith.constant 0 : index
    %get3A_19 = vector.load %arg3[%get3A_17, %get3A_18] : memref<512x128xf32, #tpu.memory_space<vmem>>, vector<512x128xf32>
    %mul3A = vector.broadcast %select_n3A_14 : vector<512x1xf32> to vector<512x128xf32>
    %mul3A_20 = arith.mulf %get3A_19, %mul3A : vector<512x128xf32>
    %swap3A_21 = arith.constant 0 : index
    %swap3A_22 = arith.constant 0 : index
    %swap3A_23 = vector.load %arg5[%swap3A_21, %swap3A_22] : memref<512x128xf32, #tpu.memory_space<vmem>>, vector<512x128xf32>
    tpu.vector_store %arg5[%swap3A_21, %swap3A_22], %mul3A_20 {strides = array<i32>} : memref<512x128xf32, #tpu.memory_space<vmem>>, vector<512x128xf32>,
    return
  }
  func.func @transform_0(%arg0: i32, %arg1: i32) -> (i32, i32, i32) {
    %c0_i32 = arith.constant 0 : i32
    %c0_i32_0 = arith.constant 0 : i32
    %c0_i32_1 = arith.constant 0 : i32
    return %c0_i32, %arg0, %c0_i32_0 : i32, i32, i32
  }
  func.func @transform_1(%arg0: i32, %arg1: i32) -> (i32, i32) {
    %mul3A = arith.constant 20 : i32
    %mul3A_0 = arith.muli %arg1, %mul3A : i32
    %add3A = arith.addi %mul3A_0, %arg0 : i32
    %c0_i32 = arith.constant 0 : i32
    %c0_i32_1 = arith.constant 0 : i32
    return %add3A, %c0_i32 : i32, i32
  }
  func.func @transform_2(%arg0: i32, %arg1: i32) -> (i32, i32) {
    %c0_i32 = arith.constant 0 : i32
    %c0_i32_0 = arith.constant 0 : i32
    return %arg0, %c0_i32 : i32, i32
  }
  func.func @transform_3(%arg0: i32, %arg1: i32) -> (i32, i32) {
    %mul3A = arith.constant 20 : i32
    %mul3A_0 = arith.muli %arg1, %mul3A : i32
    %add3A = arith.addi %mul3A_0, %arg0 : i32
    %c0_i32 = arith.constant 0 : i32
    %c0_i32_1 = arith.constant 0 : i32
    return %add3A, %c0_i32 : i32, i32
  }
}

module attributes {stable_mosaic.version = 14 : i64} {
  func.func @_den_body(%arg0: i32, %arg1: memref<2x512x128xf32, #tpu.memory_space<vmem>>, %arg2: memref<512x16xf32, #tpu.memory_space<vmem>>) attributes {dimension_semantics = [#tpu.dimension_semantics<arbitrary>], iteration_bounds = array<i64: 20>, scalar_prefetch = 0 : i64, scratch_operands = 0 : i64, tpu.core_type = #tpu.core_type<tc>, window_params = [{transform_indices = @transform_0, window_bounds = array<i64: 2, 512, 128>}, {transform_indices = @transform_1, window_bounds = array<i64: 512, 16>}]} {
    %get3A = arith.constant 0 : index
    %get3A_0 = arith.constant 0 : index
    %get3A_1 = arith.constant 0 : index
    %get3A_2 = vector.load %arg1[%get3A, %get3A_0, %get3A_1] : memref<2x512x128xf32, #tpu.memory_space<vmem>>, vector<1x512x128xf32>
    %get3A_3 = vector.shape_cast %get3A_2 : vector<1x512x128xf32> to vector<512x128xf32>
    %slice3A = vector.extract_strided_slice %get3A_3 {offsets = [0, 0], sizes = [512, 16], strides = [1, 1]} : vector<512x128xf32> to vector<512x16xf32>
    %get3A_4 = arith.constant 1 : index
    %get3A_5 = arith.constant 0 : index
    %get3A_6 = arith.constant 0 : index
    %get3A_7 = vector.load %arg1[%get3A_4, %get3A_5, %get3A_6] : memref<2x512x128xf32, #tpu.memory_space<vmem>>, vector<1x512x128xf32>
    %get3A_8 = vector.shape_cast %get3A_7 : vector<1x512x128xf32> to vector<512x128xf32>
    %slice3A_9 = vector.extract_strided_slice %get3A_8 {offsets = [0, 0], sizes = [512, 16], strides = [1, 1]} : vector<512x128xf32> to vector<512x16xf32>
    %add3A = arith.addf %slice3A, %slice3A_9 : vector<512x16xf32>
    %gt3A = arith.constant 0.000000e+00 : f32
    %gt3A_10 = vector.broadcast %gt3A : f32 to vector<512x16xf32>
    %gt3A_11 = arith.cmpf ogt, %add3A, %gt3A_10 : vector<512x16xf32>
    %jit3A = arith.constant 1.000000e+00 : f32
    %broadcast_in_dim3A = vector.broadcast %jit3A : f32 to vector<512x16xf32>
    %select_n3A = arith.select %gt3A_11, %add3A, %broadcast_in_dim3A : vector<512x16xi1>, vector<512x16xf32>
    %swap3A = arith.constant 0 : index
    %swap3A_12 = arith.constant 0 : index
    %swap3A_13 = vector.load %arg2[%swap3A, %swap3A_12] : memref<512x16xf32, #tpu.memory_space<vmem>>, vector<512x16xf32>
    tpu.vector_store %arg2[%swap3A, %swap3A_12], %select_n3A {strides = array<i32>} : memref<512x16xf32, #tpu.memory_space<vmem>>, vector<512x16xf32>,
    return
  }
  func.func @transform_0(%arg0: i32) -> (i32, i32, i32) {
    %c0_i32 = arith.constant 0 : i32
    %c0_i32_0 = arith.constant 0 : i32
    %c0_i32_1 = arith.constant 0 : i32
    return %c0_i32, %arg0, %c0_i32_0 : i32, i32, i32
  }
  func.func @transform_1(%arg0: i32) -> (i32, i32) {
    %c0_i32 = arith.constant 0 : i32
    %c0_i32_0 = arith.constant 0 : i32
    return %arg0, %c0_i32 : i32, i32
  }
}

module attributes {stable_mosaic.version = 14 : i64} {
  func.func @_final_body(%arg0: i32, %arg1: memref<2x400x128xf32, #tpu.memory_space<vmem>>, %arg2: memref<2x2x400x128xf32, #tpu.memory_space<vmem>>, %arg3: memref<400x16xf32, #tpu.memory_space<vmem>>, %arg4: memref<400x1xf32, #tpu.memory_space<vmem>>, %arg5: memref<400x256xf32, #tpu.memory_space<vmem>>, %arg6: memref<1x256xf32, #tpu.memory_space<vmem>>, %arg7: memref<768x1xf32, #tpu.memory_space<vmem>>, %arg8: memref<1x256xf32, #tpu.memory_space<vmem>>, %arg9: memref<1x256xf32, #tpu.memory_space<vmem>>, %arg10: memref<1x256xf32, #tpu.memory_space<vmem>>, %arg11: memref<1x256xf32, #tpu.memory_space<vmem>>, %arg12: memref<256x512xf32, #tpu.memory_space<vmem>>, %arg13: memref<512x256xf32, #tpu.memory_space<vmem>>, %arg14: memref<1x1xf32, #tpu.memory_space<vmem>>, %arg15: memref<1x1xf32, #tpu.memory_space<vmem>>, %arg16: memref<400x256xf32, #tpu.memory_space<vmem>>) attributes {dimension_semantics = [#tpu.dimension_semantics<arbitrary>], iteration_bounds = array<i64: 25>, scalar_prefetch = 0 : i64, scratch_operands = 0 : i64, tpu.core_type = #tpu.core_type<tc>, window_params = [{transform_indices = @transform_0, window_bounds = array<i64: 2, 400, 128>}, {transform_indices = @transform_1, window_bounds = array<i64: 2, 2, 400, 128>}, {transform_indices = @transform_2, window_bounds = array<i64: 400, 16>}, {transform_indices = @transform_3, window_bounds = array<i64: 400, 1>}, {transform_indices = @transform_4, window_bounds = array<i64: 400, 256>}, {pipeline_mode = #tpu.pipeline_mode<synchronous>, transform_indices = @transform_5, window_bounds = array<i64: 1, 256>}, {pipeline_mode = #tpu.pipeline_mode<synchronous>, transform_indices = @transform_6, window_bounds = array<i64: 768, 1>}, {pipeline_mode = #tpu.pipeline_mode<synchronous>, transform_indices = @transform_7, window_bounds = array<i64: 1, 256>}, {pipeline_mode = #tpu.pipeline_mode<synchronous>, transform_indices = @transform_8, window_bounds = array<i64: 1, 256>}, {pipeline_mode = #tpu.pipeline_mode<synchronous>, transform_indices = @transform_9, window_bounds = array<i64: 1, 256>}, {pipeline_mode = #tpu.pipeline_mode<synchronous>, transform_indices = @transform_10, window_bounds = array<i64: 1, 256>}, {pipeline_mode = #tpu.pipeline_mode<synchronous>, transform_indices = @transform_11, window_bounds = array<i64: 256, 512>}, {pipeline_mode = #tpu.pipeline_mode<synchronous>, transform_indices = @transform_12, window_bounds = array<i64: 512, 256>}, {pipeline_mode = #tpu.pipeline_mode<synchronous>, transform_indices = @transform_13, window_bounds = array<i64: 1, 1>}, {pipeline_mode = #tpu.pipeline_mode<synchronous>, transform_indices = @transform_14, window_bounds = array<i64: 1, 1>}, {transform_indices = @transform_15, window_bounds = array<i64: 400, 256>}]} {
    %get3A = arith.constant 0 : index
    %get3A_0 = arith.constant 0 : index
    %get3A_1 = arith.constant 0 : index
    %get3A_2 = vector.load %arg1[%get3A, %get3A_0, %get3A_1] : memref<2x400x128xf32, #tpu.memory_space<vmem>>, vector<2x400x128xf32>
    %slice3A = vector.extract_strided_slice %get3A_2 {offsets = [0, 0, 0], sizes = [1, 400, 128], strides = [1, 1, 1]} : vector<2x400x128xf32> to vector<1x400x128xf32>
    %squeeze3A = vector.shape_cast %slice3A : vector<1x400x128xf32> to vector<400x128xf32>
    %slice3A_3 = vector.extract_strided_slice %get3A_2 {offsets = [1, 0, 0], sizes = [1, 400, 128], strides = [1, 1, 1]} : vector<2x400x128xf32> to vector<1x400x128xf32>
    %squeeze3A_4 = vector.shape_cast %slice3A_3 : vector<1x400x128xf32> to vector<400x128xf32>
    %concatenate3A = tpu.concatenate %squeeze3A, %squeeze3A_4 in 1 : vector<400x128xf32>, vector<400x128xf32> -> vector<400x256xf32>
    %get3A_5 = arith.constant 0 : index
    %get3A_6 = arith.constant 0 : index
    %get3A_7 = vector.load %arg4[%get3A_5, %get3A_6] : memref<400x1xf32, #tpu.memory_space<vmem>>, vector<400x1xf32>
    %mul3A = vector.broadcast %get3A_7 : vector<400x1xf32> to vector<400x256xf32>
    %mul3A_8 = arith.mulf %concatenate3A, %mul3A : vector<400x256xf32>
    %get3A_9 = arith.constant 0 : index
    %get3A_10 = arith.constant 0 : index
    %get3A_11 = vector.load %arg6[%get3A_9, %get3A_10] : memref<1x256xf32, #tpu.memory_space<vmem>>, vector<1x256xf32>
    %add3A = vector.broadcast %get3A_11 : vector<1x256xf32> to vector<400x256xf32>
    %add3A_12 = arith.addf %mul3A_8, %add3A : vector<400x256xf32>
    %get3A_13 = arith.constant 0 : index
    %get3A_14 = arith.constant 0 : index
    %get3A_15 = arith.constant 0 : index
    %get3A_16 = arith.constant 0 : index
    %get3A_17 = vector.load %arg2[%get3A_13, %get3A_14, %get3A_15, %get3A_16] : memref<2x2x400x128xf32, #tpu.memory_space<vmem>>, vector<2x2x400x128xf32>
    %slice3A_18 = vector.extract_strided_slice %get3A_17 {offsets = [0, 0, 0, 0], sizes = [1, 1, 400, 128], strides = [1, 1, 1, 1]} : vector<2x2x400x128xf32> to vector<1x1x400x128xf32>
    %squeeze3A_19 = vector.shape_cast %slice3A_18 : vector<1x1x400x128xf32> to vector<400x128xf32>
    %slice3A_20 = vector.extract_strided_slice %get3A_17 {offsets = [1, 0, 0, 0], sizes = [1, 1, 400, 128], strides = [1, 1, 1, 1]} : vector<2x2x400x128xf32> to vector<1x1x400x128xf32>
    %squeeze3A_21 = vector.shape_cast %slice3A_20 : vector<1x1x400x128xf32> to vector<400x128xf32>
    %add3A_22 = arith.addf %squeeze3A_19, %squeeze3A_21 : vector<400x128xf32>
    %slice3A_23 = vector.extract_strided_slice %get3A_17 {offsets = [0, 1, 0, 0], sizes = [1, 1, 400, 128], strides = [1, 1, 1, 1]} : vector<2x2x400x128xf32> to vector<1x1x400x128xf32>
    %squeeze3A_24 = vector.shape_cast %slice3A_23 : vector<1x1x400x128xf32> to vector<400x128xf32>
    %slice3A_25 = vector.extract_strided_slice %get3A_17 {offsets = [1, 1, 0, 0], sizes = [1, 1, 400, 128], strides = [1, 1, 1, 1]} : vector<2x2x400x128xf32> to vector<1x1x400x128xf32>
    %squeeze3A_26 = vector.shape_cast %slice3A_25 : vector<1x1x400x128xf32> to vector<400x128xf32>
    %add3A_27 = arith.addf %squeeze3A_24, %squeeze3A_26 : vector<400x128xf32>
    %concatenate3A_28 = tpu.concatenate %add3A_22, %add3A_27 in 1 : vector<400x128xf32>, vector<400x128xf32> -> vector<400x256xf32>
    %get3A_29 = arith.constant 0 : index
    %get3A_30 = arith.constant 0 : index
    %get3A_31 = vector.load %arg3[%get3A_29, %get3A_30] : memref<400x16xf32, #tpu.memory_space<vmem>>, vector<400x16xf32>
    %slice3A_32 = vector.extract_strided_slice %get3A_31 {offsets = [0, 0], sizes = [400, 4], strides = [1, 1]} : vector<400x16xf32> to vector<400x4xf32>
    %slice3A_33 = vector.extract_strided_slice %slice3A_32 {offsets = [0, 0], sizes = [400, 1], strides = [1, 1]} : vector<400x4xf32> to vector<400x1xf32>
    %broadcast_in_dim3A = vector.shape_cast %slice3A_33 : vector<400x1xf32> to vector<400x1xf32>
    %broadcast_in_dim3A_34 = vector.broadcast %broadcast_in_dim3A : vector<400x1xf32> to vector<400x64xf32>
    %slice3A_35 = vector.extract_strided_slice %slice3A_32 {offsets = [0, 1], sizes = [400, 1], strides = [1, 1]} : vector<400x4xf32> to vector<400x1xf32>
    %broadcast_in_dim3A_36 = vector.shape_cast %slice3A_35 : vector<400x1xf32> to vector<400x1xf32>
    %broadcast_in_dim3A_37 = vector.broadcast %broadcast_in_dim3A_36 : vector<400x1xf32> to vector<400x64xf32>
    %slice3A_38 = vector.extract_strided_slice %slice3A_32 {offsets = [0, 2], sizes = [400, 1], strides = [1, 1]} : vector<400x4xf32> to vector<400x1xf32>
    %broadcast_in_dim3A_39 = vector.shape_cast %slice3A_38 : vector<400x1xf32> to vector<400x1xf32>
    %broadcast_in_dim3A_40 = vector.broadcast %broadcast_in_dim3A_39 : vector<400x1xf32> to vector<400x64xf32>
    %slice3A_41 = vector.extract_strided_slice %slice3A_32 {offsets = [0, 3], sizes = [400, 1], strides = [1, 1]} : vector<400x4xf32> to vector<400x1xf32>
    %broadcast_in_dim3A_42 = vector.shape_cast %slice3A_41 : vector<400x1xf32> to vector<400x1xf32>
    %broadcast_in_dim3A_43 = vector.broadcast %broadcast_in_dim3A_42 : vector<400x1xf32> to vector<400x64xf32>
    %concatenate3A_44 = tpu.concatenate %broadcast_in_dim3A_34, %broadcast_in_dim3A_37, %broadcast_in_dim3A_40, %broadcast_in_dim3A_43 in 1 : vector<400x64xf32>, vector<400x64xf32>, vector<400x64xf32>, vector<400x64xf32> -> vector<400x256xf32>
    %div3A = arith.divf %concatenate3A_28, %concatenate3A_44 : vector<400x256xf32>
    %get3A_45 = arith.constant 0 : index
    %get3A_46 = arith.constant 0 : index
    %get3A_47 = vector.load %arg5[%get3A_45, %get3A_46] : memref<400x256xf32, #tpu.memory_space<vmem>>, vector<400x256xf32>
    %get3A_48 = arith.constant 0 : index
    %get3A_49 = arith.constant 0 : index
    %get3A_50 = vector.load %arg7[%get3A_48, %get3A_49] : memref<768x1xf32, #tpu.memory_space<vmem>>, vector<768x1xf32>
    %slice3A_51 = vector.extract_strided_slice %get3A_50 {offsets = [0, 0], sizes = [256, 1], strides = [1, 1]} : vector<768x1xf32> to vector<256x1xf32>
    %slice3A_52 = vector.extract_strided_slice %get3A_50 {offsets = [512, 0], sizes = [256, 1], strides = [1, 1]} : vector<768x1xf32> to vector<256x1xf32>
    %add3A_53 = arith.addf %slice3A_51, %slice3A_52 : vector<256x1xf32>
    %slice3A_54 = vector.extract_strided_slice %get3A_50 {offsets = [256, 0], sizes = [256, 1], strides = [1, 1]} : vector<768x1xf32> to vector<256x1xf32>
    %slice3A_55 = vector.extract_strided_slice %get3A_50 {offsets = [512, 0], sizes = [256, 1], strides = [1, 1]} : vector<768x1xf32> to vector<256x1xf32>
    %sub3A = arith.subf %slice3A_54, %slice3A_55 : vector<256x1xf32>
    %dot_general3A = arith.constant dense<0.000000e+00> : vector<400x1xf32>
    %dot_general3A_56 = tpu.matmul %div3A, %add3A_53, %dot_general3A {dimension_numbers = #tpu.dot_dimension_numbers<[1], [0], [0], [1], [0, 0, 1, 1], [], []>, transpose_lhs_hint = false} : vector<400x256xf32>, vector<256x1xf32>, vector<400x1xf32> -> vector<400x1xf32>
    %dot_general3A_57 = arith.constant dense<0.000000e+00> : vector<400x1xf32>
    %dot_general3A_58 = tpu.matmul %get3A_47, %sub3A, %dot_general3A_57 {dimension_numbers = #tpu.dot_dimension_numbers<[1], [0], [0], [1], [0, 0, 1, 1], [], []>, transpose_lhs_hint = false} : vector<400x256xf32>, vector<256x1xf32>, vector<400x1xf32> -> vector<400x1xf32>
    %add3A_59 = arith.addf %dot_general3A_56, %dot_general3A_58 : vector<400x1xf32>
    %logistic3A = arith.negf %add3A_59 : vector<400x1xf32>
    %logistic3A_60 = math.exp %logistic3A : vector<400x1xf32>
    %logistic3A_61 = arith.constant 1.000000e+00 : f32
    %logistic3A_62 = vector.broadcast %logistic3A_61 : f32 to vector<400x1xf32>
    %logistic3A_63 = arith.addf %logistic3A_62, %logistic3A_60 : vector<400x1xf32>
    %logistic3A_64 = arith.divf %logistic3A_62, %logistic3A_63 : vector<400x1xf32>
    %mul3A_65 = vector.broadcast %logistic3A_64 : vector<400x1xf32> to vector<400x256xf32>
    %mul3A_66 = arith.mulf %mul3A_65, %get3A_47 : vector<400x256xf32>
    %sub3A_67 = arith.constant 1.000000e+00 : f32
    %sub3A_68 = vector.broadcast %sub3A_67 : f32 to vector<400x1xf32>
    %sub3A_69 = arith.subf %sub3A_68, %logistic3A_64 : vector<400x1xf32>
    %mul3A_70 = vector.broadcast %sub3A_69 : vector<400x1xf32> to vector<400x256xf32>
    %mul3A_71 = arith.mulf %mul3A_70, %div3A : vector<400x256xf32>
    %add3A_72 = arith.addf %mul3A_66, %mul3A_71 : vector<400x256xf32>
    %get3A_73 = arith.constant 0 : index
    %get3A_74 = arith.constant 0 : index
    %get3A_75 = vector.load %arg14[%get3A_73, %get3A_74] : memref<1x1xf32, #tpu.memory_space<vmem>>, vector<1x1xf32>
    %get3A_76 = vector.extract %get3A_75[0, 0] : f32 from vector<1x1xf32>
    %mul3A_77 = vector.broadcast %get3A_76 : f32 to vector<400x256xf32>
    %mul3A_78 = arith.mulf %mul3A_77, %add3A_12 : vector<400x256xf32>
    %get3A_79 = arith.constant 0 : index
    %get3A_80 = arith.constant 0 : index
    %get3A_81 = vector.load %arg15[%get3A_79, %get3A_80] : memref<1x1xf32, #tpu.memory_space<vmem>>, vector<1x1xf32>
    %get3A_82 = vector.extract %get3A_81[0, 0] : f32 from vector<1x1xf32>
    %mul3A_83 = vector.broadcast %get3A_82 : f32 to vector<400x256xf32>
    %mul3A_84 = arith.mulf %mul3A_83, %add3A_72 : vector<400x256xf32>
    %add3A_85 = arith.addf %mul3A_78, %mul3A_84 : vector<400x256xf32>
    %add3A_86 = arith.addf %add3A_85, %add3A_85 : vector<400x256xf32>
    %get3A_87 = arith.constant 0 : index
    %get3A_88 = arith.constant 0 : index
    %get3A_89 = vector.load %arg8[%get3A_87, %get3A_88] : memref<1x256xf32, #tpu.memory_space<vmem>>, vector<1x256xf32>
    %get3A_90 = arith.constant 0 : index
    %get3A_91 = arith.constant 0 : index
    %get3A_92 = vector.load %arg9[%get3A_90, %get3A_91] : memref<1x256xf32, #tpu.memory_space<vmem>>, vector<1x256xf32>
    %reduce_sum3A = arith.constant dense<0.000000e+00> : vector<400xf32>
    %reduce_sum3A_93 = vector.multi_reduction <add>, %add3A_86, %reduce_sum3A [1] : vector<400x256xf32> to vector<400xf32>
    %broadcast_in_dim3A_94 = vector.shape_cast %reduce_sum3A_93 : vector<400xf32> to vector<400x1xf32>
    %div3A_95 = arith.constant 2.560000e+02 : f32
    %div3A_96 = vector.broadcast %div3A_95 : f32 to vector<400x1xf32>
    %div3A_97 = arith.divf %broadcast_in_dim3A_94, %div3A_96 : vector<400x1xf32>
    %sub3A_98 = vector.broadcast %div3A_97 : vector<400x1xf32> to vector<400x256xf32>
    %sub3A_99 = arith.subf %add3A_86, %sub3A_98 : vector<400x256xf32>
    %integer_pow3A = arith.mulf %sub3A_99, %sub3A_99 : vector<400x256xf32>
    %reduce_sum3A_100 = arith.constant dense<0.000000e+00> : vector<400xf32>
    %reduce_sum3A_101 = vector.multi_reduction <add>, %integer_pow3A, %reduce_sum3A_100 [1] : vector<400x256xf32> to vector<400xf32>
    %broadcast_in_dim3A_102 = vector.shape_cast %reduce_sum3A_101 : vector<400xf32> to vector<400x1xf32>
    %div3A_103 = arith.constant 2.560000e+02 : f32
    %div3A_104 = vector.broadcast %div3A_103 : f32 to vector<400x1xf32>
    %div3A_105 = arith.divf %broadcast_in_dim3A_102, %div3A_104 : vector<400x1xf32>
    %sub3A_106 = vector.broadcast %div3A_97 : vector<400x1xf32> to vector<400x256xf32>
    %sub3A_107 = arith.subf %add3A_86, %sub3A_106 : vector<400x256xf32>
    %add3A_108 = arith.constant 9.99999974E-6 : f32
    %add3A_109 = vector.broadcast %add3A_108 : f32 to vector<400x1xf32>
    %add3A_110 = arith.addf %div3A_105, %add3A_109 : vector<400x1xf32>
    %sqrt3A = math.sqrt %add3A_110 : vector<400x1xf32>
    %div3A_111 = vector.broadcast %sqrt3A : vector<400x1xf32> to vector<400x256xf32>
    %div3A_112 = arith.divf %sub3A_107, %div3A_111 : vector<400x256xf32>
    %mul3A_113 = vector.broadcast %get3A_89 : vector<1x256xf32> to vector<400x256xf32>
    %mul3A_114 = arith.mulf %div3A_112, %mul3A_113 : vector<400x256xf32>
    %add3A_115 = vector.broadcast %get3A_92 : vector<1x256xf32> to vector<400x256xf32>
    %add3A_116 = arith.addf %mul3A_114, %add3A_115 : vector<400x256xf32>
    %get3A_117 = arith.constant 0 : index
    %get3A_118 = arith.constant 0 : index
    %get3A_119 = vector.load %arg12[%get3A_117, %get3A_118] : memref<256x512xf32, #tpu.memory_space<vmem>>, vector<256x512xf32>
    %dot_general3A_120 = arith.constant dense<0.000000e+00> : vector<400x512xf32>
    %dot_general3A_121 = tpu.matmul %add3A_116, %get3A_119, %dot_general3A_120 {dimension_numbers = #tpu.dot_dimension_numbers<[1], [0], [0], [1], [0, 0, 1, 1], [], []>, transpose_lhs_hint = false} : vector<400x256xf32>, vector<256x512xf32>, vector<400x512xf32> -> vector<400x512xf32>
    %max3A = arith.constant 0.000000e+00 : f32
    %max3A_122 = vector.broadcast %max3A : f32 to vector<400x512xf32>
    %max3A_123 = arith.maximumf %dot_general3A_121, %max3A_122 : vector<400x512xf32>
    %get3A_124 = arith.constant 0 : index
    %get3A_125 = arith.constant 0 : index
    %get3A_126 = vector.load %arg13[%get3A_124, %get3A_125] : memref<512x256xf32, #tpu.memory_space<vmem>>, vector<512x256xf32>
    %dot_general3A_127 = arith.constant dense<0.000000e+00> : vector<400x256xf32>
    %dot_general3A_128 = tpu.matmul %max3A_123, %get3A_126, %dot_general3A_127 {dimension_numbers = #tpu.dot_dimension_numbers<[1], [0], [0], [1], [0, 0, 1, 1], [], []>, transpose_lhs_hint = false} : vector<400x512xf32>, vector<512x256xf32>, vector<400x256xf32> -> vector<400x256xf32>
    %add3A_129 = arith.addf %dot_general3A_128, %add3A_116 : vector<400x256xf32>
    %get3A_130 = arith.constant 0 : index
    %get3A_131 = arith.constant 0 : index
    %get3A_132 = vector.load %arg10[%get3A_130, %get3A_131] : memref<1x256xf32, #tpu.memory_space<vmem>>, vector<1x256xf32>
    %get3A_133 = arith.constant 0 : index
    %get3A_134 = arith.constant 0 : index
    %get3A_135 = vector.load %arg11[%get3A_133, %get3A_134] : memref<1x256xf32, #tpu.memory_space<vmem>>, vector<1x256xf32>
    %reduce_sum3A_136 = arith.constant dense<0.000000e+00> : vector<400xf32>
    %reduce_sum3A_137 = vector.multi_reduction <add>, %add3A_129, %reduce_sum3A_136 [1] : vector<400x256xf32> to vector<400xf32>
    %broadcast_in_dim3A_138 = vector.shape_cast %reduce_sum3A_137 : vector<400xf32> to vector<400x1xf32>
    %div3A_139 = arith.constant 2.560000e+02 : f32
    %div3A_140 = vector.broadcast %div3A_139 : f32 to vector<400x1xf32>
    %div3A_141 = arith.divf %broadcast_in_dim3A_138, %div3A_140 : vector<400x1xf32>
    %sub3A_142 = vector.broadcast %div3A_141 : vector<400x1xf32> to vector<400x256xf32>
    %sub3A_143 = arith.subf %add3A_129, %sub3A_142 : vector<400x256xf32>
    %integer_pow3A_144 = arith.mulf %sub3A_143, %sub3A_143 : vector<400x256xf32>
    %reduce_sum3A_145 = arith.constant dense<0.000000e+00> : vector<400xf32>
    %reduce_sum3A_146 = vector.multi_reduction <add>, %integer_pow3A_144, %reduce_sum3A_145 [1] : vector<400x256xf32> to vector<400xf32>
    %broadcast_in_dim3A_147 = vector.shape_cast %reduce_sum3A_146 : vector<400xf32> to vector<400x1xf32>
    %div3A_148 = arith.constant 2.560000e+02 : f32
    %div3A_149 = vector.broadcast %div3A_148 : f32 to vector<400x1xf32>
    %div3A_150 = arith.divf %broadcast_in_dim3A_147, %div3A_149 : vector<400x1xf32>
    %sub3A_151 = vector.broadcast %div3A_141 : vector<400x1xf32> to vector<400x256xf32>
    %sub3A_152 = arith.subf %add3A_129, %sub3A_151 : vector<400x256xf32>
    %add3A_153 = arith.constant 9.99999974E-6 : f32
    %add3A_154 = vector.broadcast %add3A_153 : f32 to vector<400x1xf32>
    %add3A_155 = arith.addf %div3A_150, %add3A_154 : vector<400x1xf32>
    %sqrt3A_156 = math.sqrt %add3A_155 : vector<400x1xf32>
    %div3A_157 = vector.broadcast %sqrt3A_156 : vector<400x1xf32> to vector<400x256xf32>
    %div3A_158 = arith.divf %sub3A_152, %div3A_157 : vector<400x256xf32>
    %mul3A_159 = vector.broadcast %get3A_132 : vector<1x256xf32> to vector<400x256xf32>
    %mul3A_160 = arith.mulf %div3A_158, %mul3A_159 : vector<400x256xf32>
    %add3A_161 = vector.broadcast %get3A_135 : vector<1x256xf32> to vector<400x256xf32>
    %add3A_162 = arith.addf %mul3A_160, %add3A_161 : vector<400x256xf32>
    %swap3A = arith.constant 0 : index
    %swap3A_163 = arith.constant 0 : index
    %swap3A_164 = vector.load %arg16[%swap3A, %swap3A_163] : memref<400x256xf32, #tpu.memory_space<vmem>>, vector<400x256xf32>
    tpu.vector_store %arg16[%swap3A, %swap3A_163], %add3A_162 {strides = array<i32>} : memref<400x256xf32, #tpu.memory_space<vmem>>, vector<400x256xf32>,
    return
  }
  func.func @transform_0(%arg0: i32) -> (i32, i32, i32) {
    %c0_i32 = arith.constant 0 : i32
    %c0_i32_0 = arith.constant 0 : i32
    %c0_i32_1 = arith.constant 0 : i32
    return %c0_i32, %arg0, %c0_i32_0 : i32, i32, i32
  }
  func.func @transform_1(%arg0: i32) -> (i32, i32, i32, i32) {
    %c0_i32 = arith.constant 0 : i32
    %c0_i32_0 = arith.constant 0 : i32
    %c0_i32_1 = arith.constant 0 : i32
    %c0_i32_2 = arith.constant 0 : i32
    return %c0_i32, %c0_i32_0, %arg0, %c0_i32_1 : i32, i32, i32, i32
  }
  func.func @transform_2(%arg0: i32) -> (i32, i32) {
    %c0_i32 = arith.constant 0 : i32
    %c0_i32_0 = arith.constant 0 : i32
    return %arg0, %c0_i32 : i32, i32
  }
  func.func @transform_3(%arg0: i32) -> (i32, i32) {
    %c0_i32 = arith.constant 0 : i32
    %c0_i32_0 = arith.constant 0 : i32
    return %arg0, %c0_i32 : i32, i32
  }
  func.func @transform_4(%arg0: i32) -> (i32, i32) {
    %c0_i32 = arith.constant 0 : i32
    %c0_i32_0 = arith.constant 0 : i32
    return %arg0, %c0_i32 : i32, i32
  }
  func.func @transform_5(%arg0: i32) -> (i32, i32) {
    %c0_i32 = arith.constant 0 : i32
    %c0_i32_0 = arith.constant 0 : i32
    %c0_i32_1 = arith.constant 0 : i32
    return %c0_i32, %c0_i32_0 : i32, i32
  }
  func.func @transform_6(%arg0: i32) -> (i32, i32) {
    %c0_i32 = arith.constant 0 : i32
    %c0_i32_0 = arith.constant 0 : i32
    %c0_i32_1 = arith.constant 0 : i32
    return %c0_i32, %c0_i32_0 : i32, i32
  }
  func.func @transform_7(%arg0: i32) -> (i32, i32) {
    %c0_i32 = arith.constant 0 : i32
    %c0_i32_0 = arith.constant 0 : i32
    %c0_i32_1 = arith.constant 0 : i32
    return %c0_i32, %c0_i32_0 : i32, i32
  }
  func.func @transform_8(%arg0: i32) -> (i32, i32) {
    %c0_i32 = arith.constant 0 : i32
    %c0_i32_0 = arith.constant 0 : i32
    %c0_i32_1 = arith.constant 0 : i32
    return %c0_i32, %c0_i32_0 : i32, i32
  }
  func.func @transform_9(%arg0: i32) -> (i32, i32) {
    %c0_i32 = arith.constant 0 : i32
    %c0_i32_0 = arith.constant 0 : i32
    %c0_i32_1 = arith.constant 0 : i32
    return %c0_i32, %c0_i32_0 : i32, i32
  }
  func.func @transform_10(%arg0: i32) -> (i32, i32) {
    %c0_i32 = arith.constant 0 : i32
    %c0_i32_0 = arith.constant 0 : i32
    %c0_i32_1 = arith.constant 0 : i32
    return %c0_i32, %c0_i32_0 : i32, i32
  }
  func.func @transform_11(%arg0: i32) -> (i32, i32) {
    %c0_i32 = arith.constant 0 : i32
    %c0_i32_0 = arith.constant 0 : i32
    %c0_i32_1 = arith.constant 0 : i32
    return %c0_i32, %c0_i32_0 : i32, i32
  }
  func.func @transform_12(%arg0: i32) -> (i32, i32) {
    %c0_i32 = arith.constant 0 : i32
    %c0_i32_0 = arith.constant 0 : i32
    %c0_i32_1 = arith.constant 0 : i32
    return %c0_i32, %c0_i32_0 : i32, i32
  }
  func.func @transform_13(%arg0: i32) -> (i32, i32) {
    %c0_i32 = arith.constant 0 : i32
    %c0_i32_0 = arith.constant 0 : i32
    %c0_i32_1 = arith.constant 0 : i32
    return %c0_i32, %c0_i32_0 : i32, i32
  }
  func.func @transform_14(%arg0: i32) -> (i32, i32) {
    %c0_i32 = arith.constant 0 : i32
    %c0_i32_0 = arith.constant 0 : i32
    %c0_i32_1 = arith.constant 0 : i32
    return %c0_i32, %c0_i32_0 : i32, i32
  }
  func.func @transform_15(%arg0: i32) -> (i32, i32) {
    %c0_i32 = arith.constant 0 : i32
    %c0_i32_0 = arith.constant 0 : i32
    return %arg0, %c0_i32 : i32, i32
  }
}

</mosaic_0001>

<sc_bundles>
// kernel: kernel.15.cloned.1.call-start
scs
__scs_entry_jumppad:
0x0: {  	(pc) =	sbr.rel $0x88, $3  }
0x1: {  	(tag) =	ssettag $0x0;
	lr =	simm.s32 $0x1  }
0x2: {  	[smem:$0x3F8C] =	sst lr;
	_ =	strace $0xD0000000  }
0x3: {  	_ = 	snop  }
0x4: {  	_ = 	snop  }
0x5: {  	_ = 	snop  }
0x6: {  	_ = 	snop  }
0x7: {  	_ = 	snop  }
__scs_overlays_trampoline_lowered:
0x8: {  	[smem:$0x3F9B] =	sst s0  }
0x9: {  	[smem:$0x3F9C] =	sst s1  }
0xa: {  	[smem:$0x3F9D] =	sst s2  }
0xb: {  	[smem:$0x3F9E] =	sst s3  }
0xc: {  	[smem:$0x3F9F] =	sst s4  }
0xd: {  	[smem:$0x3FA0] =	sst s5  }
0xe: {  	[smem:$0x3FA1] =	sst s6  }
0xf: {  	[smem:$0x3FA2] =	sst s7  }
0x10: {  	[smem:$0x3FA3] =	sst s8  }
0x11: {  	[smem:$0x3FA4] =	sst s9;
	s0 =	simm.s32 @!p0 $0x0  }
0x12: {  	s1 =	sld [smem:$0x3F8A];
	s0 =	simm.s32 @p0 $0x1  }
0x13: {  	[smem:$0x3FA5] =	sst s0;
	s0 =	simm.s32 @!p1 $0x0  }
0x14: {  	s2 =	sld [smem:$0x3F89];
	s0 =	simm.s32 @p1 $0x1  }
0x15: {  	[smem:$0x3FA6] =	sst s0;
	s0 =	simm.s32 @!p2 $0x0  }
0x16: {  	s3 =	sld [smem:$0x3FDB];
	s0 =	simm.s32 @p2 $0x1  }
0x17: {  	s4 =	simm.s32 $0x1BF5;
	[smem:$0x3FA8] =	sst s0  }
0x18: {  	s0 =	sld [smem:$0x3F8B];
	_ =	swait.ge [sflag:s4], $0x0  }
0x19: {  	s7 =	sld [smem:$0x3F8C]  }
0x1a: {  	s8 =	sadd.s32 $0xFFFFE003, lr  }
0x1b: {  	s9 =	sadd.s32 $0xFFFFFEF7, lr;
	s5 =	simm.s32 $0xFFFFFFFF;
	p2 =	slt.u32 s8, $0xFFFFF086  }
0x1c: {  	p1 =	slt.u32 s9, $0xF7A;
	s5 =	simm.s32 @!p2 $0x0  }
0x1d: {  	s5 =	simm.s32 @p1 $0x1;
	p0 =	seq.s32 s7, s2  }
0x1e: {  	s7 =	smul.u32 @!p0 $0xF7A, s2;
	p2 =	seq.s32 @!p0 s5, $0x0  }
0x1f: {  	s9 =	smul.u32 $0xF7A, s1;
	s8 =	simm.s32 @!p0 $0x1BF5;
	p2 =	por !p2, p0  }
0x20: {  	[sflag:s8] =	ssyncset.s32 @!p0 $0xFFFFF086;
	s6 =	sadd.s32 @!p0 s3, s7;
	s7 =	simm.s32 @!p0 $0x108  }
0x21: {  	s3 =	sadd.s32 s3, s9;
	s6 =	sadd.s32 @!p0 $0x88, s6;
	s7 =	simm.s32 @p2 $0x1082  }
0x22: {  	[simem:s7], [sflag:s8] =	dma.local @!p0 [hbm:s6], $0xF7A  }
0x23: {  	s9 =	sor.u32 $0xD0000000, s2;
	s6 =	simm.s32 $0x108;
	_ =	swait.ge @!p0 [sflag:s8], $0x0  }
0x24: {  	s3 =	sadd.s32 $0x88, s3;
	s6 =	simm.s32 @!p1 $0x1082;
	[sflag:s4] =	ssyncset.s32 $0xFFFFF086  }
0x25: {  	[simem:s6], [sflag:s4] =	dma.local [hbm:s3], $0xF7A  }
0x26: {  	[smem:$0x3F8C] =	sst s1;
	(tag) =	ssettag s2;
	_ =	strace s9  }
0x27: {  	s1 =	sld [smem:$0x3F9C]  }
0x28: {  	s2 =	sld [smem:$0x3F9D]  }
0x29: {  	s4 =	sld [smem:$0x3F9F]  }
0x2a: {  	p0 =	seq.s32 s5, $0x0;
	s5 =	sld [smem:$0x3FA0]  }
0x2b: {  	s6 =	sld [smem:$0x3FA1]  }
0x2c: {  	s7 =	sld [smem:$0x3FA2]  }
0x2d: {  	s3 =	simm.s32 $0x108;
	s8 =	sld [smem:$0x3FA3]  }
0x2e: {  	s3 =	simm.s32 @!p0 $0x1082;
	s9 =	sld [smem:$0x3FA4]  }
0x2f: {  	lr =	sadd.s32 s0, s3;
	s0 =	sld [smem:$0x3F9B]  }
0x30: {  	s3 =	sld [smem:$0x3F9E]  }
0x31: {  	[smem:$0x3FA7] =	sst s10  }
0x32: {  	s10 =	sld [smem:$0x3FA5];
	_ =	sdelay $0x3  }
0x33: {  	p0 =	seq.s32 s10, $0x1;
	s10 =	sld [smem:$0x3FA7];
	_ =	sdelay $0x3  }
0x34: {  	[smem:$0x3FA7] =	sst s10  }
0x35: {  	s10 =	sld [smem:$0x3FA6];
	_ =	sdelay $0x3  }
0x36: {  	p1 =	seq.s32 s10, $0x1;
	s10 =	sld [smem:$0x3FA7];
	_ =	sdelay $0x3  }
0x37: {  	[smem:$0x3FA7] =	sst s10  }
0x38: {  	s10 =	sld [smem:$0x3FA8]  }
0x39: {  	_ = 	snop;
	(pc) =	sbr.ind lr, $3  }
0x3a: {  	_ = 	snop  }
0x3b: {  	_ = 	snop  }
0x3c: {  	p2 =	seq.s32 s10, $0x1;
	s10 =	sld [smem:$0x3FA7]  }
0x3d: {  	_ =	shalt  }
0x3e: {  	_ =	shalt  }
0x3f: {  	_ =	shalt  }
0x40: {  	_ =	shalt  }
0x41: {  	_ =	shalt  }
0x42: {  	_ =	shalt  }
0x43: {  	_ =	shalt  }
0x44: {  	_ =	shalt  }
0x45: {  	_ =	shalt  }
0x46: {  	_ =	shalt  }
0x47: {  	_ =	shalt  }
0x48: {  	_ =	shalt  }
0x49: {  	_ =	shalt  }
0x4a: {  	_ =	shalt  }
0x4b: {  	_ =	shalt  }
0x4c: {  	_ =	shalt  }
0x4d: {  	_ =	shalt  }
0x4e: {  	_ =	shalt  }
0x4f: {  	_ =	shalt  }
0x50: {  	_ =	shalt  }
0x51: {  	_ =	shalt  }
0x52: {  	_ =	shalt  }
0x53: {  	_ =	shalt  }
0x54: {  	_ =	shalt  }
0x55: {  	_ =	shalt  }
0x56: {  	_ =	shalt  }
0x57: {  	_ =	shalt  }
0x58: {  	_ =	shalt  }
0x59: {  	_ =	shalt  }
0x5a: {  	_ =	shalt  }
0x5b: {  	_ =	shalt  }
0x5c: {  	_ =	shalt  }
0x5d: {  	_ =	shalt  }
0x5e: {  	_ =	shalt  }
0x5f: {  	_ =	shalt  }
0x60: {  	_ =	shalt  }
0x61: {  	_ =	shalt  }
0x62: {  	_ =	shalt  }
0x63: {  	_ =	shalt  }
0x64: {  	_ =	shalt  }
0x65: {  	_ =	shalt  }
0x66: {  	_ =	shalt  }
0x67: {  	_ =	shalt  }
0x68: {  	_ =	shalt  }
0x69: {  	_ =	shalt  }
0x6a: {  	_ =	shalt  }
0x6b: {  	_ =	shalt  }
0x6c: {  	_ =	shalt  }
0x6d: {  	_ =	shalt  }
0x6e: {  	_ =	shalt  }
0x6f: {  	_ =	shalt  }
0x70: {  	_ =	shalt  }
0x71: {  	_ =	shalt  }
0x72: {  	_ =	shalt  }
0x73: {  	_ =	shalt  }
0x74: {  	_ =	shalt  }
0x75: {  	_ =	shalt  }
0x76: {  	_ =	shalt  }
0x77: {  	_ =	shalt  }
0x78: {  	_ =	shalt  }
0x79: {  	_ =	shalt  }
0x7a: {  	_ =	shalt  }
0x7b: {  	_ =	shalt  }
0x7c: {  	_ =	shalt  }
0x7d: {  	_ =	shalt  }
0x7e: {  	_ =	shalt  }
0x7f: {  	_ =	shalt  }
0x80: {  	_ =	shalt  }
0x81: {  	_ =	shalt  }
0x82: {  	_ =	shalt  }
0x83: {  	_ =	shalt  }
0x84: {  	_ =	shalt  }
0x85: {  	_ =	shalt  }
0x86: {  	_ =	shalt  }
0x87: {  	_ =	shalt  }
.Lfunc_end0:
.L_simem_size_0:
called_computation_lowered:
.L_overlay_start_0:
0x88: {  	s2 =	sld [smem:$0x3FD9]  }
0x89: {  	s3 =	sld [smem:$0x3FFE];
	_ =	sdelay $0x1  }
0x8a: {  	s1 =	srdreg.scid  }
0x8b: {  	s0 =	sand.u32 $0x1, s1  }
0x8c: {  	s17 =	sshll.u32 s0, $0xA;
	s2 =	sadd.s32 s3, s2  }
0x8d: {  	s2 =	sadd.s32 s2, s17  }
0x8e: {  	[smem:$0x3FB3] =	sst s2  }
0x8f: {  	_ = 	snop  }
0x90: {  	(tm) =	ssettm $0x1  }
0x91: {  	s18 =	sld [smem:$0x3FFB];
	_ =	sdelay $0x3  }
0x92: {  	_ =	strace s18  }
0x93: {  	s2 =	sld [smem:$0x3FFC];
	_ =	sdelay $0x3  }
0x94: {  	_ =	strace s2  }
0x95: {  	s2 =	sld [smem:$0x3FFD];
	_ =	sdelay $0x3  }
0x96: {  	_ =	strace s2  }
0x97: {  	_ =	strace $0x8FFFFFFF  }
0x98: {  	s19 =	sld [smem:$0x3FDB];
	_ =	sdelay $0x1  }
0x99: {  	s20 =	simm.s32 $_scs_section_size  }
0x9a: {  	s4 =	simm.s32 $_size__tile_overlayer_lowered;
	s5 =	simm.s32 $_tile_overlayer_lowered  }
0x9b: {  	s6 =	simm.s32 $0x1BFF;
	s21 =	sshll.u32 s5, $0x1;
	s3 =	sadd.s32 s20, s19  }
0x9c: {  	s22 =	simm.s32 $0x0;
	s4 =	sshll.u32 s4, $0x1;
	s5 =	sadd.s32 s21, s3  }
0x9d: {  	[timem:s22], [sflag:s6] =	dma.local [hbm:s5], s4  }
0x9e: {  	_ =	swait.ge [sflag:s6], s4  }
0x9f: {  	s4 =	ssub.s32 $0x0, s4;
	[sflag:s6] =	ssyncset.done $0x0  }
0xa0: {  	[sflag:s6] =	ssyncadd.s32 s4;
	_ =	sdelay $0x1  }
0xa1: {  	s23 =	simm.s32 $0x1B8B  }
0xa2: {  	_ =	swait.ge [sflag:s23], $0x1  }
0xa3: {  	[sflag:s23] =	ssyncset.done $0x0  }
0xa4: {  	[sflag:s23] =	ssyncadd.s32 $0xFFFFFFFF  }
0xa5: {  	s4 =	sld [smem:$0x0]  }
0xa6: {  	s5 =	sand.u32 $0xFFFFFFFE, s1  }
0xa7: {  	p0 =	sne.s32 s1, s5  }
0xa8: {  	s5 =	sshll.u32 @p0 s5, $0xE  }
0xa9: {  	s5 =	sadd.s32 @p0 $0x11B8D, s5;
	s6 =	sshll.u32 @p0 s4, $0x11  }
0xaa: {  	s5 =	sor.u32 @p0 s6, s5  }
0xab: {  	[sflag:s5] =	ssyncadd.remote.s32 @p0 $0x1;
	_ =	sdelay $0x1  }
0xac: {  	s5 =	simm.s32 @p0 $0x1B8D  }
0xad: {  	_ =	swait.eq @p0 [sflag:s5], $0x1  }
0xae: {  	[sflag:s5] =	ssyncadd.s32 @p0 $0xFFFFFFFF  }
0xaf: {  	s6 =	sshll.u32 @!p0 s1, $0xE  }
0xb0: {  	s6 =	sor.u32 @!p0 $0x4000, s6;
	s5 =	simm.s32 @!p0 $0x1B8D  }
0xb1: {  	s4 =	sshll.u32 @!p0 s4, $0x11;
	s6 =	sadd.s32 @!p0 $0x11B8D, s6;
	_ =	swait.eq @!p0 [sflag:s5], $0x1  }
0xb2: {  	s4 =	sor.u32 @!p0 s4, s6;
	[sflag:s5] =	ssyncadd.s32 @!p0 $0xFFFFFFFF  }
0xb3: {  	s25 =	simm.s32 $0x1B8E;
	s24 =	sld [smem:$0x3FFE];
	[sflag:s4] =	ssyncadd.remote.s32 @!p0 $0x1  }
0xb4: {  	s26 =	simm.s32 $execute0_lowered;
	[smem:$0x3FD2] =	sst s25  }
0xb5: {  	s5 =	sshll.u32 s26, $0x1;
	_ =	strace $0x80000049;
	[dreg:$0x1] =	wrdreg $0xFFFFFFFF  }
0xb6: {  	s28 =	simm.s32 $_size_execute0_lowered;
	s3 =	sadd.s32 s3, s5;
	[dreg:$0x0] =	wrdreg $0x0  }
0xb7: {  	s5 =	sshll.u32 s28, $0x1;
	[dreg:$0x2] =	wrdreg s3  }
0xb8: {  	[dreg:$0x3] =	wrdreg s5  }
0xb9: {  	[dreg:$0x4] =	wrdreg $0xC0  }
0xba: {  	_ =	task [dreg:s22], $0x5FFFF  }
0xbb: {  	[dreg:$0x1] =	wrdreg $0xFFFFFFFF  }
0xbc: {  	[dreg:$0x0] =	wrdreg $0x60  }
0xbd: {  	[dreg:$0x2] =	wrdreg s24  }
0xbe: {  	[dreg:$0x3] =	wrdreg $0x0  }
0xbf: {  	[dreg:$0x4] =	wrdreg $0x9  }
0xc0: {  	_ =	task.clear_ibuf [dreg:s22], $0x5FFFF;
	_ =	strace $0x90000049  }
0xc1: {  	s29 =	simm.s32 $0x9;
	_ =	strace $0x8000004B  }
0xc2: {  	_ =	swait.ge [sflag:s29], $0x1  }
0xc3: {  	[sflag:s29] =	ssyncadd.s32 $0xFFFFFFFF  }
0xc4: {  	_ =	strace $0x9000004B  }
0xc5: {  	_ =	sfence  }
0xc6: {  	s30 =	sld [smem:$0x0];
	_ =	sdelay $0x2  }
0xc7: {  	s31 =	sshll.u32 s1, $0xD;
	s1 =	sshrl.u32 s1, $0x2  }
0xc8: {  	s4 =	sand.u32 $0x4000, s31;
	s1 =	sadd.s32 s1, s30  }
0xc9: {  	s0 =	sor.u32 s4, s0;
	s1 =	sshll.u32 s1, $0x11  }
0xca: {  	s0 =	sor.u32 s1, s0  }
0xcb: {  	s0 =	sadd.s32 $0x8F2B, s0  }
0xcc: {  	[sflag:s0] =	ssyncadd.remote.s32 $0x1  }
0xcd: {  	_ =	sfence.sel $0xFFFF  }
0xce: {  	[dreg:$0x0] =	wrdreg $0xFFFFFFFF;
	(pc) =	sbr.abs _section_cstart, $3  }
0xcf: {  	[dreg:$0x1] =	wrdreg $0xFFFFFFFF  }
0xd0: {  	_ =	task.clear_ibuf [dreg:s22], $0x2FFFF;
	_ =	strace $0x9FFFFFFF  }
0xd1: {  	(tm) =	ssettm $0x7FFFFFFF  }
tec
execute0_lowered:
.L_overlay_start_1:
0x0: {  	(tag) =	ssettag $0x1  }
0x1: {  	s4 =	rddreg [dreg:$0x0]  }
0x2: {  	s1 =	rddreg [dreg:$0x1];
	s2 =	srdreg.scid  }
0x3: {  	s0 =	rddreg [dreg:$0x2];
	s3 =	simm.s32 $0x0;
	s6 =	sand.u32 $0x1, s2  }
0x4: {  	s13 =	simm.s32 $0x1;
	s2 =	stileid.u32;
	s5 =	smul.u32 $0x140000, s6  }
0x5: {  	s14 =	simm.s32 $0x18000;
	s15 =	simm.s32 $0x80;
	s7 =	smul.u32 $0x14000, s2  }
0x6: {  	s18 =	simm.s32 $0x0;
	[smem:$0x7FF] =	sst s3;
	s8 =	smul.u32 $0x500, s2  }
0x7: {  	_ =	strace $0x8000004A;
	s29 =	ssub.s32 $0x2, s6;
	s9 =	smul.u32 $0x50000, s2  }
0x8: {  	s12 =	smul.u32 $0x280, s6;
	s16 =	sshll.u32 s2, $0x6;
	s30 =	sshrl.u32 s29, $0x1  }
0x9: {  	s16 =	sor.u32 $0x1C01, s16;
	s5 =	sadd.s32 s7, s5;
	s11 =	sadd.s32 s8, s4  }
0xa: {  	s7 =	ssub.s32 s29, s30;
	s31 =	sshrl.u32 s9, $0x2;
	s5 =	sshrl.u32 s5, $0x3  }
0xb: {  	s6 =	smax.u32 s7, $0x1;
	s11 =	sadd.s32 s12, s11;
	s12 =	simm.s32 $0x14000  }
0xc: {  	s5 =	sadd.s32 s5, s4;
	s4 =	sadd.s32 s31, s1;
	s11 =	sadd.s32 $0x53C00, s11  }
0xd: {  	s5 =	sadd.s32 $0x1098C00, s5;
	s7 =	sadd.s32 $0x4000, s4;
	s8 =	sadd.s32 $0x8000, s4  }
0xe: {  	v0 =	vimm.f32 $0.0e+00;
	v1 =	vimm.f32 $1.000000000e+00;
	s9 =	sadd.s32 $0xC000, s4;
	s10 =	sadd.s32 $0x10000, s4;
	s17 =	sshrl.u32 s4, $0x3  }
.LBB2_1:
0xf: {  	s19 =	sand.u32 $0xFE00, s3  }
0x10: {  	s20 =	sand.u32 $0x70, s3;
	s21 =	sshrl.u32 s19, $0x2  }
0x11: {  	s19 =	simm.s32 $0x40;
	s21 =	sor.u32 s20, s21;
	s20 =	simm.s32 $0x0  }
.LBB2_2:
0x12: {  	p0 =	sne.s32 s19, $0xFFC0  }
0x13: {  	[tilespmem:s21+$0x14000] =	vst v0;
	s20 =	sadd.s32 $0x10, s20;
	s21 =	smov.u32 s19;
	s19 =	sadd.s32 $0x40, s19  }
.Ltmp0:
0x14: {  	(pc) =	sbr.rel @p0 .LBB2_2-.Ltmp0, $4  }
0x15: {  	_ = 	snop  }
0x16: {  	s21 =	sand.u32 $0xFE00, s21  }
0x17: {  	s22 =	sand.u32 $0x70, s20;
	s21 =	sshrl.u32 s21, $0x2  }
0x18: {  	s21 =	sor.u32 s22, s21  }
0x19: {  	[tilespmem:s21+$0x14000] =	vst v0  }
0x1a: {  	[spmem:s4] =	stream.linear.scatter [tilespmem:s12], [sflag:$0x1], $0x4000, $0x38;
	[tilespmem:$0x18080] =	vst v63  }
0x1b: {  	_ =	swait.ge [sflag:s13], $0x4000  }
0x1c: {  	[sflag:s13] =	ssyncset.done $0x0  }
0x1d: {  	[sflag:s13] =	ssyncadd.s32 $0xFFFFC000  }
0x1e: {  	[spmem:s7] =	stream.linear.scatter [tilespmem:s12], [sflag:$0x1], $0x4000, $0x38;
	[tilespmem:$0x18080] =	vst v63  }
0x1f: {  	_ =	swait.ge [sflag:s13], $0x4000  }
0x20: {  	[sflag:s13] =	ssyncset.done $0x0  }
0x21: {  	[sflag:s13] =	ssyncadd.s32 $0xFFFFC000  }
0x22: {  	[spmem:s8] =	stream.linear.scatter [tilespmem:s12], [sflag:$0x1], $0x4000, $0x38;
	[tilespmem:$0x18080] =	vst v63  }
0x23: {  	_ =	swait.ge [sflag:s13], $0x4000  }
0x24: {  	[sflag:s13] =	ssyncset.done $0x0  }
0x25: {  	[sflag:s13] =	ssyncadd.s32 $0xFFFFC000  }
0x26: {  	[spmem:s9] =	stream.linear.scatter [tilespmem:s12], [sflag:$0x1], $0x4000, $0x38;
	[tilespmem:$0x18080] =	vst v63  }
0x27: {  	_ =	swait.ge [sflag:s13], $0x4000  }
0x28: {  	[sflag:s13] =	ssyncset.done $0x0  }
0x29: {  	[sflag:s13] =	ssyncadd.s32 $0xFFFFC000  }
0x2a: {  	[spmem:s10] =	stream.linear.scatter [tilespmem:s12], [sflag:$0x1], $0x4000, $0x38;
	[tilespmem:$0x18080] =	vst v63  }
0x2b: {  	s19 =	simm.s32 $0x0;
	_ =	swait.ge [sflag:s13], $0x4000  }
0x2c: {  	s20 =	sand.u32 $0xFE00, s19;
	[sflag:s13] =	ssyncset.done $0x0  }
0x2d: {  	s31 =	sand.u32 $0x70, s19;
	s22 =	sshrl.u32 s20, $0x2;
	[sflag:s13] =	ssyncadd.s32 $0xFFFFC000  }
0x2e: {  	s20 =	simm.s32 $0x40;
	s21 =	sor.u32 s31, s22;
	[bflag:$0x0] =	sbarrier.arrive $0xFFFF  }
.LBB2_4:
0x2f: {  	p0 =	sne.s32 s20, $0xFFC0  }
0x30: {  	[tilespmem:s21+$0x14000] =	vst v1;
	s19 =	sadd.s32 $0x10, s19;
	s21 =	smov.u32 s20;
	s20 =	sadd.s32 $0x40, s20  }
.Ltmp1:
0x31: {  	(pc) =	sbr.rel @p0 .LBB2_4-.Ltmp1, $4  }
0x32: {  	_ = 	snop  }
0x33: {  	s21 =	sand.u32 $0xFE00, s21  }
0x34: {  	s22 =	sand.u32 $0x70, s19;
	s21 =	sshrl.u32 s21, $0x2  }
0x35: {  	s21 =	sor.u32 s22, s21  }
0x36: {  	[tilespmem:s21+$0x14000] =	vst v1;
	s19 =	sadd.s32 $0x0, s11  }
0x37: {  	[tilespmem:s14], [sflag:$0x1] =	stream.linear.gather [hbm4b:s19+s3], $0x80, $0x38;
	[tilespmem:$0x18080] =	vst v63  }
0x38: {  	_ =	swait.ge [sflag:s13], $0x80  }
0x39: {  	[sflag:s13] =	ssyncset.done $0x0  }
0x3a: {  	[sflag:s13] =	ssyncadd.s32 $0xFFFFFF80  }
0x3b: {  	[spmem:s1] =	stream.indirect.scatter.add.f32 [tilespmem:s12], [sflag:$0x1], $0x80, s14, s15, $0xb8;
	[tilespmem:$0x18080] =	vst v63  }
0x3c: {  	_ =	swait.ge [sflag:s13], $0x4000  }
0x3d: {  	s20 =	simm.s32 $0x20;
	s19 =	simm.s32 $0x10;
	[sflag:s13] =	ssyncset.done $0x0  }
.LBB2_6:
0x3e: {  	s21 =	sadd.s32 s19, s11  }
0x3f: {  	[sflag:s13] =	ssyncadd.s32 $0xFFFFC000;
	s19 =	smov.u32 s20;
	s22 =	sadd.s32 $0x10, s20  }
0x40: {  	[tilespmem:s14], [sflag:$0x1] =	stream.linear.gather [hbm4b:s21+s3], $0x80, $0x38;
	[tilespmem:$0x18080] =	vst v63  }
0x41: {  	p0 =	sne.s32 s20, $0x270;
	_ =	swait.ge [sflag:s13], $0x80  }
.Ltmp2:
0x42: {  	[sflag:s13] =	ssyncset.done $0x0;
	(pc) =	sbr.rel @p0 .LBB2_6-.Ltmp2, $4  }
0x43: {  	[sflag:s13] =	ssyncadd.s32 $0xFFFFFF80  }
0x44: {  	[spmem:s1] =	stream.indirect.scatter.add.f32 [tilespmem:s12], [sflag:$0x1], $0x80, s14, s15, $0xb8;
	[tilespmem:$0x18080] =	vst v63  }
0x45: {  	_ =	swait.ge [sflag:s13], $0x4000  }
0x46: {  	s20 =	smov.u32 s22;
	[sflag:s13] =	ssyncset.done $0x0  }
0x47: {  	s19 =	sadd.s32 s19, s11;
	[sflag:s13] =	ssyncadd.s32 $0xFFFFC000  }
0x48: {  	[tilespmem:s14], [sflag:$0x1] =	stream.linear.gather [hbm4b:s19+s3], $0x80, $0x38;
	[tilespmem:$0x18080] =	vst v63  }
0x49: {  	_ =	swait.ge [sflag:s13], $0x80  }
0x4a: {  	[sflag:s13] =	ssyncset.done $0x0  }
0x4b: {  	[sflag:s13] =	ssyncadd.s32 $0xFFFFFF80  }
0x4c: {  	[spmem:s1] =	stream.indirect.scatter.add.f32 [tilespmem:s12], [sflag:$0x1], $0x80, s14, s15, $0xb8;
	[tilespmem:$0x18080] =	vst v63  }
0x4d: {  	_ =	swait.ge [sflag:s13], $0x4000  }
0x4e: {  	s18 =	sadd.s32 $0x1, s18;
	[sflag:s13] =	ssyncset.done $0x0  }
0x4f: {  	p0 =	sne.s32 s18, s6;
	[sflag:s13] =	ssyncadd.s32 $0xFFFFC000  }
.Ltmp3:
0x50: {  	[bflag:$0x0] =	sbarrier.arrive $0xFFFF;
	(pc) =	sbr.rel @p0 .LBB2_1-.Ltmp3, $4  }
0x51: {  	[hbm:s5], [sflag:s16] =	dma.local [spmem:s17], $0x2800  }
0x52: {  	_ =	swait.ge [sflag:s13], $0x2800  }
0x53: {  	[sflag:s13] =	ssyncset.done $0x0  }
0x54: {  	[sflag:s13] =	ssyncadd.s32 $0xFFFFD800  }
0x55: {  	_ =	sfence.sel $0x180000  }
0x56: {  	[bflag:$0x0] =	sbarrier.arrive $0xFFFF  }
0x57: {  	p0 =	sne.s32 s2, $0x0;
	_ =	strace $0x9000004A  }
0x58: {  	s0 =	sadd.s32 @!p0 $0x100000, s0;
	[bflag:$0x2] =	sbarrier.arrive $0xFFFF  }
0x59: {  	[sflag:s0] =	ssyncadd.tile.s32 @!p0 $0x1;
	_ =	shalt  }
.Lfunc_end2:
_tile_overlayer_lowered:
.L_overlay_start_2:
0x5a: {  	(tag) =	ssettag $0x2  }
0x5b: {  	s0 =	rddreg [dreg:$0x0];
	s2 =	stileid.u32  }
0x5c: {  	s1 =	rddreg [dreg:$0x1];
	p0 =	sne.s32 s2, $0x0  }
0x5d: {  	s3 =	rddreg [dreg:$0x2];
	[bflag:$0x3] =	sbarrier.arrive $0xFFFF;
	s2 =	simm.s32 @!p0 $0x1C01  }
0x5e: {  	[timem:s3], [sflag:s2] =	dma.local @!p0 [hbm:s0], s1  }
0x5f: {  	s0 =	simm.s32 @!p0 $0x1  }
0x60: {  	_ =	swait.ge @!p0 [sflag:s0], s1  }
0x61: {  	s1 =	ssub.s32 @!p0 $0x0, s1;
	[sflag:s0] =	ssyncset.done @!p0 $0x0  }
0x62: {  	[sflag:s0] =	ssyncadd.s32 @!p0 s1  }
0x63: {  	[bflag:$0x3] =	sbarrier.arrive $0xFFFF  }
0x64: {  	_ =	shalt  }

// kernel: kernel.18.cloned.1.call-start
scs
__scs_entry_jumppad:
0x0: {  	(pc) =	sbr.rel $0x88, $3  }
0x1: {  	(tag) =	ssettag $0x0;
	lr =	simm.s32 $0x1  }
0x2: {  	[smem:$0x3F8C] =	sst lr;
	_ =	strace $0xD0000000  }
0x3: {  	_ = 	snop  }
0x4: {  	_ = 	snop  }
0x5: {  	_ = 	snop  }
0x6: {  	_ = 	snop  }
0x7: {  	_ = 	snop  }
__scs_overlays_trampoline_lowered:
0x8: {  	[smem:$0x3F9B] =	sst s0  }
0x9: {  	[smem:$0x3F9C] =	sst s1  }
0xa: {  	[smem:$0x3F9D] =	sst s2  }
0xb: {  	[smem:$0x3F9E] =	sst s3  }
0xc: {  	[smem:$0x3F9F] =	sst s4  }
0xd: {  	[smem:$0x3FA0] =	sst s5  }
0xe: {  	[smem:$0x3FA1] =	sst s6  }
0xf: {  	[smem:$0x3FA2] =	sst s7  }
0x10: {  	[smem:$0x3FA3] =	sst s8  }
0x11: {  	[smem:$0x3FA4] =	sst s9;
	s0 =	simm.s32 @!p0 $0x0  }
0x12: {  	s1 =	sld [smem:$0x3F8A];
	s0 =	simm.s32 @p0 $0x1  }
0x13: {  	[smem:$0x3FA5] =	sst s0;
	s0 =	simm.s32 @!p1 $0x0  }
0x14: {  	s2 =	sld [smem:$0x3F89];
	s0 =	simm.s32 @p1 $0x1  }
0x15: {  	[smem:$0x3FA6] =	sst s0;
	s0 =	simm.s32 @!p2 $0x0  }
0x16: {  	s3 =	sld [smem:$0x3FDB];
	s0 =	simm.s32 @p2 $0x1  }
0x17: {  	s4 =	simm.s32 $0x1BF5;
	[smem:$0x3FA8] =	sst s0  }
0x18: {  	s0 =	sld [smem:$0x3F8B];
	_ =	swait.ge [sflag:s4], $0x0  }
0x19: {  	s7 =	sld [smem:$0x3F8C]  }
0x1a: {  	s8 =	sadd.s32 $0xFFFFE003, lr  }
0x1b: {  	s9 =	sadd.s32 $0xFFFFFEF7, lr;
	s5 =	simm.s32 $0xFFFFFFFF;
	p2 =	slt.u32 s8, $0xFFFFF086  }
0x1c: {  	p1 =	slt.u32 s9, $0xF7A;
	s5 =	simm.s32 @!p2 $0x0  }
0x1d: {  	s5 =	simm.s32 @p1 $0x1;
	p0 =	seq.s32 s7, s2  }
0x1e: {  	s7 =	smul.u32 @!p0 $0xF7A, s2;
	p2 =	seq.s32 @!p0 s5, $0x0  }
0x1f: {  	s9 =	smul.u32 $0xF7A, s1;
	s8 =	simm.s32 @!p0 $0x1BF5;
	p2 =	por !p2, p0  }
0x20: {  	[sflag:s8] =	ssyncset.s32 @!p0 $0xFFFFF086;
	s6 =	sadd.s32 @!p0 s3, s7;
	s7 =	simm.s32 @!p0 $0x108  }
0x21: {  	s3 =	sadd.s32 s3, s9;
	s6 =	sadd.s32 @!p0 $0x88, s6;
	s7 =	simm.s32 @p2 $0x1082  }
0x22: {  	[simem:s7], [sflag:s8] =	dma.local @!p0 [hbm:s6], $0xF7A  }
0x23: {  	s9 =	sor.u32 $0xD0000000, s2;
	s6 =	simm.s32 $0x108;
	_ =	swait.ge @!p0 [sflag:s8], $0x0  }
0x24: {  	s3 =	sadd.s32 $0x88, s3;
	s6 =	simm.s32 @!p1 $0x1082;
	[sflag:s4] =	ssyncset.s32 $0xFFFFF086  }
0x25: {  	[simem:s6], [sflag:s4] =	dma.local [hbm:s3], $0xF7A  }
0x26: {  	[smem:$0x3F8C] =	sst s1;
	(tag) =	ssettag s2;
	_ =	strace s9  }
0x27: {  	s1 =	sld [smem:$0x3F9C]  }
0x28: {  	s2 =	sld [smem:$0x3F9D]  }
0x29: {  	s4 =	sld [smem:$0x3F9F]  }
0x2a: {  	p0 =	seq.s32 s5, $0x0;
	s5 =	sld [smem:$0x3FA0]  }
0x2b: {  	s6 =	sld [smem:$0x3FA1]  }
0x2c: {  	s7 =	sld [smem:$0x3FA2]  }
0x2d: {  	s3 =	simm.s32 $0x108;
	s8 =	sld [smem:$0x3FA3]  }
0x2e: {  	s3 =	simm.s32 @!p0 $0x1082;
	s9 =	sld [smem:$0x3FA4]  }
0x2f: {  	lr =	sadd.s32 s0, s3;
	s0 =	sld [smem:$0x3F9B]  }
0x30: {  	s3 =	sld [smem:$0x3F9E]  }
0x31: {  	[smem:$0x3FA7] =	sst s10  }
0x32: {  	s10 =	sld [smem:$0x3FA5];
	_ =	sdelay $0x3  }
0x33: {  	p0 =	seq.s32 s10, $0x1;
	s10 =	sld [smem:$0x3FA7];
	_ =	sdelay $0x3  }
0x34: {  	[smem:$0x3FA7] =	sst s10  }
0x35: {  	s10 =	sld [smem:$0x3FA6];
	_ =	sdelay $0x3  }
0x36: {  	p1 =	seq.s32 s10, $0x1;
	s10 =	sld [smem:$0x3FA7];
	_ =	sdelay $0x3  }
0x37: {  	[smem:$0x3FA7] =	sst s10  }
0x38: {  	s10 =	sld [smem:$0x3FA8]  }
0x39: {  	_ = 	snop;
	(pc) =	sbr.ind lr, $3  }
0x3a: {  	_ = 	snop  }
0x3b: {  	_ = 	snop  }
0x3c: {  	p2 =	seq.s32 s10, $0x1;
	s10 =	sld [smem:$0x3FA7]  }
0x3d: {  	_ =	shalt  }
0x3e: {  	_ =	shalt  }
0x3f: {  	_ =	shalt  }
0x40: {  	_ =	shalt  }
0x41: {  	_ =	shalt  }
0x42: {  	_ =	shalt  }
0x43: {  	_ =	shalt  }
0x44: {  	_ =	shalt  }
0x45: {  	_ =	shalt  }
0x46: {  	_ =	shalt  }
0x47: {  	_ =	shalt  }
0x48: {  	_ =	shalt  }
0x49: {  	_ =	shalt  }
0x4a: {  	_ =	shalt  }
0x4b: {  	_ =	shalt  }
0x4c: {  	_ =	shalt  }
0x4d: {  	_ =	shalt  }
0x4e: {  	_ =	shalt  }
0x4f: {  	_ =	shalt  }
0x50: {  	_ =	shalt  }
0x51: {  	_ =	shalt  }
0x52: {  	_ =	shalt  }
0x53: {  	_ =	shalt  }
0x54: {  	_ =	shalt  }
0x55: {  	_ =	shalt  }
0x56: {  	_ =	shalt  }
0x57: {  	_ =	shalt  }
0x58: {  	_ =	shalt  }
0x59: {  	_ =	shalt  }
0x5a: {  	_ =	shalt  }
0x5b: {  	_ =	shalt  }
0x5c: {  	_ =	shalt  }
0x5d: {  	_ =	shalt  }
0x5e: {  	_ =	shalt  }
0x5f: {  	_ =	shalt  }
0x60: {  	_ =	shalt  }
0x61: {  	_ =	shalt  }
0x62: {  	_ =	shalt  }
0x63: {  	_ =	shalt  }
0x64: {  	_ =	shalt  }
0x65: {  	_ =	shalt  }
0x66: {  	_ =	shalt  }
0x67: {  	_ =	shalt  }
0x68: {  	_ =	shalt  }
0x69: {  	_ =	shalt  }
0x6a: {  	_ =	shalt  }
0x6b: {  	_ =	shalt  }
0x6c: {  	_ =	shalt  }
0x6d: {  	_ =	shalt  }
0x6e: {  	_ =	shalt  }
0x6f: {  	_ =	shalt  }
0x70: {  	_ =	shalt  }
0x71: {  	_ =	shalt  }
0x72: {  	_ =	shalt  }
0x73: {  	_ =	shalt  }
0x74: {  	_ =	shalt  }
0x75: {  	_ =	shalt  }
0x76: {  	_ =	shalt  }
0x77: {  	_ =	shalt  }
0x78: {  	_ =	shalt  }
0x79: {  	_ =	shalt  }
0x7a: {  	_ =	shalt  }
0x7b: {  	_ =	shalt  }
0x7c: {  	_ =	shalt  }
0x7d: {  	_ =	shalt  }
0x7e: {  	_ =	shalt  }
0x7f: {  	_ =	shalt  }
0x80: {  	_ =	shalt  }
0x81: {  	_ =	shalt  }
0x82: {  	_ =	shalt  }
0x83: {  	_ =	shalt  }
0x84: {  	_ =	shalt  }
0x85: {  	_ =	shalt  }
0x86: {  	_ =	shalt  }
0x87: {  	_ =	shalt  }
.Lfunc_end0:
.L_simem_size_0:
called_computation.1_lowered:
.L_overlay_start_0:
0x88: {  	s2 =	sld [smem:$0x3FD9]  }
0x89: {  	s3 =	sld [smem:$0x3FFE];
	_ =	sdelay $0x1  }
0x8a: {  	s1 =	srdreg.scid  }
0x8b: {  	s0 =	sand.u32 $0x1, s1  }
0x8c: {  	s17 =	sshll.u32 s0, $0xA;
	s2 =	sadd.s32 s3, s2  }
0x8d: {  	s2 =	sadd.s32 s2, s17  }
0x8e: {  	[smem:$0x3FB3] =	sst s2  }
0x8f: {  	_ = 	snop  }
0x90: {  	s2 =	sld [smem:$0x3FD0];
	(tm) =	ssettm $0x1  }
0x91: {  	s18 =	sld [smem:$0x3FFB];
	_ =	sdelay $0x3  }
0x92: {  	_ =	strace s18  }
0x93: {  	s3 =	sld [smem:$0x3FFC];
	_ =	sdelay $0x3  }
0x94: {  	_ =	strace s3  }
0x95: {  	s3 =	sld [smem:$0x3FFD];
	_ =	sdelay $0x3  }
0x96: {  	_ =	strace s3  }
0x97: {  	_ =	strace $0x8FFFFFFF  }
0x98: {  	s19 =	sld [smem:$0x3FDB];
	_ =	sdelay $0x1  }
0x99: {  	s4 =	simm.s32 $_scs_section_size  }
0x9a: {  	s5 =	simm.s32 $_size__tile_overlayer_lowered;
	s6 =	simm.s32 $_tile_overlayer_lowered  }
0x9b: {  	s22 =	simm.s32 $0x1BFF;
	s21 =	sshll.u32 s6, $0x1;
	s3 =	sadd.s32 s4, s19  }
0x9c: {  	s7 =	simm.s32 $0x0;
	s20 =	sshll.u32 s5, $0x1;
	s5 =	sadd.s32 s21, s3  }
0x9d: {  	[timem:s7], [sflag:s22] =	dma.local [hbm:s5], s20  }
0x9e: {  	_ =	swait.ge [sflag:s22], s20  }
0x9f: {  	s4 =	ssub.s32 $0x0, s20;
	[sflag:s22] =	ssyncset.done $0x0  }
0xa0: {  	[sflag:s22] =	ssyncadd.s32 s4;
	_ =	sdelay $0x1  }
0xa1: {  	s23 =	simm.s32 $0x1B8B  }
0xa2: {  	_ =	swait.ge [sflag:s23], $0x1  }
0xa3: {  	[sflag:s23] =	ssyncset.done $0x0  }
0xa4: {  	s25 =	simm.s32 $0x1B8E;
	s24 =	sld [smem:$0x3FFE];
	[sflag:s23] =	ssyncadd.s32 $0xFFFFFFFF  }
0xa5: {  	s26 =	simm.s32 $execute0_lowered;
	[smem:$0x3FD2] =	sst s25  }
0xa6: {  	s5 =	sshll.u32 s26, $0x1;
	_ =	strace $0x80000046;
	[dreg:$0x1] =	wrdreg $0xFFFFFFFF  }
0xa7: {  	s28 =	simm.s32 $_size_execute0_lowered;
	s3 =	sadd.s32 s3, s5;
	[dreg:$0x0] =	wrdreg $0x0  }
0xa8: {  	s5 =	sshll.u32 s28, $0x1;
	[dreg:$0x2] =	wrdreg s3  }
0xa9: {  	[dreg:$0x3] =	wrdreg s5  }
0xaa: {  	[dreg:$0x4] =	wrdreg $0xC0  }
0xab: {  	_ =	task [dreg:s7], $0x5FFFF  }
0xac: {  	[dreg:$0x1] =	wrdreg $0xFFFFFFFF  }
0xad: {  	[dreg:$0x0] =	wrdreg $0x60  }
0xae: {  	[dreg:$0x2] =	wrdreg s24  }
0xaf: {  	[dreg:$0x3] =	wrdreg s2  }
0xb0: {  	[dreg:$0x4] =	wrdreg $0xA  }
0xb1: {  	_ =	task.clear_ibuf [dreg:s7], $0x5FFFF;
	_ =	strace $0x90000046  }
0xb2: {  	s29 =	simm.s32 $0xA;
	_ =	strace $0x80000048  }
0xb3: {  	_ =	swait.ge [sflag:s29], $0x1  }
0xb4: {  	[sflag:s29] =	ssyncadd.s32 $0xFFFFFFFF  }
0xb5: {  	_ =	strace $0x90000048  }
0xb6: {  	_ =	sfence  }
0xb7: {  	s30 =	sld [smem:$0x0];
	_ =	sdelay $0x2  }
0xb8: {  	s31 =	sshll.u32 s1, $0xD;
	s1 =	sshrl.u32 s1, $0x2  }
0xb9: {  	s3 =	sand.u32 $0x4000, s31;
	s1 =	sadd.s32 s1, s30  }
0xba: {  	s0 =	sor.u32 s3, s0;
	s1 =	sshll.u32 s1, $0x11  }
0xbb: {  	s0 =	sor.u32 s1, s0  }
0xbc: {  	s0 =	sadd.s32 $0x8F2B, s0  }
0xbd: {  	[sflag:s0] =	ssyncadd.remote.s32 $0x1  }
0xbe: {  	_ =	sfence.sel $0xFFFF  }
0xbf: {  	[dreg:$0x0] =	wrdreg $0xFFFFFFFF;
	(pc) =	sbr.abs _section_cstart, $3  }
0xc0: {  	[dreg:$0x1] =	wrdreg $0xFFFFFFFF  }
0xc1: {  	_ =	task.clear_ibuf [dreg:s7], $0x2FFFF;
	_ =	strace $0x9FFFFFFF  }
0xc2: {  	(tm) =	ssettm $0x7FFFFFFF  }
0xc3: {  	_ =	shalt  }
tec
execute0_lowered:
.L_overlay_start_1:
0x0: {  	(tag) =	ssettag $0x1  }
0x1: {  	s0 =	rddreg [dreg:$0x0]  }
0x2: {  	s14 =	rddreg [dreg:$0x1];
	s3 =	simm.s32 $0x0;
	s1 =	srdreg.scid  }
0x3: {  	s13 =	stileid.u32;
	s19 =	simm.s32 $0xD;
	s29 =	simm.s32 $0x1  }
0x4: {  	s31 =	simm.s32 $0x3;
	s20 =	simm.s32 $0x2;
	s28 =	simm.s32 $0x9  }
0x5: {  	[smem:$0x7FF] =	sst s3;
	s15 =	sadd.s32 $0x53C00, s0;
	s1 =	sand.u32 $0x1, s1  }
0x6: {  	s2 =	sshll.u32 s13, $0x1;
	s5 =	sadd.s32 $0x3C00, s0;
	s10 =	smul.u32 $0x280000, s13  }
0x7: {  	s6 =	sadd.s32 $0x58C00, s0;
	s4 =	sadd.s32 $0x198C00, s0;
	s13 =	smul.u32 $0x2800, s13  }
0x8: {  	s7 =	sadd.s32 $0xA8C00, s0;
	s8 =	sadd.s32 $0x698C00, s0;
	s12 =	smul.u32 $0x140000, s1  }
0x9: {  	s2 =	sor.u32 s1, s2;
	s9 =	ssub.s32 $0x2, s1;
	s1 =	smul.u32 $0x1400, s1  }
0xa: {  	s0 =	sadd.s32 $0xB98C00, s0;
	s2 =	smul.u32 $0x1400, s2;
	s11 =	sshrl.u32 s9, $0x1  }
0xb: {  	_ =	strace $0x80000047;
	[dreg:$0x3] =	wrdreg s15;
	s9 =	ssub.s32 s9, s11  }
0xc: {  	s10 =	sadd.s32 s12, s10;
	s1 =	sadd.s32 s1, s13;
	s2 =	sshrl.u32 s2, $0x3  }
0xd: {  	s22 =	smax.u32 s9, $0x1;
	s23 =	sshrl.u32 s10, $0x3;
	s25 =	sor.u32 $0x80, s1  }
0xe: {  	s26 =	sor.u32 $0x4000, s10;
	s1 =	sor.u32 $0x40, s1;
	s9 =	simm.s32 $0x0  }
0xf: {  	s21 =	sadd.s32 s15, s2;
	s2 =	sadd.s32 s14, s2;
	[dreg:$0x6] =	wrdreg s22  }
0x10: {  	s24 =	sadd.s32 s23, s0;
	s12 =	sadd.s32 s23, s8;
	s13 =	sadd.s32 s23, s4  }
0x11: {  	s14 =	sshrl.u32 s25, $0x3;
	s30 =	sshrl.u32 s26, $0x3;
	s15 =	sshrl.u32 s1, $0x3  }
.Ltmp0:
0x12: {  	s26 =	simm.s32 $0xC200;
	[dreg:$0x4] =	wrdreg s21;
	(pc) =	sbr.rel .LBB2_1-.Ltmp0, $4  }
0x13: {  	s23 =	simm.s32 $0x14200;
	s22 =	simm.s32 $0x4;
	[dreg:$0x5] =	wrdreg s2  }
0x14: {  	v2 =	vlaneseq.u32;
	s25 =	simm.s32 $0x7;
	[dreg:$0x7] =	wrdreg s24;
	s16 =	sadd.s32 s30, s0  }
0x15: {  	vm0 =	vmmov $0xffff;
	v1 =	vshrl.u32 v2, $0x3;
	s17 =	sadd.s32 s30, s8;
	s18 =	sadd.s32 s30, s4;
	s0 =	simm.s32 $0x5  }
0x16: {  	v0 =	vand.u32 $0x7, v2;
	v2 =	vor.u32 $0x8, v2;
	v1 =	vmul.u32 $0x8, v1;
	s8 =	simm.s32 $0x4200;
	s24 =	simm.s32 $0x6;
	s2 =	simm.s32 $0xB  }
.LBB2_5:
0x17: {  	s1 =	simm.s32 $0x8  }
0x18: {  	_ =	swait.ge [sflag:s1], $0x4000  }
0x19: {  	[sflag:s1] =	ssyncset.done $0x0  }
0x1a: {  	s21 =	simm.s32 $0xA;
	[sflag:s1] =	ssyncadd.s32 $0xFFFFC000  }
0x1b: {  	_ =	swait.ge [sflag:s21], $0x4000  }
0x1c: {  	[sflag:s21] =	ssyncset.done $0x0  }
0x1d: {  	s4 =	simm.s32 $0xC;
	[sflag:s21] =	ssyncadd.s32 $0xFFFFC000  }
0x1e: {  	_ =	swait.ge [sflag:s4], $0x4000  }
0x1f: {  	s9 =	rddreg [dreg:$0x8]  }
0x20: {  	s30 =	rddreg [dreg:$0x6];
	s9 =	sadd.s32 $0x1, s9  }
0x21: {  	p0 =	sne.s32 s9, s30  }
.Ltmp1:
0x22: {  	_ = 	snop;
	(pc) =	sbr.rel @!p0 .LBB2_6-.Ltmp1, $3  }
0x23: {  	_ =	sdelay $0x1  }
0x24: {  	[sflag:s4] =	ssyncset.done $0x0  }
0x25: {  	[sflag:s4] =	ssyncadd.s32 $0xFFFFC000  }
.LBB2_1:
0x26: {  	[dreg:$0x8] =	wrdreg s9  }
0x27: {  	s1 =	rddreg [dreg:$0x4]  }
0x28: {  	[tilespmem:s3], [sflag:$0xD] =	stream.linear.gather [hbm4b:s1+s3], $0x40, $0x38;
	[tilespmem:$0x18200] =	vst v63  }
0x29: {  	_ =	swait.ge [sflag:s19], $0x40  }
0x2a: {  	[sflag:s19] =	ssyncset.done $0x0  }
0x2b: {  	s4 =	simm.s32 $0x100;
	s10 =	rddreg [dreg:$0x5];
	[sflag:s19] =	ssyncadd.s32 $0xFFFFFFC0  }
0x2c: {  	[tilespmem:s4], [sflag:$0xD] =	stream.linear.gather [hbm4b:s10+s3], $0x40, $0x38;
	[tilespmem:$0x18200] =	vst v63  }
0x2d: {  	_ =	swait.ge [sflag:s19], $0x40  }
0x2e: {  	[sflag:s19] =	ssyncset.done $0x0  }
0x2f: {  	[sflag:s19] =	ssyncadd.s32 $0xFFFFFFC0  }
0x30: {  	v3 =	vld [tilespmem:$0x0];
	_ =	sdelay $0x4  }
0x31: {  	v4 =	vshll.u32 v3, $0x1  }
0x32: {  	v3 =	vand.u32 $0x7, v3;
	v4 =	vand.u32 $0xFFFFFFF0, v4  }
0x33: {  	v3 =	vor.u32 v3, v4  }
0x34: {  	v4 =	vperm.xlane v3, v0;
	_ =	sdelay $0x1  }
0x35: {  	v3 =	vperm.xlane v3, v2;
	v4 =	vadd.s32 v1, v4;
	_ =	sdelay $0x1  }
0x36: {  	v3 =	vadd.s32 v1, v3;
	_ =	sdelay $0x1  }
0x37: {  	s4 =	simm.s32 $0x200  }
0x38: {  	[tilespmem:s4], [sflag:$0x1] =	stream.indirect_vreg.gather [hbm4b:s5+s3], $0x80, v4, vm0, $0xb8;
	[tilespmem:$0x18200] =	vst v63  }
0x39: {  	s11 =	simm.s32 $0xA00  }
0x3a: {  	[tilespmem:s11], [sflag:$0x1] =	stream.indirect_vreg.gather [hbm4b:s5+s3], $0x80, v3, vm0, $0xb8;
	[tilespmem:$0x18200] =	vst v63  }
0x3b: {  	v3 =	vld [tilespmem:$0x10];
	_ =	sdelay $0x4  }
0x3c: {  	v53 =	vshll.u32 v3, $0x1  }
0x3d: {  	v3 =	vand.u32 $0x7, v3;
	v4 =	vand.u32 $0xFFFFFFF0, v53  }
0x3e: {  	v3 =	vor.u32 v3, v4  }
0x3f: {  	v4 =	vperm.xlane v3, v0;
	_ =	sdelay $0x1  }
0x40: {  	v3 =	vperm.xlane v3, v2;
	v4 =	vadd.s32 v1, v4;
	_ =	sdelay $0x1  }
0x41: {  	v3 =	vadd.s32 v1, v3;
	_ =	sdelay $0x1  }
0x42: {  	s21 =	simm.s32 $0x1200  }
0x43: {  	[tilespmem:s21], [sflag:$0x1] =	stream.indirect_vreg.gather [hbm4b:s5+s3], $0x80, v4, vm0, $0xb8;
	[tilespmem:$0x18200] =	vst v63  }
0x44: {  	s30 =	simm.s32 $0x1A00  }
0x45: {  	[tilespmem:s30], [sflag:$0x1] =	stream.indirect_vreg.gather [hbm4b:s5+s3], $0x80, v3, vm0, $0xb8;
	[tilespmem:$0x18200] =	vst v63  }
0x46: {  	v3 =	vld [tilespmem:$0x20];
	_ =	sdelay $0x4  }
0x47: {  	v54 =	vshll.u32 v3, $0x1  }
0x48: {  	v3 =	vand.u32 $0x7, v3;
	v4 =	vand.u32 $0xFFFFFFF0, v54  }
0x49: {  	v3 =	vor.u32 v3, v4  }
0x4a: {  	v4 =	vperm.xlane v3, v0;
	_ =	sdelay $0x1  }
0x4b: {  	v3 =	vperm.xlane v3, v2;
	v4 =	vadd.s32 v1, v4;
	_ =	sdelay $0x1  }
0x4c: {  	v3 =	vadd.s32 v1, v3;
	_ =	sdelay $0x1  }
0x4d: {  	s9 =	simm.s32 $0x2200  }
0x4e: {  	[tilespmem:s9], [sflag:$0x1] =	stream.indirect_vreg.gather [hbm4b:s5+s3], $0x80, v4, vm0, $0xb8;
	[tilespmem:$0x18200] =	vst v63  }
0x4f: {  	s10 =	simm.s32 $0x2A00  }
0x50: {  	[tilespmem:s10], [sflag:$0x1] =	stream.indirect_vreg.gather [hbm4b:s5+s3], $0x80, v3, vm0, $0xb8;
	[tilespmem:$0x18200] =	vst v63  }
0x51: {  	v3 =	vld [tilespmem:$0x30];
	_ =	sdelay $0x4  }
0x52: {  	v55 =	vshll.u32 v3, $0x1  }
0x53: {  	v3 =	vand.u32 $0x7, v3;
	v4 =	vand.u32 $0xFFFFFFF0, v55  }
0x54: {  	v3 =	vor.u32 v3, v4  }
0x55: {  	v4 =	vperm.xlane v3, v0;
	_ =	sdelay $0x1  }
0x56: {  	v3 =	vperm.xlane v3, v2;
	v4 =	vadd.s32 v1, v4;
	_ =	sdelay $0x1  }
0x57: {  	v3 =	vadd.s32 v1, v3;
	_ =	sdelay $0x1  }
0x58: {  	s11 =	simm.s32 $0x3200  }
0x59: {  	[tilespmem:s11], [sflag:$0x1] =	stream.indirect_vreg.gather [hbm4b:s5+s3], $0x80, v4, vm0, $0xb8;
	[tilespmem:$0x18200] =	vst v63  }
0x5a: {  	s21 =	simm.s32 $0x3A00  }
0x5b: {  	[tilespmem:s21], [sflag:$0x1] =	stream.indirect_vreg.gather [hbm4b:s5+s3], $0x80, v3, vm0, $0xb8;
	[tilespmem:$0x18200] =	vst v63  }
0x5c: {  	v3 =	vld [tilespmem:$0x100];
	_ =	sdelay $0x4  }
0x5d: {  	v56 =	vshll.u32 v3, $0x1  }
0x5e: {  	v3 =	vand.u32 $0x7, v3;
	v4 =	vand.u32 $0xFFFFFFF0, v56  }
0x5f: {  	v3 =	vor.u32 v3, v4  }
0x60: {  	v4 =	vperm.xlane v3, v0;
	_ =	sdelay $0x1  }
0x61: {  	v3 =	vperm.xlane v3, v2;
	v4 =	vadd.s32 v1, v4;
	_ =	sdelay $0x1  }
0x62: {  	v3 =	vadd.s32 v1, v3;
	_ =	sdelay $0x1  }
0x63: {  	s30 =	simm.s32 $0x8200  }
0x64: {  	[tilespmem:s30], [sflag:$0x3] =	stream.indirect_vreg.gather [hbm4b:s6+s3], $0x80, v4, vm0, $0xb8;
	[tilespmem:$0x18200] =	vst v63  }
0x65: {  	s9 =	simm.s32 $0x8A00  }
0x66: {  	[tilespmem:s9], [sflag:$0x3] =	stream.indirect_vreg.gather [hbm4b:s6+s3], $0x80, v3, vm0, $0xb8;
	[tilespmem:$0x18200] =	vst v63  }
0x67: {  	v3 =	vld [tilespmem:$0x110];
	_ =	sdelay $0x4  }
0x68: {  	v57 =	vshll.u32 v3, $0x1  }
0x69: {  	v3 =	vand.u32 $0x7, v3;
	v4 =	vand.u32 $0xFFFFFFF0, v57  }
0x6a: {  	v3 =	vor.u32 v3, v4  }
0x6b: {  	v4 =	vperm.xlane v3, v0;
	_ =	sdelay $0x1  }
0x6c: {  	v3 =	vperm.xlane v3, v2;
	v4 =	vadd.s32 v1, v4;
	_ =	sdelay $0x1  }
0x6d: {  	v3 =	vadd.s32 v1, v3;
	_ =	sdelay $0x1  }
0x6e: {  	s10 =	simm.s32 $0x9200  }
0x6f: {  	[tilespmem:s10], [sflag:$0x3] =	stream.indirect_vreg.gather [hbm4b:s6+s3], $0x80, v4, vm0, $0xb8;
	[tilespmem:$0x18200] =	vst v63  }
0x70: {  	s11 =	simm.s32 $0x9A00  }
0x71: {  	[tilespmem:s11], [sflag:$0x3] =	stream.indirect_vreg.gather [hbm4b:s6+s3], $0x80, v3, vm0, $0xb8;
	[tilespmem:$0x18200] =	vst v63  }
0x72: {  	v3 =	vld [tilespmem:$0x120];
	_ =	sdelay $0x4  }
0x73: {  	v58 =	vshll.u32 v3, $0x1  }
0x74: {  	v3 =	vand.u32 $0x7, v3;
	v4 =	vand.u32 $0xFFFFFFF0, v58  }
0x75: {  	v3 =	vor.u32 v3, v4  }
0x76: {  	v4 =	vperm.xlane v3, v0;
	_ =	sdelay $0x1  }
0x77: {  	v3 =	vperm.xlane v3, v2;
	v4 =	vadd.s32 v1, v4;
	_ =	sdelay $0x1  }
0x78: {  	v3 =	vadd.s32 v1, v3;
	_ =	sdelay $0x1  }
0x79: {  	s21 =	simm.s32 $0xA200  }
0x7a: {  	[tilespmem:s21], [sflag:$0x3] =	stream.indirect_vreg.gather [hbm4b:s6+s3], $0x80, v4, vm0, $0xb8;
	[tilespmem:$0x18200] =	vst v63  }
0x7b: {  	s30 =	simm.s32 $0xAA00  }
0x7c: {  	[tilespmem:s30], [sflag:$0x3] =	stream.indirect_vreg.gather [hbm4b:s6+s3], $0x80, v3, vm0, $0xb8;
	[tilespmem:$0x18200] =	vst v63  }
0x7d: {  	v3 =	vld [tilespmem:$0x130];
	_ =	sdelay $0x4  }
0x7e: {  	v59 =	vshll.u32 v3, $0x1  }
0x7f: {  	v3 =	vand.u32 $0x7, v3;
	v4 =	vand.u32 $0xFFFFFFF0, v59  }
0x80: {  	v3 =	vor.u32 v3, v4  }
0x81: {  	v4 =	vperm.xlane v3, v0;
	_ =	sdelay $0x1  }
0x82: {  	v3 =	vperm.xlane v3, v2;
	v4 =	vadd.s32 v1, v4;
	_ =	sdelay $0x1  }
0x83: {  	v3 =	vadd.s32 v1, v3;
	_ =	sdelay $0x1  }
0x84: {  	s9 =	simm.s32 $0xB200  }
0x85: {  	[tilespmem:s9], [sflag:$0x3] =	stream.indirect_vreg.gather [hbm4b:s6+s3], $0x80, v4, vm0, $0xb8;
	[tilespmem:$0x18200] =	vst v63  }
0x86: {  	s10 =	simm.s32 $0xBA00  }
0x87: {  	[tilespmem:s10], [sflag:$0x3] =	stream.indirect_vreg.gather [hbm4b:s6+s3], $0x80, v3, vm0, $0xb8;
	[tilespmem:$0x18200] =	vst v63  }
0x88: {  	v3 =	vld [tilespmem:$0x100];
	_ =	sdelay $0x4  }
0x89: {  	v60 =	vshll.u32 v3, $0x1  }
0x8a: {  	v3 =	vand.u32 $0x7, v3;
	v4 =	vand.u32 $0xFFFFFFF0, v60  }
0x8b: {  	v3 =	vor.u32 v3, v4  }
0x8c: {  	v4 =	vperm.xlane v3, v0;
	_ =	sdelay $0x1  }
0x8d: {  	v3 =	vperm.xlane v3, v2;
	v4 =	vadd.s32 v1, v4;
	_ =	sdelay $0x1  }
0x8e: {  	v3 =	vadd.s32 v1, v3;
	_ =	sdelay $0x1  }
0x8f: {  	s11 =	simm.s32 $0x10200  }
0x90: {  	[tilespmem:s11], [sflag:$0x5] =	stream.indirect_vreg.gather [hbm4b:s7+s3], $0x80, v4, vm0, $0xb8;
	[tilespmem:$0x18200] =	vst v63  }
0x91: {  	s21 =	simm.s32 $0x10A00  }
0x92: {  	[tilespmem:s21], [sflag:$0x5] =	stream.indirect_vreg.gather [hbm4b:s7+s3], $0x80, v3, vm0, $0xb8;
	[tilespmem:$0x18200] =	vst v63  }
0x93: {  	v3 =	vld [tilespmem:$0x110];
	_ =	sdelay $0x4  }
0x94: {  	v61 =	vshll.u32 v3, $0x1  }
0x95: {  	v3 =	vand.u32 $0x7, v3;
	v4 =	vand.u32 $0xFFFFFFF0, v61  }
0x96: {  	v3 =	vor.u32 v3, v4  }
0x97: {  	v4 =	vperm.xlane v3, v0;
	_ =	sdelay $0x1  }
0x98: {  	v3 =	vperm.xlane v3, v2;
	v4 =	vadd.s32 v1, v4;
	_ =	sdelay $0x1  }
0x99: {  	v3 =	vadd.s32 v1, v3;
	_ =	sdelay $0x1  }
0x9a: {  	s30 =	simm.s32 $0x11200  }
0x9b: {  	[tilespmem:s30], [sflag:$0x5] =	stream.indirect_vreg.gather [hbm4b:s7+s3], $0x80, v4, vm0, $0xb8;
	[tilespmem:$0x18200] =	vst v63  }
0x9c: {  	s9 =	simm.s32 $0x11A00  }
0x9d: {  	[tilespmem:s9], [sflag:$0x5] =	stream.indirect_vreg.gather [hbm4b:s7+s3], $0x80, v3, vm0, $0xb8;
	[tilespmem:$0x18200] =	vst v63  }
0x9e: {  	v3 =	vld [tilespmem:$0x120];
	_ =	sdelay $0x4  }
0x9f: {  	v62 =	vshll.u32 v3, $0x1  }
0xa0: {  	v3 =	vand.u32 $0x7, v3;
	v4 =	vand.u32 $0xFFFFFFF0, v62  }
0xa1: {  	v3 =	vor.u32 v3, v4  }
0xa2: {  	v4 =	vperm.xlane v3, v0;
	_ =	sdelay $0x1  }
0xa3: {  	v3 =	vperm.xlane v3, v2;
	v4 =	vadd.s32 v1, v4;
	_ =	sdelay $0x1  }
0xa4: {  	v3 =	vadd.s32 v1, v3;
	_ =	sdelay $0x1  }
0xa5: {  	s10 =	simm.s32 $0x12200  }
0xa6: {  	[tilespmem:s10], [sflag:$0x5] =	stream.indirect_vreg.gather [hbm4b:s7+s3], $0x80, v4, vm0, $0xb8;
	[tilespmem:$0x18200] =	vst v63  }
0xa7: {  	s11 =	simm.s32 $0x12A00  }
0xa8: {  	[tilespmem:s11], [sflag:$0x5] =	stream.indirect_vreg.gather [hbm4b:s7+s3], $0x80, v3, vm0, $0xb8;
	[tilespmem:$0x18200] =	vst v63  }
0xa9: {  	v3 =	vld [tilespmem:$0x130];
	_ =	sdelay $0x4  }
0xaa: {  	v63 =	vshll.u32 v3, $0x1  }
0xab: {  	v3 =	vand.u32 $0x7, v3;
	v4 =	vand.u32 $0xFFFFFFF0, v63  }
0xac: {  	v3 =	vor.u32 v3, v4  }
0xad: {  	v4 =	vperm.xlane v3, v0;
	_ =	sdelay $0x1  }
0xae: {  	v3 =	vperm.xlane v3, v2;
	v4 =	vadd.s32 v1, v4;
	_ =	sdelay $0x1  }
0xaf: {  	v3 =	vadd.s32 v1, v3  }
.Ltmp2:
0xb0: {  	_ = 	snop;
	(pc) =	sbr.rel .LBB2_2-.Ltmp2, $4  }
0xb1: {  	s1 =	simm.s32 $0x1;
	s21 =	simm.s32 $0x13200;
	s9 =	rddreg [dreg:$0x3]  }
0xb2: {  	[tilespmem:s21], [sflag:$0x5] =	stream.indirect_vreg.gather [hbm4b:s7+s3], $0x80, v4, vm0, $0xb8;
	[tilespmem:$0x18200] =	vst v63  }
0xb3: {  	s30 =	simm.s32 $0x13A00;
	s10 =	rddreg [dreg:$0x1];
	s21 =	simm.s32 $0x0  }
0xb4: {  	[tilespmem:s30], [sflag:$0x5] =	stream.indirect_vreg.gather [hbm4b:s7+s3], $0x80, v3, vm0, $0xb8;
	[tilespmem:$0x18200] =	vst v63  }
.LBB2_4:
0xb5: {  	s30 =	sadd.s32 s21, s18  }
0xb6: {  	[hbm4b:s30+s3] =	stream.linear.scatter [tilespmem:s8], [sflag:$0x8], $0x4000, $0x38;
	[tilespmem:$0x18200] =	vst v63  }
0xb7: {  	s11 =	sadd.s32 s21, s17  }
0xb8: {  	[hbm4b:s11+s3] =	stream.linear.scatter [tilespmem:s26], [sflag:$0xA], $0x4000, $0x38;
	[tilespmem:$0x18200] =	vst v63  }
0xb9: {  	s11 =	sadd.s32 s21, s16;
	s21 =	sadd.s32 $0x1000, s21  }
0xba: {  	p0 =	sne.s32 s21, $0x28000  }
.Ltmp3:
0xbb: {  	_ = 	snop;
	(pc) =	sbr.rel @!p0 .LBB2_5-.Ltmp3, $3  }
0xbc: {  	_ =	sdelay $0x1  }
0xbd: {  	s10 =	sadd.s32 $0x10, s10;
	s9 =	sadd.s32 $0x10, s9;
	s1 =	sadd.s32 $0x2, s1  }
0xbe: {  	[hbm4b:s11+s3] =	stream.linear.scatter [tilespmem:s23], [sflag:$0xC], $0x4000, $0x38;
	[tilespmem:$0x18200] =	vst v63  }
.LBB2_2:
0xbf: {  	_ =	swait.ge [sflag:s29], $0x4000  }
0xc0: {  	[sflag:s29] =	ssyncset.done $0x0  }
0xc1: {  	[sflag:s29] =	ssyncadd.s32 $0xFFFFC000  }
0xc2: {  	_ =	swait.ge [sflag:s31], $0x4000  }
0xc3: {  	[sflag:s31] =	ssyncset.done $0x0  }
0xc4: {  	[sflag:s31] =	ssyncadd.s32 $0xFFFFC000  }
0xc5: {  	_ =	swait.ge [sflag:s0], $0x4000  }
0xc6: {  	p0 =	seq.s32 s21, $0x0;
	[sflag:s0] =	ssyncset.done $0x0  }
0xc7: {  	s30 =	simm.s32 @!p0 $0x8;
	[sflag:s0] =	ssyncadd.s32 $0xFFFFC000  }
0xc8: {  	_ =	swait.ge @!p0 [sflag:s30], $0x4000  }
0xc9: {  	[sflag:s30] =	ssyncset.done @!p0 $0x0  }
0xca: {  	[sflag:s30] =	ssyncadd.s32 @!p0 $0xFFFFC000;
	s30 =	simm.s32 @!p0 $0xA  }
0xcb: {  	_ =	swait.ge @!p0 [sflag:s30], $0x4000  }
0xcc: {  	[sflag:s30] =	ssyncset.done @!p0 $0x0  }
0xcd: {  	[sflag:s30] =	ssyncadd.s32 @!p0 $0xFFFFC000;
	s30 =	simm.s32 @!p0 $0xC  }
0xce: {  	_ =	swait.ge @!p0 [sflag:s30], $0x4000  }
0xcf: {  	[sflag:s30] =	ssyncset.done @!p0 $0x0  }
0xd0: {  	s11 =	simm.s32 $0x80;
	[sflag:s30] =	ssyncadd.s32 @!p0 $0xFFFFC000;
	s30 =	sadd.s32 s9, s15  }
0xd1: {  	[tilespmem:s11], [sflag:$0xD] =	stream.linear.gather [hbm4b:s30+s3], $0x40, $0x38;
	[tilespmem:$0x18200] =	vst v63  }
0xd2: {  	_ =	swait.ge [sflag:s19], $0x40  }
0xd3: {  	[sflag:s19] =	ssyncset.done $0x0  }
0xd4: {  	s30 =	sadd.s32 s10, s15;
	s11 =	simm.s32 $0x180;
	[sflag:s19] =	ssyncadd.s32 $0xFFFFFFC0  }
0xd5: {  	[tilespmem:s11], [sflag:$0xD] =	stream.linear.gather [hbm4b:s30+s3], $0x40, $0x38;
	[tilespmem:$0x18200] =	vst v63  }
0xd6: {  	_ =	swait.ge [sflag:s19], $0x40  }
0xd7: {  	[sflag:s19] =	ssyncset.done $0x0  }
0xd8: {  	[sflag:s19] =	ssyncadd.s32 $0xFFFFFFC0  }
0xd9: {  	v3 =	vld [tilespmem:$0x80];
	_ =	sdelay $0x4  }
0xda: {  	v4 =	vshll.u32 v3, $0x1  }
0xdb: {  	v3 =	vand.u32 $0x7, v3;
	v4 =	vand.u32 $0xFFFFFFF0, v4  }
0xdc: {  	v3 =	vor.u32 v3, v4  }
0xdd: {  	v4 =	vperm.xlane v3, v0;
	_ =	sdelay $0x1  }
0xde: {  	v3 =	vperm.xlane v3, v2;
	v4 =	vadd.s32 v1, v4;
	_ =	sdelay $0x1  }
0xdf: {  	v3 =	vadd.s32 v1, v3;
	_ =	sdelay $0x2  }
0xe0: {  	[tilespmem:s8], [sflag:$0x2] =	stream.indirect_vreg.gather [hbm4b:s5+s3], $0x80, v4, vm0, $0xb8;
	[tilespmem:$0x18200] =	vst v63  }
0xe1: {  	s30 =	simm.s32 $0x4A00  }
0xe2: {  	[tilespmem:s30], [sflag:$0x2] =	stream.indirect_vreg.gather [hbm4b:s5+s3], $0x80, v3, vm0, $0xb8;
	[tilespmem:$0x18200] =	vst v63  }
0xe3: {  	v3 =	vld [tilespmem:$0x90];
	_ =	sdelay $0x4  }
0xe4: {  	v53 =	vshll.u32 v3, $0x1  }
0xe5: {  	v3 =	vand.u32 $0x7, v3;
	v4 =	vand.u32 $0xFFFFFFF0, v53  }
0xe6: {  	v3 =	vor.u32 v3, v4  }
0xe7: {  	v4 =	vperm.xlane v3, v0;
	_ =	sdelay $0x1  }
0xe8: {  	v3 =	vperm.xlane v3, v2;
	v4 =	vadd.s32 v1, v4;
	_ =	sdelay $0x1  }
0xe9: {  	v3 =	vadd.s32 v1, v3;
	_ =	sdelay $0x1  }
0xea: {  	s30 =	simm.s32 $0x5200  }
0xeb: {  	[tilespmem:s30], [sflag:$0x2] =	stream.indirect_vreg.gather [hbm4b:s5+s3], $0x80, v4, vm0, $0xb8;
	[tilespmem:$0x18200] =	vst v63  }
0xec: {  	s30 =	simm.s32 $0x5A00  }
0xed: {  	[tilespmem:s30], [sflag:$0x2] =	stream.indirect_vreg.gather [hbm4b:s5+s3], $0x80, v3, vm0, $0xb8;
	[tilespmem:$0x18200] =	vst v63  }
0xee: {  	v3 =	vld [tilespmem:$0xA0];
	_ =	sdelay $0x4  }
0xef: {  	v54 =	vshll.u32 v3, $0x1  }
0xf0: {  	v3 =	vand.u32 $0x7, v3;
	v4 =	vand.u32 $0xFFFFFFF0, v54  }
0xf1: {  	v3 =	vor.u32 v3, v4  }
0xf2: {  	v4 =	vperm.xlane v3, v0;
	_ =	sdelay $0x1  }
0xf3: {  	v3 =	vperm.xlane v3, v2;
	v4 =	vadd.s32 v1, v4;
	_ =	sdelay $0x1  }
0xf4: {  	v3 =	vadd.s32 v1, v3;
	_ =	sdelay $0x1  }
0xf5: {  	s30 =	simm.s32 $0x6200  }
0xf6: {  	[tilespmem:s30], [sflag:$0x2] =	stream.indirect_vreg.gather [hbm4b:s5+s3], $0x80, v4, vm0, $0xb8;
	[tilespmem:$0x18200] =	vst v63  }
0xf7: {  	s30 =	simm.s32 $0x6A00  }
0xf8: {  	[tilespmem:s30], [sflag:$0x2] =	stream.indirect_vreg.gather [hbm4b:s5+s3], $0x80, v3, vm0, $0xb8;
	[tilespmem:$0x18200] =	vst v63  }
0xf9: {  	v3 =	vld [tilespmem:$0xB0];
	_ =	sdelay $0x4  }
0xfa: {  	v55 =	vshll.u32 v3, $0x1  }
0xfb: {  	v3 =	vand.u32 $0x7, v3;
	v4 =	vand.u32 $0xFFFFFFF0, v55  }
0xfc: {  	v3 =	vor.u32 v3, v4  }
0xfd: {  	v4 =	vperm.xlane v3, v0;
	_ =	sdelay $0x1  }
0xfe: {  	v3 =	vperm.xlane v3, v2;
	v4 =	vadd.s32 v1, v4;
	_ =	sdelay $0x1  }
0xff: {  	v3 =	vadd.s32 v1, v3;
	_ =	sdelay $0x1  }
0x100: {  	s30 =	simm.s32 $0x7200  }
0x101: {  	[tilespmem:s30], [sflag:$0x2] =	stream.indirect_vreg.gather [hbm4b:s5+s3], $0x80, v4, vm0, $0xb8;
	[tilespmem:$0x18200] =	vst v63  }
0x102: {  	s30 =	simm.s32 $0x7A00  }
0x103: {  	[tilespmem:s30], [sflag:$0x2] =	stream.indirect_vreg.gather [hbm4b:s5+s3], $0x80, v3, vm0, $0xb8;
	[tilespmem:$0x18200] =	vst v63  }
0x104: {  	v3 =	vld [tilespmem:$0x180];
	_ =	sdelay $0x4  }
0x105: {  	v56 =	vshll.u32 v3, $0x1  }
0x106: {  	v3 =	vand.u32 $0x7, v3;
	v4 =	vand.u32 $0xFFFFFFF0, v56  }
0x107: {  	v3 =	vor.u32 v3, v4  }
0x108: {  	v4 =	vperm.xlane v3, v0;
	_ =	sdelay $0x1  }
0x109: {  	v3 =	vperm.xlane v3, v2;
	v4 =	vadd.s32 v1, v4;
	_ =	sdelay $0x1  }
0x10a: {  	v3 =	vadd.s32 v1, v3;
	_ =	sdelay $0x2  }
0x10b: {  	[tilespmem:s26], [sflag:$0x4] =	stream.indirect_vreg.gather [hbm4b:s6+s3], $0x80, v4, vm0, $0xb8;
	[tilespmem:$0x18200] =	vst v63  }
0x10c: {  	s30 =	simm.s32 $0xCA00  }
0x10d: {  	[tilespmem:s30], [sflag:$0x4] =	stream.indirect_vreg.gather [hbm4b:s6+s3], $0x80, v3, vm0, $0xb8;
	[tilespmem:$0x18200] =	vst v63  }
0x10e: {  	v3 =	vld [tilespmem:$0x190];
	_ =	sdelay $0x4  }
0x10f: {  	v57 =	vshll.u32 v3, $0x1  }
0x110: {  	v3 =	vand.u32 $0x7, v3;
	v4 =	vand.u32 $0xFFFFFFF0, v57  }
0x111: {  	v3 =	vor.u32 v3, v4  }
0x112: {  	v4 =	vperm.xlane v3, v0;
	_ =	sdelay $0x1  }
0x113: {  	v3 =	vperm.xlane v3, v2;
	v4 =	vadd.s32 v1, v4;
	_ =	sdelay $0x1  }
0x114: {  	v3 =	vadd.s32 v1, v3;
	_ =	sdelay $0x1  }
0x115: {  	s30 =	simm.s32 $0xD200  }
0x116: {  	[tilespmem:s30], [sflag:$0x4] =	stream.indirect_vreg.gather [hbm4b:s6+s3], $0x80, v4, vm0, $0xb8;
	[tilespmem:$0x18200] =	vst v63  }
0x117: {  	s30 =	simm.s32 $0xDA00  }
0x118: {  	[tilespmem:s30], [sflag:$0x4] =	stream.indirect_vreg.gather [hbm4b:s6+s3], $0x80, v3, vm0, $0xb8;
	[tilespmem:$0x18200] =	vst v63  }
0x119: {  	v3 =	vld [tilespmem:$0x1A0];
	_ =	sdelay $0x4  }
0x11a: {  	v58 =	vshll.u32 v3, $0x1  }
0x11b: {  	v3 =	vand.u32 $0x7, v3;
	v4 =	vand.u32 $0xFFFFFFF0, v58  }
0x11c: {  	v3 =	vor.u32 v3, v4  }
0x11d: {  	v4 =	vperm.xlane v3, v0;
	_ =	sdelay $0x1  }
0x11e: {  	v3 =	vperm.xlane v3, v2;
	v4 =	vadd.s32 v1, v4;
	_ =	sdelay $0x1  }
0x11f: {  	v3 =	vadd.s32 v1, v3;
	_ =	sdelay $0x1  }
0x120: {  	s30 =	simm.s32 $0xE200  }
0x121: {  	[tilespmem:s30], [sflag:$0x4] =	stream.indirect_vreg.gather [hbm4b:s6+s3], $0x80, v4, vm0, $0xb8;
	[tilespmem:$0x18200] =	vst v63  }
0x122: {  	s30 =	simm.s32 $0xEA00  }
0x123: {  	[tilespmem:s30], [sflag:$0x4] =	stream.indirect_vreg.gather [hbm4b:s6+s3], $0x80, v3, vm0, $0xb8;
	[tilespmem:$0x18200] =	vst v63  }
0x124: {  	v3 =	vld [tilespmem:$0x1B0];
	_ =	sdelay $0x4  }
0x125: {  	v59 =	vshll.u32 v3, $0x1  }
0x126: {  	v3 =	vand.u32 $0x7, v3;
	v4 =	vand.u32 $0xFFFFFFF0, v59  }
0x127: {  	v3 =	vor.u32 v3, v4  }
0x128: {  	v4 =	vperm.xlane v3, v0;
	_ =	sdelay $0x1  }
0x129: {  	v3 =	vperm.xlane v3, v2;
	v4 =	vadd.s32 v1, v4;
	_ =	sdelay $0x1  }
0x12a: {  	v3 =	vadd.s32 v1, v3;
	_ =	sdelay $0x1  }
0x12b: {  	s30 =	simm.s32 $0xF200  }
0x12c: {  	[tilespmem:s30], [sflag:$0x4] =	stream.indirect_vreg.gather [hbm4b:s6+s3], $0x80, v4, vm0, $0xb8;
	[tilespmem:$0x18200] =	vst v63  }
0x12d: {  	s30 =	simm.s32 $0xFA00  }
0x12e: {  	[tilespmem:s30], [sflag:$0x4] =	stream.indirect_vreg.gather [hbm4b:s6+s3], $0x80, v3, vm0, $0xb8;
	[tilespmem:$0x18200] =	vst v63  }
0x12f: {  	v3 =	vld [tilespmem:$0x180];
	_ =	sdelay $0x4  }
0x130: {  	v60 =	vshll.u32 v3, $0x1  }
0x131: {  	v3 =	vand.u32 $0x7, v3;
	v4 =	vand.u32 $0xFFFFFFF0, v60  }
0x132: {  	v3 =	vor.u32 v3, v4  }
0x133: {  	v4 =	vperm.xlane v3, v0;
	_ =	sdelay $0x1  }
0x134: {  	v3 =	vperm.xlane v3, v2;
	v4 =	vadd.s32 v1, v4;
	_ =	sdelay $0x1  }
0x135: {  	v3 =	vadd.s32 v1, v3;
	_ =	sdelay $0x2  }
0x136: {  	[tilespmem:s23], [sflag:$0x6] =	stream.indirect_vreg.gather [hbm4b:s7+s3], $0x80, v4, vm0, $0xb8;
	[tilespmem:$0x18200] =	vst v63  }
0x137: {  	s30 =	simm.s32 $0x14A00  }
0x138: {  	[tilespmem:s30], [sflag:$0x6] =	stream.indirect_vreg.gather [hbm4b:s7+s3], $0x80, v3, vm0, $0xb8;
	[tilespmem:$0x18200] =	vst v63  }
0x139: {  	v3 =	vld [tilespmem:$0x190];
	_ =	sdelay $0x4  }
0x13a: {  	v61 =	vshll.u32 v3, $0x1  }
0x13b: {  	v3 =	vand.u32 $0x7, v3;
	v4 =	vand.u32 $0xFFFFFFF0, v61  }
0x13c: {  	v3 =	vor.u32 v3, v4  }
0x13d: {  	v4 =	vperm.xlane v3, v0;
	_ =	sdelay $0x1  }
0x13e: {  	v3 =	vperm.xlane v3, v2;
	v4 =	vadd.s32 v1, v4;
	_ =	sdelay $0x1  }
0x13f: {  	v3 =	vadd.s32 v1, v3;
	_ =	sdelay $0x1  }
0x140: {  	s30 =	simm.s32 $0x15200  }
0x141: {  	[tilespmem:s30], [sflag:$0x6] =	stream.indirect_vreg.gather [hbm4b:s7+s3], $0x80, v4, vm0, $0xb8;
	[tilespmem:$0x18200] =	vst v63  }
0x142: {  	s30 =	simm.s32 $0x15A00  }
0x143: {  	[tilespmem:s30], [sflag:$0x6] =	stream.indirect_vreg.gather [hbm4b:s7+s3], $0x80, v3, vm0, $0xb8;
	[tilespmem:$0x18200] =	vst v63  }
0x144: {  	v3 =	vld [tilespmem:$0x1A0];
	_ =	sdelay $0x4  }
0x145: {  	v62 =	vshll.u32 v3, $0x1  }
0x146: {  	v3 =	vand.u32 $0x7, v3;
	v4 =	vand.u32 $0xFFFFFFF0, v62  }
0x147: {  	v3 =	vor.u32 v3, v4  }
0x148: {  	v4 =	vperm.xlane v3, v0;
	_ =	sdelay $0x1  }
0x149: {  	v3 =	vperm.xlane v3, v2;
	v4 =	vadd.s32 v1, v4;
	_ =	sdelay $0x1  }
0x14a: {  	v3 =	vadd.s32 v1, v3;
	_ =	sdelay $0x1  }
0x14b: {  	s30 =	simm.s32 $0x16200  }
0x14c: {  	[tilespmem:s30], [sflag:$0x6] =	stream.indirect_vreg.gather [hbm4b:s7+s3], $0x80, v4, vm0, $0xb8;
	[tilespmem:$0x18200] =	vst v63  }
0x14d: {  	s30 =	simm.s32 $0x16A00  }
0x14e: {  	[tilespmem:s30], [sflag:$0x6] =	stream.indirect_vreg.gather [hbm4b:s7+s3], $0x80, v3, vm0, $0xb8;
	[tilespmem:$0x18200] =	vst v63  }
0x14f: {  	v3 =	vld [tilespmem:$0x1B0];
	_ =	sdelay $0x4  }
0x150: {  	v63 =	vshll.u32 v3, $0x1  }
0x151: {  	v3 =	vand.u32 $0x7, v3;
	v4 =	vand.u32 $0xFFFFFFF0, v63  }
0x152: {  	v3 =	vor.u32 v3, v4  }
0x153: {  	v4 =	vperm.xlane v3, v0;
	_ =	sdelay $0x1  }
0x154: {  	v3 =	vperm.xlane v3, v2;
	v4 =	vadd.s32 v1, v4;
	_ =	sdelay $0x1  }
0x155: {  	v3 =	vadd.s32 v1, v3;
	_ =	sdelay $0x1  }
0x156: {  	s30 =	simm.s32 $0x17200  }
0x157: {  	[tilespmem:s30], [sflag:$0x6] =	stream.indirect_vreg.gather [hbm4b:s7+s3], $0x80, v4, vm0, $0xb8;
	[tilespmem:$0x18200] =	vst v63  }
0x158: {  	s30 =	simm.s32 $0x17A00  }
0x159: {  	[tilespmem:s30], [sflag:$0x6] =	stream.indirect_vreg.gather [hbm4b:s7+s3], $0x80, v3, vm0, $0xb8;
	[tilespmem:$0x18200] =	vst v63  }
0x15a: {  	s11 =	sadd.s32 s21, s13  }
0x15b: {  	[hbm4b:s11+s3] =	stream.linear.scatter [tilespmem:s4], [sflag:$0x7], $0x4000, $0x38;
	[tilespmem:$0x18200] =	vst v63  }
0x15c: {  	s30 =	sadd.s32 s21, s12;
	s11 =	simm.s32 $0x8200  }
0x15d: {  	[hbm4b:s30+s3] =	stream.linear.scatter [tilespmem:s11], [sflag:$0x9], $0x4000, $0x38;
	[tilespmem:$0x18200] =	vst v63  }
0x15e: {  	s30 =	rddreg [dreg:$0x7]  }
0x15f: {  	s11 =	simm.s32 $0x10200;
	s30 =	sadd.s32 s21, s30  }
0x160: {  	[hbm4b:s30+s3] =	stream.linear.scatter [tilespmem:s11], [sflag:$0xB], $0x4000, $0x38;
	[tilespmem:$0x18200] =	vst v63  }
0x161: {  	_ =	swait.ge [sflag:s20], $0x4000  }
0x162: {  	[sflag:s20] =	ssyncset.done $0x0  }
0x163: {  	[sflag:s20] =	ssyncadd.s32 $0xFFFFC000  }
0x164: {  	_ =	swait.ge [sflag:s22], $0x4000  }
0x165: {  	[sflag:s22] =	ssyncset.done $0x0  }
0x166: {  	[sflag:s22] =	ssyncadd.s32 $0xFFFFC000  }
0x167: {  	_ =	swait.ge [sflag:s24], $0x4000  }
0x168: {  	[sflag:s24] =	ssyncset.done $0x0  }
0x169: {  	[sflag:s24] =	ssyncadd.s32 $0xFFFFC000  }
0x16a: {  	_ =	swait.ge [sflag:s25], $0x4000  }
0x16b: {  	[sflag:s25] =	ssyncset.done $0x0  }
0x16c: {  	[sflag:s25] =	ssyncadd.s32 $0xFFFFC000  }
0x16d: {  	p0 =	sgt.u32 s1, $0x4E;
	_ =	swait.ge [sflag:s28], $0x4000  }
.Ltmp4:
0x16e: {  	[sflag:s28] =	ssyncset.done $0x0;
	(pc) =	sbr.rel @p0 .LBB2_4-.Ltmp4, $4  }
0x16f: {  	[sflag:s28] =	ssyncadd.s32 $0xFFFFC000  }
0x170: {  	_ =	swait.ge [sflag:s2], $0x4000  }
0x171: {  	[sflag:s2] =	ssyncset.done $0x0  }
0x172: {  	[sflag:s2] =	ssyncadd.s32 $0xFFFFC000  }
0x173: {  	s30 =	sadd.s32 s9, s14  }
0x174: {  	[tilespmem:s3], [sflag:$0xD] =	stream.linear.gather [hbm4b:s30+s3], $0x40, $0x38;
	[tilespmem:$0x18200] =	vst v63  }
0x175: {  	_ =	swait.ge [sflag:s19], $0x40  }
0x176: {  	[sflag:s19] =	ssyncset.done $0x0  }
0x177: {  	s11 =	sadd.s32 s10, s14;
	s4 =	simm.s32 $0x100;
	[sflag:s19] =	ssyncadd.s32 $0xFFFFFFC0  }
0x178: {  	[tilespmem:s4], [sflag:$0xD] =	stream.linear.gather [hbm4b:s11+s3], $0x40, $0x38;
	[tilespmem:$0x18200] =	vst v63  }
0x179: {  	_ =	swait.ge [sflag:s19], $0x40  }
0x17a: {  	[sflag:s19] =	ssyncset.done $0x0  }
0x17b: {  	[sflag:s19] =	ssyncadd.s32 $0xFFFFFFC0  }
0x17c: {  	v3 =	vld [tilespmem:$0x0];
	_ =	sdelay $0x4  }
0x17d: {  	v4 =	vshll.u32 v3, $0x1  }
0x17e: {  	v3 =	vand.u32 $0x7, v3;
	v4 =	vand.u32 $0xFFFFFFF0, v4  }
0x17f: {  	v3 =	vor.u32 v3, v4  }
0x180: {  	v4 =	vperm.xlane v3, v0;
	_ =	sdelay $0x1  }
0x181: {  	v3 =	vperm.xlane v3, v2;
	v4 =	vadd.s32 v1, v4;
	_ =	sdelay $0x1  }
0x182: {  	v3 =	vadd.s32 v1, v3;
	_ =	sdelay $0x1  }
0x183: {  	s4 =	simm.s32 $0x200  }
0x184: {  	[tilespmem:s4], [sflag:$0x1] =	stream.indirect_vreg.gather [hbm4b:s5+s3], $0x80, v4, vm0, $0xb8;
	[tilespmem:$0x18200] =	vst v63  }
0x185: {  	s11 =	simm.s32 $0xA00  }
0x186: {  	[tilespmem:s11], [sflag:$0x1] =	stream.indirect_vreg.gather [hbm4b:s5+s3], $0x80, v3, vm0, $0xb8;
	[tilespmem:$0x18200] =	vst v63  }
0x187: {  	v3 =	vld [tilespmem:$0x10];
	_ =	sdelay $0x4  }
0x188: {  	v53 =	vshll.u32 v3, $0x1  }
0x189: {  	v3 =	vand.u32 $0x7, v3;
	v4 =	vand.u32 $0xFFFFFFF0, v53  }
0x18a: {  	v3 =	vor.u32 v3, v4  }
0x18b: {  	v4 =	vperm.xlane v3, v0;
	_ =	sdelay $0x1  }
0x18c: {  	v3 =	vperm.xlane v3, v2;
	v4 =	vadd.s32 v1, v4;
	_ =	sdelay $0x1  }
0x18d: {  	v3 =	vadd.s32 v1, v3;
	_ =	sdelay $0x1  }
0x18e: {  	s11 =	simm.s32 $0x1200  }
0x18f: {  	[tilespmem:s11], [sflag:$0x1] =	stream.indirect_vreg.gather [hbm4b:s5+s3], $0x80, v4, vm0, $0xb8;
	[tilespmem:$0x18200] =	vst v63  }
0x190: {  	s11 =	simm.s32 $0x1A00  }
0x191: {  	[tilespmem:s11], [sflag:$0x1] =	stream.indirect_vreg.gather [hbm4b:s5+s3], $0x80, v3, vm0, $0xb8;
	[tilespmem:$0x18200] =	vst v63  }
0x192: {  	v3 =	vld [tilespmem:$0x20];
	_ =	sdelay $0x4  }
0x193: {  	v54 =	vshll.u32 v3, $0x1  }
0x194: {  	v3 =	vand.u32 $0x7, v3;
	v4 =	vand.u32 $0xFFFFFFF0, v54  }
0x195: {  	v3 =	vor.u32 v3, v4  }
0x196: {  	v4 =	vperm.xlane v3, v0;
	_ =	sdelay $0x1  }
0x197: {  	v3 =	vperm.xlane v3, v2;
	v4 =	vadd.s32 v1, v4;
	_ =	sdelay $0x1  }
0x198: {  	v3 =	vadd.s32 v1, v3;
	_ =	sdelay $0x1  }
0x199: {  	s11 =	simm.s32 $0x2200  }
0x19a: {  	[tilespmem:s11], [sflag:$0x1] =	stream.indirect_vreg.gather [hbm4b:s5+s3], $0x80, v4, vm0, $0xb8;
	[tilespmem:$0x18200] =	vst v63  }
0x19b: {  	s11 =	simm.s32 $0x2A00  }
0x19c: {  	[tilespmem:s11], [sflag:$0x1] =	stream.indirect_vreg.gather [hbm4b:s5+s3], $0x80, v3, vm0, $0xb8;
	[tilespmem:$0x18200] =	vst v63  }
0x19d: {  	v3 =	vld [tilespmem:$0x30];
	_ =	sdelay $0x4  }
0x19e: {  	v55 =	vshll.u32 v3, $0x1  }
0x19f: {  	v3 =	vand.u32 $0x7, v3;
	v4 =	vand.u32 $0xFFFFFFF0, v55  }
0x1a0: {  	v3 =	vor.u32 v3, v4  }
0x1a1: {  	v4 =	vperm.xlane v3, v0;
	_ =	sdelay $0x1  }
0x1a2: {  	v3 =	vperm.xlane v3, v2;
	v4 =	vadd.s32 v1, v4;
	_ =	sdelay $0x1  }
0x1a3: {  	v3 =	vadd.s32 v1, v3;
	_ =	sdelay $0x1  }
0x1a4: {  	s11 =	simm.s32 $0x3200  }
0x1a5: {  	[tilespmem:s11], [sflag:$0x1] =	stream.indirect_vreg.gather [hbm4b:s5+s3], $0x80, v4, vm0, $0xb8;
	[tilespmem:$0x18200] =	vst v63  }
0x1a6: {  	s11 =	simm.s32 $0x3A00  }
0x1a7: {  	[tilespmem:s11], [sflag:$0x1] =	stream.indirect_vreg.gather [hbm4b:s5+s3], $0x80, v3, vm0, $0xb8;
	[tilespmem:$0x18200] =	vst v63  }
0x1a8: {  	v3 =	vld [tilespmem:$0x100];
	_ =	sdelay $0x4  }
0x1a9: {  	v56 =	vshll.u32 v3, $0x1  }
0x1aa: {  	v3 =	vand.u32 $0x7, v3;
	v4 =	vand.u32 $0xFFFFFFF0, v56  }
0x1ab: {  	v3 =	vor.u32 v3, v4  }
0x1ac: {  	v4 =	vperm.xlane v3, v0;
	_ =	sdelay $0x1  }
0x1ad: {  	v3 =	vperm.xlane v3, v2;
	v4 =	vadd.s32 v1, v4;
	_ =	sdelay $0x1  }
0x1ae: {  	v3 =	vadd.s32 v1, v3;
	_ =	sdelay $0x1  }
0x1af: {  	s11 =	simm.s32 $0x8200  }
0x1b0: {  	[tilespmem:s11], [sflag:$0x3] =	stream.indirect_vreg.gather [hbm4b:s6+s3], $0x80, v4, vm0, $0xb8;
	[tilespmem:$0x18200] =	vst v63  }
0x1b1: {  	s30 =	simm.s32 $0x8A00  }
0x1b2: {  	[tilespmem:s30], [sflag:$0x3] =	stream.indirect_vreg.gather [hbm4b:s6+s3], $0x80, v3, vm0, $0xb8;
	[tilespmem:$0x18200] =	vst v63  }
0x1b3: {  	v3 =	vld [tilespmem:$0x110];
	_ =	sdelay $0x4  }
0x1b4: {  	v57 =	vshll.u32 v3, $0x1  }
0x1b5: {  	v3 =	vand.u32 $0x7, v3;
	v4 =	vand.u32 $0xFFFFFFF0, v57  }
0x1b6: {  	v3 =	vor.u32 v3, v4  }
0x1b7: {  	v4 =	vperm.xlane v3, v0;
	_ =	sdelay $0x1  }
0x1b8: {  	v3 =	vperm.xlane v3, v2;
	v4 =	vadd.s32 v1, v4;
	_ =	sdelay $0x1  }
0x1b9: {  	v3 =	vadd.s32 v1, v3;
	_ =	sdelay $0x1  }
0x1ba: {  	s30 =	simm.s32 $0x9200  }
0x1bb: {  	[tilespmem:s30], [sflag:$0x3] =	stream.indirect_vreg.gather [hbm4b:s6+s3], $0x80, v4, vm0, $0xb8;
	[tilespmem:$0x18200] =	vst v63  }
0x1bc: {  	s30 =	simm.s32 $0x9A00  }
0x1bd: {  	[tilespmem:s30], [sflag:$0x3] =	stream.indirect_vreg.gather [hbm4b:s6+s3], $0x80, v3, vm0, $0xb8;
	[tilespmem:$0x18200] =	vst v63  }
0x1be: {  	v3 =	vld [tilespmem:$0x120];
	_ =	sdelay $0x4  }
0x1bf: {  	v58 =	vshll.u32 v3, $0x1  }
0x1c0: {  	v3 =	vand.u32 $0x7, v3;
	v4 =	vand.u32 $0xFFFFFFF0, v58  }
0x1c1: {  	v3 =	vor.u32 v3, v4  }
0x1c2: {  	v4 =	vperm.xlane v3, v0;
	_ =	sdelay $0x1  }
0x1c3: {  	v3 =	vperm.xlane v3, v2;
	v4 =	vadd.s32 v1, v4;
	_ =	sdelay $0x1  }
0x1c4: {  	v3 =	vadd.s32 v1, v3;
	_ =	sdelay $0x1  }
0x1c5: {  	s30 =	simm.s32 $0xA200  }
0x1c6: {  	[tilespmem:s30], [sflag:$0x3] =	stream.indirect_vreg.gather [hbm4b:s6+s3], $0x80, v4, vm0, $0xb8;
	[tilespmem:$0x18200] =	vst v63  }
0x1c7: {  	s30 =	simm.s32 $0xAA00  }
0x1c8: {  	[tilespmem:s30], [sflag:$0x3] =	stream.indirect_vreg.gather [hbm4b:s6+s3], $0x80, v3, vm0, $0xb8;
	[tilespmem:$0x18200] =	vst v63  }
0x1c9: {  	v3 =	vld [tilespmem:$0x130];
	_ =	sdelay $0x4  }
0x1ca: {  	v59 =	vshll.u32 v3, $0x1  }
0x1cb: {  	v3 =	vand.u32 $0x7, v3;
	v4 =	vand.u32 $0xFFFFFFF0, v59  }
0x1cc: {  	v3 =	vor.u32 v3, v4  }
0x1cd: {  	v4 =	vperm.xlane v3, v0;
	_ =	sdelay $0x1  }
0x1ce: {  	v3 =	vperm.xlane v3, v2;
	v4 =	vadd.s32 v1, v4;
	_ =	sdelay $0x1  }
0x1cf: {  	v3 =	vadd.s32 v1, v3;
	_ =	sdelay $0x1  }
0x1d0: {  	s30 =	simm.s32 $0xB200  }
0x1d1: {  	[tilespmem:s30], [sflag:$0x3] =	stream.indirect_vreg.gather [hbm4b:s6+s3], $0x80, v4, vm0, $0xb8;
	[tilespmem:$0x18200] =	vst v63  }
0x1d2: {  	s30 =	simm.s32 $0xBA00  }
0x1d3: {  	[tilespmem:s30], [sflag:$0x3] =	stream.indirect_vreg.gather [hbm4b:s6+s3], $0x80, v3, vm0, $0xb8;
	[tilespmem:$0x18200] =	vst v63  }
0x1d4: {  	v3 =	vld [tilespmem:$0x100];
	_ =	sdelay $0x4  }
0x1d5: {  	v60 =	vshll.u32 v3, $0x1  }
0x1d6: {  	v3 =	vand.u32 $0x7, v3;
	v4 =	vand.u32 $0xFFFFFFF0, v60  }
0x1d7: {  	v3 =	vor.u32 v3, v4  }
0x1d8: {  	v4 =	vperm.xlane v3, v0;
	_ =	sdelay $0x1  }
0x1d9: {  	v3 =	vperm.xlane v3, v2;
	v4 =	vadd.s32 v1, v4;
	_ =	sdelay $0x1  }
0x1da: {  	v3 =	vadd.s32 v1, v3;
	_ =	sdelay $0x1  }
0x1db: {  	s30 =	simm.s32 $0x10200  }
0x1dc: {  	[tilespmem:s30], [sflag:$0x5] =	stream.indirect_vreg.gather [hbm4b:s7+s3], $0x80, v4, vm0, $0xb8;
	[tilespmem:$0x18200] =	vst v63  }
0x1dd: {  	s30 =	simm.s32 $0x10A00  }
0x1de: {  	[tilespmem:s30], [sflag:$0x5] =	stream.indirect_vreg.gather [hbm4b:s7+s3], $0x80, v3, vm0, $0xb8;
	[tilespmem:$0x18200] =	vst v63  }
0x1df: {  	v3 =	vld [tilespmem:$0x110];
	_ =	sdelay $0x4  }
0x1e0: {  	v61 =	vshll.u32 v3, $0x1  }
0x1e1: {  	v3 =	vand.u32 $0x7, v3;
	v4 =	vand.u32 $0xFFFFFFF0, v61  }
0x1e2: {  	v3 =	vor.u32 v3, v4  }
0x1e3: {  	v4 =	vperm.xlane v3, v0;
	_ =	sdelay $0x1  }
0x1e4: {  	v3 =	vperm.xlane v3, v2;
	v4 =	vadd.s32 v1, v4;
	_ =	sdelay $0x1  }
0x1e5: {  	v3 =	vadd.s32 v1, v3;
	_ =	sdelay $0x1  }
0x1e6: {  	s30 =	simm.s32 $0x11200  }
0x1e7: {  	[tilespmem:s30], [sflag:$0x5] =	stream.indirect_vreg.gather [hbm4b:s7+s3], $0x80, v4, vm0, $0xb8;
	[tilespmem:$0x18200] =	vst v63  }
0x1e8: {  	s30 =	simm.s32 $0x11A00  }
0x1e9: {  	[tilespmem:s30], [sflag:$0x5] =	stream.indirect_vreg.gather [hbm4b:s7+s3], $0x80, v3, vm0, $0xb8;
	[tilespmem:$0x18200] =	vst v63  }
0x1ea: {  	v3 =	vld [tilespmem:$0x120];
	_ =	sdelay $0x4  }
0x1eb: {  	v62 =	vshll.u32 v3, $0x1  }
0x1ec: {  	v3 =	vand.u32 $0x7, v3;
	v4 =	vand.u32 $0xFFFFFFF0, v62  }
0x1ed: {  	v3 =	vor.u32 v3, v4  }
0x1ee: {  	v4 =	vperm.xlane v3, v0;
	_ =	sdelay $0x1  }
0x1ef: {  	v3 =	vperm.xlane v3, v2;
	v4 =	vadd.s32 v1, v4;
	_ =	sdelay $0x1  }
0x1f0: {  	v3 =	vadd.s32 v1, v3;
	_ =	sdelay $0x1  }
0x1f1: {  	s30 =	simm.s32 $0x12200  }
0x1f2: {  	[tilespmem:s30], [sflag:$0x5] =	stream.indirect_vreg.gather [hbm4b:s7+s3], $0x80, v4, vm0, $0xb8;
	[tilespmem:$0x18200] =	vst v63  }
0x1f3: {  	s30 =	simm.s32 $0x12A00  }
0x1f4: {  	[tilespmem:s30], [sflag:$0x5] =	stream.indirect_vreg.gather [hbm4b:s7+s3], $0x80, v3, vm0, $0xb8;
	[tilespmem:$0x18200] =	vst v63  }
0x1f5: {  	v3 =	vld [tilespmem:$0x130];
	_ =	sdelay $0x4  }
0x1f6: {  	v63 =	vshll.u32 v3, $0x1  }
0x1f7: {  	v3 =	vand.u32 $0x7, v3;
	v4 =	vand.u32 $0xFFFFFFF0, v63  }
0x1f8: {  	v3 =	vor.u32 v3, v4  }
0x1f9: {  	v4 =	vperm.xlane v3, v0;
	_ =	sdelay $0x1  }
0x1fa: {  	v3 =	vperm.xlane v3, v2;
	v4 =	vadd.s32 v1, v4;
	_ =	sdelay $0x1  }
0x1fb: {  	v3 =	vadd.s32 v1, v3  }
.Ltmp5:
0x1fc: {  	_ = 	snop;
	(pc) =	sbr.rel .LBB2_4-.Ltmp5, $4  }
0x1fd: {  	s30 =	simm.s32 $0x13200  }
0x1fe: {  	[tilespmem:s30], [sflag:$0x5] =	stream.indirect_vreg.gather [hbm4b:s7+s3], $0x80, v4, vm0, $0xb8;
	[tilespmem:$0x18200] =	vst v63  }
0x1ff: {  	s30 =	simm.s32 $0x13A00  }
0x200: {  	[tilespmem:s30], [sflag:$0x5] =	stream.indirect_vreg.gather [hbm4b:s7+s3], $0x80, v3, vm0, $0xb8;
	[tilespmem:$0x18200] =	vst v63  }
.LBB2_6:
0x201: {  	_ =	sfence.sel $0x180000  }
0x202: {  	[bflag:$0x0] =	sbarrier.arrive $0xFFFF  }
0x203: {  	_ =	strace $0x90000047  }
0x204: {  	s0 =	stileid.u32;
	[bflag:$0x2] =	sbarrier.arrive $0xFFFF  }
0x205: {  	p0 =	sne.s32 s0, $0x0;
	s0 =	rddreg [dreg:$0x2]  }
0x206: {  	s0 =	sadd.s32 @!p0 $0x100000, s0  }
0x207: {  	[sflag:s0] =	ssyncadd.tile.s32 @!p0 $0x1;
	_ =	shalt  }
.Lfunc_end2:
_tile_overlayer_lowered:
.L_overlay_start_2:
0x208: {  	(tag) =	ssettag $0x2  }
0x209: {  	s0 =	rddreg [dreg:$0x0];
	s2 =	stileid.u32  }
0x20a: {  	s1 =	rddreg [dreg:$0x1];
	p0 =	sne.s32 s2, $0x0  }
0x20b: {  	s3 =	rddreg [dreg:$0x2];
	[bflag:$0x3] =	sbarrier.arrive $0xFFFF;
	s2 =	simm.s32 @!p0 $0x1C0D  }
0x20c: {  	[timem:s3], [sflag:s2] =	dma.local @!p0 [hbm:s0], s1  }
0x20d: {  	s0 =	simm.s32 @!p0 $0xD  }
0x20e: {  	_ =	swait.ge @!p0 [sflag:s0], s1  }
0x20f: {  	s1 =	ssub.s32 @!p0 $0x0, s1;
	[sflag:s0] =	ssyncset.done @!p0 $0x0  }
0x210: {  	[sflag:s0] =	ssyncadd.s32 @!p0 s1  }
0x211: {  	[bflag:$0x3] =	sbarrier.arrive $0xFFFF  }
0x212: {  	_ =	shalt  }

// kernel: kernel.21.cloned.1.call-start
scs
__scs_entry_jumppad:
0x0: {  	(pc) =	sbr.rel $0x88, $3  }
0x1: {  	(tag) =	ssettag $0x0;
	lr =	simm.s32 $0x1  }
0x2: {  	[smem:$0x3F8C] =	sst lr;
	_ =	strace $0xD0000000  }
0x3: {  	_ = 	snop  }
0x4: {  	_ = 	snop  }
0x5: {  	_ = 	snop  }
0x6: {  	_ = 	snop  }
0x7: {  	_ = 	snop  }
__scs_overlays_trampoline_lowered:
0x8: {  	[smem:$0x3F9B] =	sst s0  }
0x9: {  	[smem:$0x3F9C] =	sst s1  }
0xa: {  	[smem:$0x3F9D] =	sst s2  }
0xb: {  	[smem:$0x3F9E] =	sst s3  }
0xc: {  	[smem:$0x3F9F] =	sst s4  }
0xd: {  	[smem:$0x3FA0] =	sst s5  }
0xe: {  	[smem:$0x3FA1] =	sst s6  }
0xf: {  	[smem:$0x3FA2] =	sst s7  }
0x10: {  	[smem:$0x3FA3] =	sst s8  }
0x11: {  	[smem:$0x3FA4] =	sst s9;
	s0 =	simm.s32 @!p0 $0x0  }
0x12: {  	s1 =	sld [smem:$0x3F8A];
	s0 =	simm.s32 @p0 $0x1  }
0x13: {  	[smem:$0x3FA5] =	sst s0;
	s0 =	simm.s32 @!p1 $0x0  }
0x14: {  	s2 =	sld [smem:$0x3F89];
	s0 =	simm.s32 @p1 $0x1  }
0x15: {  	[smem:$0x3FA6] =	sst s0;
	s0 =	simm.s32 @!p2 $0x0  }
0x16: {  	s3 =	sld [smem:$0x3FDB];
	s0 =	simm.s32 @p2 $0x1  }
0x17: {  	s4 =	simm.s32 $0x1BF5;
	[smem:$0x3FA8] =	sst s0  }
0x18: {  	s0 =	sld [smem:$0x3F8B];
	_ =	swait.ge [sflag:s4], $0x0  }
0x19: {  	s7 =	sld [smem:$0x3F8C]  }
0x1a: {  	s8 =	sadd.s32 $0xFFFFE003, lr  }
0x1b: {  	s9 =	sadd.s32 $0xFFFFFEF7, lr;
	s5 =	simm.s32 $0xFFFFFFFF;
	p2 =	slt.u32 s8, $0xFFFFF086  }
0x1c: {  	p1 =	slt.u32 s9, $0xF7A;
	s5 =	simm.s32 @!p2 $0x0  }
0x1d: {  	s5 =	simm.s32 @p1 $0x1;
	p0 =	seq.s32 s7, s2  }
0x1e: {  	s7 =	smul.u32 @!p0 $0xF7A, s2;
	p2 =	seq.s32 @!p0 s5, $0x0  }
0x1f: {  	s9 =	smul.u32 $0xF7A, s1;
	s8 =	simm.s32 @!p0 $0x1BF5;
	p2 =	por !p2, p0  }
0x20: {  	[sflag:s8] =	ssyncset.s32 @!p0 $0xFFFFF086;
	s6 =	sadd.s32 @!p0 s3, s7;
	s7 =	simm.s32 @!p0 $0x108  }
0x21: {  	s3 =	sadd.s32 s3, s9;
	s6 =	sadd.s32 @!p0 $0x88, s6;
	s7 =	simm.s32 @p2 $0x1082  }
0x22: {  	[simem:s7], [sflag:s8] =	dma.local @!p0 [hbm:s6], $0xF7A  }
0x23: {  	s9 =	sor.u32 $0xD0000000, s2;
	s6 =	simm.s32 $0x108;
	_ =	swait.ge @!p0 [sflag:s8], $0x0  }
0x24: {  	s3 =	sadd.s32 $0x88, s3;
	s6 =	simm.s32 @!p1 $0x1082;
	[sflag:s4] =	ssyncset.s32 $0xFFFFF086  }
0x25: {  	[simem:s6], [sflag:s4] =	dma.local [hbm:s3], $0xF7A  }
0x26: {  	[smem:$0x3F8C] =	sst s1;
	(tag) =	ssettag s2;
	_ =	strace s9  }
0x27: {  	s1 =	sld [smem:$0x3F9C]  }
0x28: {  	s2 =	sld [smem:$0x3F9D]  }
0x29: {  	s4 =	sld [smem:$0x3F9F]  }
0x2a: {  	p0 =	seq.s32 s5, $0x0;
	s5 =	sld [smem:$0x3FA0]  }
0x2b: {  	s6 =	sld [smem:$0x3FA1]  }
0x2c: {  	s7 =	sld [smem:$0x3FA2]  }
0x2d: {  	s3 =	simm.s32 $0x108;
	s8 =	sld [smem:$0x3FA3]  }
0x2e: {  	s3 =	simm.s32 @!p0 $0x1082;
	s9 =	sld [smem:$0x3FA4]  }
0x2f: {  	lr =	sadd.s32 s0, s3;
	s0 =	sld [smem:$0x3F9B]  }
0x30: {  	s3 =	sld [smem:$0x3F9E]  }
0x31: {  	[smem:$0x3FA7] =	sst s10  }
0x32: {  	s10 =	sld [smem:$0x3FA5];
	_ =	sdelay $0x3  }
0x33: {  	p0 =	seq.s32 s10, $0x1;
	s10 =	sld [smem:$0x3FA7];
	_ =	sdelay $0x3  }
0x34: {  	[smem:$0x3FA7] =	sst s10  }
0x35: {  	s10 =	sld [smem:$0x3FA6];
	_ =	sdelay $0x3  }
0x36: {  	p1 =	seq.s32 s10, $0x1;
	s10 =	sld [smem:$0x3FA7];
	_ =	sdelay $0x3  }
0x37: {  	[smem:$0x3FA7] =	sst s10  }
0x38: {  	s10 =	sld [smem:$0x3FA8]  }
0x39: {  	_ = 	snop;
	(pc) =	sbr.ind lr, $3  }
0x3a: {  	_ = 	snop  }
0x3b: {  	_ = 	snop  }
0x3c: {  	p2 =	seq.s32 s10, $0x1;
	s10 =	sld [smem:$0x3FA7]  }
0x3d: {  	_ =	shalt  }
0x3e: {  	_ =	shalt  }
0x3f: {  	_ =	shalt  }
0x40: {  	_ =	shalt  }
0x41: {  	_ =	shalt  }
0x42: {  	_ =	shalt  }
0x43: {  	_ =	shalt  }
0x44: {  	_ =	shalt  }
0x45: {  	_ =	shalt  }
0x46: {  	_ =	shalt  }
0x47: {  	_ =	shalt  }
0x48: {  	_ =	shalt  }
0x49: {  	_ =	shalt  }
0x4a: {  	_ =	shalt  }
0x4b: {  	_ =	shalt  }
0x4c: {  	_ =	shalt  }
0x4d: {  	_ =	shalt  }
0x4e: {  	_ =	shalt  }
0x4f: {  	_ =	shalt  }
0x50: {  	_ =	shalt  }
0x51: {  	_ =	shalt  }
0x52: {  	_ =	shalt  }
0x53: {  	_ =	shalt  }
0x54: {  	_ =	shalt  }
0x55: {  	_ =	shalt  }
0x56: {  	_ =	shalt  }
0x57: {  	_ =	shalt  }
0x58: {  	_ =	shalt  }
0x59: {  	_ =	shalt  }
0x5a: {  	_ =	shalt  }
0x5b: {  	_ =	shalt  }
0x5c: {  	_ =	shalt  }
0x5d: {  	_ =	shalt  }
0x5e: {  	_ =	shalt  }
0x5f: {  	_ =	shalt  }
0x60: {  	_ =	shalt  }
0x61: {  	_ =	shalt  }
0x62: {  	_ =	shalt  }
0x63: {  	_ =	shalt  }
0x64: {  	_ =	shalt  }
0x65: {  	_ =	shalt  }
0x66: {  	_ =	shalt  }
0x67: {  	_ =	shalt  }
0x68: {  	_ =	shalt  }
0x69: {  	_ =	shalt  }
0x6a: {  	_ =	shalt  }
0x6b: {  	_ =	shalt  }
0x6c: {  	_ =	shalt  }
0x6d: {  	_ =	shalt  }
0x6e: {  	_ =	shalt  }
0x6f: {  	_ =	shalt  }
0x70: {  	_ =	shalt  }
0x71: {  	_ =	shalt  }
0x72: {  	_ =	shalt  }
0x73: {  	_ =	shalt  }
0x74: {  	_ =	shalt  }
0x75: {  	_ =	shalt  }
0x76: {  	_ =	shalt  }
0x77: {  	_ =	shalt  }
0x78: {  	_ =	shalt  }
0x79: {  	_ =	shalt  }
0x7a: {  	_ =	shalt  }
0x7b: {  	_ =	shalt  }
0x7c: {  	_ =	shalt  }
0x7d: {  	_ =	shalt  }
0x7e: {  	_ =	shalt  }
0x7f: {  	_ =	shalt  }
0x80: {  	_ =	shalt  }
0x81: {  	_ =	shalt  }
0x82: {  	_ =	shalt  }
0x83: {  	_ =	shalt  }
0x84: {  	_ =	shalt  }
0x85: {  	_ =	shalt  }
0x86: {  	_ =	shalt  }
0x87: {  	_ =	shalt  }
.Lfunc_end0:
.L_simem_size_0:
called_computation.2_lowered:
.L_overlay_start_0:
0x88: {  	s2 =	sld [smem:$0x3FD9]  }
0x89: {  	s3 =	sld [smem:$0x3FFE];
	_ =	sdelay $0x1  }
0x8a: {  	s1 =	srdreg.scid  }
0x8b: {  	s0 =	sand.u32 $0x1, s1  }
0x8c: {  	s17 =	sshll.u32 s0, $0xA;
	s2 =	sadd.s32 s3, s2  }
0x8d: {  	s2 =	sadd.s32 s2, s17  }
0x8e: {  	[smem:$0x3FB3] =	sst s2  }
0x8f: {  	_ = 	snop  }
0x90: {  	s18 =	sld [smem:$0x3FD0];
	(tm) =	ssettm $0x1  }
0x91: {  	s19 =	sld [smem:$0x3FFB];
	_ =	sdelay $0x3  }
0x92: {  	_ =	strace s19  }
0x93: {  	s2 =	sld [smem:$0x3FFC];
	_ =	sdelay $0x3  }
0x94: {  	_ =	strace s2  }
0x95: {  	s2 =	sld [smem:$0x3FFD];
	_ =	sdelay $0x3  }
0x96: {  	_ =	strace s2  }
0x97: {  	_ =	strace $0x8FFFFFFF  }
0x98: {  	s20 =	sld [smem:$0x3FDB];
	_ =	sdelay $0x1  }
0x99: {  	s4 =	simm.s32 $_scs_section_size  }
0x9a: {  	s5 =	simm.s32 $_size__tile_overlayer_lowered;
	s6 =	simm.s32 $_tile_overlayer_lowered  }
0x9b: {  	s7 =	simm.s32 $0x1BFF;
	s21 =	sshll.u32 s6, $0x1;
	s4 =	sadd.s32 s4, s20  }
0x9c: {  	s22 =	simm.s32 $0x0;
	s5 =	sshll.u32 s5, $0x1;
	s6 =	sadd.s32 s21, s4  }
0x9d: {  	[timem:s22], [sflag:s7] =	dma.local [hbm:s6], s5  }
0x9e: {  	_ =	swait.ge [sflag:s7], s5  }
0x9f: {  	s5 =	ssub.s32 $0x0, s5;
	[sflag:s7] =	ssyncset.done $0x0  }
0xa0: {  	[sflag:s7] =	ssyncadd.s32 s5;
	_ =	sdelay $0x1  }
0xa1: {  	s23 =	simm.s32 $0x1B8B  }
0xa2: {  	_ =	swait.ge [sflag:s23], $0x1  }
0xa3: {  	[sflag:s23] =	ssyncset.done $0x0  }
0xa4: {  	[sflag:s23] =	ssyncadd.s32 $0xFFFFFFFF  }
0xa5: {  	s5 =	sld [smem:$0x0]  }
0xa6: {  	s6 =	sand.u32 $0xFFFFFFFE, s1  }
0xa7: {  	p0 =	sne.s32 s1, s6  }
0xa8: {  	s6 =	sshll.u32 @p0 s6, $0xE  }
0xa9: {  	s6 =	sadd.s32 @p0 $0x11B8D, s6;
	s7 =	sshll.u32 @p0 s5, $0x11  }
0xaa: {  	s6 =	sor.u32 @p0 s7, s6  }
0xab: {  	[sflag:s6] =	ssyncadd.remote.s32 @p0 $0x1;
	_ =	sdelay $0x1  }
0xac: {  	s6 =	simm.s32 @p0 $0x1B8D  }
0xad: {  	_ =	swait.eq @p0 [sflag:s6], $0x1  }
0xae: {  	[sflag:s6] =	ssyncadd.s32 @p0 $0xFFFFFFFF  }
0xaf: {  	s7 =	sshll.u32 @!p0 s1, $0xE  }
0xb0: {  	s7 =	sor.u32 @!p0 $0x4000, s7;
	s6 =	simm.s32 @!p0 $0x1B8D  }
0xb1: {  	s5 =	sshll.u32 @!p0 s5, $0x11;
	s7 =	sadd.s32 @!p0 $0x11B8D, s7;
	_ =	swait.eq @!p0 [sflag:s6], $0x1  }
0xb2: {  	s5 =	sor.u32 @!p0 s5, s7;
	[sflag:s6] =	ssyncadd.s32 @!p0 $0xFFFFFFFF  }
0xb3: {  	s25 =	simm.s32 $0x1B8E;
	s24 =	sld [smem:$0x3FFE];
	[sflag:s5] =	ssyncadd.remote.s32 @!p0 $0x1  }
0xb4: {  	s26 =	simm.s32 $execute0_lowered;
	[smem:$0x3FD2] =	sst s25  }
0xb5: {  	s6 =	sshll.u32 s26, $0x1;
	_ =	strace $0x80000052;
	[dreg:$0x1] =	wrdreg $0xFFFFFFFF  }
0xb6: {  	s28 =	simm.s32 $_size_execute0_lowered;
	s4 =	sadd.s32 s4, s6;
	[dreg:$0x0] =	wrdreg $0x0  }
0xb7: {  	s6 =	sshll.u32 s28, $0x1;
	[dreg:$0x2] =	wrdreg s4  }
0xb8: {  	[dreg:$0x3] =	wrdreg s6  }
0xb9: {  	[dreg:$0x4] =	wrdreg $0xC0  }
0xba: {  	_ =	task [dreg:s22], $0x5FFFF  }
0xbb: {  	[dreg:$0x1] =	wrdreg $0xFFFFFFFF  }
0xbc: {  	[dreg:$0x0] =	wrdreg $0x60  }
0xbd: {  	[dreg:$0x2] =	wrdreg s18  }
0xbe: {  	[dreg:$0x3] =	wrdreg s24  }
0xbf: {  	[dreg:$0x4] =	wrdreg $0x0  }
0xc0: {  	[dreg:$0x5] =	wrdreg $0x9  }
0xc1: {  	_ =	task.clear_ibuf [dreg:s22], $0x6FFFF;
	_ =	strace $0x90000052  }
0xc2: {  	s29 =	simm.s32 $0x9;
	_ =	strace $0x80000054  }
0xc3: {  	_ =	swait.ge [sflag:s29], $0x1  }
0xc4: {  	[sflag:s29] =	ssyncadd.s32 $0xFFFFFFFF  }
0xc5: {  	_ =	strace $0x90000054  }
0xc6: {  	_ =	sfence  }
0xc7: {  	s30 =	sld [smem:$0x0];
	_ =	sdelay $0x2  }
0xc8: {  	s31 =	sshll.u32 s1, $0xD;
	s1 =	sshrl.u32 s1, $0x2  }
0xc9: {  	s4 =	sand.u32 $0x4000, s31;
	s1 =	sadd.s32 s1, s30  }
0xca: {  	s0 =	sor.u32 s4, s0;
	s1 =	sshll.u32 s1, $0x11  }
0xcb: {  	s0 =	sor.u32 s1, s0  }
0xcc: {  	s0 =	sadd.s32 $0x8F2B, s0  }
0xcd: {  	[sflag:s0] =	ssyncadd.remote.s32 $0x1  }
0xce: {  	_ =	sfence.sel $0xFFFF  }
0xcf: {  	[dreg:$0x0] =	wrdreg $0xFFFFFFFF;
	(pc) =	sbr.abs _section_cstart, $3  }
0xd0: {  	[dreg:$0x1] =	wrdreg $0xFFFFFFFF  }
0xd1: {  	_ =	task.clear_ibuf [dreg:s22], $0x2FFFF;
	_ =	strace $0x9FFFFFFF  }
0xd2: {  	(tm) =	ssettm $0x7FFFFFFF  }
0xd3: {  	_ =	shalt  }
tec
execute0_lowered:
.L_overlay_start_1:
0x0: {  	(tag) =	ssettag $0x1  }
0x1: {  	s0 =	rddreg [dreg:$0x0]  }
0x2: {  	s2 =	rddreg [dreg:$0x1]  }
0x3: {  	s1 =	rddreg [dreg:$0x2]  }
0x4: {  	s3 =	srdreg.scid;
	s12 =	stileid.u32  }
0x5: {  	s28 =	simm.s32 $0x18080;
	s29 =	simm.s32 $0x18180;
	s6 =	smul.u32 $0x14000, s12  }
0x6: {  	s30 =	simm.s32 $0x16000;
	s31 =	simm.s32 $0x2;
	s8 =	smul.u32 $0x50000, s12  }
0x7: {  	s5 =	sand.u32 $0x1, s3;
	s3 =	simm.s32 $0x0;
	s11 =	smul.u32 $0x2800, s12  }
0x8: {  	s7 =	sadd.s32 $0x53C00, s2;
	s4 =	smul.u32 $0x140000, s5;
	[smem:$0x7FF] =	sst s3  }
0x9: {  	s26 =	ssub.s32 $0x2, s5;
	s13 =	smul.u32 $0x2800, s5;
	_ =	strace $0x80000053  }
0xa: {  	s10 =	sshrl.u32 s26, $0x1;
	s18 =	sshrl.u32 s8, $0x2;
	s19 =	sshrl.u32 s11, $0x3  }
0xb: {  	s4 =	sadd.s32 s6, s4;
	s6 =	ssub.s32 s26, s10;
	s5 =	sadd.s32 s18, s1  }
0xc: {  	s20 =	sadd.s32 s0, s19;
	s8 =	sadd.s32 s7, s19;
	s26 =	smul.u32 $0x500, s12  }
0xd: {  	s9 =	sshrl.u32 s4, $0x3;
	s4 =	sadd.s32 $0x148C00, s2;
	[dreg:$0x4] =	wrdreg s20  }
0xe: {  	[dreg:$0x5] =	wrdreg s8;
	s21 =	smax.u32 s6, $0x1;
	s22 =	sadd.s32 $0x2000, s5  }
0xf: {  	s23 =	sadd.s32 $0x4000, s5;
	s24 =	sadd.s32 $0x6000, s5;
	[dreg:$0x7] =	wrdreg s21  }
0x10: {  	s25 =	sadd.s32 $0x8000, s5;
	s14 =	sadd.s32 $0xA000, s5;
	[dreg:$0x8] =	wrdreg s22  }
0x11: {  	s15 =	sadd.s32 $0xC000, s5;
	s16 =	sadd.s32 $0xE000, s5;
	[dreg:$0x9] =	wrdreg s23  }
0x12: {  	s17 =	sadd.s32 $0x10000, s5;
	s18 =	sadd.s32 $0x12000, s5;
	[dreg:$0xa] =	wrdreg s24  }
0x13: {  	s6 =	simm.s32 $0x0;
	s2 =	sadd.s32 s9, s2;
	[dreg:$0xb] =	wrdreg s25  }
0x14: {  	s19 =	sadd.s32 s26, s7;
	s20 =	sadd.s32 s26, s0;
	s21 =	simm.s32 $0x14000  }
0x15: {  	s22 =	simm.s32 $0x5;
	s23 =	simm.s32 $0x18000;
	s24 =	simm.s32 $0x18100  }
0x16: {  	s25 =	simm.s32 $0x40;
	s26 =	simm.s32 $0x1;
	s2 =	sadd.s32 $0x918C00, s2  }
0x17: {  	v1 =	vimm.f32 $0.0e+00;
	v0 =	vmov s13;
	s0 =	simm.s32 $0x3;
	[dreg:$0x6] =	wrdreg s2;
	s2 =	simm.s32 $0x4  }
.LBB2_1:
0x18: {  	s7 =	sand.u32 $0x7E00, s3  }
0x19: {  	s8 =	sand.u32 $0x70, s3;
	s9 =	sshrl.u32 s7, $0x2  }
0x1a: {  	s7 =	simm.s32 $0x40;
	s9 =	sor.u32 s8, s9;
	s8 =	simm.s32 $0x0  }
.LBB2_2:
0x1b: {  	p0 =	sne.s32 s7, $0x7FC0  }
0x1c: {  	[tilespmem:s9+$0x14000] =	vst v1;
	s8 =	sadd.s32 $0x10, s8;
	s9 =	smov.u32 s7;
	s7 =	sadd.s32 $0x40, s7  }
.Ltmp0:
0x1d: {  	(pc) =	sbr.rel @p0 .LBB2_2-.Ltmp0, $4  }
0x1e: {  	_ = 	snop  }
0x1f: {  	s9 =	sand.u32 $0x7E00, s9  }
0x20: {  	s10 =	sand.u32 $0x70, s8;
	s9 =	sshrl.u32 s9, $0x2  }
0x21: {  	s9 =	sor.u32 s10, s9  }
0x22: {  	[tilespmem:s9+$0x14000] =	vst v1  }
0x23: {  	[spmem:s5] =	stream.linear.scatter [tilespmem:s21], [sflag:$0x5], $0x2000, $0x38;
	[tilespmem:$0x18200] =	vst v63  }
0x24: {  	_ =	swait.ge [sflag:s22], $0x2000  }
0x25: {  	[sflag:s22] =	ssyncset.done $0x0  }
0x26: {  	s7 =	rddreg [dreg:$0x8];
	[sflag:s22] =	ssyncadd.s32 $0xFFFFE000  }
0x27: {  	[spmem:s7] =	stream.linear.scatter [tilespmem:s21], [sflag:$0x5], $0x2000, $0x38;
	[tilespmem:$0x18200] =	vst v63  }
0x28: {  	_ =	swait.ge [sflag:s22], $0x2000  }
0x29: {  	[sflag:s22] =	ssyncset.done $0x0  }
0x2a: {  	s8 =	rddreg [dreg:$0x9];
	[sflag:s22] =	ssyncadd.s32 $0xFFFFE000  }
0x2b: {  	[spmem:s8] =	stream.linear.scatter [tilespmem:s21], [sflag:$0x5], $0x2000, $0x38;
	[tilespmem:$0x18200] =	vst v63  }
0x2c: {  	_ =	swait.ge [sflag:s22], $0x2000  }
0x2d: {  	[sflag:s22] =	ssyncset.done $0x0  }
0x2e: {  	s9 =	rddreg [dreg:$0xa];
	[sflag:s22] =	ssyncadd.s32 $0xFFFFE000  }
0x2f: {  	[spmem:s9] =	stream.linear.scatter [tilespmem:s21], [sflag:$0x5], $0x2000, $0x38;
	[tilespmem:$0x18200] =	vst v63  }
0x30: {  	_ =	swait.ge [sflag:s22], $0x2000  }
0x31: {  	[sflag:s22] =	ssyncset.done $0x0  }
0x32: {  	s10 =	rddreg [dreg:$0xb];
	[sflag:s22] =	ssyncadd.s32 $0xFFFFE000  }
0x33: {  	[spmem:s10] =	stream.linear.scatter [tilespmem:s21], [sflag:$0x5], $0x2000, $0x38;
	[tilespmem:$0x18200] =	vst v63  }
0x34: {  	_ =	swait.ge [sflag:s22], $0x2000  }
0x35: {  	[sflag:s22] =	ssyncset.done $0x0  }
0x36: {  	[sflag:s22] =	ssyncadd.s32 $0xFFFFE000  }
0x37: {  	[spmem:s14] =	stream.linear.scatter [tilespmem:s21], [sflag:$0x5], $0x2000, $0x38;
	[tilespmem:$0x18200] =	vst v63  }
0x38: {  	_ =	swait.ge [sflag:s22], $0x2000  }
0x39: {  	[sflag:s22] =	ssyncset.done $0x0  }
0x3a: {  	[sflag:s22] =	ssyncadd.s32 $0xFFFFE000  }
0x3b: {  	[spmem:s15] =	stream.linear.scatter [tilespmem:s21], [sflag:$0x5], $0x2000, $0x38;
	[tilespmem:$0x18200] =	vst v63  }
0x3c: {  	_ =	swait.ge [sflag:s22], $0x2000  }
0x3d: {  	[sflag:s22] =	ssyncset.done $0x0  }
0x3e: {  	[sflag:s22] =	ssyncadd.s32 $0xFFFFE000  }
0x3f: {  	[spmem:s16] =	stream.linear.scatter [tilespmem:s21], [sflag:$0x5], $0x2000, $0x38;
	[tilespmem:$0x18200] =	vst v63  }
0x40: {  	_ =	swait.ge [sflag:s22], $0x2000  }
0x41: {  	[sflag:s22] =	ssyncset.done $0x0  }
0x42: {  	[sflag:s22] =	ssyncadd.s32 $0xFFFFE000  }
0x43: {  	[spmem:s17] =	stream.linear.scatter [tilespmem:s21], [sflag:$0x5], $0x2000, $0x38;
	[tilespmem:$0x18200] =	vst v63  }
0x44: {  	_ =	swait.ge [sflag:s22], $0x2000  }
0x45: {  	[sflag:s22] =	ssyncset.done $0x0  }
0x46: {  	[sflag:s22] =	ssyncadd.s32 $0xFFFFE000  }
0x47: {  	[spmem:s18] =	stream.linear.scatter [tilespmem:s21], [sflag:$0x5], $0x2000, $0x38;
	[tilespmem:$0x18200] =	vst v63  }
0x48: {  	_ =	swait.ge [sflag:s22], $0x2000  }
0x49: {  	[sflag:s22] =	ssyncset.done $0x0  }
0x4a: {  	[sflag:s22] =	ssyncadd.s32 $0xFFFFE000  }
0x4b: {  	[bflag:$0x0] =	sbarrier.arrive $0xFFFF  }
0x4c: {  	s7 =	simm.s32 $0x0;
	s8 =	rddreg [dreg:$0x4]  }
0x4d: {  	[tilespmem:s23], [sflag:$0x5] =	stream.linear.gather [hbm4b:s8+s7], $0x40, $0x38;
	[tilespmem:$0x18200] =	vst v63  }
0x4e: {  	_ =	swait.ge [sflag:s22], $0x40  }
0x4f: {  	[sflag:s22] =	ssyncset.done $0x0  }
0x50: {  	s11 =	rddreg [dreg:$0x5];
	[sflag:s22] =	ssyncadd.s32 $0xFFFFFFC0  }
0x51: {  	[tilespmem:s24], [sflag:$0x5] =	stream.linear.gather [hbm4b:s11+s7], $0x40, $0x38;
	[tilespmem:$0x18200] =	vst v63  }
0x52: {  	_ =	swait.ge [sflag:s22], $0x40  }
0x53: {  	[sflag:s22] =	ssyncset.done $0x0  }
0x54: {  	[sflag:s22] =	ssyncadd.s32 $0xFFFFFFC0  }
0x55: {  	v2 =	vld [tilespmem:$0x18000]  }
0x56: {  	v3 =	vld [tilespmem:$0x18010]  }
0x57: {  	v4 =	vld [tilespmem:$0x18020]  }
0x58: {  	v5 =	vld [tilespmem:$0x18030];
	_ =	sdelay $0x1  }
0x59: {  	v2 =	vadd.s32 v0, v2  }
0x5a: {  	[tilespmem:$0x18000] =	vst v2;
	v2 =	vadd.s32 v0, v3  }
0x5b: {  	[tilespmem:$0x18010] =	vst v2;
	v2 =	vadd.s32 v0, v4  }
0x5c: {  	[tilespmem:$0x18020] =	vst v2;
	v2 =	vadd.s32 v0, v5  }
0x5d: {  	[tilespmem:$0x18030] =	vst v2  }
0x5e: {  	[tilespmem:s21], [sflag:$0x1] =	stream.indirect.gather [hbm4b:s4+s25], $0x80, s23, s25, $0xb8;
	[tilespmem:$0x18200] =	vst v63  }
0x5f: {  	_ =	swait.ge [sflag:s26], $0x2000  }
0x60: {  	p0 =	por $0x1, $0x1;
	[sflag:s26] =	ssyncset.done $0x0  }
0x61: {  	s8 =	simm.s32 @!p0 $0x4;
	[sflag:s26] =	ssyncadd.s32 $0xFFFFE000  }
0x62: {  	_ =	swait.ge @!p0 [sflag:s8], $0x2000  }
0x63: {  	s12 =	sadd.s32 $0x0, s20;
	[sflag:s8] =	ssyncset.done @!p0 $0x0  }
0x64: {  	s9 =	sadd.s32 $0x8, s12;
	[sflag:s8] =	ssyncadd.s32 @!p0 $0xFFFFE000  }
0x65: {  	[tilespmem:s28], [sflag:$0x5] =	stream.linear.gather [hbm4b:s9+s3], $0x40, $0x38;
	[tilespmem:$0x18200] =	vst v63  }
0x66: {  	_ =	swait.ge [sflag:s22], $0x40  }
0x67: {  	s13 =	sadd.s32 $0x0, s19;
	[sflag:s22] =	ssyncset.done $0x0  }
0x68: {  	s8 =	sadd.s32 $0x8, s13;
	[sflag:s22] =	ssyncadd.s32 $0xFFFFFFC0  }
0x69: {  	[tilespmem:s29], [sflag:$0x5] =	stream.linear.gather [hbm4b:s8+s3], $0x40, $0x38;
	[tilespmem:$0x18200] =	vst v63  }
0x6a: {  	_ =	swait.ge [sflag:s22], $0x40  }
0x6b: {  	[sflag:s22] =	ssyncset.done $0x0  }
0x6c: {  	[sflag:s22] =	ssyncadd.s32 $0xFFFFFFC0  }
0x6d: {  	v2 =	vld [tilespmem:$0x180B0]  }
0x6e: {  	v3 =	vld [tilespmem:$0x180A0]  }
0x6f: {  	v4 =	vld [tilespmem:$0x18090]  }
0x70: {  	v5 =	vld [tilespmem:$0x18080];
	_ =	sdelay $0x1  }
0x71: {  	v2 =	vadd.s32 v0, v2  }
0x72: {  	v3 =	vadd.s32 v0, v3;
	[tilespmem:$0x180B0] =	vst v2  }
0x73: {  	v2 =	vadd.s32 v0, v4;
	[tilespmem:$0x180A0] =	vst v3  }
0x74: {  	v3 =	vadd.s32 v0, v5;
	[tilespmem:$0x18090] =	vst v2  }
0x75: {  	[tilespmem:$0x18080] =	vst v3  }
0x76: {  	[tilespmem:s30], [sflag:$0x2] =	stream.indirect.gather [hbm4b:s4+s25], $0x80, s28, s25, $0xb8;
	[tilespmem:$0x18200] =	vst v63  }
0x77: {  	_ = 	snop  }
0x78: {  	[spmem:s1] =	stream.indirect.scatter.add.f32 [tilespmem:s21], [sflag:$0x3], $0x80, s24, s25, $0xb8;
	[tilespmem:$0x18200] =	vst v63  }
0x79: {  	_ =	swait.ge [sflag:s31], $0x2000  }
0x7a: {  	[sflag:s31] =	ssyncset.done $0x0  }
0x7b: {  	p1 =	por $0x0, $0x0;
	[sflag:s31] =	ssyncadd.s32 $0xFFFFE000  }
0x7c: {  	s10 =	simm.s32 @!p1 $0x18000;
	_ =	swait.ge [sflag:s0], $0x2000  }
0x7d: {  	s11 =	simm.s32 @!p1 $0x5;
	s8 =	sadd.s32 @!p1 $0x0, s20;
	[sflag:s0] =	ssyncset.done $0x0  }
0x7e: {  	s9 =	simm.s32 @!p1 $0x0;
	s8 =	sadd.s32 @!p1 $0x10, s8;
	[sflag:s0] =	ssyncadd.s32 $0xFFFFE000  }
0x7f: {  	[tilespmem:s10], [sflag:$0x5] =	stream.linear.gather @!p1 [hbm4b:s8+s9], $0x40, $0x38;
	[tilespmem:$0x18200] =	vst v63  }
0x80: {  	_ =	swait.ge @!p1 [sflag:s11], $0x40  }
0x81: {  	s8 =	sadd.s32 @!p1 $0x0, s19;
	[sflag:s11] =	ssyncset.done @!p1 $0x0  }
0x82: {  	s12 =	simm.s32 @!p1 $0x18100;
	s8 =	sadd.s32 @!p1 $0x10, s8;
	[sflag:s11] =	ssyncadd.s32 @!p1 $0xFFFFFFC0  }
0x83: {  	[tilespmem:s12], [sflag:$0x5] =	stream.linear.gather @!p1 [hbm4b:s8+s9], $0x40, $0x38;
	[tilespmem:$0x18200] =	vst v63  }
0x84: {  	_ =	swait.ge @!p1 [sflag:s11], $0x40  }
0x85: {  	[sflag:s11] =	ssyncset.done @!p1 $0x0  }
0x86: {  	[sflag:s11] =	ssyncadd.s32 @!p1 $0xFFFFFFC0  }
0x87: {  	v3 =	vld @!p1 [tilespmem:$0x18000]  }
0x88: {  	s8 =	simm.s32 $0x10;
	v2 =	vld @!p1 [tilespmem:$0x18010]  }
.LBB2_4:
0x89: {  	v4 =	vld @!p1 [tilespmem:$0x18020];
	s7 =	sadd.s32 $0x1, s7;
	s9 =	smov.u32 s8;
	s8 =	sadd.s32 $0x10, s8  }
0x8a: {  	p0 =	sne.s32 s8, $0x500;
	v5 =	vld @!p1 [tilespmem:$0x18030];
	_ =	sdelay $0x1  }
0x8b: {  	v3 =	vadd.s32 @!p1 v0, v3  }
0x8c: {  	[tilespmem:$0x18000] =	vst @!p1 v3;
	v2 =	vadd.s32 @!p1 v0, v2  }
0x8d: {  	[tilespmem:$0x18010] =	vst @!p1 v2;
	v2 =	vadd.s32 @!p1 v0, v4  }
0x8e: {  	[tilespmem:$0x18020] =	vst @!p1 v2;
	v2 =	vadd.s32 @!p1 v0, v5  }
0x8f: {  	s11 =	simm.s32 @!p1 $0x40;
	s12 =	simm.s32 @!p1 $0x14000;
	[tilespmem:$0x18030] =	vst @!p1 v2  }
0x90: {  	[tilespmem:s12], [sflag:$0x1] =	stream.indirect.gather @!p1 [hbm4b:s4+s11], $0x80, s10, s11, $0xb8;
	[tilespmem:$0x18200] =	vst v63  }
0x91: {  	p1 =	seq.s32 s9, $0x0  }
0x92: {  	[spmem:s1] =	stream.indirect.scatter.add.f32 [tilespmem:s30], [sflag:$0x4], $0x80, s29, s25, $0xb8;
	[tilespmem:$0x18200] =	vst v63  }
0x93: {  	s10 =	simm.s32 @!p1 $0x4;
	_ =	swait.ge [sflag:s26], $0x2000  }
0x94: {  	[sflag:s26] =	ssyncset.done $0x0  }
0x95: {  	s11 =	sadd.s32 s9, s20;
	[sflag:s26] =	ssyncadd.s32 $0xFFFFE000  }
0x96: {  	s11 =	sadd.s32 $0x8, s11;
	_ =	swait.ge @!p1 [sflag:s10], $0x2000  }
0x97: {  	[sflag:s10] =	ssyncset.done @!p1 $0x0  }
0x98: {  	[sflag:s10] =	ssyncadd.s32 @!p1 $0xFFFFE000;
	s10 =	sadd.s32 s9, s19  }
0x99: {  	[tilespmem:s28], [sflag:$0x5] =	stream.linear.gather [hbm4b:s11+s3], $0x40, $0x38;
	[tilespmem:$0x18200] =	vst v63  }
0x9a: {  	s10 =	sadd.s32 $0x8, s10;
	_ =	swait.ge [sflag:s22], $0x40  }
0x9b: {  	[sflag:s22] =	ssyncset.done $0x0  }
0x9c: {  	[sflag:s22] =	ssyncadd.s32 $0xFFFFFFC0  }
0x9d: {  	[tilespmem:s29], [sflag:$0x5] =	stream.linear.gather [hbm4b:s10+s3], $0x40, $0x38;
	[tilespmem:$0x18200] =	vst v63  }
0x9e: {  	_ =	swait.ge [sflag:s22], $0x40  }
0x9f: {  	[sflag:s22] =	ssyncset.done $0x0  }
0xa0: {  	[sflag:s22] =	ssyncadd.s32 $0xFFFFFFC0  }
0xa1: {  	v2 =	vld [tilespmem:$0x180B0]  }
0xa2: {  	v3 =	vld [tilespmem:$0x180A0]  }
0xa3: {  	v4 =	vld [tilespmem:$0x18090]  }
0xa4: {  	v5 =	vld [tilespmem:$0x18080];
	_ =	sdelay $0x1  }
0xa5: {  	v2 =	vadd.s32 v0, v2  }
0xa6: {  	v3 =	vadd.s32 v0, v3;
	[tilespmem:$0x180B0] =	vst v2  }
0xa7: {  	v2 =	vadd.s32 v0, v4;
	[tilespmem:$0x180A0] =	vst v3  }
0xa8: {  	v3 =	vadd.s32 v0, v5;
	[tilespmem:$0x18090] =	vst v2  }
0xa9: {  	[tilespmem:$0x18080] =	vst v3  }
0xaa: {  	[tilespmem:s30], [sflag:$0x2] =	stream.indirect.gather [hbm4b:s4+s25], $0x80, s28, s25, $0xb8;
	[tilespmem:$0x18200] =	vst v63  }
0xab: {  	_ = 	snop  }
0xac: {  	[spmem:s1] =	stream.indirect.scatter.add.f32 [tilespmem:s21], [sflag:$0x3], $0x80, s24, s25, $0xb8;
	[tilespmem:$0x18200] =	vst v63  }
0xad: {  	_ =	swait.ge [sflag:s31], $0x2000  }
0xae: {  	p1 =	sgt.u32 s7, $0x4E;
	[sflag:s31] =	ssyncset.done $0x0  }
0xaf: {  	s11 =	simm.s32 @!p1 $0x0;
	s10 =	sadd.s32 @!p1 s9, s20;
	[sflag:s31] =	ssyncadd.s32 $0xFFFFE000  }
0xb0: {  	s12 =	sadd.s32 @!p1 $0x10, s10;
	s10 =	simm.s32 @!p1 $0x18000;
	_ =	swait.ge [sflag:s0], $0x2000  }
0xb1: {  	s9 =	sadd.s32 @!p1 s9, s19;
	[sflag:s0] =	ssyncset.done $0x0  }
0xb2: {  	s13 =	simm.s32 @!p1 $0x5;
	s9 =	sadd.s32 @!p1 $0x10, s9;
	[sflag:s0] =	ssyncadd.s32 $0xFFFFE000  }
0xb3: {  	[tilespmem:s10], [sflag:$0x5] =	stream.linear.gather @!p1 [hbm4b:s12+s11], $0x40, $0x38;
	[tilespmem:$0x18200] =	vst v63  }
0xb4: {  	_ =	swait.ge @!p1 [sflag:s13], $0x40  }
0xb5: {  	[sflag:s13] =	ssyncset.done @!p1 $0x0  }
0xb6: {  	s12 =	simm.s32 @!p1 $0x18100;
	[sflag:s13] =	ssyncadd.s32 @!p1 $0xFFFFFFC0  }
0xb7: {  	[tilespmem:s12], [sflag:$0x5] =	stream.linear.gather @!p1 [hbm4b:s9+s11], $0x40, $0x38;
	[tilespmem:$0x18200] =	vst v63  }
.Ltmp1:
0xb8: {  	_ =	swait.ge @!p1 [sflag:s13], $0x40;
	(pc) =	sbr.rel @p0 .LBB2_4-.Ltmp1, $4  }
0xb9: {  	[sflag:s13] =	ssyncset.done @!p1 $0x0  }
0xba: {  	[sflag:s13] =	ssyncadd.s32 @!p1 $0xFFFFFFC0  }
0xbb: {  	v3 =	vld @!p1 [tilespmem:$0x18000]  }
0xbc: {  	v2 =	vld @!p1 [tilespmem:$0x18010]  }
0xbd: {  	v4 =	vld @!p1 [tilespmem:$0x18020]  }
0xbe: {  	v5 =	vld @!p1 [tilespmem:$0x18030];
	_ =	sdelay $0x1  }
0xbf: {  	v3 =	vadd.s32 @!p1 v0, v3  }
0xc0: {  	[tilespmem:$0x18000] =	vst @!p1 v3;
	v2 =	vadd.s32 @!p1 v0, v2  }
0xc1: {  	[tilespmem:$0x18010] =	vst @!p1 v2;
	v2 =	vadd.s32 @!p1 v0, v4  }
0xc2: {  	[tilespmem:$0x18020] =	vst @!p1 v2;
	v2 =	vadd.s32 @!p1 v0, v5  }
0xc3: {  	s7 =	simm.s32 @!p1 $0x40;
	s8 =	simm.s32 @!p1 $0x14000;
	[tilespmem:$0x18030] =	vst @!p1 v2  }
0xc4: {  	[tilespmem:s8], [sflag:$0x1] =	stream.indirect.gather @!p1 [hbm4b:s4+s7], $0x80, s10, s7, $0xb8;
	[tilespmem:$0x18200] =	vst v63  }
0xc5: {  	_ = 	snop  }
0xc6: {  	[spmem:s1] =	stream.indirect.scatter.add.f32 [tilespmem:s30], [sflag:$0x4], $0x80, s29, s25, $0xb8;
	[tilespmem:$0x18200] =	vst v63  }
0xc7: {  	_ =	swait.ge [sflag:s2], $0x2000  }
0xc8: {  	[sflag:s2] =	ssyncset.done $0x0  }
0xc9: {  	s11 =	stileid.u32;
	[sflag:s2] =	ssyncadd.s32 $0xFFFFE000  }
0xca: {  	s7 =	sshll.u32 s11, $0x6;
	[bflag:$0x0] =	sbarrier.arrive $0xFFFF  }
0xcb: {  	s12 =	sshrl.u32 s5, $0x3;
	s7 =	sor.u32 $0x1C05, s7;
	s9 =	rddreg [dreg:$0x6]  }
0xcc: {  	[hbm:s9], [sflag:s7] =	dma.local [spmem:s12], $0x2800  }
0xcd: {  	_ =	swait.ge [sflag:s22], $0x2800  }
0xce: {  	s6 =	sadd.s32 $0x1, s6;
	s13 =	rddreg [dreg:$0x7]  }
0xcf: {  	p0 =	sne.s32 s6, s13  }
.Ltmp2:
0xd0: {  	_ = 	snop;
	(pc) =	sbr.rel @p0 .LBB2_1-.Ltmp2, $3  }
0xd1: {  	_ =	sdelay $0x1  }
0xd2: {  	[sflag:s22] =	ssyncset.done $0x0  }
0xd3: {  	[sflag:s22] =	ssyncadd.s32 $0xFFFFD800  }
0xd4: {  	_ =	sfence.sel $0x180000  }
0xd5: {  	[bflag:$0x0] =	sbarrier.arrive $0xFFFF  }
0xd6: {  	_ =	strace $0x90000053  }
0xd7: {  	s0 =	stileid.u32;
	[bflag:$0x2] =	sbarrier.arrive $0xFFFF  }
0xd8: {  	p0 =	sne.s32 s0, $0x0;
	s0 =	rddreg [dreg:$0x3]  }
0xd9: {  	s0 =	sadd.s32 @!p0 $0x100000, s0  }
0xda: {  	[sflag:s0] =	ssyncadd.tile.s32 @!p0 $0x1;
	_ =	shalt  }
.Lfunc_end2:
_tile_overlayer_lowered:
.L_overlay_start_2:
0xdb: {  	(tag) =	ssettag $0x2  }
0xdc: {  	s0 =	rddreg [dreg:$0x0];
	s2 =	stileid.u32  }
0xdd: {  	s1 =	rddreg [dreg:$0x1];
	p0 =	sne.s32 s2, $0x0  }
0xde: {  	s3 =	rddreg [dreg:$0x2];
	[bflag:$0x3] =	sbarrier.arrive $0xFFFF;
	s2 =	simm.s32 @!p0 $0x1C05  }
0xdf: {  	[timem:s3], [sflag:s2] =	dma.local @!p0 [hbm:s0], s1  }
0xe0: {  	s0 =	simm.s32 @!p0 $0x5  }
0xe1: {  	_ =	swait.ge @!p0 [sflag:s0], s1  }
0xe2: {  	s1 =	ssub.s32 @!p0 $0x0, s1;
	[sflag:s0] =	ssyncset.done @!p0 $0x0  }
0xe3: {  	[sflag:s0] =	ssyncadd.s32 @!p0 s1  }
0xe4: {  	[bflag:$0x3] =	sbarrier.arrive $0xFFFF  }
0xe5: {  	_ =	shalt  }

// kernel: kernel.24.cloned.1.call-start
scs
__scs_entry_jumppad:
0x0: {  	(pc) =	sbr.rel $0x88, $3  }
0x1: {  	(tag) =	ssettag $0x0;
	lr =	simm.s32 $0x1  }
0x2: {  	[smem:$0x3F8C] =	sst lr;
	_ =	strace $0xD0000000  }
0x3: {  	_ = 	snop  }
0x4: {  	_ = 	snop  }
0x5: {  	_ = 	snop  }
0x6: {  	_ = 	snop  }
0x7: {  	_ = 	snop  }
__scs_overlays_trampoline_lowered:
0x8: {  	[smem:$0x3F9B] =	sst s0  }
0x9: {  	[smem:$0x3F9C] =	sst s1  }
0xa: {  	[smem:$0x3F9D] =	sst s2  }
0xb: {  	[smem:$0x3F9E] =	sst s3  }
0xc: {  	[smem:$0x3F9F] =	sst s4  }
0xd: {  	[smem:$0x3FA0] =	sst s5  }
0xe: {  	[smem:$0x3FA1] =	sst s6  }
0xf: {  	[smem:$0x3FA2] =	sst s7  }
0x10: {  	[smem:$0x3FA3] =	sst s8  }
0x11: {  	[smem:$0x3FA4] =	sst s9;
	s0 =	simm.s32 @!p0 $0x0  }
0x12: {  	s1 =	sld [smem:$0x3F8A];
	s0 =	simm.s32 @p0 $0x1  }
0x13: {  	[smem:$0x3FA5] =	sst s0;
	s0 =	simm.s32 @!p1 $0x0  }
0x14: {  	s2 =	sld [smem:$0x3F89];
	s0 =	simm.s32 @p1 $0x1  }
0x15: {  	[smem:$0x3FA6] =	sst s0;
	s0 =	simm.s32 @!p2 $0x0  }
0x16: {  	s3 =	sld [smem:$0x3FDB];
	s0 =	simm.s32 @p2 $0x1  }
0x17: {  	s4 =	simm.s32 $0x1BF5;
	[smem:$0x3FA8] =	sst s0  }
0x18: {  	s0 =	sld [smem:$0x3F8B];
	_ =	swait.ge [sflag:s4], $0x0  }
0x19: {  	s7 =	sld [smem:$0x3F8C]  }
0x1a: {  	s8 =	sadd.s32 $0xFFFFE003, lr  }
0x1b: {  	s9 =	sadd.s32 $0xFFFFFEF7, lr;
	s5 =	simm.s32 $0xFFFFFFFF;
	p2 =	slt.u32 s8, $0xFFFFF086  }
0x1c: {  	p1 =	slt.u32 s9, $0xF7A;
	s5 =	simm.s32 @!p2 $0x0  }
0x1d: {  	s5 =	simm.s32 @p1 $0x1;
	p0 =	seq.s32 s7, s2  }
0x1e: {  	s7 =	smul.u32 @!p0 $0xF7A, s2;
	p2 =	seq.s32 @!p0 s5, $0x0  }
0x1f: {  	s9 =	smul.u32 $0xF7A, s1;
	s8 =	simm.s32 @!p0 $0x1BF5;
	p2 =	por !p2, p0  }
0x20: {  	[sflag:s8] =	ssyncset.s32 @!p0 $0xFFFFF086;
	s6 =	sadd.s32 @!p0 s3, s7;
	s7 =	simm.s32 @!p0 $0x108  }
0x21: {  	s3 =	sadd.s32 s3, s9;
	s6 =	sadd.s32 @!p0 $0x88, s6;
	s7 =	simm.s32 @p2 $0x1082  }
0x22: {  	[simem:s7], [sflag:s8] =	dma.local @!p0 [hbm:s6], $0xF7A  }
0x23: {  	s9 =	sor.u32 $0xD0000000, s2;
	s6 =	simm.s32 $0x108;
	_ =	swait.ge @!p0 [sflag:s8], $0x0  }
0x24: {  	s3 =	sadd.s32 $0x88, s3;
	s6 =	simm.s32 @!p1 $0x1082;
	[sflag:s4] =	ssyncset.s32 $0xFFFFF086  }
0x25: {  	[simem:s6], [sflag:s4] =	dma.local [hbm:s3], $0xF7A  }
0x26: {  	[smem:$0x3F8C] =	sst s1;
	(tag) =	ssettag s2;
	_ =	strace s9  }
0x27: {  	s1 =	sld [smem:$0x3F9C]  }
0x28: {  	s2 =	sld [smem:$0x3F9D]  }
0x29: {  	s4 =	sld [smem:$0x3F9F]  }
0x2a: {  	p0 =	seq.s32 s5, $0x0;
	s5 =	sld [smem:$0x3FA0]  }
0x2b: {  	s6 =	sld [smem:$0x3FA1]  }
0x2c: {  	s7 =	sld [smem:$0x3FA2]  }
0x2d: {  	s3 =	simm.s32 $0x108;
	s8 =	sld [smem:$0x3FA3]  }
0x2e: {  	s3 =	simm.s32 @!p0 $0x1082;
	s9 =	sld [smem:$0x3FA4]  }
0x2f: {  	lr =	sadd.s32 s0, s3;
	s0 =	sld [smem:$0x3F9B]  }
0x30: {  	s3 =	sld [smem:$0x3F9E]  }
0x31: {  	[smem:$0x3FA7] =	sst s10  }
0x32: {  	s10 =	sld [smem:$0x3FA5];
	_ =	sdelay $0x3  }
0x33: {  	p0 =	seq.s32 s10, $0x1;
	s10 =	sld [smem:$0x3FA7];
	_ =	sdelay $0x3  }
0x34: {  	[smem:$0x3FA7] =	sst s10  }
0x35: {  	s10 =	sld [smem:$0x3FA6];
	_ =	sdelay $0x3  }
0x36: {  	p1 =	seq.s32 s10, $0x1;
	s10 =	sld [smem:$0x3FA7];
	_ =	sdelay $0x3  }
0x37: {  	[smem:$0x3FA7] =	sst s10  }
0x38: {  	s10 =	sld [smem:$0x3FA8]  }
0x39: {  	_ = 	snop;
	(pc) =	sbr.ind lr, $3  }
0x3a: {  	_ = 	snop  }
0x3b: {  	_ = 	snop  }
0x3c: {  	p2 =	seq.s32 s10, $0x1;
	s10 =	sld [smem:$0x3FA7]  }
0x3d: {  	_ =	shalt  }
0x3e: {  	_ =	shalt  }
0x3f: {  	_ =	shalt  }
0x40: {  	_ =	shalt  }
0x41: {  	_ =	shalt  }
0x42: {  	_ =	shalt  }
0x43: {  	_ =	shalt  }
0x44: {  	_ =	shalt  }
0x45: {  	_ =	shalt  }
0x46: {  	_ =	shalt  }
0x47: {  	_ =	shalt  }
0x48: {  	_ =	shalt  }
0x49: {  	_ =	shalt  }
0x4a: {  	_ =	shalt  }
0x4b: {  	_ =	shalt  }
0x4c: {  	_ =	shalt  }
0x4d: {  	_ =	shalt  }
0x4e: {  	_ =	shalt  }
0x4f: {  	_ =	shalt  }
0x50: {  	_ =	shalt  }
0x51: {  	_ =	shalt  }
0x52: {  	_ =	shalt  }
0x53: {  	_ =	shalt  }
0x54: {  	_ =	shalt  }
0x55: {  	_ =	shalt  }
0x56: {  	_ =	shalt  }
0x57: {  	_ =	shalt  }
0x58: {  	_ =	shalt  }
0x59: {  	_ =	shalt  }
0x5a: {  	_ =	shalt  }
0x5b: {  	_ =	shalt  }
0x5c: {  	_ =	shalt  }
0x5d: {  	_ =	shalt  }
0x5e: {  	_ =	shalt  }
0x5f: {  	_ =	shalt  }
0x60: {  	_ =	shalt  }
0x61: {  	_ =	shalt  }
0x62: {  	_ =	shalt  }
0x63: {  	_ =	shalt  }
0x64: {  	_ =	shalt  }
0x65: {  	_ =	shalt  }
0x66: {  	_ =	shalt  }
0x67: {  	_ =	shalt  }
0x68: {  	_ =	shalt  }
0x69: {  	_ =	shalt  }
0x6a: {  	_ =	shalt  }
0x6b: {  	_ =	shalt  }
0x6c: {  	_ =	shalt  }
0x6d: {  	_ =	shalt  }
0x6e: {  	_ =	shalt  }
0x6f: {  	_ =	shalt  }
0x70: {  	_ =	shalt  }
0x71: {  	_ =	shalt  }
0x72: {  	_ =	shalt  }
0x73: {  	_ =	shalt  }
0x74: {  	_ =	shalt  }
0x75: {  	_ =	shalt  }
0x76: {  	_ =	shalt  }
0x77: {  	_ =	shalt  }
0x78: {  	_ =	shalt  }
0x79: {  	_ =	shalt  }
0x7a: {  	_ =	shalt  }
0x7b: {  	_ =	shalt  }
0x7c: {  	_ =	shalt  }
0x7d: {  	_ =	shalt  }
0x7e: {  	_ =	shalt  }
0x7f: {  	_ =	shalt  }
0x80: {  	_ =	shalt  }
0x81: {  	_ =	shalt  }
0x82: {  	_ =	shalt  }
0x83: {  	_ =	shalt  }
0x84: {  	_ =	shalt  }
0x85: {  	_ =	shalt  }
0x86: {  	_ =	shalt  }
0x87: {  	_ =	shalt  }
.Lfunc_end0:
.L_simem_size_0:
called_computation.3_lowered:
.L_overlay_start_0:
0x88: {  	s2 =	sld [smem:$0x3FD9]  }
0x89: {  	s3 =	sld [smem:$0x3FFE];
	_ =	sdelay $0x1  }
0x8a: {  	s1 =	srdreg.scid  }
0x8b: {  	s0 =	sand.u32 $0x1, s1  }
0x8c: {  	s17 =	sshll.u32 s0, $0xA;
	s2 =	sadd.s32 s3, s2  }
0x8d: {  	s2 =	sadd.s32 s2, s17  }
0x8e: {  	[smem:$0x3FB3] =	sst s2  }
0x8f: {  	_ = 	snop  }
0x90: {  	(tm) =	ssettm $0x1  }
0x91: {  	s18 =	sld [smem:$0x3FFB];
	_ =	sdelay $0x3  }
0x92: {  	_ =	strace s18  }
0x93: {  	s2 =	sld [smem:$0x3FFC];
	_ =	sdelay $0x3  }
0x94: {  	_ =	strace s2  }
0x95: {  	s2 =	sld [smem:$0x3FFD];
	_ =	sdelay $0x3  }
0x96: {  	_ =	strace s2  }
0x97: {  	_ =	strace $0x8FFFFFFF  }
0x98: {  	s19 =	sld [smem:$0x3FDB];
	_ =	sdelay $0x1  }
0x99: {  	s20 =	simm.s32 $_scs_section_size  }
0x9a: {  	s4 =	simm.s32 $_size__tile_overlayer_lowered;
	s5 =	simm.s32 $_tile_overlayer_lowered  }
0x9b: {  	s6 =	simm.s32 $0x1BFF;
	s21 =	sshll.u32 s5, $0x1;
	s3 =	sadd.s32 s20, s19  }
0x9c: {  	s22 =	simm.s32 $0x0;
	s4 =	sshll.u32 s4, $0x1;
	s5 =	sadd.s32 s21, s3  }
0x9d: {  	[timem:s22], [sflag:s6] =	dma.local [hbm:s5], s4  }
0x9e: {  	_ =	swait.ge [sflag:s6], s4  }
0x9f: {  	s4 =	ssub.s32 $0x0, s4;
	[sflag:s6] =	ssyncset.done $0x0  }
0xa0: {  	[sflag:s6] =	ssyncadd.s32 s4;
	_ =	sdelay $0x1  }
0xa1: {  	s23 =	simm.s32 $0x1B8B  }
0xa2: {  	_ =	swait.ge [sflag:s23], $0x1  }
0xa3: {  	[sflag:s23] =	ssyncset.done $0x0  }
0xa4: {  	[sflag:s23] =	ssyncadd.s32 $0xFFFFFFFF  }
0xa5: {  	s4 =	sld [smem:$0x0]  }
0xa6: {  	s5 =	sand.u32 $0xFFFFFFFE, s1  }
0xa7: {  	p0 =	sne.s32 s1, s5  }
0xa8: {  	s5 =	sshll.u32 @p0 s5, $0xE  }
0xa9: {  	s5 =	sadd.s32 @p0 $0x11B8D, s5;
	s6 =	sshll.u32 @p0 s4, $0x11  }
0xaa: {  	s5 =	sor.u32 @p0 s6, s5  }
0xab: {  	[sflag:s5] =	ssyncadd.remote.s32 @p0 $0x1;
	_ =	sdelay $0x1  }
0xac: {  	s5 =	simm.s32 @p0 $0x1B8D  }
0xad: {  	_ =	swait.eq @p0 [sflag:s5], $0x1  }
0xae: {  	[sflag:s5] =	ssyncadd.s32 @p0 $0xFFFFFFFF  }
0xaf: {  	s6 =	sshll.u32 @!p0 s1, $0xE  }
0xb0: {  	s6 =	sor.u32 @!p0 $0x4000, s6;
	s5 =	simm.s32 @!p0 $0x1B8D  }
0xb1: {  	s4 =	sshll.u32 @!p0 s4, $0x11;
	s6 =	sadd.s32 @!p0 $0x11B8D, s6;
	_ =	swait.eq @!p0 [sflag:s5], $0x1  }
0xb2: {  	s4 =	sor.u32 @!p0 s4, s6;
	[sflag:s5] =	ssyncadd.s32 @!p0 $0xFFFFFFFF  }
0xb3: {  	s25 =	simm.s32 $0x1B8E;
	s24 =	sld [smem:$0x3FFE];
	[sflag:s4] =	ssyncadd.remote.s32 @!p0 $0x1  }
0xb4: {  	s26 =	simm.s32 $execute0_lowered;
	[smem:$0x3FD2] =	sst s25  }
0xb5: {  	s5 =	sshll.u32 s26, $0x1;
	_ =	strace $0x8000004C;
	[dreg:$0x1] =	wrdreg $0xFFFFFFFF  }
0xb6: {  	s28 =	simm.s32 $_size_execute0_lowered;
	s3 =	sadd.s32 s3, s5;
	[dreg:$0x0] =	wrdreg $0x0  }
0xb7: {  	s5 =	sshll.u32 s28, $0x1;
	[dreg:$0x2] =	wrdreg s3  }
0xb8: {  	[dreg:$0x3] =	wrdreg s5  }
0xb9: {  	[dreg:$0x4] =	wrdreg $0xC0  }
0xba: {  	_ =	task [dreg:s22], $0x5FFFF  }
0xbb: {  	[dreg:$0x1] =	wrdreg $0xFFFFFFFF  }
0xbc: {  	[dreg:$0x0] =	wrdreg $0x60  }
0xbd: {  	[dreg:$0x2] =	wrdreg s24  }
0xbe: {  	[dreg:$0x3] =	wrdreg $0x0  }
0xbf: {  	[dreg:$0x4] =	wrdreg $0xA  }
0xc0: {  	_ =	task.clear_ibuf [dreg:s22], $0x5FFFF;
	_ =	strace $0x9000004C  }
0xc1: {  	s29 =	simm.s32 $0xA;
	_ =	strace $0x8000004E  }
0xc2: {  	_ =	swait.ge [sflag:s29], $0x1  }
0xc3: {  	[sflag:s29] =	ssyncadd.s32 $0xFFFFFFFF  }
0xc4: {  	_ =	strace $0x9000004E  }
0xc5: {  	_ =	sfence  }
0xc6: {  	s30 =	sld [smem:$0x0];
	_ =	sdelay $0x2  }
0xc7: {  	s31 =	sshll.u32 s1, $0xD;
	s1 =	sshrl.u32 s1, $0x2  }
0xc8: {  	s4 =	sand.u32 $0x4000, s31;
	s1 =	sadd.s32 s1, s30  }
0xc9: {  	s0 =	sor.u32 s4, s0;
	s1 =	sshll.u32 s1, $0x11  }
0xca: {  	s0 =	sor.u32 s1, s0  }
0xcb: {  	s0 =	sadd.s32 $0x8F2B, s0  }
0xcc: {  	[sflag:s0] =	ssyncadd.remote.s32 $0x1  }
0xcd: {  	_ =	sfence.sel $0xFFFF  }
0xce: {  	[dreg:$0x0] =	wrdreg $0xFFFFFFFF;
	(pc) =	sbr.abs _section_cstart, $3  }
0xcf: {  	[dreg:$0x1] =	wrdreg $0xFFFFFFFF  }
0xd0: {  	_ =	task.clear_ibuf [dreg:s22], $0x2FFFF;
	_ =	strace $0x9FFFFFFF  }
0xd1: {  	(tm) =	ssettm $0x7FFFFFFF  }
tec
execute0_lowered:
.L_overlay_start_1:
0x0: {  	(tag) =	ssettag $0x1  }
0x1: {  	s6 =	rddreg [dreg:$0x0];
	s0 =	srdreg.scid  }
0x2: {  	s2 =	rddreg [dreg:$0x1];
	s1 =	stileid.u32  }
0x3: {  	s3 =	simm.s32 $0x0;
	s14 =	simm.s32 $0x14000;
	s15 =	simm.s32 $0x1  }
0x4: {  	s16 =	simm.s32 $0x1C000;
	s17 =	simm.s32 $0x18000;
	s18 =	simm.s32 $0x80  }
0x5: {  	s21 =	simm.s32 $0x0;
	s7 =	sand.u32 $0x1, s0;
	s0 =	rddreg [dreg:$0x2]  }
0x6: {  	s8 =	smul.u32 $0x14000, s1;
	[smem:$0x7FF] =	sst s3;
	s4 =	sadd.s32 $0x53C00, s6  }
0x7: {  	s9 =	smul.u32 $0x50000, s1;
	s10 =	sshll.u32 s1, $0x1;
	s19 =	sshll.u32 s1, $0x6  }
0x8: {  	s5 =	smul.u32 $0x140000, s7;
	_ =	strace $0x8000004D;
	s30 =	ssub.s32 $0x2, s7  }
0x9: {  	s7 =	sor.u32 s7, s10;
	s19 =	sor.u32 $0x1C01, s19;
	s11 =	sshrl.u32 s30, $0x1  }
0xa: {  	s9 =	sshrl.u32 s9, $0x2;
	s7 =	smul.u32 $0x1400, s7;
	s8 =	sadd.s32 s8, s5  }
0xb: {  	s5 =	sadd.s32 $0x198C00, s6;
	s31 =	ssub.s32 s30, s11;
	s8 =	sshrl.u32 s8, $0x3  }
0xc: {  	s8 =	sadd.s32 s8, s6;
	s6 =	sadd.s32 s9, s2;
	s9 =	smax.u32 s31, $0x1  }
0xd: {  	s8 =	sadd.s32 $0x3C00, s8;
	s10 =	sadd.s32 $0x4000, s6;
	s11 =	sadd.s32 $0x8000, s6  }
0xe: {  	v0 =	vimm.f32 $0.0e+00;
	s12 =	sadd.s32 $0xC000, s6;
	s13 =	sadd.s32 $0x10000, s6;
	s20 =	sshrl.u32 s6, $0x3  }
.LBB2_1:
0xf: {  	s22 =	sand.u32 $0xFE00, s3  }
0x10: {  	s23 =	sand.u32 $0x70, s3;
	s24 =	sshrl.u32 s22, $0x2  }
0x11: {  	s22 =	simm.s32 $0x40;
	s24 =	sor.u32 s23, s24;
	s23 =	simm.s32 $0x0  }
.LBB2_2:
0x12: {  	p0 =	sne.s32 s22, $0xFFC0  }
0x13: {  	[tilespmem:s24+$0x14000] =	vst v0;
	s23 =	sadd.s32 $0x10, s23;
	s24 =	smov.u32 s22;
	s22 =	sadd.s32 $0x40, s22  }
.Ltmp0:
0x14: {  	(pc) =	sbr.rel @p0 .LBB2_2-.Ltmp0, $4  }
0x15: {  	_ = 	snop  }
0x16: {  	s24 =	sand.u32 $0xFE00, s24  }
0x17: {  	s25 =	sand.u32 $0x70, s23;
	s24 =	sshrl.u32 s24, $0x2  }
0x18: {  	s24 =	sor.u32 s25, s24  }
0x19: {  	[tilespmem:s24+$0x14000] =	vst v0  }
0x1a: {  	[spmem:s6] =	stream.linear.scatter [tilespmem:s14], [sflag:$0x1], $0x4000, $0x38;
	[tilespmem:$0x1C080] =	vst v63  }
0x1b: {  	_ =	swait.ge [sflag:s15], $0x4000  }
0x1c: {  	[sflag:s15] =	ssyncset.done $0x0  }
0x1d: {  	[sflag:s15] =	ssyncadd.s32 $0xFFFFC000  }
0x1e: {  	[spmem:s10] =	stream.linear.scatter [tilespmem:s14], [sflag:$0x1], $0x4000, $0x38;
	[tilespmem:$0x1C080] =	vst v63  }
0x1f: {  	_ =	swait.ge [sflag:s15], $0x4000  }
0x20: {  	[sflag:s15] =	ssyncset.done $0x0  }
0x21: {  	[sflag:s15] =	ssyncadd.s32 $0xFFFFC000  }
0x22: {  	[spmem:s11] =	stream.linear.scatter [tilespmem:s14], [sflag:$0x1], $0x4000, $0x38;
	[tilespmem:$0x1C080] =	vst v63  }
0x23: {  	_ =	swait.ge [sflag:s15], $0x4000  }
0x24: {  	[sflag:s15] =	ssyncset.done $0x0  }
0x25: {  	[sflag:s15] =	ssyncadd.s32 $0xFFFFC000  }
0x26: {  	[spmem:s12] =	stream.linear.scatter [tilespmem:s14], [sflag:$0x1], $0x4000, $0x38;
	[tilespmem:$0x1C080] =	vst v63  }
0x27: {  	_ =	swait.ge [sflag:s15], $0x4000  }
0x28: {  	[sflag:s15] =	ssyncset.done $0x0  }
0x29: {  	[sflag:s15] =	ssyncadd.s32 $0xFFFFC000  }
0x2a: {  	[spmem:s13] =	stream.linear.scatter [tilespmem:s14], [sflag:$0x1], $0x4000, $0x38;
	[tilespmem:$0x1C080] =	vst v63  }
0x2b: {  	_ =	swait.ge [sflag:s15], $0x4000  }
0x2c: {  	[sflag:s15] =	ssyncset.done $0x0  }
0x2d: {  	[sflag:s15] =	ssyncadd.s32 $0xFFFFC000  }
0x2e: {  	s22 =	simm.s32 $0x0;
	s23 =	simm.s32 $0x0;
	[bflag:$0x0] =	sbarrier.arrive $0xFFFF  }
.LBB2_4:
0x2f: {  	s24 =	sshll.u32 s23, $0x7  }
0x30: {  	s24 =	sadd.s32 s7, s24  }
0x31: {  	s25 =	sshrl.u32 s24, $0x3  }
0x32: {  	s25 =	sadd.s32 s4, s25  }
0x33: {  	[tilespmem:s16], [sflag:$0x1] =	stream.linear.gather [hbm4b:s25+s22], $0x80, $0x38;
	[tilespmem:$0x1C080] =	vst v63  }
0x34: {  	_ =	swait.ge [sflag:s15], $0x80  }
0x35: {  	s24 =	sshll.u32 s24, $0x4;
	[sflag:s15] =	ssyncset.done $0x0  }
0x36: {  	s24 =	sadd.s32 s5, s24;
	[sflag:s15] =	ssyncadd.s32 $0xFFFFFF80  }
0x37: {  	[tilespmem:s17], [sflag:$0x1] =	stream.linear.gather [hbm4b:s24+s22], $0x4000, $0x38;
	[tilespmem:$0x1C080] =	vst v63  }
0x38: {  	_ =	swait.ge [sflag:s15], $0x4000  }
0x39: {  	[sflag:s15] =	ssyncset.done $0x0  }
0x3a: {  	s24 =	simm.s32 $0x0;
	[sflag:s15] =	ssyncadd.s32 $0xFFFFC000  }
0x3b: {  	s25 =	simm.s32 $0x200;
	v1 =	vld [tilespmem:s24+$0x18000]  }
.LBB2_5:
0x3c: {  	p0 =	sne.s32 s25, $0xFE00  }
.Ltmp1:
0x3d: {  	_ = 	snop;
	(pc) =	sbr.rel @p0 .LBB2_5-.Ltmp1, $3  }
0x3e: {  	_ =	sdelay $0x1  }
0x3f: {  	[tilespmem:s24+$0x14000] =	vst v1;
	s24 =	sshra.s32 s25, $0x2;
	s25 =	sadd.s32 $0x200, s25  }
0x40: {  	v1 =	vld [tilespmem:s24+$0x18000]  }
0x41: {  	_ =	sdelay $0x1  }
0x42: {  	s23 =	sadd.s32 $0x1, s23  }
0x43: {  	p0 =	sne.s32 s23, $0x28  }
.Ltmp2:
0x44: {  	[tilespmem:s24+$0x14000] =	vst v1;
	(pc) =	sbr.rel @p0 .LBB2_4-.Ltmp2, $4  }
0x45: {  	[spmem:s2] =	stream.indirect.scatter.add.f32 [tilespmem:s14], [sflag:$0x1], $0x80, s16, s18, $0xb8;
	[tilespmem:$0x1C080] =	vst v63  }
0x46: {  	_ =	swait.ge [sflag:s15], $0x4000  }
0x47: {  	[sflag:s15] =	ssyncset.done $0x0  }
0x48: {  	[sflag:s15] =	ssyncadd.s32 $0xFFFFC000  }
0x49: {  	s21 =	sadd.s32 $0x1, s21  }
0x4a: {  	p0 =	sne.s32 s21, s9  }
.Ltmp3:
0x4b: {  	[bflag:$0x0] =	sbarrier.arrive $0xFFFF;
	(pc) =	sbr.rel @p0 .LBB2_1-.Ltmp3, $4  }
0x4c: {  	[hbm:s8], [sflag:s19] =	dma.local [spmem:s20], $0x2800  }
0x4d: {  	_ =	swait.ge [sflag:s15], $0x2800  }
0x4e: {  	[sflag:s15] =	ssyncset.done $0x0  }
0x4f: {  	[sflag:s15] =	ssyncadd.s32 $0xFFFFD800  }
0x50: {  	_ =	sfence.sel $0x180000  }
0x51: {  	[bflag:$0x0] =	sbarrier.arrive $0xFFFF  }
0x52: {  	p0 =	sne.s32 s1, $0x0;
	_ =	strace $0x9000004D  }
0x53: {  	s0 =	sadd.s32 @!p0 $0x100000, s0;
	[bflag:$0x2] =	sbarrier.arrive $0xFFFF  }
0x54: {  	[sflag:s0] =	ssyncadd.tile.s32 @!p0 $0x1;
	_ =	shalt  }
.Lfunc_end2:
_tile_overlayer_lowered:
.L_overlay_start_2:
0x55: {  	(tag) =	ssettag $0x2  }
0x56: {  	s0 =	rddreg [dreg:$0x0];
	s2 =	stileid.u32  }
0x57: {  	s1 =	rddreg [dreg:$0x1];
	p0 =	sne.s32 s2, $0x0  }
0x58: {  	s3 =	rddreg [dreg:$0x2];
	[bflag:$0x3] =	sbarrier.arrive $0xFFFF;
	s2 =	simm.s32 @!p0 $0x1C01  }
0x59: {  	[timem:s3], [sflag:s2] =	dma.local @!p0 [hbm:s0], s1  }
0x5a: {  	s0 =	simm.s32 @!p0 $0x1  }
0x5b: {  	_ =	swait.ge @!p0 [sflag:s0], s1  }
0x5c: {  	s1 =	ssub.s32 @!p0 $0x0, s1;
	[sflag:s0] =	ssyncset.done @!p0 $0x0  }
0x5d: {  	[sflag:s0] =	ssyncadd.s32 @!p0 s1  }
0x5e: {  	[bflag:$0x3] =	sbarrier.arrive $0xFFFF  }
0x5f: {  	_ =	shalt  }

// kernel: kernel.27.cloned.1.call-start
scs
__scs_entry_jumppad:
0x0: {  	(pc) =	sbr.rel $0x88, $3  }
0x1: {  	(tag) =	ssettag $0x0;
	lr =	simm.s32 $0x1  }
0x2: {  	[smem:$0x3F8C] =	sst lr;
	_ =	strace $0xD0000000  }
0x3: {  	_ = 	snop  }
0x4: {  	_ = 	snop  }
0x5: {  	_ = 	snop  }
0x6: {  	_ = 	snop  }
0x7: {  	_ = 	snop  }
__scs_overlays_trampoline_lowered:
0x8: {  	[smem:$0x3F9B] =	sst s0  }
0x9: {  	[smem:$0x3F9C] =	sst s1  }
0xa: {  	[smem:$0x3F9D] =	sst s2  }
0xb: {  	[smem:$0x3F9E] =	sst s3  }
0xc: {  	[smem:$0x3F9F] =	sst s4  }
0xd: {  	[smem:$0x3FA0] =	sst s5  }
0xe: {  	[smem:$0x3FA1] =	sst s6  }
0xf: {  	[smem:$0x3FA2] =	sst s7  }
0x10: {  	[smem:$0x3FA3] =	sst s8  }
0x11: {  	[smem:$0x3FA4] =	sst s9;
	s0 =	simm.s32 @!p0 $0x0  }
0x12: {  	s1 =	sld [smem:$0x3F8A];
	s0 =	simm.s32 @p0 $0x1  }
0x13: {  	[smem:$0x3FA5] =	sst s0;
	s0 =	simm.s32 @!p1 $0x0  }
0x14: {  	s2 =	sld [smem:$0x3F89];
	s0 =	simm.s32 @p1 $0x1  }
0x15: {  	[smem:$0x3FA6] =	sst s0;
	s0 =	simm.s32 @!p2 $0x0  }
0x16: {  	s3 =	sld [smem:$0x3FDB];
	s0 =	simm.s32 @p2 $0x1  }
0x17: {  	s4 =	simm.s32 $0x1BF5;
	[smem:$0x3FA8] =	sst s0  }
0x18: {  	s0 =	sld [smem:$0x3F8B];
	_ =	swait.ge [sflag:s4], $0x0  }
0x19: {  	s7 =	sld [smem:$0x3F8C]  }
0x1a: {  	s8 =	sadd.s32 $0xFFFFE003, lr  }
0x1b: {  	s9 =	sadd.s32 $0xFFFFFEF7, lr;
	s5 =	simm.s32 $0xFFFFFFFF;
	p2 =	slt.u32 s8, $0xFFFFF086  }
0x1c: {  	p1 =	slt.u32 s9, $0xF7A;
	s5 =	simm.s32 @!p2 $0x0  }
0x1d: {  	s5 =	simm.s32 @p1 $0x1;
	p0 =	seq.s32 s7, s2  }
0x1e: {  	s7 =	smul.u32 @!p0 $0xF7A, s2;
	p2 =	seq.s32 @!p0 s5, $0x0  }
0x1f: {  	s9 =	smul.u32 $0xF7A, s1;
	s8 =	simm.s32 @!p0 $0x1BF5;
	p2 =	por !p2, p0  }
0x20: {  	[sflag:s8] =	ssyncset.s32 @!p0 $0xFFFFF086;
	s6 =	sadd.s32 @!p0 s3, s7;
	s7 =	simm.s32 @!p0 $0x108  }
0x21: {  	s3 =	sadd.s32 s3, s9;
	s6 =	sadd.s32 @!p0 $0x88, s6;
	s7 =	simm.s32 @p2 $0x1082  }
0x22: {  	[simem:s7], [sflag:s8] =	dma.local @!p0 [hbm:s6], $0xF7A  }
0x23: {  	s9 =	sor.u32 $0xD0000000, s2;
	s6 =	simm.s32 $0x108;
	_ =	swait.ge @!p0 [sflag:s8], $0x0  }
0x24: {  	s3 =	sadd.s32 $0x88, s3;
	s6 =	simm.s32 @!p1 $0x1082;
	[sflag:s4] =	ssyncset.s32 $0xFFFFF086  }
0x25: {  	[simem:s6], [sflag:s4] =	dma.local [hbm:s3], $0xF7A  }
0x26: {  	[smem:$0x3F8C] =	sst s1;
	(tag) =	ssettag s2;
	_ =	strace s9  }
0x27: {  	s1 =	sld [smem:$0x3F9C]  }
0x28: {  	s2 =	sld [smem:$0x3F9D]  }
0x29: {  	s4 =	sld [smem:$0x3F9F]  }
0x2a: {  	p0 =	seq.s32 s5, $0x0;
	s5 =	sld [smem:$0x3FA0]  }
0x2b: {  	s6 =	sld [smem:$0x3FA1]  }
0x2c: {  	s7 =	sld [smem:$0x3FA2]  }
0x2d: {  	s3 =	simm.s32 $0x108;
	s8 =	sld [smem:$0x3FA3]  }
0x2e: {  	s3 =	simm.s32 @!p0 $0x1082;
	s9 =	sld [smem:$0x3FA4]  }
0x2f: {  	lr =	sadd.s32 s0, s3;
	s0 =	sld [smem:$0x3F9B]  }
0x30: {  	s3 =	sld [smem:$0x3F9E]  }
0x31: {  	[smem:$0x3FA7] =	sst s10  }
0x32: {  	s10 =	sld [smem:$0x3FA5];
	_ =	sdelay $0x3  }
0x33: {  	p0 =	seq.s32 s10, $0x1;
	s10 =	sld [smem:$0x3FA7];
	_ =	sdelay $0x3  }
0x34: {  	[smem:$0x3FA7] =	sst s10  }
0x35: {  	s10 =	sld [smem:$0x3FA6];
	_ =	sdelay $0x3  }
0x36: {  	p1 =	seq.s32 s10, $0x1;
	s10 =	sld [smem:$0x3FA7];
	_ =	sdelay $0x3  }
0x37: {  	[smem:$0x3FA7] =	sst s10  }
0x38: {  	s10 =	sld [smem:$0x3FA8]  }
0x39: {  	_ = 	snop;
	(pc) =	sbr.ind lr, $3  }
0x3a: {  	_ = 	snop  }
0x3b: {  	_ = 	snop  }
0x3c: {  	p2 =	seq.s32 s10, $0x1;
	s10 =	sld [smem:$0x3FA7]  }
0x3d: {  	_ =	shalt  }
0x3e: {  	_ =	shalt  }
0x3f: {  	_ =	shalt  }
0x40: {  	_ =	shalt  }
0x41: {  	_ =	shalt  }
0x42: {  	_ =	shalt  }
0x43: {  	_ =	shalt  }
0x44: {  	_ =	shalt  }
0x45: {  	_ =	shalt  }
0x46: {  	_ =	shalt  }
0x47: {  	_ =	shalt  }
0x48: {  	_ =	shalt  }
0x49: {  	_ =	shalt  }
0x4a: {  	_ =	shalt  }
0x4b: {  	_ =	shalt  }
0x4c: {  	_ =	shalt  }
0x4d: {  	_ =	shalt  }
0x4e: {  	_ =	shalt  }
0x4f: {  	_ =	shalt  }
0x50: {  	_ =	shalt  }
0x51: {  	_ =	shalt  }
0x52: {  	_ =	shalt  }
0x53: {  	_ =	shalt  }
0x54: {  	_ =	shalt  }
0x55: {  	_ =	shalt  }
0x56: {  	_ =	shalt  }
0x57: {  	_ =	shalt  }
0x58: {  	_ =	shalt  }
0x59: {  	_ =	shalt  }
0x5a: {  	_ =	shalt  }
0x5b: {  	_ =	shalt  }
0x5c: {  	_ =	shalt  }
0x5d: {  	_ =	shalt  }
0x5e: {  	_ =	shalt  }
0x5f: {  	_ =	shalt  }
0x60: {  	_ =	shalt  }
0x61: {  	_ =	shalt  }
0x62: {  	_ =	shalt  }
0x63: {  	_ =	shalt  }
0x64: {  	_ =	shalt  }
0x65: {  	_ =	shalt  }
0x66: {  	_ =	shalt  }
0x67: {  	_ =	shalt  }
0x68: {  	_ =	shalt  }
0x69: {  	_ =	shalt  }
0x6a: {  	_ =	shalt  }
0x6b: {  	_ =	shalt  }
0x6c: {  	_ =	shalt  }
0x6d: {  	_ =	shalt  }
0x6e: {  	_ =	shalt  }
0x6f: {  	_ =	shalt  }
0x70: {  	_ =	shalt  }
0x71: {  	_ =	shalt  }
0x72: {  	_ =	shalt  }
0x73: {  	_ =	shalt  }
0x74: {  	_ =	shalt  }
0x75: {  	_ =	shalt  }
0x76: {  	_ =	shalt  }
0x77: {  	_ =	shalt  }
0x78: {  	_ =	shalt  }
0x79: {  	_ =	shalt  }
0x7a: {  	_ =	shalt  }
0x7b: {  	_ =	shalt  }
0x7c: {  	_ =	shalt  }
0x7d: {  	_ =	shalt  }
0x7e: {  	_ =	shalt  }
0x7f: {  	_ =	shalt  }
0x80: {  	_ =	shalt  }
0x81: {  	_ =	shalt  }
0x82: {  	_ =	shalt  }
0x83: {  	_ =	shalt  }
0x84: {  	_ =	shalt  }
0x85: {  	_ =	shalt  }
0x86: {  	_ =	shalt  }
0x87: {  	_ =	shalt  }
.Lfunc_end0:
.L_simem_size_0:
called_computation.4_lowered:
.L_overlay_start_0:
0x88: {  	s2 =	sld [smem:$0x3FD9]  }
0x89: {  	s3 =	sld [smem:$0x3FFE];
	_ =	sdelay $0x1  }
0x8a: {  	s1 =	srdreg.scid  }
0x8b: {  	s0 =	sand.u32 $0x1, s1  }
0x8c: {  	s17 =	sshll.u32 s0, $0xA;
	s2 =	sadd.s32 s3, s2  }
0x8d: {  	s2 =	sadd.s32 s2, s17  }
0x8e: {  	[smem:$0x3FB3] =	sst s2  }
0x8f: {  	_ = 	snop  }
0x90: {  	(tm) =	ssettm $0x1  }
0x91: {  	s18 =	sld [smem:$0x3FFB];
	_ =	sdelay $0x3  }
0x92: {  	_ =	strace s18  }
0x93: {  	s2 =	sld [smem:$0x3FFC];
	_ =	sdelay $0x3  }
0x94: {  	_ =	strace s2  }
0x95: {  	s2 =	sld [smem:$0x3FFD];
	_ =	sdelay $0x3  }
0x96: {  	_ =	strace s2  }
0x97: {  	_ =	strace $0x8FFFFFFF  }
0x98: {  	s19 =	sld [smem:$0x3FDB];
	_ =	sdelay $0x1  }
0x99: {  	s20 =	simm.s32 $_scs_section_size  }
0x9a: {  	s4 =	simm.s32 $_size__tile_overlayer_lowered;
	s5 =	simm.s32 $_tile_overlayer_lowered  }
0x9b: {  	s6 =	simm.s32 $0x1BFF;
	s21 =	sshll.u32 s5, $0x1;
	s3 =	sadd.s32 s20, s19  }
0x9c: {  	s22 =	simm.s32 $0x0;
	s4 =	sshll.u32 s4, $0x1;
	s5 =	sadd.s32 s21, s3  }
0x9d: {  	[timem:s22], [sflag:s6] =	dma.local [hbm:s5], s4  }
0x9e: {  	_ =	swait.ge [sflag:s6], s4  }
0x9f: {  	s4 =	ssub.s32 $0x0, s4;
	[sflag:s6] =	ssyncset.done $0x0  }
0xa0: {  	[sflag:s6] =	ssyncadd.s32 s4;
	_ =	sdelay $0x1  }
0xa1: {  	s23 =	simm.s32 $0x1B8B  }
0xa2: {  	_ =	swait.ge [sflag:s23], $0x1  }
0xa3: {  	[sflag:s23] =	ssyncset.done $0x0  }
0xa4: {  	[sflag:s23] =	ssyncadd.s32 $0xFFFFFFFF  }
0xa5: {  	s4 =	sld [smem:$0x0]  }
0xa6: {  	s5 =	sand.u32 $0xFFFFFFFE, s1  }
0xa7: {  	p0 =	sne.s32 s1, s5  }
0xa8: {  	s5 =	sshll.u32 @p0 s5, $0xE  }
0xa9: {  	s5 =	sadd.s32 @p0 $0x11B8D, s5;
	s6 =	sshll.u32 @p0 s4, $0x11  }
0xaa: {  	s5 =	sor.u32 @p0 s6, s5  }
0xab: {  	[sflag:s5] =	ssyncadd.remote.s32 @p0 $0x1;
	_ =	sdelay $0x1  }
0xac: {  	s5 =	simm.s32 @p0 $0x1B8D  }
0xad: {  	_ =	swait.eq @p0 [sflag:s5], $0x1  }
0xae: {  	[sflag:s5] =	ssyncadd.s32 @p0 $0xFFFFFFFF  }
0xaf: {  	s6 =	sshll.u32 @!p0 s1, $0xE  }
0xb0: {  	s6 =	sor.u32 @!p0 $0x4000, s6;
	s5 =	simm.s32 @!p0 $0x1B8D  }
0xb1: {  	s4 =	sshll.u32 @!p0 s4, $0x11;
	s6 =	sadd.s32 @!p0 $0x11B8D, s6;
	_ =	swait.eq @!p0 [sflag:s5], $0x1  }
0xb2: {  	s4 =	sor.u32 @!p0 s4, s6;
	[sflag:s5] =	ssyncadd.s32 @!p0 $0xFFFFFFFF  }
0xb3: {  	s25 =	simm.s32 $0x1B8E;
	s24 =	sld [smem:$0x3FFE];
	[sflag:s4] =	ssyncadd.remote.s32 @!p0 $0x1  }
0xb4: {  	s26 =	simm.s32 $execute0_lowered;
	[smem:$0x3FD2] =	sst s25  }
0xb5: {  	s5 =	sshll.u32 s26, $0x1;
	_ =	strace $0x8000004F;
	[dreg:$0x1] =	wrdreg $0xFFFFFFFF  }
0xb6: {  	s28 =	simm.s32 $_size_execute0_lowered;
	s3 =	sadd.s32 s3, s5;
	[dreg:$0x0] =	wrdreg $0x0  }
0xb7: {  	s5 =	sshll.u32 s28, $0x1;
	[dreg:$0x2] =	wrdreg s3  }
0xb8: {  	[dreg:$0x3] =	wrdreg s5  }
0xb9: {  	[dreg:$0x4] =	wrdreg $0xC0  }
0xba: {  	_ =	task [dreg:s22], $0x5FFFF  }
0xbb: {  	[dreg:$0x1] =	wrdreg $0xFFFFFFFF  }
0xbc: {  	[dreg:$0x0] =	wrdreg $0x60  }
0xbd: {  	[dreg:$0x2] =	wrdreg s24  }
0xbe: {  	[dreg:$0x3] =	wrdreg $0x0  }
0xbf: {  	[dreg:$0x4] =	wrdreg $0xB  }
0xc0: {  	_ =	task.clear_ibuf [dreg:s22], $0x5FFFF;
	_ =	strace $0x9000004F  }
0xc1: {  	s29 =	simm.s32 $0xB;
	_ =	strace $0x80000051  }
0xc2: {  	_ =	swait.ge [sflag:s29], $0x1  }
0xc3: {  	[sflag:s29] =	ssyncadd.s32 $0xFFFFFFFF  }
0xc4: {  	_ =	strace $0x90000051  }
0xc5: {  	_ =	sfence  }
0xc6: {  	s30 =	sld [smem:$0x0];
	_ =	sdelay $0x2  }
0xc7: {  	s31 =	sshll.u32 s1, $0xD;
	s1 =	sshrl.u32 s1, $0x2  }
0xc8: {  	s4 =	sand.u32 $0x4000, s31;
	s1 =	sadd.s32 s1, s30  }
0xc9: {  	s0 =	sor.u32 s4, s0;
	s1 =	sshll.u32 s1, $0x11  }
0xca: {  	s0 =	sor.u32 s1, s0  }
0xcb: {  	s0 =	sadd.s32 $0x8F2B, s0  }
0xcc: {  	[sflag:s0] =	ssyncadd.remote.s32 $0x1  }
0xcd: {  	_ =	sfence.sel $0xFFFF  }
0xce: {  	[dreg:$0x0] =	wrdreg $0xFFFFFFFF;
	(pc) =	sbr.abs _section_cstart, $3  }
0xcf: {  	[dreg:$0x1] =	wrdreg $0xFFFFFFFF  }
0xd0: {  	_ =	task.clear_ibuf [dreg:s22], $0x2FFFF;
	_ =	strace $0x9FFFFFFF  }
0xd1: {  	(tm) =	ssettm $0x7FFFFFFF  }
tec
execute0_lowered:
.L_overlay_start_1:
0x0: {  	(tag) =	ssettag $0x1  }
0x1: {  	s0 =	rddreg [dreg:$0x0]  }
0x2: {  	s1 =	rddreg [dreg:$0x1];
	s13 =	stileid.u32  }
0x3: {  	s3 =	simm.s32 $0x0;
	s2 =	srdreg.scid;
	s6 =	smul.u32 $0x14000, s13  }
0x4: {  	[smem:$0x7FF] =	sst s3;
	s30 =	smul.u32 $0x50000, s13  }
0x5: {  	s2 =	sand.u32 $0x1, s2;
	s7 =	sadd.s32 $0x418C00, s0;
	s22 =	smul.u32 $0x2800, s13  }
0x6: {  	s8 =	sadd.s32 $0x698C00, s0;
	s9 =	sshll.u32 s13, $0x1;
	s13 =	smul.u32 $0x28000, s13  }
0x7: {  	s5 =	sadd.s32 $0x53C00, s0;
	s4 =	smul.u32 $0x280000, s2;
	_ =	strace $0x80000050  }
0x8: {  	s26 =	sor.u32 s2, s9;
	s10 =	ssub.s32 $0x2, s2;
	s25 =	smul.u32 $0x1400, s2  }
0x9: {  	s11 =	smul.u32 $0x1400, s26;
	s31 =	sshrl.u32 s10, $0x1;
	s9 =	sshrl.u32 s30, $0x2  }
0xa: {  	s4 =	sadd.s32 s6, s4;
	s6 =	smul.u32 $0x14000, s26;
	s10 =	ssub.s32 s10, s31  }
0xb: {  	s4 =	sshrl.u32 s4, $0x3;
	s12 =	sshrl.u32 s11, $0x3;
	s15 =	sor.u32 $0x80, s11  }
0xc: {  	s16 =	sor.u32 $0x40, s11;
	s18 =	smax.u32 s10, $0x1;
	s31 =	sadd.s32 $0x13C0, s11  }
0xd: {  	s10 =	simm.s32 $0x1;
	s0 =	sadd.s32 s4, s0;
	s4 =	sadd.s32 s9, s1  }
0xe: {  	s23 =	sadd.s32 s5, s12;
	s14 =	sadd.s32 s7, s6;
	s6 =	sadd.s32 s8, s6  }
0xf: {  	s17 =	sshrl.u32 s16, $0x3;
	[dreg:$0x7] =	wrdreg s18;
	s19 =	sshll.u32 s16, $0x4  }
0x10: {  	s21 =	sshrl.u32 s15, $0x3;
	s24 =	sshll.u32 s15, $0x4;
	s11 =	sshrl.u32 s31, $0x3  }
0x11: {  	s9 =	sadd.s32 s25, s22;
	s15 =	smul.u32 $0x14000, s2;
	[dreg:$0x3] =	wrdreg s14  }
0x12: {  	s16 =	sadd.s32 s13, s7;
	s12 =	sadd.s32 $0x58C00, s0;
	[dreg:$0x5] =	wrdreg s6  }
0x13: {  	s0 =	sadd.s32 $0x80C00, s0;
	s26 =	sadd.s32 s5, s17;
	[dreg:$0x4] =	wrdreg s12  }
0x14: {  	s20 =	sadd.s32 s7, s19;
	s6 =	sadd.s32 s5, s21;
	[dreg:$0x6] =	wrdreg s0  }
0x15: {  	s30 =	sadd.s32 s7, s24;
	s17 =	sadd.s32 s13, s8;
	[dreg:$0x8] =	wrdreg s20  }
0x16: {  	s28 =	sadd.s32 $0x2000, s4;
	s29 =	sadd.s32 $0x4000, s4;
	[dreg:$0x9] =	wrdreg s6  }
0x17: {  	s21 =	sadd.s32 $0x8000, s4;
	s22 =	sadd.s32 $0xA000, s4;
	[dreg:$0xa] =	wrdreg s30  }
0x18: {  	s0 =	sadd.s32 s8, s19;
	s6 =	sadd.s32 s8, s24;
	s12 =	sor.u32 $0x100, s9  }
0x19: {  	s9 =	sor.u32 $0xC0, s9;
	s2 =	sadd.s32 s15, s16;
	[dreg:$0x11] =	wrdreg s21  }
0x1a: {  	s20 =	sadd.s32 $0x6000, s4;
	[dreg:$0x12] =	wrdreg s22;
	s30 =	sadd.s32 $0xC000, s4  }
0x1b: {  	s16 =	simm.s32 $0x2;
	s21 =	simm.s32 $0x4;
	[dreg:$0xb] =	wrdreg s0  }
0x1c: {  	[dreg:$0xc] =	wrdreg s6;
	s6 =	sadd.s32 s5, s11;
	s0 =	sshll.u32 s31, $0x4  }
0x1d: {  	s9 =	sshrl.u32 s9, $0x3;
	s24 =	sadd.s32 $0x1000, s2;
	[dreg:$0x10] =	wrdreg s20  }
0x1e: {  	[dreg:$0x13] =	wrdreg s30;
	s31 =	sadd.s32 $0xE000, s4;
	s2 =	sadd.s32 $0x12000, s4  }
0x1f: {  	s20 =	simm.s32 $0x3;
	[dreg:$0xd] =	wrdreg s6;
	s6 =	sshrl.u32 s12, $0x3  }
0x20: {  	s19 =	sadd.s32 s9, s5;
	s14 =	sadd.s32 s7, s0;
	s0 =	sadd.s32 s8, s0  }
0x21: {  	[dreg:$0x14] =	wrdreg s31;
	s7 =	simm.s32 $0x5;
	s8 =	simm.s32 $0x1A000  }
0x22: {  	s9 =	simm.s32 $0x16000;
	s12 =	simm.s32 $0x1A080;
	[dreg:$0xe] =	wrdreg s14  }
0x23: {  	s18 =	sadd.s32 s6, s5;
	[dreg:$0xf] =	wrdreg s0;
	s0 =	sadd.s32 s15, s17  }
0x24: {  	s6 =	simm.s32 $0x14000;
	s14 =	simm.s32 $0x18000;
	s15 =	simm.s32 $0x40  }
0x25: {  	v0 =	vimm.f32 $0.0e+00;
	s5 =	simm.s32 $0x0;
	s25 =	sadd.s32 $0x1000, s0;
	s0 =	sadd.s32 $0x10000, s4  }
.LBB2_1:
0x26: {  	s11 =	sand.u32 $0x7E00, s3  }
0x27: {  	s13 =	sand.u32 $0x70, s3;
	s17 =	sshrl.u32 s11, $0x2  }
0x28: {  	s11 =	simm.s32 $0x40;
	s17 =	sor.u32 s13, s17;
	s13 =	simm.s32 $0x0  }
.LBB2_2:
0x29: {  	p0 =	sne.s32 s11, $0x7FC0  }
0x2a: {  	[tilespmem:s17+$0x14000] =	vst v0;
	s13 =	sadd.s32 $0x10, s13;
	s17 =	smov.u32 s11;
	s11 =	sadd.s32 $0x40, s11  }
.Ltmp0:
0x2b: {  	(pc) =	sbr.rel @p0 .LBB2_2-.Ltmp0, $4  }
0x2c: {  	_ = 	snop  }
0x2d: {  	s17 =	sand.u32 $0x7E00, s17  }
0x2e: {  	s22 =	sand.u32 $0x70, s13;
	s17 =	sshrl.u32 s17, $0x2  }
0x2f: {  	s17 =	sor.u32 s22, s17  }
0x30: {  	[tilespmem:s17+$0x14000] =	vst v0  }
0x31: {  	[spmem:s4] =	stream.linear.scatter [tilespmem:s6], [sflag:$0x5], $0x2000, $0x38;
	[tilespmem:$0x1A100] =	vst v63  }
0x32: {  	_ =	swait.ge [sflag:s7], $0x2000  }
0x33: {  	[sflag:s7] =	ssyncset.done $0x0  }
0x34: {  	[sflag:s7] =	ssyncadd.s32 $0xFFFFE000  }
0x35: {  	[spmem:s28] =	stream.linear.scatter [tilespmem:s6], [sflag:$0x5], $0x2000, $0x38;
	[tilespmem:$0x1A100] =	vst v63  }
0x36: {  	_ =	swait.ge [sflag:s7], $0x2000  }
0x37: {  	[sflag:s7] =	ssyncset.done $0x0  }
0x38: {  	[sflag:s7] =	ssyncadd.s32 $0xFFFFE000  }
0x39: {  	[spmem:s29] =	stream.linear.scatter [tilespmem:s6], [sflag:$0x5], $0x2000, $0x38;
	[tilespmem:$0x1A100] =	vst v63  }
0x3a: {  	_ =	swait.ge [sflag:s7], $0x2000  }
0x3b: {  	[sflag:s7] =	ssyncset.done $0x0  }
0x3c: {  	s11 =	rddreg [dreg:$0x10];
	[sflag:s7] =	ssyncadd.s32 $0xFFFFE000  }
0x3d: {  	[spmem:s11] =	stream.linear.scatter [tilespmem:s6], [sflag:$0x5], $0x2000, $0x38;
	[tilespmem:$0x1A100] =	vst v63  }
0x3e: {  	_ =	swait.ge [sflag:s7], $0x2000  }
0x3f: {  	[sflag:s7] =	ssyncset.done $0x0  }
0x40: {  	s30 =	rddreg [dreg:$0x11];
	[sflag:s7] =	ssyncadd.s32 $0xFFFFE000  }
0x41: {  	[spmem:s30] =	stream.linear.scatter [tilespmem:s6], [sflag:$0x5], $0x2000, $0x38;
	[tilespmem:$0x1A100] =	vst v63  }
0x42: {  	_ =	swait.ge [sflag:s7], $0x2000  }
0x43: {  	[sflag:s7] =	ssyncset.done $0x0  }
0x44: {  	s31 =	rddreg [dreg:$0x12];
	[sflag:s7] =	ssyncadd.s32 $0xFFFFE000  }
0x45: {  	[spmem:s31] =	stream.linear.scatter [tilespmem:s6], [sflag:$0x5], $0x2000, $0x38;
	[tilespmem:$0x1A100] =	vst v63  }
0x46: {  	_ =	swait.ge [sflag:s7], $0x2000  }
0x47: {  	[sflag:s7] =	ssyncset.done $0x0  }
0x48: {  	s13 =	rddreg [dreg:$0x13];
	[sflag:s7] =	ssyncadd.s32 $0xFFFFE000  }
0x49: {  	[spmem:s13] =	stream.linear.scatter [tilespmem:s6], [sflag:$0x5], $0x2000, $0x38;
	[tilespmem:$0x1A100] =	vst v63  }
0x4a: {  	_ =	swait.ge [sflag:s7], $0x2000  }
0x4b: {  	[sflag:s7] =	ssyncset.done $0x0  }
0x4c: {  	s17 =	rddreg [dreg:$0x14];
	[sflag:s7] =	ssyncadd.s32 $0xFFFFE000  }
0x4d: {  	[spmem:s17] =	stream.linear.scatter [tilespmem:s6], [sflag:$0x5], $0x2000, $0x38;
	[tilespmem:$0x1A100] =	vst v63  }
0x4e: {  	_ =	swait.ge [sflag:s7], $0x2000  }
0x4f: {  	[sflag:s7] =	ssyncset.done $0x0  }
0x50: {  	[sflag:s7] =	ssyncadd.s32 $0xFFFFE000  }
0x51: {  	[spmem:s0] =	stream.linear.scatter [tilespmem:s6], [sflag:$0x5], $0x2000, $0x38;
	[tilespmem:$0x1A100] =	vst v63  }
0x52: {  	_ =	swait.ge [sflag:s7], $0x2000  }
0x53: {  	[sflag:s7] =	ssyncset.done $0x0  }
0x54: {  	[sflag:s7] =	ssyncadd.s32 $0xFFFFE000  }
0x55: {  	[spmem:s2] =	stream.linear.scatter [tilespmem:s6], [sflag:$0x5], $0x2000, $0x38;
	[tilespmem:$0x1A100] =	vst v63  }
0x56: {  	_ =	swait.ge [sflag:s7], $0x2000  }
0x57: {  	[sflag:s7] =	ssyncset.done $0x0  }
0x58: {  	[sflag:s7] =	ssyncadd.s32 $0xFFFFE000  }
0x59: {  	s22 =	simm.s32 $0x0;
	[bflag:$0x0] =	sbarrier.arrive $0xFFFF  }
0x5a: {  	[tilespmem:s8], [sflag:$0x5] =	stream.linear.gather [hbm4b:s23+s22], $0x40, $0x38;
	[tilespmem:$0x1A100] =	vst v63  }
0x5b: {  	_ =	swait.ge [sflag:s7], $0x40  }
0x5c: {  	[sflag:s7] =	ssyncset.done $0x0  }
0x5d: {  	s13 =	rddreg [dreg:$0x3];
	[sflag:s7] =	ssyncadd.s32 $0xFFFFFFC0  }
0x5e: {  	[tilespmem:s9], [sflag:$0x1] =	stream.linear.gather [hbm4b:s13+s22], $0x2000, $0x38;
	[tilespmem:$0x1A100] =	vst v63  }
0x5f: {  	_ =	swait.ge [sflag:s10], $0x2000  }
0x60: {  	[sflag:s10] =	ssyncset.done $0x0  }
0x61: {  	[sflag:s10] =	ssyncadd.s32 $0xFFFFE000  }
0x62: {  	[tilespmem:s12], [sflag:$0x5] =	stream.linear.gather [hbm4b:s26+s22], $0x40, $0x38;
	[tilespmem:$0x1A100] =	vst v63  }
0x63: {  	_ =	swait.ge [sflag:s7], $0x40  }
0x64: {  	[sflag:s7] =	ssyncset.done $0x0  }
0x65: {  	s30 =	rddreg [dreg:$0x8];
	[sflag:s7] =	ssyncadd.s32 $0xFFFFFFC0  }
0x66: {  	[tilespmem:s14], [sflag:$0x2] =	stream.linear.gather [hbm4b:s30+s22], $0x2000, $0x38;
	[tilespmem:$0x1A100] =	vst v63  }
0x67: {  	_ = 	snop  }
0x68: {  	[spmem:s1] =	stream.indirect.scatter.add.f32 [tilespmem:s9], [sflag:$0x3], $0x80, s8, s15, $0xb8;
	[tilespmem:$0x1A100] =	vst v63  }
0x69: {  	_ =	swait.ge [sflag:s16], $0x2000  }
0x6a: {  	[sflag:s16] =	ssyncset.done $0x0  }
0x6b: {  	[sflag:s16] =	ssyncadd.s32 $0xFFFFE000  }
0x6c: {  	_ =	swait.ge [sflag:s20], $0x2000  }
0x6d: {  	[sflag:s20] =	ssyncset.done $0x0  }
0x6e: {  	s31 =	rddreg [dreg:$0x9];
	[sflag:s20] =	ssyncadd.s32 $0xFFFFE000  }
0x6f: {  	[tilespmem:s8], [sflag:$0x5] =	stream.linear.gather [hbm4b:s31+s22], $0x40, $0x38;
	[tilespmem:$0x1A100] =	vst v63  }
0x70: {  	_ =	swait.ge [sflag:s7], $0x40  }
0x71: {  	[sflag:s7] =	ssyncset.done $0x0  }
0x72: {  	s17 =	rddreg [dreg:$0xa];
	[sflag:s7] =	ssyncadd.s32 $0xFFFFFFC0  }
0x73: {  	[tilespmem:s9], [sflag:$0x1] =	stream.linear.gather [hbm4b:s17+s22], $0x2000, $0x38;
	[tilespmem:$0x1A100] =	vst v63  }
0x74: {  	_ = 	snop  }
0x75: {  	[spmem:s1] =	stream.indirect.scatter.add.f32 [tilespmem:s14], [sflag:$0x4], $0x80, s12, s15, $0xb8;
	[tilespmem:$0x1A100] =	vst v63  }
0x76: {  	_ =	swait.ge [sflag:s10], $0x2000  }
0x77: {  	[sflag:s10] =	ssyncset.done $0x0  }
0x78: {  	[sflag:s10] =	ssyncadd.s32 $0xFFFFE000  }
0x79: {  	_ =	swait.ge [sflag:s21], $0x2000  }
0x7a: {  	[sflag:s21] =	ssyncset.done $0x0  }
0x7b: {  	s22 =	sadd.s32 $0x0, s19;
	[sflag:s21] =	ssyncadd.s32 $0xFFFFE000  }
0x7c: {  	[tilespmem:s12], [sflag:$0x5] =	stream.linear.gather [hbm4b:s22+s3], $0x40, $0x38;
	[tilespmem:$0x1A100] =	vst v63  }
0x7d: {  	_ =	swait.ge [sflag:s7], $0x40  }
0x7e: {  	[sflag:s7] =	ssyncset.done $0x0  }
0x7f: {  	s30 =	sadd.s32 $0xFFFFFC00, s24;
	[sflag:s7] =	ssyncadd.s32 $0xFFFFFFC0  }
0x80: {  	[tilespmem:s14], [sflag:$0x2] =	stream.linear.gather [hbm4b:s30+s3], $0x2000, $0x38;
	[tilespmem:$0x1A100] =	vst v63  }
0x81: {  	_ = 	snop  }
0x82: {  	[spmem:s1] =	stream.indirect.scatter.add.f32 [tilespmem:s9], [sflag:$0x3], $0x80, s8, s15, $0xb8;
	[tilespmem:$0x1A100] =	vst v63  }
0x83: {  	_ =	swait.ge [sflag:s16], $0x2000  }
0x84: {  	[sflag:s16] =	ssyncset.done $0x0  }
0x85: {  	[sflag:s16] =	ssyncadd.s32 $0xFFFFE000  }
0x86: {  	_ =	swait.ge [sflag:s20], $0x2000  }
0x87: {  	[sflag:s20] =	ssyncset.done $0x0  }
0x88: {  	s31 =	sadd.s32 $0x0, s18;
	[sflag:s20] =	ssyncadd.s32 $0xFFFFE000  }
0x89: {  	[tilespmem:s8], [sflag:$0x5] =	stream.linear.gather [hbm4b:s31+s3], $0x40, $0x38;
	[tilespmem:$0x1A100] =	vst v63  }
0x8a: {  	_ =	swait.ge [sflag:s7], $0x40  }
0x8b: {  	[sflag:s7] =	ssyncset.done $0x0  }
0x8c: {  	s11 =	simm.s32 $0x10;
	s13 =	sadd.s32 $0x800, s24;
	[sflag:s7] =	ssyncadd.s32 $0xFFFFFFC0  }
0x8d: {  	[tilespmem:s9], [sflag:$0x1] =	stream.linear.gather [hbm4b:s24+s3], $0x2000, $0x38;
	[tilespmem:$0x1A100] =	vst v63  }
.LBB2_4:
0x8e: {  	[spmem:s1] =	stream.indirect.scatter.add.f32 [tilespmem:s14], [sflag:$0x4], $0x80, s12, s15, $0xb8;
	[tilespmem:$0x1A100] =	vst v63  }
0x8f: {  	s17 =	smov.u32 s11  }
0x90: {  	p0 =	sne.s32 s11, $0x250;
	s11 =	sadd.s32 $0x10, s11;
	_ =	swait.ge [sflag:s10], $0x2000  }
0x91: {  	[sflag:s10] =	ssyncset.done $0x0  }
0x92: {  	[sflag:s10] =	ssyncadd.s32 $0xFFFFE000  }
0x93: {  	_ =	swait.ge [sflag:s21], $0x2000  }
0x94: {  	[sflag:s21] =	ssyncset.done $0x0  }
0x95: {  	s22 =	sadd.s32 s17, s19;
	[sflag:s21] =	ssyncadd.s32 $0xFFFFE000  }
0x96: {  	[tilespmem:s12], [sflag:$0x5] =	stream.linear.gather [hbm4b:s22+s3], $0x40, $0x38;
	[tilespmem:$0x1A100] =	vst v63  }
0x97: {  	_ =	swait.ge [sflag:s7], $0x40  }
0x98: {  	[sflag:s7] =	ssyncset.done $0x0  }
0x99: {  	s22 =	sadd.s32 $0xFFFFFC00, s13;
	[sflag:s7] =	ssyncadd.s32 $0xFFFFFFC0  }
0x9a: {  	[tilespmem:s14], [sflag:$0x2] =	stream.linear.gather [hbm4b:s22+s3], $0x2000, $0x38;
	[tilespmem:$0x1A100] =	vst v63  }
0x9b: {  	_ = 	snop  }
0x9c: {  	[spmem:s1] =	stream.indirect.scatter.add.f32 [tilespmem:s9], [sflag:$0x3], $0x80, s8, s15, $0xb8;
	[tilespmem:$0x1A100] =	vst v63  }
0x9d: {  	_ =	swait.ge [sflag:s16], $0x2000  }
0x9e: {  	[sflag:s16] =	ssyncset.done $0x0  }
0x9f: {  	[sflag:s16] =	ssyncadd.s32 $0xFFFFE000  }
0xa0: {  	_ =	swait.ge [sflag:s20], $0x2000  }
0xa1: {  	[sflag:s20] =	ssyncset.done $0x0  }
0xa2: {  	s17 =	sadd.s32 s17, s18;
	[sflag:s20] =	ssyncadd.s32 $0xFFFFE000  }
0xa3: {  	[tilespmem:s8], [sflag:$0x5] =	stream.linear.gather [hbm4b:s17+s3], $0x40, $0x38;
	[tilespmem:$0x1A100] =	vst v63  }
.Ltmp1:
0xa4: {  	_ =	swait.ge [sflag:s7], $0x40;
	(pc) =	sbr.rel @p0 .LBB2_4-.Ltmp1, $4  }
0xa5: {  	[sflag:s7] =	ssyncset.done $0x0  }
0xa6: {  	[sflag:s7] =	ssyncadd.s32 $0xFFFFFFC0  }
0xa7: {  	[tilespmem:s9], [sflag:$0x1] =	stream.linear.gather [hbm4b:s13+s3], $0x2000, $0x38;
	[tilespmem:$0x1A100] =	vst v63  }
0xa8: {  	s13 =	sadd.s32 $0x800, s13  }
0xa9: {  	[spmem:s1] =	stream.indirect.scatter.add.f32 [tilespmem:s14], [sflag:$0x4], $0x80, s12, s15, $0xb8;
	[tilespmem:$0x1A100] =	vst v63  }
0xaa: {  	_ =	swait.ge [sflag:s10], $0x2000  }
0xab: {  	[sflag:s10] =	ssyncset.done $0x0  }
0xac: {  	[sflag:s10] =	ssyncadd.s32 $0xFFFFE000  }
0xad: {  	_ =	swait.ge [sflag:s21], $0x2000  }
0xae: {  	[sflag:s21] =	ssyncset.done $0x0  }
0xaf: {  	s17 =	simm.s32 $0x0;
	s11 =	rddreg [dreg:$0xd];
	[sflag:s21] =	ssyncadd.s32 $0xFFFFE000  }
0xb0: {  	[tilespmem:s12], [sflag:$0x5] =	stream.linear.gather [hbm4b:s11+s17], $0x40, $0x38;
	[tilespmem:$0x1A100] =	vst v63  }
0xb1: {  	_ =	swait.ge [sflag:s7], $0x40  }
0xb2: {  	[sflag:s7] =	ssyncset.done $0x0  }
0xb3: {  	s13 =	rddreg [dreg:$0xe];
	[sflag:s7] =	ssyncadd.s32 $0xFFFFFFC0  }
0xb4: {  	[tilespmem:s14], [sflag:$0x2] =	stream.linear.gather [hbm4b:s13+s17], $0x2000, $0x38;
	[tilespmem:$0x1A100] =	vst v63  }
0xb5: {  	_ = 	snop  }
0xb6: {  	[spmem:s1] =	stream.indirect.scatter.add.f32 [tilespmem:s9], [sflag:$0x3], $0x80, s8, s15, $0xb8;
	[tilespmem:$0x1A100] =	vst v63  }
0xb7: {  	_ =	swait.ge [sflag:s16], $0x2000  }
0xb8: {  	[sflag:s16] =	ssyncset.done $0x0  }
0xb9: {  	[sflag:s16] =	ssyncadd.s32 $0xFFFFE000  }
0xba: {  	_ =	swait.ge [sflag:s20], $0x2000  }
0xbb: {  	[sflag:s20] =	ssyncset.done $0x0  }
0xbc: {  	[sflag:s20] =	ssyncadd.s32 $0xFFFFE000  }
0xbd: {  	[spmem:s1] =	stream.indirect.scatter.add.f32 [tilespmem:s14], [sflag:$0x4], $0x80, s12, s15, $0xb8;
	[tilespmem:$0x1A100] =	vst v63  }
0xbe: {  	_ =	swait.ge [sflag:s21], $0x2000  }
0xbf: {  	[sflag:s21] =	ssyncset.done $0x0  }
0xc0: {  	s22 =	stileid.u32;
	[sflag:s21] =	ssyncadd.s32 $0xFFFFE000  }
0xc1: {  	s11 =	sshll.u32 s22, $0x6;
	[bflag:$0x0] =	sbarrier.arrive $0xFFFF  }
0xc2: {  	s11 =	sor.u32 $0x1C05, s11;
	s13 =	sshrl.u32 s4, $0x3;
	s22 =	rddreg [dreg:$0x4]  }
0xc3: {  	[hbm:s22], [sflag:s11] =	dma.local [spmem:s13], $0x2800  }
0xc4: {  	_ =	swait.ge [sflag:s7], $0x2800  }
0xc5: {  	[sflag:s7] =	ssyncset.done $0x0  }
0xc6: {  	[sflag:s7] =	ssyncadd.s32 $0xFFFFD800  }
0xc7: {  	[spmem:s4] =	stream.linear.scatter [tilespmem:s6], [sflag:$0x5], $0x2000, $0x38;
	[tilespmem:$0x1A100] =	vst v63  }
0xc8: {  	_ =	swait.ge [sflag:s7], $0x2000  }
0xc9: {  	[sflag:s7] =	ssyncset.done $0x0  }
0xca: {  	[sflag:s7] =	ssyncadd.s32 $0xFFFFE000  }
0xcb: {  	[spmem:s28] =	stream.linear.scatter [tilespmem:s6], [sflag:$0x5], $0x2000, $0x38;
	[tilespmem:$0x1A100] =	vst v63  }
0xcc: {  	_ =	swait.ge [sflag:s7], $0x2000  }
0xcd: {  	[sflag:s7] =	ssyncset.done $0x0  }
0xce: {  	[sflag:s7] =	ssyncadd.s32 $0xFFFFE000  }
0xcf: {  	[spmem:s29] =	stream.linear.scatter [tilespmem:s6], [sflag:$0x5], $0x2000, $0x38;
	[tilespmem:$0x1A100] =	vst v63  }
0xd0: {  	_ =	swait.ge [sflag:s7], $0x2000  }
0xd1: {  	[sflag:s7] =	ssyncset.done $0x0  }
0xd2: {  	s22 =	rddreg [dreg:$0x10];
	[sflag:s7] =	ssyncadd.s32 $0xFFFFE000  }
0xd3: {  	[spmem:s22] =	stream.linear.scatter [tilespmem:s6], [sflag:$0x5], $0x2000, $0x38;
	[tilespmem:$0x1A100] =	vst v63  }
0xd4: {  	_ =	swait.ge [sflag:s7], $0x2000  }
0xd5: {  	[sflag:s7] =	ssyncset.done $0x0  }
0xd6: {  	s22 =	rddreg [dreg:$0x11];
	[sflag:s7] =	ssyncadd.s32 $0xFFFFE000  }
0xd7: {  	[spmem:s22] =	stream.linear.scatter [tilespmem:s6], [sflag:$0x5], $0x2000, $0x38;
	[tilespmem:$0x1A100] =	vst v63  }
0xd8: {  	_ =	swait.ge [sflag:s7], $0x2000  }
0xd9: {  	[sflag:s7] =	ssyncset.done $0x0  }
0xda: {  	s22 =	rddreg [dreg:$0x12];
	[sflag:s7] =	ssyncadd.s32 $0xFFFFE000  }
0xdb: {  	[spmem:s22] =	stream.linear.scatter [tilespmem:s6], [sflag:$0x5], $0x2000, $0x38;
	[tilespmem:$0x1A100] =	vst v63  }
0xdc: {  	_ =	swait.ge [sflag:s7], $0x2000  }
0xdd: {  	[sflag:s7] =	ssyncset.done $0x0  }
0xde: {  	s22 =	rddreg [dreg:$0x13];
	[sflag:s7] =	ssyncadd.s32 $0xFFFFE000  }
0xdf: {  	[spmem:s22] =	stream.linear.scatter [tilespmem:s6], [sflag:$0x5], $0x2000, $0x38;
	[tilespmem:$0x1A100] =	vst v63  }
0xe0: {  	_ =	swait.ge [sflag:s7], $0x2000  }
0xe1: {  	[sflag:s7] =	ssyncset.done $0x0  }
0xe2: {  	s22 =	rddreg [dreg:$0x14];
	[sflag:s7] =	ssyncadd.s32 $0xFFFFE000  }
0xe3: {  	[spmem:s22] =	stream.linear.scatter [tilespmem:s6], [sflag:$0x5], $0x2000, $0x38;
	[tilespmem:$0x1A100] =	vst v63  }
0xe4: {  	_ =	swait.ge [sflag:s7], $0x2000  }
0xe5: {  	[sflag:s7] =	ssyncset.done $0x0  }
0xe6: {  	[sflag:s7] =	ssyncadd.s32 $0xFFFFE000  }
0xe7: {  	[spmem:s0] =	stream.linear.scatter [tilespmem:s6], [sflag:$0x5], $0x2000, $0x38;
	[tilespmem:$0x1A100] =	vst v63  }
0xe8: {  	_ =	swait.ge [sflag:s7], $0x2000  }
0xe9: {  	[sflag:s7] =	ssyncset.done $0x0  }
0xea: {  	[sflag:s7] =	ssyncadd.s32 $0xFFFFE000  }
0xeb: {  	[spmem:s2] =	stream.linear.scatter [tilespmem:s6], [sflag:$0x5], $0x2000, $0x38;
	[tilespmem:$0x1A100] =	vst v63  }
0xec: {  	_ =	swait.ge [sflag:s7], $0x2000  }
0xed: {  	[sflag:s7] =	ssyncset.done $0x0  }
0xee: {  	[sflag:s7] =	ssyncadd.s32 $0xFFFFE000  }
0xef: {  	[bflag:$0x0] =	sbarrier.arrive $0xFFFF  }
0xf0: {  	[tilespmem:s8], [sflag:$0x5] =	stream.linear.gather [hbm4b:s23+s17], $0x40, $0x38;
	[tilespmem:$0x1A100] =	vst v63  }
0xf1: {  	_ =	swait.ge [sflag:s7], $0x40  }
0xf2: {  	s30 =	smov.u32 s28;
	[sflag:s7] =	ssyncset.done $0x0  }
0xf3: {  	s28 =	smov.u32 s23;
	s23 =	rddreg [dreg:$0x5];
	[sflag:s7] =	ssyncadd.s32 $0xFFFFFFC0  }
0xf4: {  	[tilespmem:s9], [sflag:$0x1] =	stream.linear.gather [hbm4b:s23+s17], $0x2000, $0x38;
	[tilespmem:$0x1A100] =	vst v63  }
0xf5: {  	_ =	swait.ge [sflag:s10], $0x2000  }
0xf6: {  	[sflag:s10] =	ssyncset.done $0x0  }
0xf7: {  	[sflag:s10] =	ssyncadd.s32 $0xFFFFE000  }
0xf8: {  	[tilespmem:s12], [sflag:$0x5] =	stream.linear.gather [hbm4b:s26+s17], $0x40, $0x38;
	[tilespmem:$0x1A100] =	vst v63  }
0xf9: {  	_ =	swait.ge [sflag:s7], $0x40  }
0xfa: {  	s31 =	smov.u32 s29;
	[sflag:s7] =	ssyncset.done $0x0  }
0xfb: {  	s29 =	smov.u32 s26;
	s26 =	rddreg [dreg:$0xb];
	[sflag:s7] =	ssyncadd.s32 $0xFFFFFFC0  }
0xfc: {  	[tilespmem:s14], [sflag:$0x2] =	stream.linear.gather [hbm4b:s26+s17], $0x2000, $0x38;
	[tilespmem:$0x1A100] =	vst v63  }
0xfd: {  	_ = 	snop  }
0xfe: {  	[spmem:s1] =	stream.indirect.scatter.add.f32 [tilespmem:s9], [sflag:$0x3], $0x80, s8, s15, $0xb8;
	[tilespmem:$0x1A100] =	vst v63  }
0xff: {  	_ =	swait.ge [sflag:s16], $0x2000  }
0x100: {  	[sflag:s16] =	ssyncset.done $0x0  }
0x101: {  	[sflag:s16] =	ssyncadd.s32 $0xFFFFE000  }
0x102: {  	_ =	swait.ge [sflag:s20], $0x2000  }
0x103: {  	[sflag:s20] =	ssyncset.done $0x0  }
0x104: {  	s23 =	rddreg [dreg:$0x9];
	[sflag:s20] =	ssyncadd.s32 $0xFFFFE000  }
0x105: {  	[tilespmem:s8], [sflag:$0x5] =	stream.linear.gather [hbm4b:s23+s17], $0x40, $0x38;
	[tilespmem:$0x1A100] =	vst v63  }
0x106: {  	_ =	swait.ge [sflag:s7], $0x40  }
0x107: {  	[sflag:s7] =	ssyncset.done $0x0  }
0x108: {  	s26 =	rddreg [dreg:$0xc];
	[sflag:s7] =	ssyncadd.s32 $0xFFFFFFC0  }
0x109: {  	[tilespmem:s9], [sflag:$0x1] =	stream.linear.gather [hbm4b:s26+s17], $0x2000, $0x38;
	[tilespmem:$0x1A100] =	vst v63  }
0x10a: {  	_ = 	snop  }
0x10b: {  	[spmem:s1] =	stream.indirect.scatter.add.f32 [tilespmem:s14], [sflag:$0x4], $0x80, s12, s15, $0xb8;
	[tilespmem:$0x1A100] =	vst v63  }
0x10c: {  	_ =	swait.ge [sflag:s10], $0x2000  }
0x10d: {  	[sflag:s10] =	ssyncset.done $0x0  }
0x10e: {  	[sflag:s10] =	ssyncadd.s32 $0xFFFFE000  }
0x10f: {  	_ =	swait.ge [sflag:s21], $0x2000  }
0x110: {  	[sflag:s21] =	ssyncset.done $0x0  }
0x111: {  	s22 =	sadd.s32 $0x0, s19;
	[sflag:s21] =	ssyncadd.s32 $0xFFFFE000  }
0x112: {  	[tilespmem:s12], [sflag:$0x5] =	stream.linear.gather [hbm4b:s22+s3], $0x40, $0x38;
	[tilespmem:$0x1A100] =	vst v63  }
0x113: {  	_ =	swait.ge [sflag:s7], $0x40  }
0x114: {  	[sflag:s7] =	ssyncset.done $0x0  }
0x115: {  	s23 =	sadd.s32 $0xFFFFFC00, s25;
	[sflag:s7] =	ssyncadd.s32 $0xFFFFFFC0  }
0x116: {  	[tilespmem:s14], [sflag:$0x2] =	stream.linear.gather [hbm4b:s23+s3], $0x2000, $0x38;
	[tilespmem:$0x1A100] =	vst v63  }
0x117: {  	_ = 	snop  }
0x118: {  	[spmem:s1] =	stream.indirect.scatter.add.f32 [tilespmem:s9], [sflag:$0x3], $0x80, s8, s15, $0xb8;
	[tilespmem:$0x1A100] =	vst v63  }
0x119: {  	_ =	swait.ge [sflag:s16], $0x2000  }
0x11a: {  	[sflag:s16] =	ssyncset.done $0x0  }
0x11b: {  	[sflag:s16] =	ssyncadd.s32 $0xFFFFE000  }
0x11c: {  	_ =	swait.ge [sflag:s20], $0x2000  }
0x11d: {  	[sflag:s20] =	ssyncset.done $0x0  }
0x11e: {  	s26 =	sadd.s32 $0x0, s18;
	[sflag:s20] =	ssyncadd.s32 $0xFFFFE000  }
0x11f: {  	[tilespmem:s8], [sflag:$0x5] =	stream.linear.gather [hbm4b:s26+s3], $0x40, $0x38;
	[tilespmem:$0x1A100] =	vst v63  }
0x120: {  	_ =	swait.ge [sflag:s7], $0x40  }
0x121: {  	[sflag:s7] =	ssyncset.done $0x0  }
0x122: {  	s17 =	simm.s32 $0x10;
	s22 =	sadd.s32 $0x800, s25;
	[sflag:s7] =	ssyncadd.s32 $0xFFFFFFC0  }
0x123: {  	[tilespmem:s9], [sflag:$0x1] =	stream.linear.gather [hbm4b:s25+s3], $0x2000, $0x38;
	[tilespmem:$0x1A100] =	vst v63  }
.LBB2_6:
0x124: {  	[spmem:s1] =	stream.indirect.scatter.add.f32 [tilespmem:s14], [sflag:$0x4], $0x80, s12, s15, $0xb8;
	[tilespmem:$0x1A100] =	vst v63  }
0x125: {  	s23 =	smov.u32 s17  }
0x126: {  	p0 =	sne.s32 s17, $0x250;
	s17 =	sadd.s32 $0x10, s17;
	_ =	swait.ge [sflag:s10], $0x2000  }
0x127: {  	[sflag:s10] =	ssyncset.done $0x0  }
0x128: {  	[sflag:s10] =	ssyncadd.s32 $0xFFFFE000  }
0x129: {  	_ =	swait.ge [sflag:s21], $0x2000  }
0x12a: {  	[sflag:s21] =	ssyncset.done $0x0  }
0x12b: {  	s26 =	sadd.s32 s23, s19;
	[sflag:s21] =	ssyncadd.s32 $0xFFFFE000  }
0x12c: {  	[tilespmem:s12], [sflag:$0x5] =	stream.linear.gather [hbm4b:s26+s3], $0x40, $0x38;
	[tilespmem:$0x1A100] =	vst v63  }
0x12d: {  	_ =	swait.ge [sflag:s7], $0x40  }
0x12e: {  	[sflag:s7] =	ssyncset.done $0x0  }
0x12f: {  	s26 =	sadd.s32 $0xFFFFFC00, s22;
	[sflag:s7] =	ssyncadd.s32 $0xFFFFFFC0  }
0x130: {  	[tilespmem:s14], [sflag:$0x2] =	stream.linear.gather [hbm4b:s26+s3], $0x2000, $0x38;
	[tilespmem:$0x1A100] =	vst v63  }
0x131: {  	_ = 	snop  }
0x132: {  	[spmem:s1] =	stream.indirect.scatter.add.f32 [tilespmem:s9], [sflag:$0x3], $0x80, s8, s15, $0xb8;
	[tilespmem:$0x1A100] =	vst v63  }
0x133: {  	_ =	swait.ge [sflag:s16], $0x2000  }
0x134: {  	[sflag:s16] =	ssyncset.done $0x0  }
0x135: {  	[sflag:s16] =	ssyncadd.s32 $0xFFFFE000  }
0x136: {  	_ =	swait.ge [sflag:s20], $0x2000  }
0x137: {  	[sflag:s20] =	ssyncset.done $0x0  }
0x138: {  	s23 =	sadd.s32 s23, s18;
	[sflag:s20] =	ssyncadd.s32 $0xFFFFE000  }
0x139: {  	[tilespmem:s8], [sflag:$0x5] =	stream.linear.gather [hbm4b:s23+s3], $0x40, $0x38;
	[tilespmem:$0x1A100] =	vst v63  }
.Ltmp2:
0x13a: {  	_ =	swait.ge [sflag:s7], $0x40;
	(pc) =	sbr.rel @p0 .LBB2_6-.Ltmp2, $4  }
0x13b: {  	[sflag:s7] =	ssyncset.done $0x0  }
0x13c: {  	[sflag:s7] =	ssyncadd.s32 $0xFFFFFFC0  }
0x13d: {  	[tilespmem:s9], [sflag:$0x1] =	stream.linear.gather [hbm4b:s22+s3], $0x2000, $0x38;
	[tilespmem:$0x1A100] =	vst v63  }
0x13e: {  	s22 =	sadd.s32 $0x800, s22  }
0x13f: {  	[spmem:s1] =	stream.indirect.scatter.add.f32 [tilespmem:s14], [sflag:$0x4], $0x80, s12, s15, $0xb8;
	[tilespmem:$0x1A100] =	vst v63  }
0x140: {  	_ =	swait.ge [sflag:s10], $0x2000  }
0x141: {  	[sflag:s10] =	ssyncset.done $0x0  }
0x142: {  	[sflag:s10] =	ssyncadd.s32 $0xFFFFE000  }
0x143: {  	_ =	swait.ge [sflag:s21], $0x2000  }
0x144: {  	[sflag:s21] =	ssyncset.done $0x0  }
0x145: {  	s17 =	rddreg [dreg:$0xd];
	[sflag:s21] =	ssyncadd.s32 $0xFFFFE000  }
0x146: {  	[tilespmem:s12], [sflag:$0x5] =	stream.linear.gather [hbm4b:s17+s3], $0x40, $0x38;
	[tilespmem:$0x1A100] =	vst v63  }
0x147: {  	_ =	swait.ge [sflag:s7], $0x40  }
0x148: {  	[sflag:s7] =	ssyncset.done $0x0  }
0x149: {  	s22 =	rddreg [dreg:$0xf];
	[sflag:s7] =	ssyncadd.s32 $0xFFFFFFC0  }
0x14a: {  	[tilespmem:s14], [sflag:$0x2] =	stream.linear.gather [hbm4b:s22+s3], $0x2000, $0x38;
	[tilespmem:$0x1A100] =	vst v63  }
0x14b: {  	_ = 	snop  }
0x14c: {  	[spmem:s1] =	stream.indirect.scatter.add.f32 [tilespmem:s9], [sflag:$0x3], $0x80, s8, s15, $0xb8;
	[tilespmem:$0x1A100] =	vst v63  }
0x14d: {  	_ =	swait.ge [sflag:s16], $0x2000  }
0x14e: {  	[sflag:s16] =	ssyncset.done $0x0  }
0x14f: {  	[sflag:s16] =	ssyncadd.s32 $0xFFFFE000  }
0x150: {  	_ =	swait.ge [sflag:s20], $0x2000  }
0x151: {  	[sflag:s20] =	ssyncset.done $0x0  }
0x152: {  	[sflag:s20] =	ssyncadd.s32 $0xFFFFE000  }
0x153: {  	[spmem:s1] =	stream.indirect.scatter.add.f32 [tilespmem:s14], [sflag:$0x4], $0x80, s12, s15, $0xb8;
	[tilespmem:$0x1A100] =	vst v63  }
0x154: {  	_ =	swait.ge [sflag:s21], $0x2000  }
0x155: {  	[sflag:s21] =	ssyncset.done $0x0  }
0x156: {  	[sflag:s21] =	ssyncadd.s32 $0xFFFFE000  }
0x157: {  	[bflag:$0x0] =	sbarrier.arrive $0xFFFF  }
0x158: {  	s23 =	rddreg [dreg:$0x6]  }
0x159: {  	[hbm:s23], [sflag:s11] =	dma.local [spmem:s13], $0x2800  }
0x15a: {  	_ =	swait.ge [sflag:s7], $0x2800  }
0x15b: {  	s5 =	sadd.s32 $0x1, s5;
	s26 =	rddreg [dreg:$0x7]  }
0x15c: {  	p0 =	sne.s32 s5, s26  }
.Ltmp3:
0x15d: {  	_ = 	snop;
	(pc) =	sbr.rel @p0 .LBB2_1-.Ltmp3, $3  }
0x15e: {  	_ =	sdelay $0x1  }
0x15f: {  	s23 =	smov.u32 s28;
	s28 =	smov.u32 s30;
	[sflag:s7] =	ssyncset.done $0x0  }
0x160: {  	[sflag:s7] =	ssyncadd.s32 $0xFFFFD800;
	s26 =	smov.u32 s29;
	s29 =	smov.u32 s31  }
0x161: {  	_ =	sfence.sel $0x180000  }
0x162: {  	[bflag:$0x0] =	sbarrier.arrive $0xFFFF  }
0x163: {  	_ =	strace $0x90000050  }
0x164: {  	s0 =	stileid.u32;
	[bflag:$0x2] =	sbarrier.arrive $0xFFFF  }
0x165: {  	p0 =	sne.s32 s0, $0x0;
	s0 =	rddreg [dreg:$0x2]  }
0x166: {  	s0 =	sadd.s32 @!p0 $0x100000, s0  }
0x167: {  	[sflag:s0] =	ssyncadd.tile.s32 @!p0 $0x1;
	_ =	shalt  }
.Lfunc_end2:
_tile_overlayer_lowered:
.L_overlay_start_2:
0x168: {  	(tag) =	ssettag $0x2  }
0x169: {  	s0 =	rddreg [dreg:$0x0];
	s2 =	stileid.u32  }
0x16a: {  	s1 =	rddreg [dreg:$0x1];
	p0 =	sne.s32 s2, $0x0  }
0x16b: {  	s3 =	rddreg [dreg:$0x2];
	[bflag:$0x3] =	sbarrier.arrive $0xFFFF;
	s2 =	simm.s32 @!p0 $0x1C05  }
0x16c: {  	[timem:s3], [sflag:s2] =	dma.local @!p0 [hbm:s0], s1  }
0x16d: {  	s0 =	simm.s32 @!p0 $0x5  }
0x16e: {  	_ =	swait.ge @!p0 [sflag:s0], s1  }
0x16f: {  	s1 =	ssub.s32 @!p0 $0x0, s1;
	[sflag:s0] =	ssyncset.done @!p0 $0x0  }
0x170: {  	[sflag:s0] =	ssyncadd.s32 @!p0 s1  }
0x171: {  	[bflag:$0x3] =	sbarrier.arrive $0xFFFF  }
0x172: {  	_ =	shalt  }

</sc_bundles>
